<compile_context>
chip_gen: v7x
topology: tpu7x:2x2x1
jax: 0.10.2.dev20260603
libtpu: 0.0.44.dev20260713+nightly
codegen_flags: <defaults>
</compile_context>

<pallas_src>
import functools

import jax
import jax.numpy as jnp
from jax import lax
from jax.experimental import pallas as pl
from jax.experimental.pallas import tpu as pltpu
from jax.experimental.pallas import tpu_sc as plsc

N_NODES = 50000
K = 27
C = 32
TOTAL = N_NODES * K
G = 80
SB = 8
CH = SB * G
NW = 32
UNIT = NW * CH
NPW = -(-TOTAL // UNIT)
NPW += NPW % 2
PAD_TOTAL = NW * NPW * CH
LANES = 16
PADROW = N_NODES


def _fix_indices(idx_v):
    for i in range(CH // LANES):
        v = idx_v[pl.ds(i * LANES, LANES)]
        idx_v[pl.ds(i * LANES, LANES)] = jnp.where(v < 0, PADROW, v)


def _body(idx_hbm, data_hbm, out_hbm, i0, i1, r0, r1, is0, is1, os0, os1, gsem):
    w = lax.axis_index("s") * 2 + lax.axis_index("c")
    base = w * NPW
    last = base + NPW - 1

    def do_chunk(c_abs, ibuf, rows, isem, osem, drain_out):
        pltpu.make_async_copy(idx_hbm.at[pl.ds(0, CH)], ibuf, isem).wait()
        _fix_indices(ibuf)
        if drain_out:
            pltpu.make_async_copy(rows, out_hbm.at[pl.ds(0, CH)], osem).wait()
        cps = [
            pltpu.async_copy(
                data_hbm.at[ibuf.at[pl.ds(j * G, G)]],
                rows.at[pl.ds(j * G, G)],
                gsem,
            )
            for j in range(SB)
        ]
        for cp in cps:
            cp.wait()
        pltpu.async_copy(rows, out_hbm.at[pl.ds(c_abs * CH, CH)], osem)
        pre = jnp.minimum(c_abs + 2, last)
        pltpu.async_copy(idx_hbm.at[pl.ds(pre * CH, CH)], ibuf, isem)

    pltpu.async_copy(idx_hbm.at[pl.ds(base * CH, CH)], i0, is0)
    pltpu.async_copy(idx_hbm.at[pl.ds((base + 1) * CH, CH)], i1, is1)
    do_chunk(base, i0, r0, is0, os0, False)
    do_chunk(base + 1, i1, r1, is1, os1, False)

    def step(t, carry):
        e = base + 2 * t
        do_chunk(e, i0, r0, is0, os0, True)
        do_chunk(e + 1, i1, r1, is1, os1, True)
        return carry

    lax.fori_loop(1, NPW // 2, step, 0)

    pltpu.make_async_copy(r0, out_hbm.at[pl.ds(0, CH)], os0).wait()
    pltpu.make_async_copy(r1, out_hbm.at[pl.ds(0, CH)], os1).wait()
    pltpu.make_async_copy(idx_hbm.at[pl.ds(0, CH)], i0, is0).wait()
    pltpu.make_async_copy(idx_hbm.at[pl.ds(0, CH)], i1, is1).wait()


def kernel(data, neigh, depth):
    del depth
    data2 = jnp.concatenate([data, jnp.zeros((1, C), dtype=data.dtype)], axis=0)
    idx = neigh.astype(jnp.int32).reshape(TOTAL)
    idx = jnp.concatenate(
        [idx, jnp.full((PAD_TOTAL - TOTAL,), PADROW, jnp.int32)]
    )

    mesh = plsc.VectorSubcoreMesh(core_axis_name="c", subcore_axis_name="s")
    run = functools.partial(
        pl.kernel,
        mesh=mesh,
        out_type=jax.ShapeDtypeStruct((PAD_TOTAL, C), jnp.float32),
        scratch_types=[
            pltpu.VMEM((CH,), jnp.int32),
            pltpu.VMEM((CH,), jnp.int32),
            pltpu.VMEM((CH, C), jnp.float32),
            pltpu.VMEM((CH, C), jnp.float32),
            pltpu.SemaphoreType.DMA,
            pltpu.SemaphoreType.DMA,
            pltpu.SemaphoreType.DMA,
            pltpu.SemaphoreType.DMA,
            pltpu.SemaphoreType.DMA,
        ],
        compiler_params=pltpu.CompilerParams(use_tc_tiling_on_sc=False),
    )(_body)
    out = run(idx, data2)
    return out[:TOTAL].reshape(N_NODES, K, C)

# --- scband reference (transcript-rebuilt; emitter-appended) ---
"""Pipeline reference for scband-octree2-col-11854109737086 (READ-ONLY COPY).

The authoritative reference and input builder live on the scoring server;
editing this copy changes nothing except your own understanding.
"""

import jax, jax.numpy as jnp
import numpy as np

N_NODES = 50000
K = 27  # kernel_size '333' -> 3*3*3 neighbors
C = 32

def setup_inputs(seed: int = 0) -> dict:
    key = jax.random.key(seed)
    k1, k2 = jax.random.split(key)
    data = jax.random.normal(k1, (N_NODES, C), dtype=jnp.float32)
    # Octree neighbor table: values in [-1, N_NODES); -1 marks empty/missing neighbors
    # (stands in for octree.get_neigh(depth, '333', stride=1, nempty=False)).
    neigh = jax.random.randint(k2, (N_NODES, K), -1, N_NODES, dtype=jnp.int64)
    return {"data": data, "neigh": neigh, "depth": 5}

def reference(data, neigh, depth):
    # out = zeros([N, K, C]); valid = neigh >= 0; out[valid] = data[neigh[valid]]
    valid = neigh >= 0
    safe_idx = jnp.where(valid, neigh, 0)
    gathered = jnp.take(data, safe_idx, axis=0)  # [N, K, C]
    out = jnp.where(valid[:, :, None], gathered, jnp.zeros((), dtype=data.dtype))
    return out

if __name__ == "__main__":
    import jax
    _d = setup_inputs()
    print(jax.jit(kernel)(*tuple(_d.values())))

</pallas_src>

<mosaic_0001>
#map = affine_map<(d0, d1) -> (0)>
#map1 = affine_map<(d0, d1) -> (0, 0)>
module attributes {stable_mosaic.version = 14 : i64} {
  func.func @_body(%arg0: i32, %arg1: i32, %arg2: memref<1351680xi32, #tpu.memory_space<hbm>>, %arg3: memref<50001x32xf32, #tpu.memory_space<hbm>>, %arg4: memref<1351680x32xf32, #tpu.memory_space<hbm>>, %arg5: memref<640xi32, #tpu.memory_space<vmem>>, %arg6: memref<640xi32, #tpu.memory_space<vmem>>, %arg7: memref<640x32xf32, #tpu.memory_space<vmem>>, %arg8: memref<640x32xf32, #tpu.memory_space<vmem>>, %arg9: memref<!tpu.dma_semaphore, #tpu.memory_space<semaphore_mem>>, %arg10: memref<!tpu.dma_semaphore, #tpu.memory_space<semaphore_mem>>, %arg11: memref<!tpu.dma_semaphore, #tpu.memory_space<semaphore_mem>>, %arg12: memref<!tpu.dma_semaphore, #tpu.memory_space<semaphore_mem>>, %arg13: memref<!tpu.dma_semaphore, #tpu.memory_space<semaphore_mem>>) attributes {dimension_semantics = [#tpu.dimension_semantics<core_parallel>, #tpu.dimension_semantics<subcore_parallel>], iteration_bounds = array<i64: 2, 16>, scalar_prefetch = 0 : i64, scratch_operands = 9 : i64, tpu.core_type = #tpu.core_type<sc_vector_subcore>, window_params = [{transform_indices = #map}, {transform_indices = #map1}, {transform_indices = #map1}]} {
    %mul3A = arith.constant 2 : i32
    %mul3A_0 = arith.muli %arg1, %mul3A : i32
    %add3A = arith.addi %mul3A_0, %arg0 : i32
    %mul3A_1 = arith.constant 66 : i32
    %mul3A_2 = arith.muli %add3A, %mul3A_1 : i32
    %add3A_3 = arith.constant 66 : i32
    %add3A_4 = arith.addi %mul3A_2, %add3A_3 : i32
    %sub3A = arith.constant 1 : i32
    %sub3A_5 = arith.subi %add3A_4, %sub3A : i32
    %mul3A_6 = arith.constant 640 : i32
    %mul3A_7 = arith.muli %mul3A_2, %mul3A_6 : i32
    %dma_start3A = tpu.memref_slice %arg2[%mul3A_7] : memref<1351680xi32, #tpu.memory_space<hbm>> -> memref<640xi32, #tpu.memory_space<hbm>>
    %dma_start3A_8 = tpu.memref_slice %arg2[%mul3A_7] : memref<1351680xi32, #tpu.memory_space<hbm>> -> memref<640xi32, #tpu.memory_space<hbm>>
    tpu.enqueue_dma source(%dma_start3A_8 : memref<640xi32, #tpu.memory_space<hbm>>) target(%arg5 : memref<640xi32, #tpu.memory_space<vmem>>) target_semaphore(%arg9 : memref<!tpu.dma_semaphore, #tpu.memory_space<semaphore_mem>>)
    %add3A_9 = arith.constant 1 : i32
    %add3A_10 = arith.addi %mul3A_2, %add3A_9 : i32
    %mul3A_11 = arith.constant 640 : i32
    %mul3A_12 = arith.muli %add3A_10, %mul3A_11 : i32
    %dma_start3A_13 = tpu.memref_slice %arg2[%mul3A_12] : memref<1351680xi32, #tpu.memory_space<hbm>> -> memref<640xi32, #tpu.memory_space<hbm>>
    %dma_start3A_14 = tpu.memref_slice %arg2[%mul3A_12] : memref<1351680xi32, #tpu.memory_space<hbm>> -> memref<640xi32, #tpu.memory_space<hbm>>
    tpu.enqueue_dma source(%dma_start3A_14 : memref<640xi32, #tpu.memory_space<hbm>>) target(%arg6 : memref<640xi32, #tpu.memory_space<vmem>>) target_semaphore(%arg10 : memref<!tpu.dma_semaphore, #tpu.memory_space<semaphore_mem>>)
    %dma_wait3A = arith.constant 0 : i32
    %dma_wait3A_15 = tpu.memref_slice %arg2[%dma_wait3A] : memref<1351680xi32, #tpu.memory_space<hbm>> -> memref<640xi32, #tpu.memory_space<hbm>>
    %dma_wait3A_16 = arith.constant 0 : i32
    %dma_wait3A_17 = tpu.memref_slice %arg2[%dma_wait3A_16] : memref<1351680xi32, #tpu.memory_space<hbm>> -> memref<640xi32, #tpu.memory_space<hbm>>
    tpu.wait_dma2 semaphore(%arg9 : memref<!tpu.dma_semaphore, #tpu.memory_space<semaphore_mem>>) src(%dma_wait3A_17 : memref<640xi32, #tpu.memory_space<hbm>>) dst(%arg5 : memref<640xi32, #tpu.memory_space<vmem>>)
    %get3A = arith.constant 0 : index
    %get3A_18 = tpu.vector_load %arg5[%get3A] {strides = array<i32>} : memref<640xi32, #tpu.memory_space<vmem>>, vector<16xi32>,
    %get3A_19 = vector.shape_cast %get3A_18 : vector<16xi32> to vector<16xi32>
    %lt3A = arith.constant 0 : i32
    %lt3A_20 = vector.broadcast %lt3A : i32 to vector<16xi32>
    %lt3A_21 = arith.cmpi slt, %get3A_19, %lt3A_20 : vector<16xi32>
    %jit3A = arith.constant 50000 : i32
    %broadcast_in_dim3A = vector.broadcast %jit3A : i32 to vector<16xi32>
    %select_n3A = arith.select %lt3A_21, %broadcast_in_dim3A, %get3A_19 : vector<16xi1>, vector<16xi32>
    %swap3A = arith.constant 0 : index
    %swap3A_22 = tpu.vector_load %arg5[%swap3A] {strides = array<i32>} : memref<640xi32, #tpu.memory_space<vmem>>, vector<16xi32>,
    %swap3A_23 = vector.shape_cast %swap3A_22 : vector<16xi32> to vector<16xi32>
    %swap3A_24 = vector.shape_cast %select_n3A : vector<16xi32> to vector<16xi32>
    tpu.vector_store %arg5[%swap3A], %swap3A_24 {strides = array<i32>} : memref<640xi32, #tpu.memory_space<vmem>>, vector<16xi32>,
    %get3A_25 = arith.constant 16 : index
    %get3A_26 = tpu.vector_load %arg5[%get3A_25] {strides = array<i32>} : memref<640xi32, #tpu.memory_space<vmem>>, vector<16xi32>,
    %get3A_27 = vector.shape_cast %get3A_26 : vector<16xi32> to vector<16xi32>
    %lt3A_28 = arith.constant 0 : i32
    %lt3A_29 = vector.broadcast %lt3A_28 : i32 to vector<16xi32>
    %lt3A_30 = arith.cmpi slt, %get3A_27, %lt3A_29 : vector<16xi32>
    %jit3A_31 = arith.constant 50000 : i32
    %broadcast_in_dim3A_32 = vector.broadcast %jit3A_31 : i32 to vector<16xi32>
    %select_n3A_33 = arith.select %lt3A_30, %broadcast_in_dim3A_32, %get3A_27 : vector<16xi1>, vector<16xi32>
    %swap3A_34 = arith.constant 16 : index
    %swap3A_35 = tpu.vector_load %arg5[%swap3A_34] {strides = array<i32>} : memref<640xi32, #tpu.memory_space<vmem>>, vector<16xi32>,
    %swap3A_36 = vector.shape_cast %swap3A_35 : vector<16xi32> to vector<16xi32>
    %swap3A_37 = vector.shape_cast %select_n3A_33 : vector<16xi32> to vector<16xi32>
    tpu.vector_store %arg5[%swap3A_34], %swap3A_37 {strides = array<i32>} : memref<640xi32, #tpu.memory_space<vmem>>, vector<16xi32>,
    %get3A_38 = arith.constant 32 : index
    %get3A_39 = tpu.vector_load %arg5[%get3A_38] {strides = array<i32>} : memref<640xi32, #tpu.memory_space<vmem>>, vector<16xi32>,
    %get3A_40 = vector.shape_cast %get3A_39 : vector<16xi32> to vector<16xi32>
    %lt3A_41 = arith.constant 0 : i32
    %lt3A_42 = vector.broadcast %lt3A_41 : i32 to vector<16xi32>
    %lt3A_43 = arith.cmpi slt, %get3A_40, %lt3A_42 : vector<16xi32>
    %jit3A_44 = arith.constant 50000 : i32
    %broadcast_in_dim3A_45 = vector.broadcast %jit3A_44 : i32 to vector<16xi32>
    %select_n3A_46 = arith.select %lt3A_43, %broadcast_in_dim3A_45, %get3A_40 : vector<16xi1>, vector<16xi32>
    %swap3A_47 = arith.constant 32 : index
    %swap3A_48 = tpu.vector_load %arg5[%swap3A_47] {strides = array<i32>} : memref<640xi32, #tpu.memory_space<vmem>>, vector<16xi32>,
    %swap3A_49 = vector.shape_cast %swap3A_48 : vector<16xi32> to vector<16xi32>
    %swap3A_50 = vector.shape_cast %select_n3A_46 : vector<16xi32> to vector<16xi32>
    tpu.vector_store %arg5[%swap3A_47], %swap3A_50 {strides = array<i32>} : memref<640xi32, #tpu.memory_space<vmem>>, vector<16xi32>,
    %get3A_51 = arith.constant 48 : index
    %get3A_52 = tpu.vector_load %arg5[%get3A_51] {strides = array<i32>} : memref<640xi32, #tpu.memory_space<vmem>>, vector<16xi32>,
    %get3A_53 = vector.shape_cast %get3A_52 : vector<16xi32> to vector<16xi32>
    %lt3A_54 = arith.constant 0 : i32
    %lt3A_55 = vector.broadcast %lt3A_54 : i32 to vector<16xi32>
    %lt3A_56 = arith.cmpi slt, %get3A_53, %lt3A_55 : vector<16xi32>
    %jit3A_57 = arith.constant 50000 : i32
    %broadcast_in_dim3A_58 = vector.broadcast %jit3A_57 : i32 to vector<16xi32>
    %select_n3A_59 = arith.select %lt3A_56, %broadcast_in_dim3A_58, %get3A_53 : vector<16xi1>, vector<16xi32>
    %swap3A_60 = arith.constant 48 : index
    %swap3A_61 = tpu.vector_load %arg5[%swap3A_60] {strides = array<i32>} : memref<640xi32, #tpu.memory_space<vmem>>, vector<16xi32>,
    %swap3A_62 = vector.shape_cast %swap3A_61 : vector<16xi32> to vector<16xi32>
    %swap3A_63 = vector.shape_cast %select_n3A_59 : vector<16xi32> to vector<16xi32>
    tpu.vector_store %arg5[%swap3A_60], %swap3A_63 {strides = array<i32>} : memref<640xi32, #tpu.memory_space<vmem>>, vector<16xi32>,
    %get3A_64 = arith.constant 64 : index
    %get3A_65 = tpu.vector_load %arg5[%get3A_64] {strides = array<i32>} : memref<640xi32, #tpu.memory_space<vmem>>, vector<16xi32>,
    %get3A_66 = vector.shape_cast %get3A_65 : vector<16xi32> to vector<16xi32>
    %lt3A_67 = arith.constant 0 : i32
    %lt3A_68 = vector.broadcast %lt3A_67 : i32 to vector<16xi32>
    %lt3A_69 = arith.cmpi slt, %get3A_66, %lt3A_68 : vector<16xi32>
    %jit3A_70 = arith.constant 50000 : i32
    %broadcast_in_dim3A_71 = vector.broadcast %jit3A_70 : i32 to vector<16xi32>
    %select_n3A_72 = arith.select %lt3A_69, %broadcast_in_dim3A_71, %get3A_66 : vector<16xi1>, vector<16xi32>
    %swap3A_73 = arith.constant 64 : index
    %swap3A_74 = tpu.vector_load %arg5[%swap3A_73] {strides = array<i32>} : memref<640xi32, #tpu.memory_space<vmem>>, vector<16xi32>,
    %swap3A_75 = vector.shape_cast %swap3A_74 : vector<16xi32> to vector<16xi32>
    %swap3A_76 = vector.shape_cast %select_n3A_72 : vector<16xi32> to vector<16xi32>
    tpu.vector_store %arg5[%swap3A_73], %swap3A_76 {strides = array<i32>} : memref<640xi32, #tpu.memory_space<vmem>>, vector<16xi32>,
    %get3A_77 = arith.constant 80 : index
    %get3A_78 = tpu.vector_load %arg5[%get3A_77] {strides = array<i32>} : memref<640xi32, #tpu.memory_space<vmem>>, vector<16xi32>,
    %get3A_79 = vector.shape_cast %get3A_78 : vector<16xi32> to vector<16xi32>
    %lt3A_80 = arith.constant 0 : i32
    %lt3A_81 = vector.broadcast %lt3A_80 : i32 to vector<16xi32>
    %lt3A_82 = arith.cmpi slt, %get3A_79, %lt3A_81 : vector<16xi32>
    %jit3A_83 = arith.constant 50000 : i32
    %broadcast_in_dim3A_84 = vector.broadcast %jit3A_83 : i32 to vector<16xi32>
    %select_n3A_85 = arith.select %lt3A_82, %broadcast_in_dim3A_84, %get3A_79 : vector<16xi1>, vector<16xi32>
    %swap3A_86 = arith.constant 80 : index
    %swap3A_87 = tpu.vector_load %arg5[%swap3A_86] {strides = array<i32>} : memref<640xi32, #tpu.memory_space<vmem>>, vector<16xi32>,
    %swap3A_88 = vector.shape_cast %swap3A_87 : vector<16xi32> to vector<16xi32>
    %swap3A_89 = vector.shape_cast %select_n3A_85 : vector<16xi32> to vector<16xi32>
    tpu.vector_store %arg5[%swap3A_86], %swap3A_89 {strides = array<i32>} : memref<640xi32, #tpu.memory_space<vmem>>, vector<16xi32>,
    %get3A_90 = arith.constant 96 : index
    %get3A_91 = tpu.vector_load %arg5[%get3A_90] {strides = array<i32>} : memref<640xi32, #tpu.memory_space<vmem>>, vector<16xi32>,
    %get3A_92 = vector.shape_cast %get3A_91 : vector<16xi32> to vector<16xi32>
    %lt3A_93 = arith.constant 0 : i32
    %lt3A_94 = vector.broadcast %lt3A_93 : i32 to vector<16xi32>
    %lt3A_95 = arith.cmpi slt, %get3A_92, %lt3A_94 : vector<16xi32>
    %jit3A_96 = arith.constant 50000 : i32
    %broadcast_in_dim3A_97 = vector.broadcast %jit3A_96 : i32 to vector<16xi32>
    %select_n3A_98 = arith.select %lt3A_95, %broadcast_in_dim3A_97, %get3A_92 : vector<16xi1>, vector<16xi32>
    %swap3A_99 = arith.constant 96 : index
    %swap3A_100 = tpu.vector_load %arg5[%swap3A_99] {strides = array<i32>} : memref<640xi32, #tpu.memory_space<vmem>>, vector<16xi32>,
    %swap3A_101 = vector.shape_cast %swap3A_100 : vector<16xi32> to vector<16xi32>
    %swap3A_102 = vector.shape_cast %select_n3A_98 : vector<16xi32> to vector<16xi32>
    tpu.vector_store %arg5[%swap3A_99], %swap3A_102 {strides = array<i32>} : memref<640xi32, #tpu.memory_space<vmem>>, vector<16xi32>,
    %get3A_103 = arith.constant 112 : index
    %get3A_104 = tpu.vector_load %arg5[%get3A_103] {strides = array<i32>} : memref<640xi32, #tpu.memory_space<vmem>>, vector<16xi32>,
    %get3A_105 = vector.shape_cast %get3A_104 : vector<16xi32> to vector<16xi32>
    %lt3A_106 = arith.constant 0 : i32
    %lt3A_107 = vector.broadcast %lt3A_106 : i32 to vector<16xi32>
    %lt3A_108 = arith.cmpi slt, %get3A_105, %lt3A_107 : vector<16xi32>
    %jit3A_109 = arith.constant 50000 : i32
    %broadcast_in_dim3A_110 = vector.broadcast %jit3A_109 : i32 to vector<16xi32>
    %select_n3A_111 = arith.select %lt3A_108, %broadcast_in_dim3A_110, %get3A_105 : vector<16xi1>, vector<16xi32>
    %swap3A_112 = arith.constant 112 : index
    %swap3A_113 = tpu.vector_load %arg5[%swap3A_112] {strides = array<i32>} : memref<640xi32, #tpu.memory_space<vmem>>, vector<16xi32>,
    %swap3A_114 = vector.shape_cast %swap3A_113 : vector<16xi32> to vector<16xi32>
    %swap3A_115 = vector.shape_cast %select_n3A_111 : vector<16xi32> to vector<16xi32>
    tpu.vector_store %arg5[%swap3A_112], %swap3A_115 {strides = array<i32>} : memref<640xi32, #tpu.memory_space<vmem>>, vector<16xi32>,
    %get3A_116 = arith.constant 128 : index
    %get3A_117 = tpu.vector_load %arg5[%get3A_116] {strides = array<i32>} : memref<640xi32, #tpu.memory_space<vmem>>, vector<16xi32>,
    %get3A_118 = vector.shape_cast %get3A_117 : vector<16xi32> to vector<16xi32>
    %lt3A_119 = arith.constant 0 : i32
    %lt3A_120 = vector.broadcast %lt3A_119 : i32 to vector<16xi32>
    %lt3A_121 = arith.cmpi slt, %get3A_118, %lt3A_120 : vector<16xi32>
    %jit3A_122 = arith.constant 50000 : i32
    %broadcast_in_dim3A_123 = vector.broadcast %jit3A_122 : i32 to vector<16xi32>
    %select_n3A_124 = arith.select %lt3A_121, %broadcast_in_dim3A_123, %get3A_118 : vector<16xi1>, vector<16xi32>
    %swap3A_125 = arith.constant 128 : index
    %swap3A_126 = tpu.vector_load %arg5[%swap3A_125] {strides = array<i32>} : memref<640xi32, #tpu.memory_space<vmem>>, vector<16xi32>,
    %swap3A_127 = vector.shape_cast %swap3A_126 : vector<16xi32> to vector<16xi32>
    %swap3A_128 = vector.shape_cast %select_n3A_124 : vector<16xi32> to vector<16xi32>
    tpu.vector_store %arg5[%swap3A_125], %swap3A_128 {strides = array<i32>} : memref<640xi32, #tpu.memory_space<vmem>>, vector<16xi32>,
    %get3A_129 = arith.constant 144 : index
    %get3A_130 = tpu.vector_load %arg5[%get3A_129] {strides = array<i32>} : memref<640xi32, #tpu.memory_space<vmem>>, vector<16xi32>,
    %get3A_131 = vector.shape_cast %get3A_130 : vector<16xi32> to vector<16xi32>
    %lt3A_132 = arith.constant 0 : i32
    %lt3A_133 = vector.broadcast %lt3A_132 : i32 to vector<16xi32>
    %lt3A_134 = arith.cmpi slt, %get3A_131, %lt3A_133 : vector<16xi32>
    %jit3A_135 = arith.constant 50000 : i32
    %broadcast_in_dim3A_136 = vector.broadcast %jit3A_135 : i32 to vector<16xi32>
    %select_n3A_137 = arith.select %lt3A_134, %broadcast_in_dim3A_136, %get3A_131 : vector<16xi1>, vector<16xi32>
    %swap3A_138 = arith.constant 144 : index
    %swap3A_139 = tpu.vector_load %arg5[%swap3A_138] {strides = array<i32>} : memref<640xi32, #tpu.memory_space<vmem>>, vector<16xi32>,
    %swap3A_140 = vector.shape_cast %swap3A_139 : vector<16xi32> to vector<16xi32>
    %swap3A_141 = vector.shape_cast %select_n3A_137 : vector<16xi32> to vector<16xi32>
    tpu.vector_store %arg5[%swap3A_138], %swap3A_141 {strides = array<i32>} : memref<640xi32, #tpu.memory_space<vmem>>, vector<16xi32>,
    %get3A_142 = arith.constant 160 : index
    %get3A_143 = tpu.vector_load %arg5[%get3A_142] {strides = array<i32>} : memref<640xi32, #tpu.memory_space<vmem>>, vector<16xi32>,
    %get3A_144 = vector.shape_cast %get3A_143 : vector<16xi32> to vector<16xi32>
    %lt3A_145 = arith.constant 0 : i32
    %lt3A_146 = vector.broadcast %lt3A_145 : i32 to vector<16xi32>
    %lt3A_147 = arith.cmpi slt, %get3A_144, %lt3A_146 : vector<16xi32>
    %jit3A_148 = arith.constant 50000 : i32
    %broadcast_in_dim3A_149 = vector.broadcast %jit3A_148 : i32 to vector<16xi32>
    %select_n3A_150 = arith.select %lt3A_147, %broadcast_in_dim3A_149, %get3A_144 : vector<16xi1>, vector<16xi32>
    %swap3A_151 = arith.constant 160 : index
    %swap3A_152 = tpu.vector_load %arg5[%swap3A_151] {strides = array<i32>} : memref<640xi32, #tpu.memory_space<vmem>>, vector<16xi32>,
    %swap3A_153 = vector.shape_cast %swap3A_152 : vector<16xi32> to vector<16xi32>
    %swap3A_154 = vector.shape_cast %select_n3A_150 : vector<16xi32> to vector<16xi32>
    tpu.vector_store %arg5[%swap3A_151], %swap3A_154 {strides = array<i32>} : memref<640xi32, #tpu.memory_space<vmem>>, vector<16xi32>,
    %get3A_155 = arith.constant 176 : index
    %get3A_156 = tpu.vector_load %arg5[%get3A_155] {strides = array<i32>} : memref<640xi32, #tpu.memory_space<vmem>>, vector<16xi32>,
    %get3A_157 = vector.shape_cast %get3A_156 : vector<16xi32> to vector<16xi32>
    %lt3A_158 = arith.constant 0 : i32
    %lt3A_159 = vector.broadcast %lt3A_158 : i32 to vector<16xi32>
    %lt3A_160 = arith.cmpi slt, %get3A_157, %lt3A_159 : vector<16xi32>
    %jit3A_161 = arith.constant 50000 : i32
    %broadcast_in_dim3A_162 = vector.broadcast %jit3A_161 : i32 to vector<16xi32>
    %select_n3A_163 = arith.select %lt3A_160, %broadcast_in_dim3A_162, %get3A_157 : vector<16xi1>, vector<16xi32>
    %swap3A_164 = arith.constant 176 : index
    %swap3A_165 = tpu.vector_load %arg5[%swap3A_164] {strides = array<i32>} : memref<640xi32, #tpu.memory_space<vmem>>, vector<16xi32>,
    %swap3A_166 = vector.shape_cast %swap3A_165 : vector<16xi32> to vector<16xi32>
    %swap3A_167 = vector.shape_cast %select_n3A_163 : vector<16xi32> to vector<16xi32>
    tpu.vector_store %arg5[%swap3A_164], %swap3A_167 {strides = array<i32>} : memref<640xi32, #tpu.memory_space<vmem>>, vector<16xi32>,
    %get3A_168 = arith.constant 192 : index
    %get3A_169 = tpu.vector_load %arg5[%get3A_168] {strides = array<i32>} : memref<640xi32, #tpu.memory_space<vmem>>, vector<16xi32>,
    %get3A_170 = vector.shape_cast %get3A_169 : vector<16xi32> to vector<16xi32>
    %lt3A_171 = arith.constant 0 : i32
    %lt3A_172 = vector.broadcast %lt3A_171 : i32 to vector<16xi32>
    %lt3A_173 = arith.cmpi slt, %get3A_170, %lt3A_172 : vector<16xi32>
    %jit3A_174 = arith.constant 50000 : i32
    %broadcast_in_dim3A_175 = vector.broadcast %jit3A_174 : i32 to vector<16xi32>
    %select_n3A_176 = arith.select %lt3A_173, %broadcast_in_dim3A_175, %get3A_170 : vector<16xi1>, vector<16xi32>
    %swap3A_177 = arith.constant 192 : index
    %swap3A_178 = tpu.vector_load %arg5[%swap3A_177] {strides = array<i32>} : memref<640xi32, #tpu.memory_space<vmem>>, vector<16xi32>,
    %swap3A_179 = vector.shape_cast %swap3A_178 : vector<16xi32> to vector<16xi32>
    %swap3A_180 = vector.shape_cast %select_n3A_176 : vector<16xi32> to vector<16xi32>
    tpu.vector_store %arg5[%swap3A_177], %swap3A_180 {strides = array<i32>} : memref<640xi32, #tpu.memory_space<vmem>>, vector<16xi32>,
    %get3A_181 = arith.constant 208 : index
    %get3A_182 = tpu.vector_load %arg5[%get3A_181] {strides = array<i32>} : memref<640xi32, #tpu.memory_space<vmem>>, vector<16xi32>,
    %get3A_183 = vector.shape_cast %get3A_182 : vector<16xi32> to vector<16xi32>
    %lt3A_184 = arith.constant 0 : i32
    %lt3A_185 = vector.broadcast %lt3A_184 : i32 to vector<16xi32>
    %lt3A_186 = arith.cmpi slt, %get3A_183, %lt3A_185 : vector<16xi32>
    %jit3A_187 = arith.constant 50000 : i32
    %broadcast_in_dim3A_188 = vector.broadcast %jit3A_187 : i32 to vector<16xi32>
    %select_n3A_189 = arith.select %lt3A_186, %broadcast_in_dim3A_188, %get3A_183 : vector<16xi1>, vector<16xi32>
    %swap3A_190 = arith.constant 208 : index
    %swap3A_191 = tpu.vector_load %arg5[%swap3A_190] {strides = array<i32>} : memref<640xi32, #tpu.memory_space<vmem>>, vector<16xi32>,
    %swap3A_192 = vector.shape_cast %swap3A_191 : vector<16xi32> to vector<16xi32>
    %swap3A_193 = vector.shape_cast %select_n3A_189 : vector<16xi32> to vector<16xi32>
    tpu.vector_store %arg5[%swap3A_190], %swap3A_193 {strides = array<i32>} : memref<640xi32, #tpu.memory_space<vmem>>, vector<16xi32>,
    %get3A_194 = arith.constant 224 : index
    %get3A_195 = tpu.vector_load %arg5[%get3A_194] {strides = array<i32>} : memref<640xi32, #tpu.memory_space<vmem>>, vector<16xi32>,
    %get3A_196 = vector.shape_cast %get3A_195 : vector<16xi32> to vector<16xi32>
    %lt3A_197 = arith.constant 0 : i32
    %lt3A_198 = vector.broadcast %lt3A_197 : i32 to vector<16xi32>
    %lt3A_199 = arith.cmpi slt, %get3A_196, %lt3A_198 : vector<16xi32>
    %jit3A_200 = arith.constant 50000 : i32
    %broadcast_in_dim3A_201 = vector.broadcast %jit3A_200 : i32 to vector<16xi32>
    %select_n3A_202 = arith.select %lt3A_199, %broadcast_in_dim3A_201, %get3A_196 : vector<16xi1>, vector<16xi32>
    %swap3A_203 = arith.constant 224 : index
    %swap3A_204 = tpu.vector_load %arg5[%swap3A_203] {strides = array<i32>} : memref<640xi32, #tpu.memory_space<vmem>>, vector<16xi32>,
    %swap3A_205 = vector.shape_cast %swap3A_204 : vector<16xi32> to vector<16xi32>
    %swap3A_206 = vector.shape_cast %select_n3A_202 : vector<16xi32> to vector<16xi32>
    tpu.vector_store %arg5[%swap3A_203], %swap3A_206 {strides = array<i32>} : memref<640xi32, #tpu.memory_space<vmem>>, vector<16xi32>,
    %get3A_207 = arith.constant 240 : index
    %get3A_208 = tpu.vector_load %arg5[%get3A_207] {strides = array<i32>} : memref<640xi32, #tpu.memory_space<vmem>>, vector<16xi32>,
    %get3A_209 = vector.shape_cast %get3A_208 : vector<16xi32> to vector<16xi32>
    %lt3A_210 = arith.constant 0 : i32
    %lt3A_211 = vector.broadcast %lt3A_210 : i32 to vector<16xi32>
    %lt3A_212 = arith.cmpi slt, %get3A_209, %lt3A_211 : vector<16xi32>
    %jit3A_213 = arith.constant 50000 : i32
    %broadcast_in_dim3A_214 = vector.broadcast %jit3A_213 : i32 to vector<16xi32>
    %select_n3A_215 = arith.select %lt3A_212, %broadcast_in_dim3A_214, %get3A_209 : vector<16xi1>, vector<16xi32>
    %swap3A_216 = arith.constant 240 : index
    %swap3A_217 = tpu.vector_load %arg5[%swap3A_216] {strides = array<i32>} : memref<640xi32, #tpu.memory_space<vmem>>, vector<16xi32>,
    %swap3A_218 = vector.shape_cast %swap3A_217 : vector<16xi32> to vector<16xi32>
    %swap3A_219 = vector.shape_cast %select_n3A_215 : vector<16xi32> to vector<16xi32>
    tpu.vector_store %arg5[%swap3A_216], %swap3A_219 {strides = array<i32>} : memref<640xi32, #tpu.memory_space<vmem>>, vector<16xi32>,
    %get3A_220 = arith.constant 256 : index
    %get3A_221 = tpu.vector_load %arg5[%get3A_220] {strides = array<i32>} : memref<640xi32, #tpu.memory_space<vmem>>, vector<16xi32>,
    %get3A_222 = vector.shape_cast %get3A_221 : vector<16xi32> to vector<16xi32>
    %lt3A_223 = arith.constant 0 : i32
    %lt3A_224 = vector.broadcast %lt3A_223 : i32 to vector<16xi32>
    %lt3A_225 = arith.cmpi slt, %get3A_222, %lt3A_224 : vector<16xi32>
    %jit3A_226 = arith.constant 50000 : i32
    %broadcast_in_dim3A_227 = vector.broadcast %jit3A_226 : i32 to vector<16xi32>
    %select_n3A_228 = arith.select %lt3A_225, %broadcast_in_dim3A_227, %get3A_222 : vector<16xi1>, vector<16xi32>
    %swap3A_229 = arith.constant 256 : index
    %swap3A_230 = tpu.vector_load %arg5[%swap3A_229] {strides = array<i32>} : memref<640xi32, #tpu.memory_space<vmem>>, vector<16xi32>,
    %swap3A_231 = vector.shape_cast %swap3A_230 : vector<16xi32> to vector<16xi32>
    %swap3A_232 = vector.shape_cast %select_n3A_228 : vector<16xi32> to vector<16xi32>
    tpu.vector_store %arg5[%swap3A_229], %swap3A_232 {strides = array<i32>} : memref<640xi32, #tpu.memory_space<vmem>>, vector<16xi32>,
    %get3A_233 = arith.constant 272 : index
    %get3A_234 = tpu.vector_load %arg5[%get3A_233] {strides = array<i32>} : memref<640xi32, #tpu.memory_space<vmem>>, vector<16xi32>,
    %get3A_235 = vector.shape_cast %get3A_234 : vector<16xi32> to vector<16xi32>
    %lt3A_236 = arith.constant 0 : i32
    %lt3A_237 = vector.broadcast %lt3A_236 : i32 to vector<16xi32>
    %lt3A_238 = arith.cmpi slt, %get3A_235, %lt3A_237 : vector<16xi32>
    %jit3A_239 = arith.constant 50000 : i32
    %broadcast_in_dim3A_240 = vector.broadcast %jit3A_239 : i32 to vector<16xi32>
    %select_n3A_241 = arith.select %lt3A_238, %broadcast_in_dim3A_240, %get3A_235 : vector<16xi1>, vector<16xi32>
    %swap3A_242 = arith.constant 272 : index
    %swap3A_243 = tpu.vector_load %arg5[%swap3A_242] {strides = array<i32>} : memref<640xi32, #tpu.memory_space<vmem>>, vector<16xi32>,
    %swap3A_244 = vector.shape_cast %swap3A_243 : vector<16xi32> to vector<16xi32>
    %swap3A_245 = vector.shape_cast %select_n3A_241 : vector<16xi32> to vector<16xi32>
    tpu.vector_store %arg5[%swap3A_242], %swap3A_245 {strides = array<i32>} : memref<640xi32, #tpu.memory_space<vmem>>, vector<16xi32>,
    %get3A_246 = arith.constant 288 : index
    %get3A_247 = tpu.vector_load %arg5[%get3A_246] {strides = array<i32>} : memref<640xi32, #tpu.memory_space<vmem>>, vector<16xi32>,
    %get3A_248 = vector.shape_cast %get3A_247 : vector<16xi32> to vector<16xi32>
    %lt3A_249 = arith.constant 0 : i32
    %lt3A_250 = vector.broadcast %lt3A_249 : i32 to vector<16xi32>
    %lt3A_251 = arith.cmpi slt, %get3A_248, %lt3A_250 : vector<16xi32>
    %jit3A_252 = arith.constant 50000 : i32
    %broadcast_in_dim3A_253 = vector.broadcast %jit3A_252 : i32 to vector<16xi32>
    %select_n3A_254 = arith.select %lt3A_251, %broadcast_in_dim3A_253, %get3A_248 : vector<16xi1>, vector<16xi32>
    %swap3A_255 = arith.constant 288 : index
    %swap3A_256 = tpu.vector_load %arg5[%swap3A_255] {strides = array<i32>} : memref<640xi32, #tpu.memory_space<vmem>>, vector<16xi32>,
    %swap3A_257 = vector.shape_cast %swap3A_256 : vector<16xi32> to vector<16xi32>
    %swap3A_258 = vector.shape_cast %select_n3A_254 : vector<16xi32> to vector<16xi32>
    tpu.vector_store %arg5[%swap3A_255], %swap3A_258 {strides = array<i32>} : memref<640xi32, #tpu.memory_space<vmem>>, vector<16xi32>,
    %get3A_259 = arith.constant 304 : index
    %get3A_260 = tpu.vector_load %arg5[%get3A_259] {strides = array<i32>} : memref<640xi32, #tpu.memory_space<vmem>>, vector<16xi32>,
    %get3A_261 = vector.shape_cast %get3A_260 : vector<16xi32> to vector<16xi32>
    %lt3A_262 = arith.constant 0 : i32
    %lt3A_263 = vector.broadcast %lt3A_262 : i32 to vector<16xi32>
    %lt3A_264 = arith.cmpi slt, %get3A_261, %lt3A_263 : vector<16xi32>
    %jit3A_265 = arith.constant 50000 : i32
    %broadcast_in_dim3A_266 = vector.broadcast %jit3A_265 : i32 to vector<16xi32>
    %select_n3A_267 = arith.select %lt3A_264, %broadcast_in_dim3A_266, %get3A_261 : vector<16xi1>, vector<16xi32>
    %swap3A_268 = arith.constant 304 : index
    %swap3A_269 = tpu.vector_load %arg5[%swap3A_268] {strides = array<i32>} : memref<640xi32, #tpu.memory_space<vmem>>, vector<16xi32>,
    %swap3A_270 = vector.shape_cast %swap3A_269 : vector<16xi32> to vector<16xi32>
    %swap3A_271 = vector.shape_cast %select_n3A_267 : vector<16xi32> to vector<16xi32>
    tpu.vector_store %arg5[%swap3A_268], %swap3A_271 {strides = array<i32>} : memref<640xi32, #tpu.memory_space<vmem>>, vector<16xi32>,
    %get3A_272 = arith.constant 320 : index
    %get3A_273 = tpu.vector_load %arg5[%get3A_272] {strides = array<i32>} : memref<640xi32, #tpu.memory_space<vmem>>, vector<16xi32>,
    %get3A_274 = vector.shape_cast %get3A_273 : vector<16xi32> to vector<16xi32>
    %lt3A_275 = arith.constant 0 : i32
    %lt3A_276 = vector.broadcast %lt3A_275 : i32 to vector<16xi32>
    %lt3A_277 = arith.cmpi slt, %get3A_274, %lt3A_276 : vector<16xi32>
    %jit3A_278 = arith.constant 50000 : i32
    %broadcast_in_dim3A_279 = vector.broadcast %jit3A_278 : i32 to vector<16xi32>
    %select_n3A_280 = arith.select %lt3A_277, %broadcast_in_dim3A_279, %get3A_274 : vector<16xi1>, vector<16xi32>
    %swap3A_281 = arith.constant 320 : index
    %swap3A_282 = tpu.vector_load %arg5[%swap3A_281] {strides = array<i32>} : memref<640xi32, #tpu.memory_space<vmem>>, vector<16xi32>,
    %swap3A_283 = vector.shape_cast %swap3A_282 : vector<16xi32> to vector<16xi32>
    %swap3A_284 = vector.shape_cast %select_n3A_280 : vector<16xi32> to vector<16xi32>
    tpu.vector_store %arg5[%swap3A_281], %swap3A_284 {strides = array<i32>} : memref<640xi32, #tpu.memory_space<vmem>>, vector<16xi32>,
    %get3A_285 = arith.constant 336 : index
    %get3A_286 = tpu.vector_load %arg5[%get3A_285] {strides = array<i32>} : memref<640xi32, #tpu.memory_space<vmem>>, vector<16xi32>,
    %get3A_287 = vector.shape_cast %get3A_286 : vector<16xi32> to vector<16xi32>
    %lt3A_288 = arith.constant 0 : i32
    %lt3A_289 = vector.broadcast %lt3A_288 : i32 to vector<16xi32>
    %lt3A_290 = arith.cmpi slt, %get3A_287, %lt3A_289 : vector<16xi32>
    %jit3A_291 = arith.constant 50000 : i32
    %broadcast_in_dim3A_292 = vector.broadcast %jit3A_291 : i32 to vector<16xi32>
    %select_n3A_293 = arith.select %lt3A_290, %broadcast_in_dim3A_292, %get3A_287 : vector<16xi1>, vector<16xi32>
    %swap3A_294 = arith.constant 336 : index
    %swap3A_295 = tpu.vector_load %arg5[%swap3A_294] {strides = array<i32>} : memref<640xi32, #tpu.memory_space<vmem>>, vector<16xi32>,
    %swap3A_296 = vector.shape_cast %swap3A_295 : vector<16xi32> to vector<16xi32>
    %swap3A_297 = vector.shape_cast %select_n3A_293 : vector<16xi32> to vector<16xi32>
    tpu.vector_store %arg5[%swap3A_294], %swap3A_297 {strides = array<i32>} : memref<640xi32, #tpu.memory_space<vmem>>, vector<16xi32>,
    %get3A_298 = arith.constant 352 : index
    %get3A_299 = tpu.vector_load %arg5[%get3A_298] {strides = array<i32>} : memref<640xi32, #tpu.memory_space<vmem>>, vector<16xi32>,
    %get3A_300 = vector.shape_cast %get3A_299 : vector<16xi32> to vector<16xi32>
    %lt3A_301 = arith.constant 0 : i32
    %lt3A_302 = vector.broadcast %lt3A_301 : i32 to vector<16xi32>
    %lt3A_303 = arith.cmpi slt, %get3A_300, %lt3A_302 : vector<16xi32>
    %jit3A_304 = arith.constant 50000 : i32
    %broadcast_in_dim3A_305 = vector.broadcast %jit3A_304 : i32 to vector<16xi32>
    %select_n3A_306 = arith.select %lt3A_303, %broadcast_in_dim3A_305, %get3A_300 : vector<16xi1>, vector<16xi32>
    %swap3A_307 = arith.constant 352 : index
    %swap3A_308 = tpu.vector_load %arg5[%swap3A_307] {strides = array<i32>} : memref<640xi32, #tpu.memory_space<vmem>>, vector<16xi32>,
    %swap3A_309 = vector.shape_cast %swap3A_308 : vector<16xi32> to vector<16xi32>
    %swap3A_310 = vector.shape_cast %select_n3A_306 : vector<16xi32> to vector<16xi32>
    tpu.vector_store %arg5[%swap3A_307], %swap3A_310 {strides = array<i32>} : memref<640xi32, #tpu.memory_space<vmem>>, vector<16xi32>,
    %get3A_311 = arith.constant 368 : index
    %get3A_312 = tpu.vector_load %arg5[%get3A_311] {strides = array<i32>} : memref<640xi32, #tpu.memory_space<vmem>>, vector<16xi32>,
    %get3A_313 = vector.shape_cast %get3A_312 : vector<16xi32> to vector<16xi32>
    %lt3A_314 = arith.constant 0 : i32
    %lt3A_315 = vector.broadcast %lt3A_314 : i32 to vector<16xi32>
    %lt3A_316 = arith.cmpi slt, %get3A_313, %lt3A_315 : vector<16xi32>
    %jit3A_317 = arith.constant 50000 : i32
    %broadcast_in_dim3A_318 = vector.broadcast %jit3A_317 : i32 to vector<16xi32>
    %select_n3A_319 = arith.select %lt3A_316, %broadcast_in_dim3A_318, %get3A_313 : vector<16xi1>, vector<16xi32>
    %swap3A_320 = arith.constant 368 : index
    %swap3A_321 = tpu.vector_load %arg5[%swap3A_320] {strides = array<i32>} : memref<640xi32, #tpu.memory_space<vmem>>, vector<16xi32>,
    %swap3A_322 = vector.shape_cast %swap3A_321 : vector<16xi32> to vector<16xi32>
    %swap3A_323 = vector.shape_cast %select_n3A_319 : vector<16xi32> to vector<16xi32>
    tpu.vector_store %arg5[%swap3A_320], %swap3A_323 {strides = array<i32>} : memref<640xi32, #tpu.memory_space<vmem>>, vector<16xi32>,
    %get3A_324 = arith.constant 384 : index
    %get3A_325 = tpu.vector_load %arg5[%get3A_324] {strides = array<i32>} : memref<640xi32, #tpu.memory_space<vmem>>, vector<16xi32>,
    %get3A_326 = vector.shape_cast %get3A_325 : vector<16xi32> to vector<16xi32>
    %lt3A_327 = arith.constant 0 : i32
    %lt3A_328 = vector.broadcast %lt3A_327 : i32 to vector<16xi32>
    %lt3A_329 = arith.cmpi slt, %get3A_326, %lt3A_328 : vector<16xi32>
    %jit3A_330 = arith.constant 50000 : i32
    %broadcast_in_dim3A_331 = vector.broadcast %jit3A_330 : i32 to vector<16xi32>
    %select_n3A_332 = arith.select %lt3A_329, %broadcast_in_dim3A_331, %get3A_326 : vector<16xi1>, vector<16xi32>
    %swap3A_333 = arith.constant 384 : index
    %swap3A_334 = tpu.vector_load %arg5[%swap3A_333] {strides = array<i32>} : memref<640xi32, #tpu.memory_space<vmem>>, vector<16xi32>,
    %swap3A_335 = vector.shape_cast %swap3A_334 : vector<16xi32> to vector<16xi32>
    %swap3A_336 = vector.shape_cast %select_n3A_332 : vector<16xi32> to vector<16xi32>
    tpu.vector_store %arg5[%swap3A_333], %swap3A_336 {strides = array<i32>} : memref<640xi32, #tpu.memory_space<vmem>>, vector<16xi32>,
    %get3A_337 = arith.constant 400 : index
    %get3A_338 = tpu.vector_load %arg5[%get3A_337] {strides = array<i32>} : memref<640xi32, #tpu.memory_space<vmem>>, vector<16xi32>,
    %get3A_339 = vector.shape_cast %get3A_338 : vector<16xi32> to vector<16xi32>
    %lt3A_340 = arith.constant 0 : i32
    %lt3A_341 = vector.broadcast %lt3A_340 : i32 to vector<16xi32>
    %lt3A_342 = arith.cmpi slt, %get3A_339, %lt3A_341 : vector<16xi32>
    %jit3A_343 = arith.constant 50000 : i32
    %broadcast_in_dim3A_344 = vector.broadcast %jit3A_343 : i32 to vector<16xi32>
    %select_n3A_345 = arith.select %lt3A_342, %broadcast_in_dim3A_344, %get3A_339 : vector<16xi1>, vector<16xi32>
    %swap3A_346 = arith.constant 400 : index
    %swap3A_347 = tpu.vector_load %arg5[%swap3A_346] {strides = array<i32>} : memref<640xi32, #tpu.memory_space<vmem>>, vector<16xi32>,
    %swap3A_348 = vector.shape_cast %swap3A_347 : vector<16xi32> to vector<16xi32>
    %swap3A_349 = vector.shape_cast %select_n3A_345 : vector<16xi32> to vector<16xi32>
    tpu.vector_store %arg5[%swap3A_346], %swap3A_349 {strides = array<i32>} : memref<640xi32, #tpu.memory_space<vmem>>, vector<16xi32>,
    %get3A_350 = arith.constant 416 : index
    %get3A_351 = tpu.vector_load %arg5[%get3A_350] {strides = array<i32>} : memref<640xi32, #tpu.memory_space<vmem>>, vector<16xi32>,
    %get3A_352 = vector.shape_cast %get3A_351 : vector<16xi32> to vector<16xi32>
    %lt3A_353 = arith.constant 0 : i32
    %lt3A_354 = vector.broadcast %lt3A_353 : i32 to vector<16xi32>
    %lt3A_355 = arith.cmpi slt, %get3A_352, %lt3A_354 : vector<16xi32>
    %jit3A_356 = arith.constant 50000 : i32
    %broadcast_in_dim3A_357 = vector.broadcast %jit3A_356 : i32 to vector<16xi32>
    %select_n3A_358 = arith.select %lt3A_355, %broadcast_in_dim3A_357, %get3A_352 : vector<16xi1>, vector<16xi32>
    %swap3A_359 = arith.constant 416 : index
    %swap3A_360 = tpu.vector_load %arg5[%swap3A_359] {strides = array<i32>} : memref<640xi32, #tpu.memory_space<vmem>>, vector<16xi32>,
    %swap3A_361 = vector.shape_cast %swap3A_360 : vector<16xi32> to vector<16xi32>
    %swap3A_362 = vector.shape_cast %select_n3A_358 : vector<16xi32> to vector<16xi32>
    tpu.vector_store %arg5[%swap3A_359], %swap3A_362 {strides = array<i32>} : memref<640xi32, #tpu.memory_space<vmem>>, vector<16xi32>,
    %get3A_363 = arith.constant 432 : index
    %get3A_364 = tpu.vector_load %arg5[%get3A_363] {strides = array<i32>} : memref<640xi32, #tpu.memory_space<vmem>>, vector<16xi32>,
    %get3A_365 = vector.shape_cast %get3A_364 : vector<16xi32> to vector<16xi32>
    %lt3A_366 = arith.constant 0 : i32
    %lt3A_367 = vector.broadcast %lt3A_366 : i32 to vector<16xi32>
    %lt3A_368 = arith.cmpi slt, %get3A_365, %lt3A_367 : vector<16xi32>
    %jit3A_369 = arith.constant 50000 : i32
    %broadcast_in_dim3A_370 = vector.broadcast %jit3A_369 : i32 to vector<16xi32>
    %select_n3A_371 = arith.select %lt3A_368, %broadcast_in_dim3A_370, %get3A_365 : vector<16xi1>, vector<16xi32>
    %swap3A_372 = arith.constant 432 : index
    %swap3A_373 = tpu.vector_load %arg5[%swap3A_372] {strides = array<i32>} : memref<640xi32, #tpu.memory_space<vmem>>, vector<16xi32>,
    %swap3A_374 = vector.shape_cast %swap3A_373 : vector<16xi32> to vector<16xi32>
    %swap3A_375 = vector.shape_cast %select_n3A_371 : vector<16xi32> to vector<16xi32>
    tpu.vector_store %arg5[%swap3A_372], %swap3A_375 {strides = array<i32>} : memref<640xi32, #tpu.memory_space<vmem>>, vector<16xi32>,
    %get3A_376 = arith.constant 448 : index
    %get3A_377 = tpu.vector_load %arg5[%get3A_376] {strides = array<i32>} : memref<640xi32, #tpu.memory_space<vmem>>, vector<16xi32>,
    %get3A_378 = vector.shape_cast %get3A_377 : vector<16xi32> to vector<16xi32>
    %lt3A_379 = arith.constant 0 : i32
    %lt3A_380 = vector.broadcast %lt3A_379 : i32 to vector<16xi32>
    %lt3A_381 = arith.cmpi slt, %get3A_378, %lt3A_380 : vector<16xi32>
    %jit3A_382 = arith.constant 50000 : i32
    %broadcast_in_dim3A_383 = vector.broadcast %jit3A_382 : i32 to vector<16xi32>
    %select_n3A_384 = arith.select %lt3A_381, %broadcast_in_dim3A_383, %get3A_378 : vector<16xi1>, vector<16xi32>
    %swap3A_385 = arith.constant 448 : index
    %swap3A_386 = tpu.vector_load %arg5[%swap3A_385] {strides = array<i32>} : memref<640xi32, #tpu.memory_space<vmem>>, vector<16xi32>,
    %swap3A_387 = vector.shape_cast %swap3A_386 : vector<16xi32> to vector<16xi32>
    %swap3A_388 = vector.shape_cast %select_n3A_384 : vector<16xi32> to vector<16xi32>
    tpu.vector_store %arg5[%swap3A_385], %swap3A_388 {strides = array<i32>} : memref<640xi32, #tpu.memory_space<vmem>>, vector<16xi32>,
    %get3A_389 = arith.constant 464 : index
    %get3A_390 = tpu.vector_load %arg5[%get3A_389] {strides = array<i32>} : memref<640xi32, #tpu.memory_space<vmem>>, vector<16xi32>,
    %get3A_391 = vector.shape_cast %get3A_390 : vector<16xi32> to vector<16xi32>
    %lt3A_392 = arith.constant 0 : i32
    %lt3A_393 = vector.broadcast %lt3A_392 : i32 to vector<16xi32>
    %lt3A_394 = arith.cmpi slt, %get3A_391, %lt3A_393 : vector<16xi32>
    %jit3A_395 = arith.constant 50000 : i32
    %broadcast_in_dim3A_396 = vector.broadcast %jit3A_395 : i32 to vector<16xi32>
    %select_n3A_397 = arith.select %lt3A_394, %broadcast_in_dim3A_396, %get3A_391 : vector<16xi1>, vector<16xi32>
    %swap3A_398 = arith.constant 464 : index
    %swap3A_399 = tpu.vector_load %arg5[%swap3A_398] {strides = array<i32>} : memref<640xi32, #tpu.memory_space<vmem>>, vector<16xi32>,
    %swap3A_400 = vector.shape_cast %swap3A_399 : vector<16xi32> to vector<16xi32>
    %swap3A_401 = vector.shape_cast %select_n3A_397 : vector<16xi32> to vector<16xi32>
    tpu.vector_store %arg5[%swap3A_398], %swap3A_401 {strides = array<i32>} : memref<640xi32, #tpu.memory_space<vmem>>, vector<16xi32>,
    %get3A_402 = arith.constant 480 : index
    %get3A_403 = tpu.vector_load %arg5[%get3A_402] {strides = array<i32>} : memref<640xi32, #tpu.memory_space<vmem>>, vector<16xi32>,
    %get3A_404 = vector.shape_cast %get3A_403 : vector<16xi32> to vector<16xi32>
    %lt3A_405 = arith.constant 0 : i32
    %lt3A_406 = vector.broadcast %lt3A_405 : i32 to vector<16xi32>
    %lt3A_407 = arith.cmpi slt, %get3A_404, %lt3A_406 : vector<16xi32>
    %jit3A_408 = arith.constant 50000 : i32
    %broadcast_in_dim3A_409 = vector.broadcast %jit3A_408 : i32 to vector<16xi32>
    %select_n3A_410 = arith.select %lt3A_407, %broadcast_in_dim3A_409, %get3A_404 : vector<16xi1>, vector<16xi32>
    %swap3A_411 = arith.constant 480 : index
    %swap3A_412 = tpu.vector_load %arg5[%swap3A_411] {strides = array<i32>} : memref<640xi32, #tpu.memory_space<vmem>>, vector<16xi32>,
    %swap3A_413 = vector.shape_cast %swap3A_412 : vector<16xi32> to vector<16xi32>
    %swap3A_414 = vector.shape_cast %select_n3A_410 : vector<16xi32> to vector<16xi32>
    tpu.vector_store %arg5[%swap3A_411], %swap3A_414 {strides = array<i32>} : memref<640xi32, #tpu.memory_space<vmem>>, vector<16xi32>,
    %get3A_415 = arith.constant 496 : index
    %get3A_416 = tpu.vector_load %arg5[%get3A_415] {strides = array<i32>} : memref<640xi32, #tpu.memory_space<vmem>>, vector<16xi32>,
    %get3A_417 = vector.shape_cast %get3A_416 : vector<16xi32> to vector<16xi32>
    %lt3A_418 = arith.constant 0 : i32
    %lt3A_419 = vector.broadcast %lt3A_418 : i32 to vector<16xi32>
    %lt3A_420 = arith.cmpi slt, %get3A_417, %lt3A_419 : vector<16xi32>
    %jit3A_421 = arith.constant 50000 : i32
    %broadcast_in_dim3A_422 = vector.broadcast %jit3A_421 : i32 to vector<16xi32>
    %select_n3A_423 = arith.select %lt3A_420, %broadcast_in_dim3A_422, %get3A_417 : vector<16xi1>, vector<16xi32>
    %swap3A_424 = arith.constant 496 : index
    %swap3A_425 = tpu.vector_load %arg5[%swap3A_424] {strides = array<i32>} : memref<640xi32, #tpu.memory_space<vmem>>, vector<16xi32>,
    %swap3A_426 = vector.shape_cast %swap3A_425 : vector<16xi32> to vector<16xi32>
    %swap3A_427 = vector.shape_cast %select_n3A_423 : vector<16xi32> to vector<16xi32>
    tpu.vector_store %arg5[%swap3A_424], %swap3A_427 {strides = array<i32>} : memref<640xi32, #tpu.memory_space<vmem>>, vector<16xi32>,
    %get3A_428 = arith.constant 512 : index
    %get3A_429 = tpu.vector_load %arg5[%get3A_428] {strides = array<i32>} : memref<640xi32, #tpu.memory_space<vmem>>, vector<16xi32>,
    %get3A_430 = vector.shape_cast %get3A_429 : vector<16xi32> to vector<16xi32>
    %lt3A_431 = arith.constant 0 : i32
    %lt3A_432 = vector.broadcast %lt3A_431 : i32 to vector<16xi32>
    %lt3A_433 = arith.cmpi slt, %get3A_430, %lt3A_432 : vector<16xi32>
    %jit3A_434 = arith.constant 50000 : i32
    %broadcast_in_dim3A_435 = vector.broadcast %jit3A_434 : i32 to vector<16xi32>
    %select_n3A_436 = arith.select %lt3A_433, %broadcast_in_dim3A_435, %get3A_430 : vector<16xi1>, vector<16xi32>
    %swap3A_437 = arith.constant 512 : index
    %swap3A_438 = tpu.vector_load %arg5[%swap3A_437] {strides = array<i32>} : memref<640xi32, #tpu.memory_space<vmem>>, vector<16xi32>,
    %swap3A_439 = vector.shape_cast %swap3A_438 : vector<16xi32> to vector<16xi32>
    %swap3A_440 = vector.shape_cast %select_n3A_436 : vector<16xi32> to vector<16xi32>
    tpu.vector_store %arg5[%swap3A_437], %swap3A_440 {strides = array<i32>} : memref<640xi32, #tpu.memory_space<vmem>>, vector<16xi32>,
    %get3A_441 = arith.constant 528 : index
    %get3A_442 = tpu.vector_load %arg5[%get3A_441] {strides = array<i32>} : memref<640xi32, #tpu.memory_space<vmem>>, vector<16xi32>,
    %get3A_443 = vector.shape_cast %get3A_442 : vector<16xi32> to vector<16xi32>
    %lt3A_444 = arith.constant 0 : i32
    %lt3A_445 = vector.broadcast %lt3A_444 : i32 to vector<16xi32>
    %lt3A_446 = arith.cmpi slt, %get3A_443, %lt3A_445 : vector<16xi32>
    %jit3A_447 = arith.constant 50000 : i32
    %broadcast_in_dim3A_448 = vector.broadcast %jit3A_447 : i32 to vector<16xi32>
    %select_n3A_449 = arith.select %lt3A_446, %broadcast_in_dim3A_448, %get3A_443 : vector<16xi1>, vector<16xi32>
    %swap3A_450 = arith.constant 528 : index
    %swap3A_451 = tpu.vector_load %arg5[%swap3A_450] {strides = array<i32>} : memref<640xi32, #tpu.memory_space<vmem>>, vector<16xi32>,
    %swap3A_452 = vector.shape_cast %swap3A_451 : vector<16xi32> to vector<16xi32>
    %swap3A_453 = vector.shape_cast %select_n3A_449 : vector<16xi32> to vector<16xi32>
    tpu.vector_store %arg5[%swap3A_450], %swap3A_453 {strides = array<i32>} : memref<640xi32, #tpu.memory_space<vmem>>, vector<16xi32>,
    %get3A_454 = arith.constant 544 : index
    %get3A_455 = tpu.vector_load %arg5[%get3A_454] {strides = array<i32>} : memref<640xi32, #tpu.memory_space<vmem>>, vector<16xi32>,
    %get3A_456 = vector.shape_cast %get3A_455 : vector<16xi32> to vector<16xi32>
    %lt3A_457 = arith.constant 0 : i32
    %lt3A_458 = vector.broadcast %lt3A_457 : i32 to vector<16xi32>
    %lt3A_459 = arith.cmpi slt, %get3A_456, %lt3A_458 : vector<16xi32>
    %jit3A_460 = arith.constant 50000 : i32
    %broadcast_in_dim3A_461 = vector.broadcast %jit3A_460 : i32 to vector<16xi32>
    %select_n3A_462 = arith.select %lt3A_459, %broadcast_in_dim3A_461, %get3A_456 : vector<16xi1>, vector<16xi32>
    %swap3A_463 = arith.constant 544 : index
    %swap3A_464 = tpu.vector_load %arg5[%swap3A_463] {strides = array<i32>} : memref<640xi32, #tpu.memory_space<vmem>>, vector<16xi32>,
    %swap3A_465 = vector.shape_cast %swap3A_464 : vector<16xi32> to vector<16xi32>
    %swap3A_466 = vector.shape_cast %select_n3A_462 : vector<16xi32> to vector<16xi32>
    tpu.vector_store %arg5[%swap3A_463], %swap3A_466 {strides = array<i32>} : memref<640xi32, #tpu.memory_space<vmem>>, vector<16xi32>,
    %get3A_467 = arith.constant 560 : index
    %get3A_468 = tpu.vector_load %arg5[%get3A_467] {strides = array<i32>} : memref<640xi32, #tpu.memory_space<vmem>>, vector<16xi32>,
    %get3A_469 = vector.shape_cast %get3A_468 : vector<16xi32> to vector<16xi32>
    %lt3A_470 = arith.constant 0 : i32
    %lt3A_471 = vector.broadcast %lt3A_470 : i32 to vector<16xi32>
    %lt3A_472 = arith.cmpi slt, %get3A_469, %lt3A_471 : vector<16xi32>
    %jit3A_473 = arith.constant 50000 : i32
    %broadcast_in_dim3A_474 = vector.broadcast %jit3A_473 : i32 to vector<16xi32>
    %select_n3A_475 = arith.select %lt3A_472, %broadcast_in_dim3A_474, %get3A_469 : vector<16xi1>, vector<16xi32>
    %swap3A_476 = arith.constant 560 : index
    %swap3A_477 = tpu.vector_load %arg5[%swap3A_476] {strides = array<i32>} : memref<640xi32, #tpu.memory_space<vmem>>, vector<16xi32>,
    %swap3A_478 = vector.shape_cast %swap3A_477 : vector<16xi32> to vector<16xi32>
    %swap3A_479 = vector.shape_cast %select_n3A_475 : vector<16xi32> to vector<16xi32>
    tpu.vector_store %arg5[%swap3A_476], %swap3A_479 {strides = array<i32>} : memref<640xi32, #tpu.memory_space<vmem>>, vector<16xi32>,
    %get3A_480 = arith.constant 576 : index
    %get3A_481 = tpu.vector_load %arg5[%get3A_480] {strides = array<i32>} : memref<640xi32, #tpu.memory_space<vmem>>, vector<16xi32>,
    %get3A_482 = vector.shape_cast %get3A_481 : vector<16xi32> to vector<16xi32>
    %lt3A_483 = arith.constant 0 : i32
    %lt3A_484 = vector.broadcast %lt3A_483 : i32 to vector<16xi32>
    %lt3A_485 = arith.cmpi slt, %get3A_482, %lt3A_484 : vector<16xi32>
    %jit3A_486 = arith.constant 50000 : i32
    %broadcast_in_dim3A_487 = vector.broadcast %jit3A_486 : i32 to vector<16xi32>
    %select_n3A_488 = arith.select %lt3A_485, %broadcast_in_dim3A_487, %get3A_482 : vector<16xi1>, vector<16xi32>
    %swap3A_489 = arith.constant 576 : index
    %swap3A_490 = tpu.vector_load %arg5[%swap3A_489] {strides = array<i32>} : memref<640xi32, #tpu.memory_space<vmem>>, vector<16xi32>,
    %swap3A_491 = vector.shape_cast %swap3A_490 : vector<16xi32> to vector<16xi32>
    %swap3A_492 = vector.shape_cast %select_n3A_488 : vector<16xi32> to vector<16xi32>
    tpu.vector_store %arg5[%swap3A_489], %swap3A_492 {strides = array<i32>} : memref<640xi32, #tpu.memory_space<vmem>>, vector<16xi32>,
    %get3A_493 = arith.constant 592 : index
    %get3A_494 = tpu.vector_load %arg5[%get3A_493] {strides = array<i32>} : memref<640xi32, #tpu.memory_space<vmem>>, vector<16xi32>,
    %get3A_495 = vector.shape_cast %get3A_494 : vector<16xi32> to vector<16xi32>
    %lt3A_496 = arith.constant 0 : i32
    %lt3A_497 = vector.broadcast %lt3A_496 : i32 to vector<16xi32>
    %lt3A_498 = arith.cmpi slt, %get3A_495, %lt3A_497 : vector<16xi32>
    %jit3A_499 = arith.constant 50000 : i32
    %broadcast_in_dim3A_500 = vector.broadcast %jit3A_499 : i32 to vector<16xi32>
    %select_n3A_501 = arith.select %lt3A_498, %broadcast_in_dim3A_500, %get3A_495 : vector<16xi1>, vector<16xi32>
    %swap3A_502 = arith.constant 592 : index
    %swap3A_503 = tpu.vector_load %arg5[%swap3A_502] {strides = array<i32>} : memref<640xi32, #tpu.memory_space<vmem>>, vector<16xi32>,
    %swap3A_504 = vector.shape_cast %swap3A_503 : vector<16xi32> to vector<16xi32>
    %swap3A_505 = vector.shape_cast %select_n3A_501 : vector<16xi32> to vector<16xi32>
    tpu.vector_store %arg5[%swap3A_502], %swap3A_505 {strides = array<i32>} : memref<640xi32, #tpu.memory_space<vmem>>, vector<16xi32>,
    %get3A_506 = arith.constant 608 : index
    %get3A_507 = tpu.vector_load %arg5[%get3A_506] {strides = array<i32>} : memref<640xi32, #tpu.memory_space<vmem>>, vector<16xi32>,
    %get3A_508 = vector.shape_cast %get3A_507 : vector<16xi32> to vector<16xi32>
    %lt3A_509 = arith.constant 0 : i32
    %lt3A_510 = vector.broadcast %lt3A_509 : i32 to vector<16xi32>
    %lt3A_511 = arith.cmpi slt, %get3A_508, %lt3A_510 : vector<16xi32>
    %jit3A_512 = arith.constant 50000 : i32
    %broadcast_in_dim3A_513 = vector.broadcast %jit3A_512 : i32 to vector<16xi32>
    %select_n3A_514 = arith.select %lt3A_511, %broadcast_in_dim3A_513, %get3A_508 : vector<16xi1>, vector<16xi32>
    %swap3A_515 = arith.constant 608 : index
    %swap3A_516 = tpu.vector_load %arg5[%swap3A_515] {strides = array<i32>} : memref<640xi32, #tpu.memory_space<vmem>>, vector<16xi32>,
    %swap3A_517 = vector.shape_cast %swap3A_516 : vector<16xi32> to vector<16xi32>
    %swap3A_518 = vector.shape_cast %select_n3A_514 : vector<16xi32> to vector<16xi32>
    tpu.vector_store %arg5[%swap3A_515], %swap3A_518 {strides = array<i32>} : memref<640xi32, #tpu.memory_space<vmem>>, vector<16xi32>,
    %get3A_519 = arith.constant 624 : index
    %get3A_520 = tpu.vector_load %arg5[%get3A_519] {strides = array<i32>} : memref<640xi32, #tpu.memory_space<vmem>>, vector<16xi32>,
    %get3A_521 = vector.shape_cast %get3A_520 : vector<16xi32> to vector<16xi32>
    %lt3A_522 = arith.constant 0 : i32
    %lt3A_523 = vector.broadcast %lt3A_522 : i32 to vector<16xi32>
    %lt3A_524 = arith.cmpi slt, %get3A_521, %lt3A_523 : vector<16xi32>
    %jit3A_525 = arith.constant 50000 : i32
    %broadcast_in_dim3A_526 = vector.broadcast %jit3A_525 : i32 to vector<16xi32>
    %select_n3A_527 = arith.select %lt3A_524, %broadcast_in_dim3A_526, %get3A_521 : vector<16xi1>, vector<16xi32>
    %swap3A_528 = arith.constant 624 : index
    %swap3A_529 = tpu.vector_load %arg5[%swap3A_528] {strides = array<i32>} : memref<640xi32, #tpu.memory_space<vmem>>, vector<16xi32>,
    %swap3A_530 = vector.shape_cast %swap3A_529 : vector<16xi32> to vector<16xi32>
    %swap3A_531 = vector.shape_cast %select_n3A_527 : vector<16xi32> to vector<16xi32>
    tpu.vector_store %arg5[%swap3A_528], %swap3A_531 {strides = array<i32>} : memref<640xi32, #tpu.memory_space<vmem>>, vector<16xi32>,
    %dma_start3A_532 = arith.constant 0 : i32
    %dma_start3A_533 = arith.constant 0 : i32
    %dma_start3A_534 = tpu.memref_slice %arg7[%dma_start3A_532, %dma_start3A_533] : memref<640x32xf32, #tpu.memory_space<vmem>> -> memref<80x32xf32, #tpu.memory_space<vmem>>
    %dma_start3A_535 = arith.constant 0 : i32
    %dma_start3A_536 = tpu.memref_slice %arg5[%dma_start3A_535] : memref<640xi32, #tpu.memory_space<vmem>> -> memref<80xi32, #tpu.memory_space<vmem>>
    %dma_start3A_537 = arith.constant 0 : i32
    %dma_start3A_538 = arith.constant 0 : i32
    %dma_start3A_539 = tpu.memref_slice %arg3[%dma_start3A_537, %dma_start3A_538] : memref<50001x32xf32, #tpu.memory_space<hbm>> -> memref<50001x32xf32, #tpu.memory_space<hbm>>
    tpu.enqueue_indirect_dma source(%dma_start3A_539 : memref<50001x32xf32, #tpu.memory_space<hbm>>) target(%dma_start3A_534 : memref<80x32xf32, #tpu.memory_space<vmem>>) offsets(%dma_start3A_536 : memref<80xi32, #tpu.memory_space<vmem>>) semaphore(%arg13 : memref<!tpu.dma_semaphore, #tpu.memory_space<semaphore_mem>>)
    %dma_start3A_540 = arith.constant 80 : i32
    %dma_start3A_541 = arith.constant 0 : i32
    %dma_start3A_542 = tpu.memref_slice %arg7[%dma_start3A_540, %dma_start3A_541] : memref<640x32xf32, #tpu.memory_space<vmem>> -> memref<80x32xf32, #tpu.memory_space<vmem>>
    %dma_start3A_543 = arith.constant 80 : i32
    %dma_start3A_544 = tpu.memref_slice %arg5[%dma_start3A_543] : memref<640xi32, #tpu.memory_space<vmem>> -> memref<80xi32, #tpu.memory_space<vmem>>
    %dma_start3A_545 = arith.constant 0 : i32
    %dma_start3A_546 = arith.constant 0 : i32
    %dma_start3A_547 = tpu.memref_slice %arg3[%dma_start3A_545, %dma_start3A_546] : memref<50001x32xf32, #tpu.memory_space<hbm>> -> memref<50001x32xf32, #tpu.memory_space<hbm>>
    tpu.enqueue_indirect_dma source(%dma_start3A_547 : memref<50001x32xf32, #tpu.memory_space<hbm>>) target(%dma_start3A_542 : memref<80x32xf32, #tpu.memory_space<vmem>>) offsets(%dma_start3A_544 : memref<80xi32, #tpu.memory_space<vmem>>) semaphore(%arg13 : memref<!tpu.dma_semaphore, #tpu.memory_space<semaphore_mem>>)
    %dma_start3A_548 = arith.constant 160 : i32
    %dma_start3A_549 = arith.constant 0 : i32
    %dma_start3A_550 = tpu.memref_slice %arg7[%dma_start3A_548, %dma_start3A_549] : memref<640x32xf32, #tpu.memory_space<vmem>> -> memref<80x32xf32, #tpu.memory_space<vmem>>
    %dma_start3A_551 = arith.constant 160 : i32
    %dma_start3A_552 = tpu.memref_slice %arg5[%dma_start3A_551] : memref<640xi32, #tpu.memory_space<vmem>> -> memref<80xi32, #tpu.memory_space<vmem>>
    %dma_start3A_553 = arith.constant 0 : i32
    %dma_start3A_554 = arith.constant 0 : i32
    %dma_start3A_555 = tpu.memref_slice %arg3[%dma_start3A_553, %dma_start3A_554] : memref<50001x32xf32, #tpu.memory_space<hbm>> -> memref<50001x32xf32, #tpu.memory_space<hbm>>
    tpu.enqueue_indirect_dma source(%dma_start3A_555 : memref<50001x32xf32, #tpu.memory_space<hbm>>) target(%dma_start3A_550 : memref<80x32xf32, #tpu.memory_space<vmem>>) offsets(%dma_start3A_552 : memref<80xi32, #tpu.memory_space<vmem>>) semaphore(%arg13 : memref<!tpu.dma_semaphore, #tpu.memory_space<semaphore_mem>>)
    %dma_start3A_556 = arith.constant 240 : i32
    %dma_start3A_557 = arith.constant 0 : i32
    %dma_start3A_558 = tpu.memref_slice %arg7[%dma_start3A_556, %dma_start3A_557] : memref<640x32xf32, #tpu.memory_space<vmem>> -> memref<80x32xf32, #tpu.memory_space<vmem>>
    %dma_start3A_559 = arith.constant 240 : i32
    %dma_start3A_560 = tpu.memref_slice %arg5[%dma_start3A_559] : memref<640xi32, #tpu.memory_space<vmem>> -> memref<80xi32, #tpu.memory_space<vmem>>
    %dma_start3A_561 = arith.constant 0 : i32
    %dma_start3A_562 = arith.constant 0 : i32
    %dma_start3A_563 = tpu.memref_slice %arg3[%dma_start3A_561, %dma_start3A_562] : memref<50001x32xf32, #tpu.memory_space<hbm>> -> memref<50001x32xf32, #tpu.memory_space<hbm>>
    tpu.enqueue_indirect_dma source(%dma_start3A_563 : memref<50001x32xf32, #tpu.memory_space<hbm>>) target(%dma_start3A_558 : memref<80x32xf32, #tpu.memory_space<vmem>>) offsets(%dma_start3A_560 : memref<80xi32, #tpu.memory_space<vmem>>) semaphore(%arg13 : memref<!tpu.dma_semaphore, #tpu.memory_space<semaphore_mem>>)
    %dma_start3A_564 = arith.constant 320 : i32
    %dma_start3A_565 = arith.constant 0 : i32
    %dma_start3A_566 = tpu.memref_slice %arg7[%dma_start3A_564, %dma_start3A_565] : memref<640x32xf32, #tpu.memory_space<vmem>> -> memref<80x32xf32, #tpu.memory_space<vmem>>
    %dma_start3A_567 = arith.constant 320 : i32
    %dma_start3A_568 = tpu.memref_slice %arg5[%dma_start3A_567] : memref<640xi32, #tpu.memory_space<vmem>> -> memref<80xi32, #tpu.memory_space<vmem>>
    %dma_start3A_569 = arith.constant 0 : i32
    %dma_start3A_570 = arith.constant 0 : i32
    %dma_start3A_571 = tpu.memref_slice %arg3[%dma_start3A_569, %dma_start3A_570] : memref<50001x32xf32, #tpu.memory_space<hbm>> -> memref<50001x32xf32, #tpu.memory_space<hbm>>
    tpu.enqueue_indirect_dma source(%dma_start3A_571 : memref<50001x32xf32, #tpu.memory_space<hbm>>) target(%dma_start3A_566 : memref<80x32xf32, #tpu.memory_space<vmem>>) offsets(%dma_start3A_568 : memref<80xi32, #tpu.memory_space<vmem>>) semaphore(%arg13 : memref<!tpu.dma_semaphore, #tpu.memory_space<semaphore_mem>>)
    %dma_start3A_572 = arith.constant 400 : i32
    %dma_start3A_573 = arith.constant 0 : i32
    %dma_start3A_574 = tpu.memref_slice %arg7[%dma_start3A_572, %dma_start3A_573] : memref<640x32xf32, #tpu.memory_space<vmem>> -> memref<80x32xf32, #tpu.memory_space<vmem>>
    %dma_start3A_575 = arith.constant 400 : i32
    %dma_start3A_576 = tpu.memref_slice %arg5[%dma_start3A_575] : memref<640xi32, #tpu.memory_space<vmem>> -> memref<80xi32, #tpu.memory_space<vmem>>
    %dma_start3A_577 = arith.constant 0 : i32
    %dma_start3A_578 = arith.constant 0 : i32
    %dma_start3A_579 = tpu.memref_slice %arg3[%dma_start3A_577, %dma_start3A_578] : memref<50001x32xf32, #tpu.memory_space<hbm>> -> memref<50001x32xf32, #tpu.memory_space<hbm>>
    tpu.enqueue_indirect_dma source(%dma_start3A_579 : memref<50001x32xf32, #tpu.memory_space<hbm>>) target(%dma_start3A_574 : memref<80x32xf32, #tpu.memory_space<vmem>>) offsets(%dma_start3A_576 : memref<80xi32, #tpu.memory_space<vmem>>) semaphore(%arg13 : memref<!tpu.dma_semaphore, #tpu.memory_space<semaphore_mem>>)
    %dma_start3A_580 = arith.constant 480 : i32
    %dma_start3A_581 = arith.constant 0 : i32
    %dma_start3A_582 = tpu.memref_slice %arg7[%dma_start3A_580, %dma_start3A_581] : memref<640x32xf32, #tpu.memory_space<vmem>> -> memref<80x32xf32, #tpu.memory_space<vmem>>
    %dma_start3A_583 = arith.constant 480 : i32
    %dma_start3A_584 = tpu.memref_slice %arg5[%dma_start3A_583] : memref<640xi32, #tpu.memory_space<vmem>> -> memref<80xi32, #tpu.memory_space<vmem>>
    %dma_start3A_585 = arith.constant 0 : i32
    %dma_start3A_586 = arith.constant 0 : i32
    %dma_start3A_587 = tpu.memref_slice %arg3[%dma_start3A_585, %dma_start3A_586] : memref<50001x32xf32, #tpu.memory_space<hbm>> -> memref<50001x32xf32, #tpu.memory_space<hbm>>
    tpu.enqueue_indirect_dma source(%dma_start3A_587 : memref<50001x32xf32, #tpu.memory_space<hbm>>) target(%dma_start3A_582 : memref<80x32xf32, #tpu.memory_space<vmem>>) offsets(%dma_start3A_584 : memref<80xi32, #tpu.memory_space<vmem>>) semaphore(%arg13 : memref<!tpu.dma_semaphore, #tpu.memory_space<semaphore_mem>>)
    %dma_start3A_588 = arith.constant 560 : i32
    %dma_start3A_589 = arith.constant 0 : i32
    %dma_start3A_590 = tpu.memref_slice %arg7[%dma_start3A_588, %dma_start3A_589] : memref<640x32xf32, #tpu.memory_space<vmem>> -> memref<80x32xf32, #tpu.memory_space<vmem>>
    %dma_start3A_591 = arith.constant 560 : i32
    %dma_start3A_592 = tpu.memref_slice %arg5[%dma_start3A_591] : memref<640xi32, #tpu.memory_space<vmem>> -> memref<80xi32, #tpu.memory_space<vmem>>
    %dma_start3A_593 = arith.constant 0 : i32
    %dma_start3A_594 = arith.constant 0 : i32
    %dma_start3A_595 = tpu.memref_slice %arg3[%dma_start3A_593, %dma_start3A_594] : memref<50001x32xf32, #tpu.memory_space<hbm>> -> memref<50001x32xf32, #tpu.memory_space<hbm>>
    tpu.enqueue_indirect_dma source(%dma_start3A_595 : memref<50001x32xf32, #tpu.memory_space<hbm>>) target(%dma_start3A_590 : memref<80x32xf32, #tpu.memory_space<vmem>>) offsets(%dma_start3A_592 : memref<80xi32, #tpu.memory_space<vmem>>) semaphore(%arg13 : memref<!tpu.dma_semaphore, #tpu.memory_space<semaphore_mem>>)
    %dma_wait3A_596 = arith.constant 0 : i32
    %dma_wait3A_597 = arith.constant 0 : i32
    %dma_wait3A_598 = tpu.memref_slice %arg7[%dma_wait3A_596, %dma_wait3A_597] : memref<640x32xf32, #tpu.memory_space<vmem>> -> memref<80x32xf32, #tpu.memory_space<vmem>>
    %dma_wait3A_599 = arith.constant 0 : i32
    %dma_wait3A_600 = tpu.memref_slice %arg5[%dma_wait3A_599] : memref<640xi32, #tpu.memory_space<vmem>> -> memref<80xi32, #tpu.memory_space<vmem>>
    %dma_wait3A_601 = arith.constant 0 : i32
    %dma_wait3A_602 = arith.constant 0 : i32
    %dma_wait3A_603 = tpu.memref_slice %arg3[%dma_wait3A_601, %dma_wait3A_602] : memref<50001x32xf32, #tpu.memory_space<hbm>> -> memref<50001x32xf32, #tpu.memory_space<hbm>>
    tpu.wait_indirect_dma semaphore(%arg13 : memref<!tpu.dma_semaphore, #tpu.memory_space<semaphore_mem>>) src(%dma_wait3A_603 : memref<50001x32xf32, #tpu.memory_space<hbm>>) dst(%dma_wait3A_598 : memref<80x32xf32, #tpu.memory_space<vmem>>)
    %dma_wait3A_604 = arith.constant 80 : i32
    %dma_wait3A_605 = arith.constant 0 : i32
    %dma_wait3A_606 = tpu.memref_slice %arg7[%dma_wait3A_604, %dma_wait3A_605] : memref<640x32xf32, #tpu.memory_space<vmem>> -> memref<80x32xf32, #tpu.memory_space<vmem>>
    %dma_wait3A_607 = arith.constant 80 : i32
    %dma_wait3A_608 = tpu.memref_slice %arg5[%dma_wait3A_607] : memref<640xi32, #tpu.memory_space<vmem>> -> memref<80xi32, #tpu.memory_space<vmem>>
    %dma_wait3A_609 = arith.constant 0 : i32
    %dma_wait3A_610 = arith.constant 0 : i32
    %dma_wait3A_611 = tpu.memref_slice %arg3[%dma_wait3A_609, %dma_wait3A_610] : memref<50001x32xf32, #tpu.memory_space<hbm>> -> memref<50001x32xf32, #tpu.memory_space<hbm>>
    tpu.wait_indirect_dma semaphore(%arg13 : memref<!tpu.dma_semaphore, #tpu.memory_space<semaphore_mem>>) src(%dma_wait3A_611 : memref<50001x32xf32, #tpu.memory_space<hbm>>) dst(%dma_wait3A_606 : memref<80x32xf32, #tpu.memory_space<vmem>>)
    %dma_wait3A_612 = arith.constant 160 : i32
    %dma_wait3A_613 = arith.constant 0 : i32
    %dma_wait3A_614 = tpu.memref_slice %arg7[%dma_wait3A_612, %dma_wait3A_613] : memref<640x32xf32, #tpu.memory_space<vmem>> -> memref<80x32xf32, #tpu.memory_space<vmem>>
    %dma_wait3A_615 = arith.constant 160 : i32
    %dma_wait3A_616 = tpu.memref_slice %arg5[%dma_wait3A_615] : memref<640xi32, #tpu.memory_space<vmem>> -> memref<80xi32, #tpu.memory_space<vmem>>
    %dma_wait3A_617 = arith.constant 0 : i32
    %dma_wait3A_618 = arith.constant 0 : i32
    %dma_wait3A_619 = tpu.memref_slice %arg3[%dma_wait3A_617, %dma_wait3A_618] : memref<50001x32xf32, #tpu.memory_space<hbm>> -> memref<50001x32xf32, #tpu.memory_space<hbm>>
    tpu.wait_indirect_dma semaphore(%arg13 : memref<!tpu.dma_semaphore, #tpu.memory_space<semaphore_mem>>) src(%dma_wait3A_619 : memref<50001x32xf32, #tpu.memory_space<hbm>>) dst(%dma_wait3A_614 : memref<80x32xf32, #tpu.memory_space<vmem>>)
    %dma_wait3A_620 = arith.constant 240 : i32
    %dma_wait3A_621 = arith.constant 0 : i32
    %dma_wait3A_622 = tpu.memref_slice %arg7[%dma_wait3A_620, %dma_wait3A_621] : memref<640x32xf32, #tpu.memory_space<vmem>> -> memref<80x32xf32, #tpu.memory_space<vmem>>
    %dma_wait3A_623 = arith.constant 240 : i32
    %dma_wait3A_624 = tpu.memref_slice %arg5[%dma_wait3A_623] : memref<640xi32, #tpu.memory_space<vmem>> -> memref<80xi32, #tpu.memory_space<vmem>>
    %dma_wait3A_625 = arith.constant 0 : i32
    %dma_wait3A_626 = arith.constant 0 : i32
    %dma_wait3A_627 = tpu.memref_slice %arg3[%dma_wait3A_625, %dma_wait3A_626] : memref<50001x32xf32, #tpu.memory_space<hbm>> -> memref<50001x32xf32, #tpu.memory_space<hbm>>
    tpu.wait_indirect_dma semaphore(%arg13 : memref<!tpu.dma_semaphore, #tpu.memory_space<semaphore_mem>>) src(%dma_wait3A_627 : memref<50001x32xf32, #tpu.memory_space<hbm>>) dst(%dma_wait3A_622 : memref<80x32xf32, #tpu.memory_space<vmem>>)
    %dma_wait3A_628 = arith.constant 320 : i32
    %dma_wait3A_629 = arith.constant 0 : i32
    %dma_wait3A_630 = tpu.memref_slice %arg7[%dma_wait3A_628, %dma_wait3A_629] : memref<640x32xf32, #tpu.memory_space<vmem>> -> memref<80x32xf32, #tpu.memory_space<vmem>>
    %dma_wait3A_631 = arith.constant 320 : i32
    %dma_wait3A_632 = tpu.memref_slice %arg5[%dma_wait3A_631] : memref<640xi32, #tpu.memory_space<vmem>> -> memref<80xi32, #tpu.memory_space<vmem>>
    %dma_wait3A_633 = arith.constant 0 : i32
    %dma_wait3A_634 = arith.constant 0 : i32
    %dma_wait3A_635 = tpu.memref_slice %arg3[%dma_wait3A_633, %dma_wait3A_634] : memref<50001x32xf32, #tpu.memory_space<hbm>> -> memref<50001x32xf32, #tpu.memory_space<hbm>>
    tpu.wait_indirect_dma semaphore(%arg13 : memref<!tpu.dma_semaphore, #tpu.memory_space<semaphore_mem>>) src(%dma_wait3A_635 : memref<50001x32xf32, #tpu.memory_space<hbm>>) dst(%dma_wait3A_630 : memref<80x32xf32, #tpu.memory_space<vmem>>)
    %dma_wait3A_636 = arith.constant 400 : i32
    %dma_wait3A_637 = arith.constant 0 : i32
    %dma_wait3A_638 = tpu.memref_slice %arg7[%dma_wait3A_636, %dma_wait3A_637] : memref<640x32xf32, #tpu.memory_space<vmem>> -> memref<80x32xf32, #tpu.memory_space<vmem>>
    %dma_wait3A_639 = arith.constant 400 : i32
    %dma_wait3A_640 = tpu.memref_slice %arg5[%dma_wait3A_639] : memref<640xi32, #tpu.memory_space<vmem>> -> memref<80xi32, #tpu.memory_space<vmem>>
    %dma_wait3A_641 = arith.constant 0 : i32
    %dma_wait3A_642 = arith.constant 0 : i32
    %dma_wait3A_643 = tpu.memref_slice %arg3[%dma_wait3A_641, %dma_wait3A_642] : memref<50001x32xf32, #tpu.memory_space<hbm>> -> memref<50001x32xf32, #tpu.memory_space<hbm>>
    tpu.wait_indirect_dma semaphore(%arg13 : memref<!tpu.dma_semaphore, #tpu.memory_space<semaphore_mem>>) src(%dma_wait3A_643 : memref<50001x32xf32, #tpu.memory_space<hbm>>) dst(%dma_wait3A_638 : memref<80x32xf32, #tpu.memory_space<vmem>>)
    %dma_wait3A_644 = arith.constant 480 : i32
    %dma_wait3A_645 = arith.constant 0 : i32
    %dma_wait3A_646 = tpu.memref_slice %arg7[%dma_wait3A_644, %dma_wait3A_645] : memref<640x32xf32, #tpu.memory_space<vmem>> -> memref<80x32xf32, #tpu.memory_space<vmem>>
    %dma_wait3A_647 = arith.constant 480 : i32
    %dma_wait3A_648 = tpu.memref_slice %arg5[%dma_wait3A_647] : memref<640xi32, #tpu.memory_space<vmem>> -> memref<80xi32, #tpu.memory_space<vmem>>
    %dma_wait3A_649 = arith.constant 0 : i32
    %dma_wait3A_650 = arith.constant 0 : i32
    %dma_wait3A_651 = tpu.memref_slice %arg3[%dma_wait3A_649, %dma_wait3A_650] : memref<50001x32xf32, #tpu.memory_space<hbm>> -> memref<50001x32xf32, #tpu.memory_space<hbm>>
    tpu.wait_indirect_dma semaphore(%arg13 : memref<!tpu.dma_semaphore, #tpu.memory_space<semaphore_mem>>) src(%dma_wait3A_651 : memref<50001x32xf32, #tpu.memory_space<hbm>>) dst(%dma_wait3A_646 : memref<80x32xf32, #tpu.memory_space<vmem>>)
    %dma_wait3A_652 = arith.constant 560 : i32
    %dma_wait3A_653 = arith.constant 0 : i32
    %dma_wait3A_654 = tpu.memref_slice %arg7[%dma_wait3A_652, %dma_wait3A_653] : memref<640x32xf32, #tpu.memory_space<vmem>> -> memref<80x32xf32, #tpu.memory_space<vmem>>
    %dma_wait3A_655 = arith.constant 560 : i32
    %dma_wait3A_656 = tpu.memref_slice %arg5[%dma_wait3A_655] : memref<640xi32, #tpu.memory_space<vmem>> -> memref<80xi32, #tpu.memory_space<vmem>>
    %dma_wait3A_657 = arith.constant 0 : i32
    %dma_wait3A_658 = arith.constant 0 : i32
    %dma_wait3A_659 = tpu.memref_slice %arg3[%dma_wait3A_657, %dma_wait3A_658] : memref<50001x32xf32, #tpu.memory_space<hbm>> -> memref<50001x32xf32, #tpu.memory_space<hbm>>
    tpu.wait_indirect_dma semaphore(%arg13 : memref<!tpu.dma_semaphore, #tpu.memory_space<semaphore_mem>>) src(%dma_wait3A_659 : memref<50001x32xf32, #tpu.memory_space<hbm>>) dst(%dma_wait3A_654 : memref<80x32xf32, #tpu.memory_space<vmem>>)
    %mul3A_660 = arith.constant 640 : i32
    %mul3A_661 = arith.muli %mul3A_2, %mul3A_660 : i32
    %dma_start3A_662 = arith.constant 0 : i32
    %dma_start3A_663 = tpu.memref_slice %arg4[%mul3A_661, %dma_start3A_662] : memref<1351680x32xf32, #tpu.memory_space<hbm>> -> memref<640x32xf32, #tpu.memory_space<hbm>>
    %dma_start3A_664 = arith.constant 0 : i32
    %dma_start3A_665 = tpu.memref_slice %arg4[%mul3A_661, %dma_start3A_664] : memref<1351680x32xf32, #tpu.memory_space<hbm>> -> memref<640x32xf32, #tpu.memory_space<hbm>>
    tpu.enqueue_dma source(%arg7 : memref<640x32xf32, #tpu.memory_space<vmem>>) target(%dma_start3A_665 : memref<640x32xf32, #tpu.memory_space<hbm>>) target_semaphore(%arg11 : memref<!tpu.dma_semaphore, #tpu.memory_space<semaphore_mem>>)
    %add3A_666 = arith.constant 2 : i32
    %add3A_667 = arith.addi %mul3A_2, %add3A_666 : i32
    %min3A = arith.minsi %add3A_667, %sub3A_5 : i32
    %mul3A_668 = arith.constant 640 : i32
    %mul3A_669 = arith.muli %min3A, %mul3A_668 : i32
    %dma_start3A_670 = tpu.memref_slice %arg2[%mul3A_669] : memref<1351680xi32, #tpu.memory_space<hbm>> -> memref<640xi32, #tpu.memory_space<hbm>>
    %dma_start3A_671 = tpu.memref_slice %arg2[%mul3A_669] : memref<1351680xi32, #tpu.memory_space<hbm>> -> memref<640xi32, #tpu.memory_space<hbm>>
    tpu.enqueue_dma source(%dma_start3A_671 : memref<640xi32, #tpu.memory_space<hbm>>) target(%arg5 : memref<640xi32, #tpu.memory_space<vmem>>) target_semaphore(%arg9 : memref<!tpu.dma_semaphore, #tpu.memory_space<semaphore_mem>>)
    %add3A_672 = arith.constant 1 : i32
    %add3A_673 = arith.addi %mul3A_2, %add3A_672 : i32
    %dma_wait3A_674 = arith.constant 0 : i32
    %dma_wait3A_675 = tpu.memref_slice %arg2[%dma_wait3A_674] : memref<1351680xi32, #tpu.memory_space<hbm>> -> memref<640xi32, #tpu.memory_space<hbm>>
    %dma_wait3A_676 = arith.constant 0 : i32
    %dma_wait3A_677 = tpu.memref_slice %arg2[%dma_wait3A_676] : memref<1351680xi32, #tpu.memory_space<hbm>> -> memref<640xi32, #tpu.memory_space<hbm>>
    tpu.wait_dma2 semaphore(%arg10 : memref<!tpu.dma_semaphore, #tpu.memory_space<semaphore_mem>>) src(%dma_wait3A_677 : memref<640xi32, #tpu.memory_space<hbm>>) dst(%arg6 : memref<640xi32, #tpu.memory_space<vmem>>)
    %get3A_678 = arith.constant 0 : index
    %get3A_679 = tpu.vector_load %arg6[%get3A_678] {strides = array<i32>} : memref<640xi32, #tpu.memory_space<vmem>>, vector<16xi32>,
    %get3A_680 = vector.shape_cast %get3A_679 : vector<16xi32> to vector<16xi32>
    %lt3A_681 = arith.constant 0 : i32
    %lt3A_682 = vector.broadcast %lt3A_681 : i32 to vector<16xi32>
    %lt3A_683 = arith.cmpi slt, %get3A_680, %lt3A_682 : vector<16xi32>
    %jit3A_684 = arith.constant 50000 : i32
    %broadcast_in_dim3A_685 = vector.broadcast %jit3A_684 : i32 to vector<16xi32>
    %select_n3A_686 = arith.select %lt3A_683, %broadcast_in_dim3A_685, %get3A_680 : vector<16xi1>, vector<16xi32>
    %swap3A_687 = arith.constant 0 : index
    %swap3A_688 = tpu.vector_load %arg6[%swap3A_687] {strides = array<i32>} : memref<640xi32, #tpu.memory_space<vmem>>, vector<16xi32>,
    %swap3A_689 = vector.shape_cast %swap3A_688 : vector<16xi32> to vector<16xi32>
    %swap3A_690 = vector.shape_cast %select_n3A_686 : vector<16xi32> to vector<16xi32>
    tpu.vector_store %arg6[%swap3A_687], %swap3A_690 {strides = array<i32>} : memref<640xi32, #tpu.memory_space<vmem>>, vector<16xi32>,
    %get3A_691 = arith.constant 16 : index
    %get3A_692 = tpu.vector_load %arg6[%get3A_691] {strides = array<i32>} : memref<640xi32, #tpu.memory_space<vmem>>, vector<16xi32>,
    %get3A_693 = vector.shape_cast %get3A_692 : vector<16xi32> to vector<16xi32>
    %lt3A_694 = arith.constant 0 : i32
    %lt3A_695 = vector.broadcast %lt3A_694 : i32 to vector<16xi32>
    %lt3A_696 = arith.cmpi slt, %get3A_693, %lt3A_695 : vector<16xi32>
    %jit3A_697 = arith.constant 50000 : i32
    %broadcast_in_dim3A_698 = vector.broadcast %jit3A_697 : i32 to vector<16xi32>
    %select_n3A_699 = arith.select %lt3A_696, %broadcast_in_dim3A_698, %get3A_693 : vector<16xi1>, vector<16xi32>
    %swap3A_700 = arith.constant 16 : index
    %swap3A_701 = tpu.vector_load %arg6[%swap3A_700] {strides = array<i32>} : memref<640xi32, #tpu.memory_space<vmem>>, vector<16xi32>,
    %swap3A_702 = vector.shape_cast %swap3A_701 : vector<16xi32> to vector<16xi32>
    %swap3A_703 = vector.shape_cast %select_n3A_699 : vector<16xi32> to vector<16xi32>
    tpu.vector_store %arg6[%swap3A_700], %swap3A_703 {strides = array<i32>} : memref<640xi32, #tpu.memory_space<vmem>>, vector<16xi32>,
    %get3A_704 = arith.constant 32 : index
    %get3A_705 = tpu.vector_load %arg6[%get3A_704] {strides = array<i32>} : memref<640xi32, #tpu.memory_space<vmem>>, vector<16xi32>,
    %get3A_706 = vector.shape_cast %get3A_705 : vector<16xi32> to vector<16xi32>
    %lt3A_707 = arith.constant 0 : i32
    %lt3A_708 = vector.broadcast %lt3A_707 : i32 to vector<16xi32>
    %lt3A_709 = arith.cmpi slt, %get3A_706, %lt3A_708 : vector<16xi32>
    %jit3A_710 = arith.constant 50000 : i32
    %broadcast_in_dim3A_711 = vector.broadcast %jit3A_710 : i32 to vector<16xi32>
    %select_n3A_712 = arith.select %lt3A_709, %broadcast_in_dim3A_711, %get3A_706 : vector<16xi1>, vector<16xi32>
    %swap3A_713 = arith.constant 32 : index
    %swap3A_714 = tpu.vector_load %arg6[%swap3A_713] {strides = array<i32>} : memref<640xi32, #tpu.memory_space<vmem>>, vector<16xi32>,
    %swap3A_715 = vector.shape_cast %swap3A_714 : vector<16xi32> to vector<16xi32>
    %swap3A_716 = vector.shape_cast %select_n3A_712 : vector<16xi32> to vector<16xi32>
    tpu.vector_store %arg6[%swap3A_713], %swap3A_716 {strides = array<i32>} : memref<640xi32, #tpu.memory_space<vmem>>, vector<16xi32>,
    %get3A_717 = arith.constant 48 : index
    %get3A_718 = tpu.vector_load %arg6[%get3A_717] {strides = array<i32>} : memref<640xi32, #tpu.memory_space<vmem>>, vector<16xi32>,
    %get3A_719 = vector.shape_cast %get3A_718 : vector<16xi32> to vector<16xi32>
    %lt3A_720 = arith.constant 0 : i32
    %lt3A_721 = vector.broadcast %lt3A_720 : i32 to vector<16xi32>
    %lt3A_722 = arith.cmpi slt, %get3A_719, %lt3A_721 : vector<16xi32>
    %jit3A_723 = arith.constant 50000 : i32
    %broadcast_in_dim3A_724 = vector.broadcast %jit3A_723 : i32 to vector<16xi32>
    %select_n3A_725 = arith.select %lt3A_722, %broadcast_in_dim3A_724, %get3A_719 : vector<16xi1>, vector<16xi32>
    %swap3A_726 = arith.constant 48 : index
    %swap3A_727 = tpu.vector_load %arg6[%swap3A_726] {strides = array<i32>} : memref<640xi32, #tpu.memory_space<vmem>>, vector<16xi32>,
    %swap3A_728 = vector.shape_cast %swap3A_727 : vector<16xi32> to vector<16xi32>
    %swap3A_729 = vector.shape_cast %select_n3A_725 : vector<16xi32> to vector<16xi32>
    tpu.vector_store %arg6[%swap3A_726], %swap3A_729 {strides = array<i32>} : memref<640xi32, #tpu.memory_space<vmem>>, vector<16xi32>,
    %get3A_730 = arith.constant 64 : index
    %get3A_731 = tpu.vector_load %arg6[%get3A_730] {strides = array<i32>} : memref<640xi32, #tpu.memory_space<vmem>>, vector<16xi32>,
    %get3A_732 = vector.shape_cast %get3A_731 : vector<16xi32> to vector<16xi32>
    %lt3A_733 = arith.constant 0 : i32
    %lt3A_734 = vector.broadcast %lt3A_733 : i32 to vector<16xi32>
    %lt3A_735 = arith.cmpi slt, %get3A_732, %lt3A_734 : vector<16xi32>
    %jit3A_736 = arith.constant 50000 : i32
    %broadcast_in_dim3A_737 = vector.broadcast %jit3A_736 : i32 to vector<16xi32>
    %select_n3A_738 = arith.select %lt3A_735, %broadcast_in_dim3A_737, %get3A_732 : vector<16xi1>, vector<16xi32>
    %swap3A_739 = arith.constant 64 : index
    %swap3A_740 = tpu.vector_load %arg6[%swap3A_739] {strides = array<i32>} : memref<640xi32, #tpu.memory_space<vmem>>, vector<16xi32>,
    %swap3A_741 = vector.shape_cast %swap3A_740 : vector<16xi32> to vector<16xi32>
    %swap3A_742 = vector.shape_cast %select_n3A_738 : vector<16xi32> to vector<16xi32>
    tpu.vector_store %arg6[%swap3A_739], %swap3A_742 {strides = array<i32>} : memref<640xi32, #tpu.memory_space<vmem>>, vector<16xi32>,
    %get3A_743 = arith.constant 80 : index
    %get3A_744 = tpu.vector_load %arg6[%get3A_743] {strides = array<i32>} : memref<640xi32, #tpu.memory_space<vmem>>, vector<16xi32>,
    %get3A_745 = vector.shape_cast %get3A_744 : vector<16xi32> to vector<16xi32>
    %lt3A_746 = arith.constant 0 : i32
    %lt3A_747 = vector.broadcast %lt3A_746 : i32 to vector<16xi32>
    %lt3A_748 = arith.cmpi slt, %get3A_745, %lt3A_747 : vector<16xi32>
    %jit3A_749 = arith.constant 50000 : i32
    %broadcast_in_dim3A_750 = vector.broadcast %jit3A_749 : i32 to vector<16xi32>
    %select_n3A_751 = arith.select %lt3A_748, %broadcast_in_dim3A_750, %get3A_745 : vector<16xi1>, vector<16xi32>
    %swap3A_752 = arith.constant 80 : index
    %swap3A_753 = tpu.vector_load %arg6[%swap3A_752] {strides = array<i32>} : memref<640xi32, #tpu.memory_space<vmem>>, vector<16xi32>,
    %swap3A_754 = vector.shape_cast %swap3A_753 : vector<16xi32> to vector<16xi32>
    %swap3A_755 = vector.shape_cast %select_n3A_751 : vector<16xi32> to vector<16xi32>
    tpu.vector_store %arg6[%swap3A_752], %swap3A_755 {strides = array<i32>} : memref<640xi32, #tpu.memory_space<vmem>>, vector<16xi32>,
    %get3A_756 = arith.constant 96 : index
    %get3A_757 = tpu.vector_load %arg6[%get3A_756] {strides = array<i32>} : memref<640xi32, #tpu.memory_space<vmem>>, vector<16xi32>,
    %get3A_758 = vector.shape_cast %get3A_757 : vector<16xi32> to vector<16xi32>
    %lt3A_759 = arith.constant 0 : i32
    %lt3A_760 = vector.broadcast %lt3A_759 : i32 to vector<16xi32>
    %lt3A_761 = arith.cmpi slt, %get3A_758, %lt3A_760 : vector<16xi32>
    %jit3A_762 = arith.constant 50000 : i32
    %broadcast_in_dim3A_763 = vector.broadcast %jit3A_762 : i32 to vector<16xi32>
    %select_n3A_764 = arith.select %lt3A_761, %broadcast_in_dim3A_763, %get3A_758 : vector<16xi1>, vector<16xi32>
    %swap3A_765 = arith.constant 96 : index
    %swap3A_766 = tpu.vector_load %arg6[%swap3A_765] {strides = array<i32>} : memref<640xi32, #tpu.memory_space<vmem>>, vector<16xi32>,
    %swap3A_767 = vector.shape_cast %swap3A_766 : vector<16xi32> to vector<16xi32>
    %swap3A_768 = vector.shape_cast %select_n3A_764 : vector<16xi32> to vector<16xi32>
    tpu.vector_store %arg6[%swap3A_765], %swap3A_768 {strides = array<i32>} : memref<640xi32, #tpu.memory_space<vmem>>, vector<16xi32>,
    %get3A_769 = arith.constant 112 : index
    %get3A_770 = tpu.vector_load %arg6[%get3A_769] {strides = array<i32>} : memref<640xi32, #tpu.memory_space<vmem>>, vector<16xi32>,
    %get3A_771 = vector.shape_cast %get3A_770 : vector<16xi32> to vector<16xi32>
    %lt3A_772 = arith.constant 0 : i32
    %lt3A_773 = vector.broadcast %lt3A_772 : i32 to vector<16xi32>
    %lt3A_774 = arith.cmpi slt, %get3A_771, %lt3A_773 : vector<16xi32>
    %jit3A_775 = arith.constant 50000 : i32
    %broadcast_in_dim3A_776 = vector.broadcast %jit3A_775 : i32 to vector<16xi32>
    %select_n3A_777 = arith.select %lt3A_774, %broadcast_in_dim3A_776, %get3A_771 : vector<16xi1>, vector<16xi32>
    %swap3A_778 = arith.constant 112 : index
    %swap3A_779 = tpu.vector_load %arg6[%swap3A_778] {strides = array<i32>} : memref<640xi32, #tpu.memory_space<vmem>>, vector<16xi32>,
    %swap3A_780 = vector.shape_cast %swap3A_779 : vector<16xi32> to vector<16xi32>
    %swap3A_781 = vector.shape_cast %select_n3A_777 : vector<16xi32> to vector<16xi32>
    tpu.vector_store %arg6[%swap3A_778], %swap3A_781 {strides = array<i32>} : memref<640xi32, #tpu.memory_space<vmem>>, vector<16xi32>,
    %get3A_782 = arith.constant 128 : index
    %get3A_783 = tpu.vector_load %arg6[%get3A_782] {strides = array<i32>} : memref<640xi32, #tpu.memory_space<vmem>>, vector<16xi32>,
    %get3A_784 = vector.shape_cast %get3A_783 : vector<16xi32> to vector<16xi32>
    %lt3A_785 = arith.constant 0 : i32
    %lt3A_786 = vector.broadcast %lt3A_785 : i32 to vector<16xi32>
    %lt3A_787 = arith.cmpi slt, %get3A_784, %lt3A_786 : vector<16xi32>
    %jit3A_788 = arith.constant 50000 : i32
    %broadcast_in_dim3A_789 = vector.broadcast %jit3A_788 : i32 to vector<16xi32>
    %select_n3A_790 = arith.select %lt3A_787, %broadcast_in_dim3A_789, %get3A_784 : vector<16xi1>, vector<16xi32>
    %swap3A_791 = arith.constant 128 : index
    %swap3A_792 = tpu.vector_load %arg6[%swap3A_791] {strides = array<i32>} : memref<640xi32, #tpu.memory_space<vmem>>, vector<16xi32>,
    %swap3A_793 = vector.shape_cast %swap3A_792 : vector<16xi32> to vector<16xi32>
    %swap3A_794 = vector.shape_cast %select_n3A_790 : vector<16xi32> to vector<16xi32>
    tpu.vector_store %arg6[%swap3A_791], %swap3A_794 {strides = array<i32>} : memref<640xi32, #tpu.memory_space<vmem>>, vector<16xi32>,
    %get3A_795 = arith.constant 144 : index
    %get3A_796 = tpu.vector_load %arg6[%get3A_795] {strides = array<i32>} : memref<640xi32, #tpu.memory_space<vmem>>, vector<16xi32>,
    %get3A_797 = vector.shape_cast %get3A_796 : vector<16xi32> to vector<16xi32>
    %lt3A_798 = arith.constant 0 : i32
    %lt3A_799 = vector.broadcast %lt3A_798 : i32 to vector<16xi32>
    %lt3A_800 = arith.cmpi slt, %get3A_797, %lt3A_799 : vector<16xi32>
    %jit3A_801 = arith.constant 50000 : i32
    %broadcast_in_dim3A_802 = vector.broadcast %jit3A_801 : i32 to vector<16xi32>
    %select_n3A_803 = arith.select %lt3A_800, %broadcast_in_dim3A_802, %get3A_797 : vector<16xi1>, vector<16xi32>
    %swap3A_804 = arith.constant 144 : index
    %swap3A_805 = tpu.vector_load %arg6[%swap3A_804] {strides = array<i32>} : memref<640xi32, #tpu.memory_space<vmem>>, vector<16xi32>,
    %swap3A_806 = vector.shape_cast %swap3A_805 : vector<16xi32> to vector<16xi32>
    %swap3A_807 = vector.shape_cast %select_n3A_803 : vector<16xi32> to vector<16xi32>
    tpu.vector_store %arg6[%swap3A_804], %swap3A_807 {strides = array<i32>} : memref<640xi32, #tpu.memory_space<vmem>>, vector<16xi32>,
    %get3A_808 = arith.constant 160 : index
    %get3A_809 = tpu.vector_load %arg6[%get3A_808] {strides = array<i32>} : memref<640xi32, #tpu.memory_space<vmem>>, vector<16xi32>,
    %get3A_810 = vector.shape_cast %get3A_809 : vector<16xi32> to vector<16xi32>
    %lt3A_811 = arith.constant 0 : i32
    %lt3A_812 = vector.broadcast %lt3A_811 : i32 to vector<16xi32>
    %lt3A_813 = arith.cmpi slt, %get3A_810, %lt3A_812 : vector<16xi32>
    %jit3A_814 = arith.constant 50000 : i32
    %broadcast_in_dim3A_815 = vector.broadcast %jit3A_814 : i32 to vector<16xi32>
    %select_n3A_816 = arith.select %lt3A_813, %broadcast_in_dim3A_815, %get3A_810 : vector<16xi1>, vector<16xi32>
    %swap3A_817 = arith.constant 160 : index
    %swap3A_818 = tpu.vector_load %arg6[%swap3A_817] {strides = array<i32>} : memref<640xi32, #tpu.memory_space<vmem>>, vector<16xi32>,
    %swap3A_819 = vector.shape_cast %swap3A_818 : vector<16xi32> to vector<16xi32>
    %swap3A_820 = vector.shape_cast %select_n3A_816 : vector<16xi32> to vector<16xi32>
    tpu.vector_store %arg6[%swap3A_817], %swap3A_820 {strides = array<i32>} : memref<640xi32, #tpu.memory_space<vmem>>, vector<16xi32>,
    %get3A_821 = arith.constant 176 : index
    %get3A_822 = tpu.vector_load %arg6[%get3A_821] {strides = array<i32>} : memref<640xi32, #tpu.memory_space<vmem>>, vector<16xi32>,
    %get3A_823 = vector.shape_cast %get3A_822 : vector<16xi32> to vector<16xi32>
    %lt3A_824 = arith.constant 0 : i32
    %lt3A_825 = vector.broadcast %lt3A_824 : i32 to vector<16xi32>
    %lt3A_826 = arith.cmpi slt, %get3A_823, %lt3A_825 : vector<16xi32>
    %jit3A_827 = arith.constant 50000 : i32
    %broadcast_in_dim3A_828 = vector.broadcast %jit3A_827 : i32 to vector<16xi32>
    %select_n3A_829 = arith.select %lt3A_826, %broadcast_in_dim3A_828, %get3A_823 : vector<16xi1>, vector<16xi32>
    %swap3A_830 = arith.constant 176 : index
    %swap3A_831 = tpu.vector_load %arg6[%swap3A_830] {strides = array<i32>} : memref<640xi32, #tpu.memory_space<vmem>>, vector<16xi32>,
    %swap3A_832 = vector.shape_cast %swap3A_831 : vector<16xi32> to vector<16xi32>
    %swap3A_833 = vector.shape_cast %select_n3A_829 : vector<16xi32> to vector<16xi32>
    tpu.vector_store %arg6[%swap3A_830], %swap3A_833 {strides = array<i32>} : memref<640xi32, #tpu.memory_space<vmem>>, vector<16xi32>,
    %get3A_834 = arith.constant 192 : index
    %get3A_835 = tpu.vector_load %arg6[%get3A_834] {strides = array<i32>} : memref<640xi32, #tpu.memory_space<vmem>>, vector<16xi32>,
    %get3A_836 = vector.shape_cast %get3A_835 : vector<16xi32> to vector<16xi32>
    %lt3A_837 = arith.constant 0 : i32
    %lt3A_838 = vector.broadcast %lt3A_837 : i32 to vector<16xi32>
    %lt3A_839 = arith.cmpi slt, %get3A_836, %lt3A_838 : vector<16xi32>
    %jit3A_840 = arith.constant 50000 : i32
    %broadcast_in_dim3A_841 = vector.broadcast %jit3A_840 : i32 to vector<16xi32>
    %select_n3A_842 = arith.select %lt3A_839, %broadcast_in_dim3A_841, %get3A_836 : vector<16xi1>, vector<16xi32>
    %swap3A_843 = arith.constant 192 : index
    %swap3A_844 = tpu.vector_load %arg6[%swap3A_843] {strides = array<i32>} : memref<640xi32, #tpu.memory_space<vmem>>, vector<16xi32>,
    %swap3A_845 = vector.shape_cast %swap3A_844 : vector<16xi32> to vector<16xi32>
    %swap3A_846 = vector.shape_cast %select_n3A_842 : vector<16xi32> to vector<16xi32>
    tpu.vector_store %arg6[%swap3A_843], %swap3A_846 {strides = array<i32>} : memref<640xi32, #tpu.memory_space<vmem>>, vector<16xi32>,
    %get3A_847 = arith.constant 208 : index
    %get3A_848 = tpu.vector_load %arg6[%get3A_847] {strides = array<i32>} : memref<640xi32, #tpu.memory_space<vmem>>, vector<16xi32>,
    %get3A_849 = vector.shape_cast %get3A_848 : vector<16xi32> to vector<16xi32>
    %lt3A_850 = arith.constant 0 : i32
    %lt3A_851 = vector.broadcast %lt3A_850 : i32 to vector<16xi32>
    %lt3A_852 = arith.cmpi slt, %get3A_849, %lt3A_851 : vector<16xi32>
    %jit3A_853 = arith.constant 50000 : i32
    %broadcast_in_dim3A_854 = vector.broadcast %jit3A_853 : i32 to vector<16xi32>
    %select_n3A_855 = arith.select %lt3A_852, %broadcast_in_dim3A_854, %get3A_849 : vector<16xi1>, vector<16xi32>
    %swap3A_856 = arith.constant 208 : index
    %swap3A_857 = tpu.vector_load %arg6[%swap3A_856] {strides = array<i32>} : memref<640xi32, #tpu.memory_space<vmem>>, vector<16xi32>,
    %swap3A_858 = vector.shape_cast %swap3A_857 : vector<16xi32> to vector<16xi32>
    %swap3A_859 = vector.shape_cast %select_n3A_855 : vector<16xi32> to vector<16xi32>
    tpu.vector_store %arg6[%swap3A_856], %swap3A_859 {strides = array<i32>} : memref<640xi32, #tpu.memory_space<vmem>>, vector<16xi32>,
    %get3A_860 = arith.constant 224 : index
    %get3A_861 = tpu.vector_load %arg6[%get3A_860] {strides = array<i32>} : memref<640xi32, #tpu.memory_space<vmem>>, vector<16xi32>,
    %get3A_862 = vector.shape_cast %get3A_861 : vector<16xi32> to vector<16xi32>
    %lt3A_863 = arith.constant 0 : i32
    %lt3A_864 = vector.broadcast %lt3A_863 : i32 to vector<16xi32>
    %lt3A_865 = arith.cmpi slt, %get3A_862, %lt3A_864 : vector<16xi32>
    %jit3A_866 = arith.constant 50000 : i32
    %broadcast_in_dim3A_867 = vector.broadcast %jit3A_866 : i32 to vector<16xi32>
    %select_n3A_868 = arith.select %lt3A_865, %broadcast_in_dim3A_867, %get3A_862 : vector<16xi1>, vector<16xi32>
    %swap3A_869 = arith.constant 224 : index
    %swap3A_870 = tpu.vector_load %arg6[%swap3A_869] {strides = array<i32>} : memref<640xi32, #tpu.memory_space<vmem>>, vector<16xi32>,
    %swap3A_871 = vector.shape_cast %swap3A_870 : vector<16xi32> to vector<16xi32>
    %swap3A_872 = vector.shape_cast %select_n3A_868 : vector<16xi32> to vector<16xi32>
    tpu.vector_store %arg6[%swap3A_869], %swap3A_872 {strides = array<i32>} : memref<640xi32, #tpu.memory_space<vmem>>, vector<16xi32>,
    %get3A_873 = arith.constant 240 : index
    %get3A_874 = tpu.vector_load %arg6[%get3A_873] {strides = array<i32>} : memref<640xi32, #tpu.memory_space<vmem>>, vector<16xi32>,
    %get3A_875 = vector.shape_cast %get3A_874 : vector<16xi32> to vector<16xi32>
    %lt3A_876 = arith.constant 0 : i32
    %lt3A_877 = vector.broadcast %lt3A_876 : i32 to vector<16xi32>
    %lt3A_878 = arith.cmpi slt, %get3A_875, %lt3A_877 : vector<16xi32>
    %jit3A_879 = arith.constant 50000 : i32
    %broadcast_in_dim3A_880 = vector.broadcast %jit3A_879 : i32 to vector<16xi32>
    %select_n3A_881 = arith.select %lt3A_878, %broadcast_in_dim3A_880, %get3A_875 : vector<16xi1>, vector<16xi32>
    %swap3A_882 = arith.constant 240 : index
    %swap3A_883 = tpu.vector_load %arg6[%swap3A_882] {strides = array<i32>} : memref<640xi32, #tpu.memory_space<vmem>>, vector<16xi32>,
    %swap3A_884 = vector.shape_cast %swap3A_883 : vector<16xi32> to vector<16xi32>
    %swap3A_885 = vector.shape_cast %select_n3A_881 : vector<16xi32> to vector<16xi32>
    tpu.vector_store %arg6[%swap3A_882], %swap3A_885 {strides = array<i32>} : memref<640xi32, #tpu.memory_space<vmem>>, vector<16xi32>,
    %get3A_886 = arith.constant 256 : index
    %get3A_887 = tpu.vector_load %arg6[%get3A_886] {strides = array<i32>} : memref<640xi32, #tpu.memory_space<vmem>>, vector<16xi32>,
    %get3A_888 = vector.shape_cast %get3A_887 : vector<16xi32> to vector<16xi32>
    %lt3A_889 = arith.constant 0 : i32
    %lt3A_890 = vector.broadcast %lt3A_889 : i32 to vector<16xi32>
    %lt3A_891 = arith.cmpi slt, %get3A_888, %lt3A_890 : vector<16xi32>
    %jit3A_892 = arith.constant 50000 : i32
    %broadcast_in_dim3A_893 = vector.broadcast %jit3A_892 : i32 to vector<16xi32>
    %select_n3A_894 = arith.select %lt3A_891, %broadcast_in_dim3A_893, %get3A_888 : vector<16xi1>, vector<16xi32>
    %swap3A_895 = arith.constant 256 : index
    %swap3A_896 = tpu.vector_load %arg6[%swap3A_895] {strides = array<i32>} : memref<640xi32, #tpu.memory_space<vmem>>, vector<16xi32>,
    %swap3A_897 = vector.shape_cast %swap3A_896 : vector<16xi32> to vector<16xi32>
    %swap3A_898 = vector.shape_cast %select_n3A_894 : vector<16xi32> to vector<16xi32>
    tpu.vector_store %arg6[%swap3A_895], %swap3A_898 {strides = array<i32>} : memref<640xi32, #tpu.memory_space<vmem>>, vector<16xi32>,
    %get3A_899 = arith.constant 272 : index
    %get3A_900 = tpu.vector_load %arg6[%get3A_899] {strides = array<i32>} : memref<640xi32, #tpu.memory_space<vmem>>, vector<16xi32>,
    %get3A_901 = vector.shape_cast %get3A_900 : vector<16xi32> to vector<16xi32>
    %lt3A_902 = arith.constant 0 : i32
    %lt3A_903 = vector.broadcast %lt3A_902 : i32 to vector<16xi32>
    %lt3A_904 = arith.cmpi slt, %get3A_901, %lt3A_903 : vector<16xi32>
    %jit3A_905 = arith.constant 50000 : i32
    %broadcast_in_dim3A_906 = vector.broadcast %jit3A_905 : i32 to vector<16xi32>
    %select_n3A_907 = arith.select %lt3A_904, %broadcast_in_dim3A_906, %get3A_901 : vector<16xi1>, vector<16xi32>
    %swap3A_908 = arith.constant 272 : index
    %swap3A_909 = tpu.vector_load %arg6[%swap3A_908] {strides = array<i32>} : memref<640xi32, #tpu.memory_space<vmem>>, vector<16xi32>,
    %swap3A_910 = vector.shape_cast %swap3A_909 : vector<16xi32> to vector<16xi32>
    %swap3A_911 = vector.shape_cast %select_n3A_907 : vector<16xi32> to vector<16xi32>
    tpu.vector_store %arg6[%swap3A_908], %swap3A_911 {strides = array<i32>} : memref<640xi32, #tpu.memory_space<vmem>>, vector<16xi32>,
    %get3A_912 = arith.constant 288 : index
    %get3A_913 = tpu.vector_load %arg6[%get3A_912] {strides = array<i32>} : memref<640xi32, #tpu.memory_space<vmem>>, vector<16xi32>,
    %get3A_914 = vector.shape_cast %get3A_913 : vector<16xi32> to vector<16xi32>
    %lt3A_915 = arith.constant 0 : i32
    %lt3A_916 = vector.broadcast %lt3A_915 : i32 to vector<16xi32>
    %lt3A_917 = arith.cmpi slt, %get3A_914, %lt3A_916 : vector<16xi32>
    %jit3A_918 = arith.constant 50000 : i32
    %broadcast_in_dim3A_919 = vector.broadcast %jit3A_918 : i32 to vector<16xi32>
    %select_n3A_920 = arith.select %lt3A_917, %broadcast_in_dim3A_919, %get3A_914 : vector<16xi1>, vector<16xi32>
    %swap3A_921 = arith.constant 288 : index
    %swap3A_922 = tpu.vector_load %arg6[%swap3A_921] {strides = array<i32>} : memref<640xi32, #tpu.memory_space<vmem>>, vector<16xi32>,
    %swap3A_923 = vector.shape_cast %swap3A_922 : vector<16xi32> to vector<16xi32>
    %swap3A_924 = vector.shape_cast %select_n3A_920 : vector<16xi32> to vector<16xi32>
    tpu.vector_store %arg6[%swap3A_921], %swap3A_924 {strides = array<i32>} : memref<640xi32, #tpu.memory_space<vmem>>, vector<16xi32>,
    %get3A_925 = arith.constant 304 : index
    %get3A_926 = tpu.vector_load %arg6[%get3A_925] {strides = array<i32>} : memref<640xi32, #tpu.memory_space<vmem>>, vector<16xi32>,
    %get3A_927 = vector.shape_cast %get3A_926 : vector<16xi32> to vector<16xi32>
    %lt3A_928 = arith.constant 0 : i32
    %lt3A_929 = vector.broadcast %lt3A_928 : i32 to vector<16xi32>
    %lt3A_930 = arith.cmpi slt, %get3A_927, %lt3A_929 : vector<16xi32>
    %jit3A_931 = arith.constant 50000 : i32
    %broadcast_in_dim3A_932 = vector.broadcast %jit3A_931 : i32 to vector<16xi32>
    %select_n3A_933 = arith.select %lt3A_930, %broadcast_in_dim3A_932, %get3A_927 : vector<16xi1>, vector<16xi32>
    %swap3A_934 = arith.constant 304 : index
    %swap3A_935 = tpu.vector_load %arg6[%swap3A_934] {strides = array<i32>} : memref<640xi32, #tpu.memory_space<vmem>>, vector<16xi32>,
    %swap3A_936 = vector.shape_cast %swap3A_935 : vector<16xi32> to vector<16xi32>
    %swap3A_937 = vector.shape_cast %select_n3A_933 : vector<16xi32> to vector<16xi32>
    tpu.vector_store %arg6[%swap3A_934], %swap3A_937 {strides = array<i32>} : memref<640xi32, #tpu.memory_space<vmem>>, vector<16xi32>,
    %get3A_938 = arith.constant 320 : index
    %get3A_939 = tpu.vector_load %arg6[%get3A_938] {strides = array<i32>} : memref<640xi32, #tpu.memory_space<vmem>>, vector<16xi32>,
    %get3A_940 = vector.shape_cast %get3A_939 : vector<16xi32> to vector<16xi32>
    %lt3A_941 = arith.constant 0 : i32
    %lt3A_942 = vector.broadcast %lt3A_941 : i32 to vector<16xi32>
    %lt3A_943 = arith.cmpi slt, %get3A_940, %lt3A_942 : vector<16xi32>
    %jit3A_944 = arith.constant 50000 : i32
    %broadcast_in_dim3A_945 = vector.broadcast %jit3A_944 : i32 to vector<16xi32>
    %select_n3A_946 = arith.select %lt3A_943, %broadcast_in_dim3A_945, %get3A_940 : vector<16xi1>, vector<16xi32>
    %swap3A_947 = arith.constant 320 : index
    %swap3A_948 = tpu.vector_load %arg6[%swap3A_947] {strides = array<i32>} : memref<640xi32, #tpu.memory_space<vmem>>, vector<16xi32>,
    %swap3A_949 = vector.shape_cast %swap3A_948 : vector<16xi32> to vector<16xi32>
    %swap3A_950 = vector.shape_cast %select_n3A_946 : vector<16xi32> to vector<16xi32>
    tpu.vector_store %arg6[%swap3A_947], %swap3A_950 {strides = array<i32>} : memref<640xi32, #tpu.memory_space<vmem>>, vector<16xi32>,
    %get3A_951 = arith.constant 336 : index
    %get3A_952 = tpu.vector_load %arg6[%get3A_951] {strides = array<i32>} : memref<640xi32, #tpu.memory_space<vmem>>, vector<16xi32>,
    %get3A_953 = vector.shape_cast %get3A_952 : vector<16xi32> to vector<16xi32>
    %lt3A_954 = arith.constant 0 : i32
    %lt3A_955 = vector.broadcast %lt3A_954 : i32 to vector<16xi32>
    %lt3A_956 = arith.cmpi slt, %get3A_953, %lt3A_955 : vector<16xi32>
    %jit3A_957 = arith.constant 50000 : i32
    %broadcast_in_dim3A_958 = vector.broadcast %jit3A_957 : i32 to vector<16xi32>
    %select_n3A_959 = arith.select %lt3A_956, %broadcast_in_dim3A_958, %get3A_953 : vector<16xi1>, vector<16xi32>
    %swap3A_960 = arith.constant 336 : index
    %swap3A_961 = tpu.vector_load %arg6[%swap3A_960] {strides = array<i32>} : memref<640xi32, #tpu.memory_space<vmem>>, vector<16xi32>,
    %swap3A_962 = vector.shape_cast %swap3A_961 : vector<16xi32> to vector<16xi32>
    %swap3A_963 = vector.shape_cast %select_n3A_959 : vector<16xi32> to vector<16xi32>
    tpu.vector_store %arg6[%swap3A_960], %swap3A_963 {strides = array<i32>} : memref<640xi32, #tpu.memory_space<vmem>>, vector<16xi32>,
    %get3A_964 = arith.constant 352 : index
    %get3A_965 = tpu.vector_load %arg6[%get3A_964] {strides = array<i32>} : memref<640xi32, #tpu.memory_space<vmem>>, vector<16xi32>,
    %get3A_966 = vector.shape_cast %get3A_965 : vector<16xi32> to vector<16xi32>
    %lt3A_967 = arith.constant 0 : i32
    %lt3A_968 = vector.broadcast %lt3A_967 : i32 to vector<16xi32>
    %lt3A_969 = arith.cmpi slt, %get3A_966, %lt3A_968 : vector<16xi32>
    %jit3A_970 = arith.constant 50000 : i32
    %broadcast_in_dim3A_971 = vector.broadcast %jit3A_970 : i32 to vector<16xi32>
    %select_n3A_972 = arith.select %lt3A_969, %broadcast_in_dim3A_971, %get3A_966 : vector<16xi1>, vector<16xi32>
    %swap3A_973 = arith.constant 352 : index
    %swap3A_974 = tpu.vector_load %arg6[%swap3A_973] {strides = array<i32>} : memref<640xi32, #tpu.memory_space<vmem>>, vector<16xi32>,
    %swap3A_975 = vector.shape_cast %swap3A_974 : vector<16xi32> to vector<16xi32>
    %swap3A_976 = vector.shape_cast %select_n3A_972 : vector<16xi32> to vector<16xi32>
    tpu.vector_store %arg6[%swap3A_973], %swap3A_976 {strides = array<i32>} : memref<640xi32, #tpu.memory_space<vmem>>, vector<16xi32>,
    %get3A_977 = arith.constant 368 : index
    %get3A_978 = tpu.vector_load %arg6[%get3A_977] {strides = array<i32>} : memref<640xi32, #tpu.memory_space<vmem>>, vector<16xi32>,
    %get3A_979 = vector.shape_cast %get3A_978 : vector<16xi32> to vector<16xi32>
    %lt3A_980 = arith.constant 0 : i32
    %lt3A_981 = vector.broadcast %lt3A_980 : i32 to vector<16xi32>
    %lt3A_982 = arith.cmpi slt, %get3A_979, %lt3A_981 : vector<16xi32>
    %jit3A_983 = arith.constant 50000 : i32
    %broadcast_in_dim3A_984 = vector.broadcast %jit3A_983 : i32 to vector<16xi32>
    %select_n3A_985 = arith.select %lt3A_982, %broadcast_in_dim3A_984, %get3A_979 : vector<16xi1>, vector<16xi32>
    %swap3A_986 = arith.constant 368 : index
    %swap3A_987 = tpu.vector_load %arg6[%swap3A_986] {strides = array<i32>} : memref<640xi32, #tpu.memory_space<vmem>>, vector<16xi32>,
    %swap3A_988 = vector.shape_cast %swap3A_987 : vector<16xi32> to vector<16xi32>
    %swap3A_989 = vector.shape_cast %select_n3A_985 : vector<16xi32> to vector<16xi32>
    tpu.vector_store %arg6[%swap3A_986], %swap3A_989 {strides = array<i32>} : memref<640xi32, #tpu.memory_space<vmem>>, vector<16xi32>,
    %get3A_990 = arith.constant 384 : index
    %get3A_991 = tpu.vector_load %arg6[%get3A_990] {strides = array<i32>} : memref<640xi32, #tpu.memory_space<vmem>>, vector<16xi32>,
    %get3A_992 = vector.shape_cast %get3A_991 : vector<16xi32> to vector<16xi32>
    %lt3A_993 = arith.constant 0 : i32
    %lt3A_994 = vector.broadcast %lt3A_993 : i32 to vector<16xi32>
    %lt3A_995 = arith.cmpi slt, %get3A_992, %lt3A_994 : vector<16xi32>
    %jit3A_996 = arith.constant 50000 : i32
    %broadcast_in_dim3A_997 = vector.broadcast %jit3A_996 : i32 to vector<16xi32>
    %select_n3A_998 = arith.select %lt3A_995, %broadcast_in_dim3A_997, %get3A_992 : vector<16xi1>, vector<16xi32>
    %swap3A_999 = arith.constant 384 : index
    %swap3A_1000 = tpu.vector_load %arg6[%swap3A_999] {strides = array<i32>} : memref<640xi32, #tpu.memory_space<vmem>>, vector<16xi32>,
    %swap3A_1001 = vector.shape_cast %swap3A_1000 : vector<16xi32> to vector<16xi32>
    %swap3A_1002 = vector.shape_cast %select_n3A_998 : vector<16xi32> to vector<16xi32>
    tpu.vector_store %arg6[%swap3A_999], %swap3A_1002 {strides = array<i32>} : memref<640xi32, #tpu.memory_space<vmem>>, vector<16xi32>,
    %get3A_1003 = arith.constant 400 : index
    %get3A_1004 = tpu.vector_load %arg6[%get3A_1003] {strides = array<i32>} : memref<640xi32, #tpu.memory_space<vmem>>, vector<16xi32>,
    %get3A_1005 = vector.shape_cast %get3A_1004 : vector<16xi32> to vector<16xi32>
    %lt3A_1006 = arith.constant 0 : i32
    %lt3A_1007 = vector.broadcast %lt3A_1006 : i32 to vector<16xi32>
    %lt3A_1008 = arith.cmpi slt, %get3A_1005, %lt3A_1007 : vector<16xi32>
    %jit3A_1009 = arith.constant 50000 : i32
    %broadcast_in_dim3A_1010 = vector.broadcast %jit3A_1009 : i32 to vector<16xi32>
    %select_n3A_1011 = arith.select %lt3A_1008, %broadcast_in_dim3A_1010, %get3A_1005 : vector<16xi1>, vector<16xi32>
    %swap3A_1012 = arith.constant 400 : index
    %swap3A_1013 = tpu.vector_load %arg6[%swap3A_1012] {strides = array<i32>} : memref<640xi32, #tpu.memory_space<vmem>>, vector<16xi32>,
    %swap3A_1014 = vector.shape_cast %swap3A_1013 : vector<16xi32> to vector<16xi32>
    %swap3A_1015 = vector.shape_cast %select_n3A_1011 : vector<16xi32> to vector<16xi32>
    tpu.vector_store %arg6[%swap3A_1012], %swap3A_1015 {strides = array<i32>} : memref<640xi32, #tpu.memory_space<vmem>>, vector<16xi32>,
    %get3A_1016 = arith.constant 416 : index
    %get3A_1017 = tpu.vector_load %arg6[%get3A_1016] {strides = array<i32>} : memref<640xi32, #tpu.memory_space<vmem>>, vector<16xi32>,
    %get3A_1018 = vector.shape_cast %get3A_1017 : vector<16xi32> to vector<16xi32>
    %lt3A_1019 = arith.constant 0 : i32
    %lt3A_1020 = vector.broadcast %lt3A_1019 : i32 to vector<16xi32>
    %lt3A_1021 = arith.cmpi slt, %get3A_1018, %lt3A_1020 : vector<16xi32>
    %jit3A_1022 = arith.constant 50000 : i32
    %broadcast_in_dim3A_1023 = vector.broadcast %jit3A_1022 : i32 to vector<16xi32>
    %select_n3A_1024 = arith.select %lt3A_1021, %broadcast_in_dim3A_1023, %get3A_1018 : vector<16xi1>, vector<16xi32>
    %swap3A_1025 = arith.constant 416 : index
    %swap3A_1026 = tpu.vector_load %arg6[%swap3A_1025] {strides = array<i32>} : memref<640xi32, #tpu.memory_space<vmem>>, vector<16xi32>,
    %swap3A_1027 = vector.shape_cast %swap3A_1026 : vector<16xi32> to vector<16xi32>
    %swap3A_1028 = vector.shape_cast %select_n3A_1024 : vector<16xi32> to vector<16xi32>
    tpu.vector_store %arg6[%swap3A_1025], %swap3A_1028 {strides = array<i32>} : memref<640xi32, #tpu.memory_space<vmem>>, vector<16xi32>,
    %get3A_1029 = arith.constant 432 : index
    %get3A_1030 = tpu.vector_load %arg6[%get3A_1029] {strides = array<i32>} : memref<640xi32, #tpu.memory_space<vmem>>, vector<16xi32>,
    %get3A_1031 = vector.shape_cast %get3A_1030 : vector<16xi32> to vector<16xi32>
    %lt3A_1032 = arith.constant 0 : i32
    %lt3A_1033 = vector.broadcast %lt3A_1032 : i32 to vector<16xi32>
    %lt3A_1034 = arith.cmpi slt, %get3A_1031, %lt3A_1033 : vector<16xi32>
    %jit3A_1035 = arith.constant 50000 : i32
    %broadcast_in_dim3A_1036 = vector.broadcast %jit3A_1035 : i32 to vector<16xi32>
    %select_n3A_1037 = arith.select %lt3A_1034, %broadcast_in_dim3A_1036, %get3A_1031 : vector<16xi1>, vector<16xi32>
    %swap3A_1038 = arith.constant 432 : index
    %swap3A_1039 = tpu.vector_load %arg6[%swap3A_1038] {strides = array<i32>} : memref<640xi32, #tpu.memory_space<vmem>>, vector<16xi32>,
    %swap3A_1040 = vector.shape_cast %swap3A_1039 : vector<16xi32> to vector<16xi32>
    %swap3A_1041 = vector.shape_cast %select_n3A_1037 : vector<16xi32> to vector<16xi32>
    tpu.vector_store %arg6[%swap3A_1038], %swap3A_1041 {strides = array<i32>} : memref<640xi32, #tpu.memory_space<vmem>>, vector<16xi32>,
    %get3A_1042 = arith.constant 448 : index
    %get3A_1043 = tpu.vector_load %arg6[%get3A_1042] {strides = array<i32>} : memref<640xi32, #tpu.memory_space<vmem>>, vector<16xi32>,
    %get3A_1044 = vector.shape_cast %get3A_1043 : vector<16xi32> to vector<16xi32>
    %lt3A_1045 = arith.constant 0 : i32
    %lt3A_1046 = vector.broadcast %lt3A_1045 : i32 to vector<16xi32>
    %lt3A_1047 = arith.cmpi slt, %get3A_1044, %lt3A_1046 : vector<16xi32>
    %jit3A_1048 = arith.constant 50000 : i32
    %broadcast_in_dim3A_1049 = vector.broadcast %jit3A_1048 : i32 to vector<16xi32>
    %select_n3A_1050 = arith.select %lt3A_1047, %broadcast_in_dim3A_1049, %get3A_1044 : vector<16xi1>, vector<16xi32>
    %swap3A_1051 = arith.constant 448 : index
    %swap3A_1052 = tpu.vector_load %arg6[%swap3A_1051] {strides = array<i32>} : memref<640xi32, #tpu.memory_space<vmem>>, vector<16xi32>,
    %swap3A_1053 = vector.shape_cast %swap3A_1052 : vector<16xi32> to vector<16xi32>
    %swap3A_1054 = vector.shape_cast %select_n3A_1050 : vector<16xi32> to vector<16xi32>
    tpu.vector_store %arg6[%swap3A_1051], %swap3A_1054 {strides = array<i32>} : memref<640xi32, #tpu.memory_space<vmem>>, vector<16xi32>,
    %get3A_1055 = arith.constant 464 : index
    %get3A_1056 = tpu.vector_load %arg6[%get3A_1055] {strides = array<i32>} : memref<640xi32, #tpu.memory_space<vmem>>, vector<16xi32>,
    %get3A_1057 = vector.shape_cast %get3A_1056 : vector<16xi32> to vector<16xi32>
    %lt3A_1058 = arith.constant 0 : i32
    %lt3A_1059 = vector.broadcast %lt3A_1058 : i32 to vector<16xi32>
    %lt3A_1060 = arith.cmpi slt, %get3A_1057, %lt3A_1059 : vector<16xi32>
    %jit3A_1061 = arith.constant 50000 : i32
    %broadcast_in_dim3A_1062 = vector.broadcast %jit3A_1061 : i32 to vector<16xi32>
    %select_n3A_1063 = arith.select %lt3A_1060, %broadcast_in_dim3A_1062, %get3A_1057 : vector<16xi1>, vector<16xi32>
    %swap3A_1064 = arith.constant 464 : index
    %swap3A_1065 = tpu.vector_load %arg6[%swap3A_1064] {strides = array<i32>} : memref<640xi32, #tpu.memory_space<vmem>>, vector<16xi32>,
    %swap3A_1066 = vector.shape_cast %swap3A_1065 : vector<16xi32> to vector<16xi32>
    %swap3A_1067 = vector.shape_cast %select_n3A_1063 : vector<16xi32> to vector<16xi32>
    tpu.vector_store %arg6[%swap3A_1064], %swap3A_1067 {strides = array<i32>} : memref<640xi32, #tpu.memory_space<vmem>>, vector<16xi32>,
    %get3A_1068 = arith.constant 480 : index
    %get3A_1069 = tpu.vector_load %arg6[%get3A_1068] {strides = array<i32>} : memref<640xi32, #tpu.memory_space<vmem>>, vector<16xi32>,
    %get3A_1070 = vector.shape_cast %get3A_1069 : vector<16xi32> to vector<16xi32>
    %lt3A_1071 = arith.constant 0 : i32
    %lt3A_1072 = vector.broadcast %lt3A_1071 : i32 to vector<16xi32>
    %lt3A_1073 = arith.cmpi slt, %get3A_1070, %lt3A_1072 : vector<16xi32>
    %jit3A_1074 = arith.constant 50000 : i32
    %broadcast_in_dim3A_1075 = vector.broadcast %jit3A_1074 : i32 to vector<16xi32>
    %select_n3A_1076 = arith.select %lt3A_1073, %broadcast_in_dim3A_1075, %get3A_1070 : vector<16xi1>, vector<16xi32>
    %swap3A_1077 = arith.constant 480 : index
    %swap3A_1078 = tpu.vector_load %arg6[%swap3A_1077] {strides = array<i32>} : memref<640xi32, #tpu.memory_space<vmem>>, vector<16xi32>,
    %swap3A_1079 = vector.shape_cast %swap3A_1078 : vector<16xi32> to vector<16xi32>
    %swap3A_1080 = vector.shape_cast %select_n3A_1076 : vector<16xi32> to vector<16xi32>
    tpu.vector_store %arg6[%swap3A_1077], %swap3A_1080 {strides = array<i32>} : memref<640xi32, #tpu.memory_space<vmem>>, vector<16xi32>,
    %get3A_1081 = arith.constant 496 : index
    %get3A_1082 = tpu.vector_load %arg6[%get3A_1081] {strides = array<i32>} : memref<640xi32, #tpu.memory_space<vmem>>, vector<16xi32>,
    %get3A_1083 = vector.shape_cast %get3A_1082 : vector<16xi32> to vector<16xi32>
    %lt3A_1084 = arith.constant 0 : i32
    %lt3A_1085 = vector.broadcast %lt3A_1084 : i32 to vector<16xi32>
    %lt3A_1086 = arith.cmpi slt, %get3A_1083, %lt3A_1085 : vector<16xi32>
    %jit3A_1087 = arith.constant 50000 : i32
    %broadcast_in_dim3A_1088 = vector.broadcast %jit3A_1087 : i32 to vector<16xi32>
    %select_n3A_1089 = arith.select %lt3A_1086, %broadcast_in_dim3A_1088, %get3A_1083 : vector<16xi1>, vector<16xi32>
    %swap3A_1090 = arith.constant 496 : index
    %swap3A_1091 = tpu.vector_load %arg6[%swap3A_1090] {strides = array<i32>} : memref<640xi32, #tpu.memory_space<vmem>>, vector<16xi32>,
    %swap3A_1092 = vector.shape_cast %swap3A_1091 : vector<16xi32> to vector<16xi32>
    %swap3A_1093 = vector.shape_cast %select_n3A_1089 : vector<16xi32> to vector<16xi32>
    tpu.vector_store %arg6[%swap3A_1090], %swap3A_1093 {strides = array<i32>} : memref<640xi32, #tpu.memory_space<vmem>>, vector<16xi32>,
    %get3A_1094 = arith.constant 512 : index
    %get3A_1095 = tpu.vector_load %arg6[%get3A_1094] {strides = array<i32>} : memref<640xi32, #tpu.memory_space<vmem>>, vector<16xi32>,
    %get3A_1096 = vector.shape_cast %get3A_1095 : vector<16xi32> to vector<16xi32>
    %lt3A_1097 = arith.constant 0 : i32
    %lt3A_1098 = vector.broadcast %lt3A_1097 : i32 to vector<16xi32>
    %lt3A_1099 = arith.cmpi slt, %get3A_1096, %lt3A_1098 : vector<16xi32>
    %jit3A_1100 = arith.constant 50000 : i32
    %broadcast_in_dim3A_1101 = vector.broadcast %jit3A_1100 : i32 to vector<16xi32>
    %select_n3A_1102 = arith.select %lt3A_1099, %broadcast_in_dim3A_1101, %get3A_1096 : vector<16xi1>, vector<16xi32>
    %swap3A_1103 = arith.constant 512 : index
    %swap3A_1104 = tpu.vector_load %arg6[%swap3A_1103] {strides = array<i32>} : memref<640xi32, #tpu.memory_space<vmem>>, vector<16xi32>,
    %swap3A_1105 = vector.shape_cast %swap3A_1104 : vector<16xi32> to vector<16xi32>
    %swap3A_1106 = vector.shape_cast %select_n3A_1102 : vector<16xi32> to vector<16xi32>
    tpu.vector_store %arg6[%swap3A_1103], %swap3A_1106 {strides = array<i32>} : memref<640xi32, #tpu.memory_space<vmem>>, vector<16xi32>,
    %get3A_1107 = arith.constant 528 : index
    %get3A_1108 = tpu.vector_load %arg6[%get3A_1107] {strides = array<i32>} : memref<640xi32, #tpu.memory_space<vmem>>, vector<16xi32>,
    %get3A_1109 = vector.shape_cast %get3A_1108 : vector<16xi32> to vector<16xi32>
    %lt3A_1110 = arith.constant 0 : i32
    %lt3A_1111 = vector.broadcast %lt3A_1110 : i32 to vector<16xi32>
    %lt3A_1112 = arith.cmpi slt, %get3A_1109, %lt3A_1111 : vector<16xi32>
    %jit3A_1113 = arith.constant 50000 : i32
    %broadcast_in_dim3A_1114 = vector.broadcast %jit3A_1113 : i32 to vector<16xi32>
    %select_n3A_1115 = arith.select %lt3A_1112, %broadcast_in_dim3A_1114, %get3A_1109 : vector<16xi1>, vector<16xi32>
    %swap3A_1116 = arith.constant 528 : index
    %swap3A_1117 = tpu.vector_load %arg6[%swap3A_1116] {strides = array<i32>} : memref<640xi32, #tpu.memory_space<vmem>>, vector<16xi32>,
    %swap3A_1118 = vector.shape_cast %swap3A_1117 : vector<16xi32> to vector<16xi32>
    %swap3A_1119 = vector.shape_cast %select_n3A_1115 : vector<16xi32> to vector<16xi32>
    tpu.vector_store %arg6[%swap3A_1116], %swap3A_1119 {strides = array<i32>} : memref<640xi32, #tpu.memory_space<vmem>>, vector<16xi32>,
    %get3A_1120 = arith.constant 544 : index
    %get3A_1121 = tpu.vector_load %arg6[%get3A_1120] {strides = array<i32>} : memref<640xi32, #tpu.memory_space<vmem>>, vector<16xi32>,
    %get3A_1122 = vector.shape_cast %get3A_1121 : vector<16xi32> to vector<16xi32>
    %lt3A_1123 = arith.constant 0 : i32
    %lt3A_1124 = vector.broadcast %lt3A_1123 : i32 to vector<16xi32>
    %lt3A_1125 = arith.cmpi slt, %get3A_1122, %lt3A_1124 : vector<16xi32>
    %jit3A_1126 = arith.constant 50000 : i32
    %broadcast_in_dim3A_1127 = vector.broadcast %jit3A_1126 : i32 to vector<16xi32>
    %select_n3A_1128 = arith.select %lt3A_1125, %broadcast_in_dim3A_1127, %get3A_1122 : vector<16xi1>, vector<16xi32>
    %swap3A_1129 = arith.constant 544 : index
    %swap3A_1130 = tpu.vector_load %arg6[%swap3A_1129] {strides = array<i32>} : memref<640xi32, #tpu.memory_space<vmem>>, vector<16xi32>,
    %swap3A_1131 = vector.shape_cast %swap3A_1130 : vector<16xi32> to vector<16xi32>
    %swap3A_1132 = vector.shape_cast %select_n3A_1128 : vector<16xi32> to vector<16xi32>
    tpu.vector_store %arg6[%swap3A_1129], %swap3A_1132 {strides = array<i32>} : memref<640xi32, #tpu.memory_space<vmem>>, vector<16xi32>,
    %get3A_1133 = arith.constant 560 : index
    %get3A_1134 = tpu.vector_load %arg6[%get3A_1133] {strides = array<i32>} : memref<640xi32, #tpu.memory_space<vmem>>, vector<16xi32>,
    %get3A_1135 = vector.shape_cast %get3A_1134 : vector<16xi32> to vector<16xi32>
    %lt3A_1136 = arith.constant 0 : i32
    %lt3A_1137 = vector.broadcast %lt3A_1136 : i32 to vector<16xi32>
    %lt3A_1138 = arith.cmpi slt, %get3A_1135, %lt3A_1137 : vector<16xi32>
    %jit3A_1139 = arith.constant 50000 : i32
    %broadcast_in_dim3A_1140 = vector.broadcast %jit3A_1139 : i32 to vector<16xi32>
    %select_n3A_1141 = arith.select %lt3A_1138, %broadcast_in_dim3A_1140, %get3A_1135 : vector<16xi1>, vector<16xi32>
    %swap3A_1142 = arith.constant 560 : index
    %swap3A_1143 = tpu.vector_load %arg6[%swap3A_1142] {strides = array<i32>} : memref<640xi32, #tpu.memory_space<vmem>>, vector<16xi32>,
    %swap3A_1144 = vector.shape_cast %swap3A_1143 : vector<16xi32> to vector<16xi32>
    %swap3A_1145 = vector.shape_cast %select_n3A_1141 : vector<16xi32> to vector<16xi32>
    tpu.vector_store %arg6[%swap3A_1142], %swap3A_1145 {strides = array<i32>} : memref<640xi32, #tpu.memory_space<vmem>>, vector<16xi32>,
    %get3A_1146 = arith.constant 576 : index
    %get3A_1147 = tpu.vector_load %arg6[%get3A_1146] {strides = array<i32>} : memref<640xi32, #tpu.memory_space<vmem>>, vector<16xi32>,
    %get3A_1148 = vector.shape_cast %get3A_1147 : vector<16xi32> to vector<16xi32>
    %lt3A_1149 = arith.constant 0 : i32
    %lt3A_1150 = vector.broadcast %lt3A_1149 : i32 to vector<16xi32>
    %lt3A_1151 = arith.cmpi slt, %get3A_1148, %lt3A_1150 : vector<16xi32>
    %jit3A_1152 = arith.constant 50000 : i32
    %broadcast_in_dim3A_1153 = vector.broadcast %jit3A_1152 : i32 to vector<16xi32>
    %select_n3A_1154 = arith.select %lt3A_1151, %broadcast_in_dim3A_1153, %get3A_1148 : vector<16xi1>, vector<16xi32>
    %swap3A_1155 = arith.constant 576 : index
    %swap3A_1156 = tpu.vector_load %arg6[%swap3A_1155] {strides = array<i32>} : memref<640xi32, #tpu.memory_space<vmem>>, vector<16xi32>,
    %swap3A_1157 = vector.shape_cast %swap3A_1156 : vector<16xi32> to vector<16xi32>
    %swap3A_1158 = vector.shape_cast %select_n3A_1154 : vector<16xi32> to vector<16xi32>
    tpu.vector_store %arg6[%swap3A_1155], %swap3A_1158 {strides = array<i32>} : memref<640xi32, #tpu.memory_space<vmem>>, vector<16xi32>,
    %get3A_1159 = arith.constant 592 : index
    %get3A_1160 = tpu.vector_load %arg6[%get3A_1159] {strides = array<i32>} : memref<640xi32, #tpu.memory_space<vmem>>, vector<16xi32>,
    %get3A_1161 = vector.shape_cast %get3A_1160 : vector<16xi32> to vector<16xi32>
    %lt3A_1162 = arith.constant 0 : i32
    %lt3A_1163 = vector.broadcast %lt3A_1162 : i32 to vector<16xi32>
    %lt3A_1164 = arith.cmpi slt, %get3A_1161, %lt3A_1163 : vector<16xi32>
    %jit3A_1165 = arith.constant 50000 : i32
    %broadcast_in_dim3A_1166 = vector.broadcast %jit3A_1165 : i32 to vector<16xi32>
    %select_n3A_1167 = arith.select %lt3A_1164, %broadcast_in_dim3A_1166, %get3A_1161 : vector<16xi1>, vector<16xi32>
    %swap3A_1168 = arith.constant 592 : index
    %swap3A_1169 = tpu.vector_load %arg6[%swap3A_1168] {strides = array<i32>} : memref<640xi32, #tpu.memory_space<vmem>>, vector<16xi32>,
    %swap3A_1170 = vector.shape_cast %swap3A_1169 : vector<16xi32> to vector<16xi32>
    %swap3A_1171 = vector.shape_cast %select_n3A_1167 : vector<16xi32> to vector<16xi32>
    tpu.vector_store %arg6[%swap3A_1168], %swap3A_1171 {strides = array<i32>} : memref<640xi32, #tpu.memory_space<vmem>>, vector<16xi32>,
    %get3A_1172 = arith.constant 608 : index
    %get3A_1173 = tpu.vector_load %arg6[%get3A_1172] {strides = array<i32>} : memref<640xi32, #tpu.memory_space<vmem>>, vector<16xi32>,
    %get3A_1174 = vector.shape_cast %get3A_1173 : vector<16xi32> to vector<16xi32>
    %lt3A_1175 = arith.constant 0 : i32
    %lt3A_1176 = vector.broadcast %lt3A_1175 : i32 to vector<16xi32>
    %lt3A_1177 = arith.cmpi slt, %get3A_1174, %lt3A_1176 : vector<16xi32>
    %jit3A_1178 = arith.constant 50000 : i32
    %broadcast_in_dim3A_1179 = vector.broadcast %jit3A_1178 : i32 to vector<16xi32>
    %select_n3A_1180 = arith.select %lt3A_1177, %broadcast_in_dim3A_1179, %get3A_1174 : vector<16xi1>, vector<16xi32>
    %swap3A_1181 = arith.constant 608 : index
    %swap3A_1182 = tpu.vector_load %arg6[%swap3A_1181] {strides = array<i32>} : memref<640xi32, #tpu.memory_space<vmem>>, vector<16xi32>,
    %swap3A_1183 = vector.shape_cast %swap3A_1182 : vector<16xi32> to vector<16xi32>
    %swap3A_1184 = vector.shape_cast %select_n3A_1180 : vector<16xi32> to vector<16xi32>
    tpu.vector_store %arg6[%swap3A_1181], %swap3A_1184 {strides = array<i32>} : memref<640xi32, #tpu.memory_space<vmem>>, vector<16xi32>,
    %get3A_1185 = arith.constant 624 : index
    %get3A_1186 = tpu.vector_load %arg6[%get3A_1185] {strides = array<i32>} : memref<640xi32, #tpu.memory_space<vmem>>, vector<16xi32>,
    %get3A_1187 = vector.shape_cast %get3A_1186 : vector<16xi32> to vector<16xi32>
    %lt3A_1188 = arith.constant 0 : i32
    %lt3A_1189 = vector.broadcast %lt3A_1188 : i32 to vector<16xi32>
    %lt3A_1190 = arith.cmpi slt, %get3A_1187, %lt3A_1189 : vector<16xi32>
    %jit3A_1191 = arith.constant 50000 : i32
    %broadcast_in_dim3A_1192 = vector.broadcast %jit3A_1191 : i32 to vector<16xi32>
    %select_n3A_1193 = arith.select %lt3A_1190, %broadcast_in_dim3A_1192, %get3A_1187 : vector<16xi1>, vector<16xi32>
    %swap3A_1194 = arith.constant 624 : index
    %swap3A_1195 = tpu.vector_load %arg6[%swap3A_1194] {strides = array<i32>} : memref<640xi32, #tpu.memory_space<vmem>>, vector<16xi32>,
    %swap3A_1196 = vector.shape_cast %swap3A_1195 : vector<16xi32> to vector<16xi32>
    %swap3A_1197 = vector.shape_cast %select_n3A_1193 : vector<16xi32> to vector<16xi32>
    tpu.vector_store %arg6[%swap3A_1194], %swap3A_1197 {strides = array<i32>} : memref<640xi32, #tpu.memory_space<vmem>>, vector<16xi32>,
    %dma_start3A_1198 = arith.constant 0 : i32
    %dma_start3A_1199 = arith.constant 0 : i32
    %dma_start3A_1200 = tpu.memref_slice %arg8[%dma_start3A_1198, %dma_start3A_1199] : memref<640x32xf32, #tpu.memory_space<vmem>> -> memref<80x32xf32, #tpu.memory_space<vmem>>
    %dma_start3A_1201 = arith.constant 0 : i32
    %dma_start3A_1202 = tpu.memref_slice %arg6[%dma_start3A_1201] : memref<640xi32, #tpu.memory_space<vmem>> -> memref<80xi32, #tpu.memory_space<vmem>>
    %dma_start3A_1203 = arith.constant 0 : i32
    %dma_start3A_1204 = arith.constant 0 : i32
    %dma_start3A_1205 = tpu.memref_slice %arg3[%dma_start3A_1203, %dma_start3A_1204] : memref<50001x32xf32, #tpu.memory_space<hbm>> -> memref<50001x32xf32, #tpu.memory_space<hbm>>
    tpu.enqueue_indirect_dma source(%dma_start3A_1205 : memref<50001x32xf32, #tpu.memory_space<hbm>>) target(%dma_start3A_1200 : memref<80x32xf32, #tpu.memory_space<vmem>>) offsets(%dma_start3A_1202 : memref<80xi32, #tpu.memory_space<vmem>>) semaphore(%arg13 : memref<!tpu.dma_semaphore, #tpu.memory_space<semaphore_mem>>)
    %dma_start3A_1206 = arith.constant 80 : i32
    %dma_start3A_1207 = arith.constant 0 : i32
    %dma_start3A_1208 = tpu.memref_slice %arg8[%dma_start3A_1206, %dma_start3A_1207] : memref<640x32xf32, #tpu.memory_space<vmem>> -> memref<80x32xf32, #tpu.memory_space<vmem>>
    %dma_start3A_1209 = arith.constant 80 : i32
    %dma_start3A_1210 = tpu.memref_slice %arg6[%dma_start3A_1209] : memref<640xi32, #tpu.memory_space<vmem>> -> memref<80xi32, #tpu.memory_space<vmem>>
    %dma_start3A_1211 = arith.constant 0 : i32
    %dma_start3A_1212 = arith.constant 0 : i32
    %dma_start3A_1213 = tpu.memref_slice %arg3[%dma_start3A_1211, %dma_start3A_1212] : memref<50001x32xf32, #tpu.memory_space<hbm>> -> memref<50001x32xf32, #tpu.memory_space<hbm>>
    tpu.enqueue_indirect_dma source(%dma_start3A_1213 : memref<50001x32xf32, #tpu.memory_space<hbm>>) target(%dma_start3A_1208 : memref<80x32xf32, #tpu.memory_space<vmem>>) offsets(%dma_start3A_1210 : memref<80xi32, #tpu.memory_space<vmem>>) semaphore(%arg13 : memref<!tpu.dma_semaphore, #tpu.memory_space<semaphore_mem>>)
    %dma_start3A_1214 = arith.constant 160 : i32
    %dma_start3A_1215 = arith.constant 0 : i32
    %dma_start3A_1216 = tpu.memref_slice %arg8[%dma_start3A_1214, %dma_start3A_1215] : memref<640x32xf32, #tpu.memory_space<vmem>> -> memref<80x32xf32, #tpu.memory_space<vmem>>
    %dma_start3A_1217 = arith.constant 160 : i32
    %dma_start3A_1218 = tpu.memref_slice %arg6[%dma_start3A_1217] : memref<640xi32, #tpu.memory_space<vmem>> -> memref<80xi32, #tpu.memory_space<vmem>>
    %dma_start3A_1219 = arith.constant 0 : i32
    %dma_start3A_1220 = arith.constant 0 : i32
    %dma_start3A_1221 = tpu.memref_slice %arg3[%dma_start3A_1219, %dma_start3A_1220] : memref<50001x32xf32, #tpu.memory_space<hbm>> -> memref<50001x32xf32, #tpu.memory_space<hbm>>
    tpu.enqueue_indirect_dma source(%dma_start3A_1221 : memref<50001x32xf32, #tpu.memory_space<hbm>>) target(%dma_start3A_1216 : memref<80x32xf32, #tpu.memory_space<vmem>>) offsets(%dma_start3A_1218 : memref<80xi32, #tpu.memory_space<vmem>>) semaphore(%arg13 : memref<!tpu.dma_semaphore, #tpu.memory_space<semaphore_mem>>)
    %dma_start3A_1222 = arith.constant 240 : i32
    %dma_start3A_1223 = arith.constant 0 : i32
    %dma_start3A_1224 = tpu.memref_slice %arg8[%dma_start3A_1222, %dma_start3A_1223] : memref<640x32xf32, #tpu.memory_space<vmem>> -> memref<80x32xf32, #tpu.memory_space<vmem>>
    %dma_start3A_1225 = arith.constant 240 : i32
    %dma_start3A_1226 = tpu.memref_slice %arg6[%dma_start3A_1225] : memref<640xi32, #tpu.memory_space<vmem>> -> memref<80xi32, #tpu.memory_space<vmem>>
    %dma_start3A_1227 = arith.constant 0 : i32
    %dma_start3A_1228 = arith.constant 0 : i32
    %dma_start3A_1229 = tpu.memref_slice %arg3[%dma_start3A_1227, %dma_start3A_1228] : memref<50001x32xf32, #tpu.memory_space<hbm>> -> memref<50001x32xf32, #tpu.memory_space<hbm>>
    tpu.enqueue_indirect_dma source(%dma_start3A_1229 : memref<50001x32xf32, #tpu.memory_space<hbm>>) target(%dma_start3A_1224 : memref<80x32xf32, #tpu.memory_space<vmem>>) offsets(%dma_start3A_1226 : memref<80xi32, #tpu.memory_space<vmem>>) semaphore(%arg13 : memref<!tpu.dma_semaphore, #tpu.memory_space<semaphore_mem>>)
    %dma_start3A_1230 = arith.constant 320 : i32
    %dma_start3A_1231 = arith.constant 0 : i32
    %dma_start3A_1232 = tpu.memref_slice %arg8[%dma_start3A_1230, %dma_start3A_1231] : memref<640x32xf32, #tpu.memory_space<vmem>> -> memref<80x32xf32, #tpu.memory_space<vmem>>
    %dma_start3A_1233 = arith.constant 320 : i32
    %dma_start3A_1234 = tpu.memref_slice %arg6[%dma_start3A_1233] : memref<640xi32, #tpu.memory_space<vmem>> -> memref<80xi32, #tpu.memory_space<vmem>>
    %dma_start3A_1235 = arith.constant 0 : i32
    %dma_start3A_1236 = arith.constant 0 : i32
    %dma_start3A_1237 = tpu.memref_slice %arg3[%dma_start3A_1235, %dma_start3A_1236] : memref<50001x32xf32, #tpu.memory_space<hbm>> -> memref<50001x32xf32, #tpu.memory_space<hbm>>
    tpu.enqueue_indirect_dma source(%dma_start3A_1237 : memref<50001x32xf32, #tpu.memory_space<hbm>>) target(%dma_start3A_1232 : memref<80x32xf32, #tpu.memory_space<vmem>>) offsets(%dma_start3A_1234 : memref<80xi32, #tpu.memory_space<vmem>>) semaphore(%arg13 : memref<!tpu.dma_semaphore, #tpu.memory_space<semaphore_mem>>)
    %dma_start3A_1238 = arith.constant 400 : i32
    %dma_start3A_1239 = arith.constant 0 : i32
    %dma_start3A_1240 = tpu.memref_slice %arg8[%dma_start3A_1238, %dma_start3A_1239] : memref<640x32xf32, #tpu.memory_space<vmem>> -> memref<80x32xf32, #tpu.memory_space<vmem>>
    %dma_start3A_1241 = arith.constant 400 : i32
    %dma_start3A_1242 = tpu.memref_slice %arg6[%dma_start3A_1241] : memref<640xi32, #tpu.memory_space<vmem>> -> memref<80xi32, #tpu.memory_space<vmem>>
    %dma_start3A_1243 = arith.constant 0 : i32
    %dma_start3A_1244 = arith.constant 0 : i32
    %dma_start3A_1245 = tpu.memref_slice %arg3[%dma_start3A_1243, %dma_start3A_1244] : memref<50001x32xf32, #tpu.memory_space<hbm>> -> memref<50001x32xf32, #tpu.memory_space<hbm>>
    tpu.enqueue_indirect_dma source(%dma_start3A_1245 : memref<50001x32xf32, #tpu.memory_space<hbm>>) target(%dma_start3A_1240 : memref<80x32xf32, #tpu.memory_space<vmem>>) offsets(%dma_start3A_1242 : memref<80xi32, #tpu.memory_space<vmem>>) semaphore(%arg13 : memref<!tpu.dma_semaphore, #tpu.memory_space<semaphore_mem>>)
    %dma_start3A_1246 = arith.constant 480 : i32
    %dma_start3A_1247 = arith.constant 0 : i32
    %dma_start3A_1248 = tpu.memref_slice %arg8[%dma_start3A_1246, %dma_start3A_1247] : memref<640x32xf32, #tpu.memory_space<vmem>> -> memref<80x32xf32, #tpu.memory_space<vmem>>
    %dma_start3A_1249 = arith.constant 480 : i32
    %dma_start3A_1250 = tpu.memref_slice %arg6[%dma_start3A_1249] : memref<640xi32, #tpu.memory_space<vmem>> -> memref<80xi32, #tpu.memory_space<vmem>>
    %dma_start3A_1251 = arith.constant 0 : i32
    %dma_start3A_1252 = arith.constant 0 : i32
    %dma_start3A_1253 = tpu.memref_slice %arg3[%dma_start3A_1251, %dma_start3A_1252] : memref<50001x32xf32, #tpu.memory_space<hbm>> -> memref<50001x32xf32, #tpu.memory_space<hbm>>
    tpu.enqueue_indirect_dma source(%dma_start3A_1253 : memref<50001x32xf32, #tpu.memory_space<hbm>>) target(%dma_start3A_1248 : memref<80x32xf32, #tpu.memory_space<vmem>>) offsets(%dma_start3A_1250 : memref<80xi32, #tpu.memory_space<vmem>>) semaphore(%arg13 : memref<!tpu.dma_semaphore, #tpu.memory_space<semaphore_mem>>)
    %dma_start3A_1254 = arith.constant 560 : i32
    %dma_start3A_1255 = arith.constant 0 : i32
    %dma_start3A_1256 = tpu.memref_slice %arg8[%dma_start3A_1254, %dma_start3A_1255] : memref<640x32xf32, #tpu.memory_space<vmem>> -> memref<80x32xf32, #tpu.memory_space<vmem>>
    %dma_start3A_1257 = arith.constant 560 : i32
    %dma_start3A_1258 = tpu.memref_slice %arg6[%dma_start3A_1257] : memref<640xi32, #tpu.memory_space<vmem>> -> memref<80xi32, #tpu.memory_space<vmem>>
    %dma_start3A_1259 = arith.constant 0 : i32
    %dma_start3A_1260 = arith.constant 0 : i32
    %dma_start3A_1261 = tpu.memref_slice %arg3[%dma_start3A_1259, %dma_start3A_1260] : memref<50001x32xf32, #tpu.memory_space<hbm>> -> memref<50001x32xf32, #tpu.memory_space<hbm>>
    tpu.enqueue_indirect_dma source(%dma_start3A_1261 : memref<50001x32xf32, #tpu.memory_space<hbm>>) target(%dma_start3A_1256 : memref<80x32xf32, #tpu.memory_space<vmem>>) offsets(%dma_start3A_1258 : memref<80xi32, #tpu.memory_space<vmem>>) semaphore(%arg13 : memref<!tpu.dma_semaphore, #tpu.memory_space<semaphore_mem>>)
    %dma_wait3A_1262 = arith.constant 0 : i32
    %dma_wait3A_1263 = arith.constant 0 : i32
    %dma_wait3A_1264 = tpu.memref_slice %arg8[%dma_wait3A_1262, %dma_wait3A_1263] : memref<640x32xf32, #tpu.memory_space<vmem>> -> memref<80x32xf32, #tpu.memory_space<vmem>>
    %dma_wait3A_1265 = arith.constant 0 : i32
    %dma_wait3A_1266 = tpu.memref_slice %arg6[%dma_wait3A_1265] : memref<640xi32, #tpu.memory_space<vmem>> -> memref<80xi32, #tpu.memory_space<vmem>>
    %dma_wait3A_1267 = arith.constant 0 : i32
    %dma_wait3A_1268 = arith.constant 0 : i32
    %dma_wait3A_1269 = tpu.memref_slice %arg3[%dma_wait3A_1267, %dma_wait3A_1268] : memref<50001x32xf32, #tpu.memory_space<hbm>> -> memref<50001x32xf32, #tpu.memory_space<hbm>>
    tpu.wait_indirect_dma semaphore(%arg13 : memref<!tpu.dma_semaphore, #tpu.memory_space<semaphore_mem>>) src(%dma_wait3A_1269 : memref<50001x32xf32, #tpu.memory_space<hbm>>) dst(%dma_wait3A_1264 : memref<80x32xf32, #tpu.memory_space<vmem>>)
    %dma_wait3A_1270 = arith.constant 80 : i32
    %dma_wait3A_1271 = arith.constant 0 : i32
    %dma_wait3A_1272 = tpu.memref_slice %arg8[%dma_wait3A_1270, %dma_wait3A_1271] : memref<640x32xf32, #tpu.memory_space<vmem>> -> memref<80x32xf32, #tpu.memory_space<vmem>>
    %dma_wait3A_1273 = arith.constant 80 : i32
    %dma_wait3A_1274 = tpu.memref_slice %arg6[%dma_wait3A_1273] : memref<640xi32, #tpu.memory_space<vmem>> -> memref<80xi32, #tpu.memory_space<vmem>>
    %dma_wait3A_1275 = arith.constant 0 : i32
    %dma_wait3A_1276 = arith.constant 0 : i32
    %dma_wait3A_1277 = tpu.memref_slice %arg3[%dma_wait3A_1275, %dma_wait3A_1276] : memref<50001x32xf32, #tpu.memory_space<hbm>> -> memref<50001x32xf32, #tpu.memory_space<hbm>>
    tpu.wait_indirect_dma semaphore(%arg13 : memref<!tpu.dma_semaphore, #tpu.memory_space<semaphore_mem>>) src(%dma_wait3A_1277 : memref<50001x32xf32, #tpu.memory_space<hbm>>) dst(%dma_wait3A_1272 : memref<80x32xf32, #tpu.memory_space<vmem>>)
    %dma_wait3A_1278 = arith.constant 160 : i32
    %dma_wait3A_1279 = arith.constant 0 : i32
    %dma_wait3A_1280 = tpu.memref_slice %arg8[%dma_wait3A_1278, %dma_wait3A_1279] : memref<640x32xf32, #tpu.memory_space<vmem>> -> memref<80x32xf32, #tpu.memory_space<vmem>>
    %dma_wait3A_1281 = arith.constant 160 : i32
    %dma_wait3A_1282 = tpu.memref_slice %arg6[%dma_wait3A_1281] : memref<640xi32, #tpu.memory_space<vmem>> -> memref<80xi32, #tpu.memory_space<vmem>>
    %dma_wait3A_1283 = arith.constant 0 : i32
    %dma_wait3A_1284 = arith.constant 0 : i32
    %dma_wait3A_1285 = tpu.memref_slice %arg3[%dma_wait3A_1283, %dma_wait3A_1284] : memref<50001x32xf32, #tpu.memory_space<hbm>> -> memref<50001x32xf32, #tpu.memory_space<hbm>>
    tpu.wait_indirect_dma semaphore(%arg13 : memref<!tpu.dma_semaphore, #tpu.memory_space<semaphore_mem>>) src(%dma_wait3A_1285 : memref<50001x32xf32, #tpu.memory_space<hbm>>) dst(%dma_wait3A_1280 : memref<80x32xf32, #tpu.memory_space<vmem>>)
    %dma_wait3A_1286 = arith.constant 240 : i32
    %dma_wait3A_1287 = arith.constant 0 : i32
    %dma_wait3A_1288 = tpu.memref_slice %arg8[%dma_wait3A_1286, %dma_wait3A_1287] : memref<640x32xf32, #tpu.memory_space<vmem>> -> memref<80x32xf32, #tpu.memory_space<vmem>>
    %dma_wait3A_1289 = arith.constant 240 : i32
    %dma_wait3A_1290 = tpu.memref_slice %arg6[%dma_wait3A_1289] : memref<640xi32, #tpu.memory_space<vmem>> -> memref<80xi32, #tpu.memory_space<vmem>>
    %dma_wait3A_1291 = arith.constant 0 : i32
    %dma_wait3A_1292 = arith.constant 0 : i32
    %dma_wait3A_1293 = tpu.memref_slice %arg3[%dma_wait3A_1291, %dma_wait3A_1292] : memref<50001x32xf32, #tpu.memory_space<hbm>> -> memref<50001x32xf32, #tpu.memory_space<hbm>>
    tpu.wait_indirect_dma semaphore(%arg13 : memref<!tpu.dma_semaphore, #tpu.memory_space<semaphore_mem>>) src(%dma_wait3A_1293 : memref<50001x32xf32, #tpu.memory_space<hbm>>) dst(%dma_wait3A_1288 : memref<80x32xf32, #tpu.memory_space<vmem>>)
    %dma_wait3A_1294 = arith.constant 320 : i32
    %dma_wait3A_1295 = arith.constant 0 : i32
    %dma_wait3A_1296 = tpu.memref_slice %arg8[%dma_wait3A_1294, %dma_wait3A_1295] : memref<640x32xf32, #tpu.memory_space<vmem>> -> memref<80x32xf32, #tpu.memory_space<vmem>>
    %dma_wait3A_1297 = arith.constant 320 : i32
    %dma_wait3A_1298 = tpu.memref_slice %arg6[%dma_wait3A_1297] : memref<640xi32, #tpu.memory_space<vmem>> -> memref<80xi32, #tpu.memory_space<vmem>>
    %dma_wait3A_1299 = arith.constant 0 : i32
    %dma_wait3A_1300 = arith.constant 0 : i32
    %dma_wait3A_1301 = tpu.memref_slice %arg3[%dma_wait3A_1299, %dma_wait3A_1300] : memref<50001x32xf32, #tpu.memory_space<hbm>> -> memref<50001x32xf32, #tpu.memory_space<hbm>>
    tpu.wait_indirect_dma semaphore(%arg13 : memref<!tpu.dma_semaphore, #tpu.memory_space<semaphore_mem>>) src(%dma_wait3A_1301 : memref<50001x32xf32, #tpu.memory_space<hbm>>) dst(%dma_wait3A_1296 : memref<80x32xf32, #tpu.memory_space<vmem>>)
    %dma_wait3A_1302 = arith.constant 400 : i32
    %dma_wait3A_1303 = arith.constant 0 : i32
    %dma_wait3A_1304 = tpu.memref_slice %arg8[%dma_wait3A_1302, %dma_wait3A_1303] : memref<640x32xf32, #tpu.memory_space<vmem>> -> memref<80x32xf32, #tpu.memory_space<vmem>>
    %dma_wait3A_1305 = arith.constant 400 : i32
    %dma_wait3A_1306 = tpu.memref_slice %arg6[%dma_wait3A_1305] : memref<640xi32, #tpu.memory_space<vmem>> -> memref<80xi32, #tpu.memory_space<vmem>>
    %dma_wait3A_1307 = arith.constant 0 : i32
    %dma_wait3A_1308 = arith.constant 0 : i32
    %dma_wait3A_1309 = tpu.memref_slice %arg3[%dma_wait3A_1307, %dma_wait3A_1308] : memref<50001x32xf32, #tpu.memory_space<hbm>> -> memref<50001x32xf32, #tpu.memory_space<hbm>>
    tpu.wait_indirect_dma semaphore(%arg13 : memref<!tpu.dma_semaphore, #tpu.memory_space<semaphore_mem>>) src(%dma_wait3A_1309 : memref<50001x32xf32, #tpu.memory_space<hbm>>) dst(%dma_wait3A_1304 : memref<80x32xf32, #tpu.memory_space<vmem>>)
    %dma_wait3A_1310 = arith.constant 480 : i32
    %dma_wait3A_1311 = arith.constant 0 : i32
    %dma_wait3A_1312 = tpu.memref_slice %arg8[%dma_wait3A_1310, %dma_wait3A_1311] : memref<640x32xf32, #tpu.memory_space<vmem>> -> memref<80x32xf32, #tpu.memory_space<vmem>>
    %dma_wait3A_1313 = arith.constant 480 : i32
    %dma_wait3A_1314 = tpu.memref_slice %arg6[%dma_wait3A_1313] : memref<640xi32, #tpu.memory_space<vmem>> -> memref<80xi32, #tpu.memory_space<vmem>>
    %dma_wait3A_1315 = arith.constant 0 : i32
    %dma_wait3A_1316 = arith.constant 0 : i32
    %dma_wait3A_1317 = tpu.memref_slice %arg3[%dma_wait3A_1315, %dma_wait3A_1316] : memref<50001x32xf32, #tpu.memory_space<hbm>> -> memref<50001x32xf32, #tpu.memory_space<hbm>>
    tpu.wait_indirect_dma semaphore(%arg13 : memref<!tpu.dma_semaphore, #tpu.memory_space<semaphore_mem>>) src(%dma_wait3A_1317 : memref<50001x32xf32, #tpu.memory_space<hbm>>) dst(%dma_wait3A_1312 : memref<80x32xf32, #tpu.memory_space<vmem>>)
    %dma_wait3A_1318 = arith.constant 560 : i32
    %dma_wait3A_1319 = arith.constant 0 : i32
    %dma_wait3A_1320 = tpu.memref_slice %arg8[%dma_wait3A_1318, %dma_wait3A_1319] : memref<640x32xf32, #tpu.memory_space<vmem>> -> memref<80x32xf32, #tpu.memory_space<vmem>>
    %dma_wait3A_1321 = arith.constant 560 : i32
    %dma_wait3A_1322 = tpu.memref_slice %arg6[%dma_wait3A_1321] : memref<640xi32, #tpu.memory_space<vmem>> -> memref<80xi32, #tpu.memory_space<vmem>>
    %dma_wait3A_1323 = arith.constant 0 : i32
    %dma_wait3A_1324 = arith.constant 0 : i32
    %dma_wait3A_1325 = tpu.memref_slice %arg3[%dma_wait3A_1323, %dma_wait3A_1324] : memref<50001x32xf32, #tpu.memory_space<hbm>> -> memref<50001x32xf32, #tpu.memory_space<hbm>>
    tpu.wait_indirect_dma semaphore(%arg13 : memref<!tpu.dma_semaphore, #tpu.memory_space<semaphore_mem>>) src(%dma_wait3A_1325 : memref<50001x32xf32, #tpu.memory_space<hbm>>) dst(%dma_wait3A_1320 : memref<80x32xf32, #tpu.memory_space<vmem>>)
    %mul3A_1326 = arith.constant 640 : i32
    %mul3A_1327 = arith.muli %add3A_673, %mul3A_1326 : i32
    %dma_start3A_1328 = arith.constant 0 : i32
    %dma_start3A_1329 = tpu.memref_slice %arg4[%mul3A_1327, %dma_start3A_1328] : memref<1351680x32xf32, #tpu.memory_space<hbm>> -> memref<640x32xf32, #tpu.memory_space<hbm>>
    %dma_start3A_1330 = arith.constant 0 : i32
    %dma_start3A_1331 = tpu.memref_slice %arg4[%mul3A_1327, %dma_start3A_1330] : memref<1351680x32xf32, #tpu.memory_space<hbm>> -> memref<640x32xf32, #tpu.memory_space<hbm>>
    tpu.enqueue_dma source(%arg8 : memref<640x32xf32, #tpu.memory_space<vmem>>) target(%dma_start3A_1331 : memref<640x32xf32, #tpu.memory_space<hbm>>) target_semaphore(%arg12 : memref<!tpu.dma_semaphore, #tpu.memory_space<semaphore_mem>>)
    %add3A_1332 = arith.constant 2 : i32
    %add3A_1333 = arith.addi %add3A_673, %add3A_1332 : i32
    %min3A_1334 = arith.minsi %add3A_1333, %sub3A_5 : i32
    %mul3A_1335 = arith.constant 640 : i32
    %mul3A_1336 = arith.muli %min3A_1334, %mul3A_1335 : i32
    %dma_start3A_1337 = tpu.memref_slice %arg2[%mul3A_1336] : memref<1351680xi32, #tpu.memory_space<hbm>> -> memref<640xi32, #tpu.memory_space<hbm>>
    %dma_start3A_1338 = tpu.memref_slice %arg2[%mul3A_1336] : memref<1351680xi32, #tpu.memory_space<hbm>> -> memref<640xi32, #tpu.memory_space<hbm>>
    tpu.enqueue_dma source(%dma_start3A_1338 : memref<640xi32, #tpu.memory_space<hbm>>) target(%arg6 : memref<640xi32, #tpu.memory_space<vmem>>) target_semaphore(%arg10 : memref<!tpu.dma_semaphore, #tpu.memory_space<semaphore_mem>>)
    %scan3A = arith.constant 0 : i32
    %scan3A_1339 = arith.constant 1 : i32
    %scan3A_1340 = arith.constant 32 : i32
    %scan3A_1341 = arith.addi %scan3A_1339, %scan3A_1340 : i32
    %scan3A_1342 = arith.constant 1 : i32
    scf.for %scan3A_1364 = %scan3A_1339 to %scan3A_1341 step %scan3A_1342  : i32 {
      %mul3A_1365 = arith.constant 2 : i32
      %mul3A_1366 = arith.muli %mul3A_1365, %scan3A_1364 : i32
      %add3A_1367 = arith.addi %mul3A_2, %mul3A_1366 : i32
      %dma_wait3A_1368 = arith.constant 0 : i32
      %dma_wait3A_1369 = tpu.memref_slice %arg2[%dma_wait3A_1368] : memref<1351680xi32, #tpu.memory_space<hbm>> -> memref<640xi32, #tpu.memory_space<hbm>>
      %dma_wait3A_1370 = arith.constant 0 : i32
      %dma_wait3A_1371 = tpu.memref_slice %arg2[%dma_wait3A_1370] : memref<1351680xi32, #tpu.memory_space<hbm>> -> memref<640xi32, #tpu.memory_space<hbm>>
      tpu.wait_dma2 semaphore(%arg9 : memref<!tpu.dma_semaphore, #tpu.memory_space<semaphore_mem>>) src(%dma_wait3A_1371 : memref<640xi32, #tpu.memory_space<hbm>>) dst(%arg5 : memref<640xi32, #tpu.memory_space<vmem>>)
      %get3A_1372 = arith.constant 0 : index
      %get3A_1373 = tpu.vector_load %arg5[%get3A_1372] {strides = array<i32>} : memref<640xi32, #tpu.memory_space<vmem>>, vector<16xi32>,
      %get3A_1374 = vector.shape_cast %get3A_1373 : vector<16xi32> to vector<16xi32>
      %lt3A_1375 = arith.constant 0 : i32
      %lt3A_1376 = vector.broadcast %lt3A_1375 : i32 to vector<16xi32>
      %lt3A_1377 = arith.cmpi slt, %get3A_1374, %lt3A_1376 : vector<16xi32>
      %jit3A_1378 = arith.constant 50000 : i32
      %broadcast_in_dim3A_1379 = vector.broadcast %jit3A_1378 : i32 to vector<16xi32>
      %select_n3A_1380 = arith.select %lt3A_1377, %broadcast_in_dim3A_1379, %get3A_1374 : vector<16xi1>, vector<16xi32>
      %swap3A_1381 = arith.constant 0 : index
      %swap3A_1382 = tpu.vector_load %arg5[%swap3A_1381] {strides = array<i32>} : memref<640xi32, #tpu.memory_space<vmem>>, vector<16xi32>,
      %swap3A_1383 = vector.shape_cast %swap3A_1382 : vector<16xi32> to vector<16xi32>
      %swap3A_1384 = vector.shape_cast %select_n3A_1380 : vector<16xi32> to vector<16xi32>
      tpu.vector_store %arg5[%swap3A_1381], %swap3A_1384 {strides = array<i32>} : memref<640xi32, #tpu.memory_space<vmem>>, vector<16xi32>,
      %get3A_1385 = arith.constant 16 : index
      %get3A_1386 = tpu.vector_load %arg5[%get3A_1385] {strides = array<i32>} : memref<640xi32, #tpu.memory_space<vmem>>, vector<16xi32>,
      %get3A_1387 = vector.shape_cast %get3A_1386 : vector<16xi32> to vector<16xi32>
      %lt3A_1388 = arith.constant 0 : i32
      %lt3A_1389 = vector.broadcast %lt3A_1388 : i32 to vector<16xi32>
      %lt3A_1390 = arith.cmpi slt, %get3A_1387, %lt3A_1389 : vector<16xi32>
      %jit3A_1391 = arith.constant 50000 : i32
      %broadcast_in_dim3A_1392 = vector.broadcast %jit3A_1391 : i32 to vector<16xi32>
      %select_n3A_1393 = arith.select %lt3A_1390, %broadcast_in_dim3A_1392, %get3A_1387 : vector<16xi1>, vector<16xi32>
      %swap3A_1394 = arith.constant 16 : index
      %swap3A_1395 = tpu.vector_load %arg5[%swap3A_1394] {strides = array<i32>} : memref<640xi32, #tpu.memory_space<vmem>>, vector<16xi32>,
      %swap3A_1396 = vector.shape_cast %swap3A_1395 : vector<16xi32> to vector<16xi32>
      %swap3A_1397 = vector.shape_cast %select_n3A_1393 : vector<16xi32> to vector<16xi32>
      tpu.vector_store %arg5[%swap3A_1394], %swap3A_1397 {strides = array<i32>} : memref<640xi32, #tpu.memory_space<vmem>>, vector<16xi32>,
      %get3A_1398 = arith.constant 32 : index
      %get3A_1399 = tpu.vector_load %arg5[%get3A_1398] {strides = array<i32>} : memref<640xi32, #tpu.memory_space<vmem>>, vector<16xi32>,
      %get3A_1400 = vector.shape_cast %get3A_1399 : vector<16xi32> to vector<16xi32>
      %lt3A_1401 = arith.constant 0 : i32
      %lt3A_1402 = vector.broadcast %lt3A_1401 : i32 to vector<16xi32>
      %lt3A_1403 = arith.cmpi slt, %get3A_1400, %lt3A_1402 : vector<16xi32>
      %jit3A_1404 = arith.constant 50000 : i32
      %broadcast_in_dim3A_1405 = vector.broadcast %jit3A_1404 : i32 to vector<16xi32>
      %select_n3A_1406 = arith.select %lt3A_1403, %broadcast_in_dim3A_1405, %get3A_1400 : vector<16xi1>, vector<16xi32>
      %swap3A_1407 = arith.constant 32 : index
      %swap3A_1408 = tpu.vector_load %arg5[%swap3A_1407] {strides = array<i32>} : memref<640xi32, #tpu.memory_space<vmem>>, vector<16xi32>,
      %swap3A_1409 = vector.shape_cast %swap3A_1408 : vector<16xi32> to vector<16xi32>
      %swap3A_1410 = vector.shape_cast %select_n3A_1406 : vector<16xi32> to vector<16xi32>
      tpu.vector_store %arg5[%swap3A_1407], %swap3A_1410 {strides = array<i32>} : memref<640xi32, #tpu.memory_space<vmem>>, vector<16xi32>,
      %get3A_1411 = arith.constant 48 : index
      %get3A_1412 = tpu.vector_load %arg5[%get3A_1411] {strides = array<i32>} : memref<640xi32, #tpu.memory_space<vmem>>, vector<16xi32>,
      %get3A_1413 = vector.shape_cast %get3A_1412 : vector<16xi32> to vector<16xi32>
      %lt3A_1414 = arith.constant 0 : i32
      %lt3A_1415 = vector.broadcast %lt3A_1414 : i32 to vector<16xi32>
      %lt3A_1416 = arith.cmpi slt, %get3A_1413, %lt3A_1415 : vector<16xi32>
      %jit3A_1417 = arith.constant 50000 : i32
      %broadcast_in_dim3A_1418 = vector.broadcast %jit3A_1417 : i32 to vector<16xi32>
      %select_n3A_1419 = arith.select %lt3A_1416, %broadcast_in_dim3A_1418, %get3A_1413 : vector<16xi1>, vector<16xi32>
      %swap3A_1420 = arith.constant 48 : index
      %swap3A_1421 = tpu.vector_load %arg5[%swap3A_1420] {strides = array<i32>} : memref<640xi32, #tpu.memory_space<vmem>>, vector<16xi32>,
      %swap3A_1422 = vector.shape_cast %swap3A_1421 : vector<16xi32> to vector<16xi32>
      %swap3A_1423 = vector.shape_cast %select_n3A_1419 : vector<16xi32> to vector<16xi32>
      tpu.vector_store %arg5[%swap3A_1420], %swap3A_1423 {strides = array<i32>} : memref<640xi32, #tpu.memory_space<vmem>>, vector<16xi32>,
      %get3A_1424 = arith.constant 64 : index
      %get3A_1425 = tpu.vector_load %arg5[%get3A_1424] {strides = array<i32>} : memref<640xi32, #tpu.memory_space<vmem>>, vector<16xi32>,
      %get3A_1426 = vector.shape_cast %get3A_1425 : vector<16xi32> to vector<16xi32>
      %lt3A_1427 = arith.constant 0 : i32
      %lt3A_1428 = vector.broadcast %lt3A_1427 : i32 to vector<16xi32>
      %lt3A_1429 = arith.cmpi slt, %get3A_1426, %lt3A_1428 : vector<16xi32>
      %jit3A_1430 = arith.constant 50000 : i32
      %broadcast_in_dim3A_1431 = vector.broadcast %jit3A_1430 : i32 to vector<16xi32>
      %select_n3A_1432 = arith.select %lt3A_1429, %broadcast_in_dim3A_1431, %get3A_1426 : vector<16xi1>, vector<16xi32>
      %swap3A_1433 = arith.constant 64 : index
      %swap3A_1434 = tpu.vector_load %arg5[%swap3A_1433] {strides = array<i32>} : memref<640xi32, #tpu.memory_space<vmem>>, vector<16xi32>,
      %swap3A_1435 = vector.shape_cast %swap3A_1434 : vector<16xi32> to vector<16xi32>
      %swap3A_1436 = vector.shape_cast %select_n3A_1432 : vector<16xi32> to vector<16xi32>
      tpu.vector_store %arg5[%swap3A_1433], %swap3A_1436 {strides = array<i32>} : memref<640xi32, #tpu.memory_space<vmem>>, vector<16xi32>,
      %get3A_1437 = arith.constant 80 : index
      %get3A_1438 = tpu.vector_load %arg5[%get3A_1437] {strides = array<i32>} : memref<640xi32, #tpu.memory_space<vmem>>, vector<16xi32>,
      %get3A_1439 = vector.shape_cast %get3A_1438 : vector<16xi32> to vector<16xi32>
      %lt3A_1440 = arith.constant 0 : i32
      %lt3A_1441 = vector.broadcast %lt3A_1440 : i32 to vector<16xi32>
      %lt3A_1442 = arith.cmpi slt, %get3A_1439, %lt3A_1441 : vector<16xi32>
      %jit3A_1443 = arith.constant 50000 : i32
      %broadcast_in_dim3A_1444 = vector.broadcast %jit3A_1443 : i32 to vector<16xi32>
      %select_n3A_1445 = arith.select %lt3A_1442, %broadcast_in_dim3A_1444, %get3A_1439 : vector<16xi1>, vector<16xi32>
      %swap3A_1446 = arith.constant 80 : index
      %swap3A_1447 = tpu.vector_load %arg5[%swap3A_1446] {strides = array<i32>} : memref<640xi32, #tpu.memory_space<vmem>>, vector<16xi32>,
      %swap3A_1448 = vector.shape_cast %swap3A_1447 : vector<16xi32> to vector<16xi32>
      %swap3A_1449 = vector.shape_cast %select_n3A_1445 : vector<16xi32> to vector<16xi32>
      tpu.vector_store %arg5[%swap3A_1446], %swap3A_1449 {strides = array<i32>} : memref<640xi32, #tpu.memory_space<vmem>>, vector<16xi32>,
      %get3A_1450 = arith.constant 96 : index
      %get3A_1451 = tpu.vector_load %arg5[%get3A_1450] {strides = array<i32>} : memref<640xi32, #tpu.memory_space<vmem>>, vector<16xi32>,
      %get3A_1452 = vector.shape_cast %get3A_1451 : vector<16xi32> to vector<16xi32>
      %lt3A_1453 = arith.constant 0 : i32
      %lt3A_1454 = vector.broadcast %lt3A_1453 : i32 to vector<16xi32>
      %lt3A_1455 = arith.cmpi slt, %get3A_1452, %lt3A_1454 : vector<16xi32>
      %jit3A_1456 = arith.constant 50000 : i32
      %broadcast_in_dim3A_1457 = vector.broadcast %jit3A_1456 : i32 to vector<16xi32>
      %select_n3A_1458 = arith.select %lt3A_1455, %broadcast_in_dim3A_1457, %get3A_1452 : vector<16xi1>, vector<16xi32>
      %swap3A_1459 = arith.constant 96 : index
      %swap3A_1460 = tpu.vector_load %arg5[%swap3A_1459] {strides = array<i32>} : memref<640xi32, #tpu.memory_space<vmem>>, vector<16xi32>,
      %swap3A_1461 = vector.shape_cast %swap3A_1460 : vector<16xi32> to vector<16xi32>
      %swap3A_1462 = vector.shape_cast %select_n3A_1458 : vector<16xi32> to vector<16xi32>
      tpu.vector_store %arg5[%swap3A_1459], %swap3A_1462 {strides = array<i32>} : memref<640xi32, #tpu.memory_space<vmem>>, vector<16xi32>,
      %get3A_1463 = arith.constant 112 : index
      %get3A_1464 = tpu.vector_load %arg5[%get3A_1463] {strides = array<i32>} : memref<640xi32, #tpu.memory_space<vmem>>, vector<16xi32>,
      %get3A_1465 = vector.shape_cast %get3A_1464 : vector<16xi32> to vector<16xi32>
      %lt3A_1466 = arith.constant 0 : i32
      %lt3A_1467 = vector.broadcast %lt3A_1466 : i32 to vector<16xi32>
      %lt3A_1468 = arith.cmpi slt, %get3A_1465, %lt3A_1467 : vector<16xi32>
      %jit3A_1469 = arith.constant 50000 : i32
      %broadcast_in_dim3A_1470 = vector.broadcast %jit3A_1469 : i32 to vector<16xi32>
      %select_n3A_1471 = arith.select %lt3A_1468, %broadcast_in_dim3A_1470, %get3A_1465 : vector<16xi1>, vector<16xi32>
      %swap3A_1472 = arith.constant 112 : index
      %swap3A_1473 = tpu.vector_load %arg5[%swap3A_1472] {strides = array<i32>} : memref<640xi32, #tpu.memory_space<vmem>>, vector<16xi32>,
      %swap3A_1474 = vector.shape_cast %swap3A_1473 : vector<16xi32> to vector<16xi32>
      %swap3A_1475 = vector.shape_cast %select_n3A_1471 : vector<16xi32> to vector<16xi32>
      tpu.vector_store %arg5[%swap3A_1472], %swap3A_1475 {strides = array<i32>} : memref<640xi32, #tpu.memory_space<vmem>>, vector<16xi32>,
      %get3A_1476 = arith.constant 128 : index
      %get3A_1477 = tpu.vector_load %arg5[%get3A_1476] {strides = array<i32>} : memref<640xi32, #tpu.memory_space<vmem>>, vector<16xi32>,
      %get3A_1478 = vector.shape_cast %get3A_1477 : vector<16xi32> to vector<16xi32>
      %lt3A_1479 = arith.constant 0 : i32
      %lt3A_1480 = vector.broadcast %lt3A_1479 : i32 to vector<16xi32>
      %lt3A_1481 = arith.cmpi slt, %get3A_1478, %lt3A_1480 : vector<16xi32>
      %jit3A_1482 = arith.constant 50000 : i32
      %broadcast_in_dim3A_1483 = vector.broadcast %jit3A_1482 : i32 to vector<16xi32>
      %select_n3A_1484 = arith.select %lt3A_1481, %broadcast_in_dim3A_1483, %get3A_1478 : vector<16xi1>, vector<16xi32>
      %swap3A_1485 = arith.constant 128 : index
      %swap3A_1486 = tpu.vector_load %arg5[%swap3A_1485] {strides = array<i32>} : memref<640xi32, #tpu.memory_space<vmem>>, vector<16xi32>,
      %swap3A_1487 = vector.shape_cast %swap3A_1486 : vector<16xi32> to vector<16xi32>
      %swap3A_1488 = vector.shape_cast %select_n3A_1484 : vector<16xi32> to vector<16xi32>
      tpu.vector_store %arg5[%swap3A_1485], %swap3A_1488 {strides = array<i32>} : memref<640xi32, #tpu.memory_space<vmem>>, vector<16xi32>,
      %get3A_1489 = arith.constant 144 : index
      %get3A_1490 = tpu.vector_load %arg5[%get3A_1489] {strides = array<i32>} : memref<640xi32, #tpu.memory_space<vmem>>, vector<16xi32>,
      %get3A_1491 = vector.shape_cast %get3A_1490 : vector<16xi32> to vector<16xi32>
      %lt3A_1492 = arith.constant 0 : i32
      %lt3A_1493 = vector.broadcast %lt3A_1492 : i32 to vector<16xi32>
      %lt3A_1494 = arith.cmpi slt, %get3A_1491, %lt3A_1493 : vector<16xi32>
      %jit3A_1495 = arith.constant 50000 : i32
      %broadcast_in_dim3A_1496 = vector.broadcast %jit3A_1495 : i32 to vector<16xi32>
      %select_n3A_1497 = arith.select %lt3A_1494, %broadcast_in_dim3A_1496, %get3A_1491 : vector<16xi1>, vector<16xi32>
      %swap3A_1498 = arith.constant 144 : index
      %swap3A_1499 = tpu.vector_load %arg5[%swap3A_1498] {strides = array<i32>} : memref<640xi32, #tpu.memory_space<vmem>>, vector<16xi32>,
      %swap3A_1500 = vector.shape_cast %swap3A_1499 : vector<16xi32> to vector<16xi32>
      %swap3A_1501 = vector.shape_cast %select_n3A_1497 : vector<16xi32> to vector<16xi32>
      tpu.vector_store %arg5[%swap3A_1498], %swap3A_1501 {strides = array<i32>} : memref<640xi32, #tpu.memory_space<vmem>>, vector<16xi32>,
      %get3A_1502 = arith.constant 160 : index
      %get3A_1503 = tpu.vector_load %arg5[%get3A_1502] {strides = array<i32>} : memref<640xi32, #tpu.memory_space<vmem>>, vector<16xi32>,
      %get3A_1504 = vector.shape_cast %get3A_1503 : vector<16xi32> to vector<16xi32>
      %lt3A_1505 = arith.constant 0 : i32
      %lt3A_1506 = vector.broadcast %lt3A_1505 : i32 to vector<16xi32>
      %lt3A_1507 = arith.cmpi slt, %get3A_1504, %lt3A_1506 : vector<16xi32>
      %jit3A_1508 = arith.constant 50000 : i32
      %broadcast_in_dim3A_1509 = vector.broadcast %jit3A_1508 : i32 to vector<16xi32>
      %select_n3A_1510 = arith.select %lt3A_1507, %broadcast_in_dim3A_1509, %get3A_1504 : vector<16xi1>, vector<16xi32>
      %swap3A_1511 = arith.constant 160 : index
      %swap3A_1512 = tpu.vector_load %arg5[%swap3A_1511] {strides = array<i32>} : memref<640xi32, #tpu.memory_space<vmem>>, vector<16xi32>,
      %swap3A_1513 = vector.shape_cast %swap3A_1512 : vector<16xi32> to vector<16xi32>
      %swap3A_1514 = vector.shape_cast %select_n3A_1510 : vector<16xi32> to vector<16xi32>
      tpu.vector_store %arg5[%swap3A_1511], %swap3A_1514 {strides = array<i32>} : memref<640xi32, #tpu.memory_space<vmem>>, vector<16xi32>,
      %get3A_1515 = arith.constant 176 : index
      %get3A_1516 = tpu.vector_load %arg5[%get3A_1515] {strides = array<i32>} : memref<640xi32, #tpu.memory_space<vmem>>, vector<16xi32>,
      %get3A_1517 = vector.shape_cast %get3A_1516 : vector<16xi32> to vector<16xi32>
      %lt3A_1518 = arith.constant 0 : i32
      %lt3A_1519 = vector.broadcast %lt3A_1518 : i32 to vector<16xi32>
      %lt3A_1520 = arith.cmpi slt, %get3A_1517, %lt3A_1519 : vector<16xi32>
      %jit3A_1521 = arith.constant 50000 : i32
      %broadcast_in_dim3A_1522 = vector.broadcast %jit3A_1521 : i32 to vector<16xi32>
      %select_n3A_1523 = arith.select %lt3A_1520, %broadcast_in_dim3A_1522, %get3A_1517 : vector<16xi1>, vector<16xi32>
      %swap3A_1524 = arith.constant 176 : index
      %swap3A_1525 = tpu.vector_load %arg5[%swap3A_1524] {strides = array<i32>} : memref<640xi32, #tpu.memory_space<vmem>>, vector<16xi32>,
      %swap3A_1526 = vector.shape_cast %swap3A_1525 : vector<16xi32> to vector<16xi32>
      %swap3A_1527 = vector.shape_cast %select_n3A_1523 : vector<16xi32> to vector<16xi32>
      tpu.vector_store %arg5[%swap3A_1524], %swap3A_1527 {strides = array<i32>} : memref<640xi32, #tpu.memory_space<vmem>>, vector<16xi32>,
      %get3A_1528 = arith.constant 192 : index
      %get3A_1529 = tpu.vector_load %arg5[%get3A_1528] {strides = array<i32>} : memref<640xi32, #tpu.memory_space<vmem>>, vector<16xi32>,
      %get3A_1530 = vector.shape_cast %get3A_1529 : vector<16xi32> to vector<16xi32>
      %lt3A_1531 = arith.constant 0 : i32
      %lt3A_1532 = vector.broadcast %lt3A_1531 : i32 to vector<16xi32>
      %lt3A_1533 = arith.cmpi slt, %get3A_1530, %lt3A_1532 : vector<16xi32>
      %jit3A_1534 = arith.constant 50000 : i32
      %broadcast_in_dim3A_1535 = vector.broadcast %jit3A_1534 : i32 to vector<16xi32>
      %select_n3A_1536 = arith.select %lt3A_1533, %broadcast_in_dim3A_1535, %get3A_1530 : vector<16xi1>, vector<16xi32>
      %swap3A_1537 = arith.constant 192 : index
      %swap3A_1538 = tpu.vector_load %arg5[%swap3A_1537] {strides = array<i32>} : memref<640xi32, #tpu.memory_space<vmem>>, vector<16xi32>,
      %swap3A_1539 = vector.shape_cast %swap3A_1538 : vector<16xi32> to vector<16xi32>
      %swap3A_1540 = vector.shape_cast %select_n3A_1536 : vector<16xi32> to vector<16xi32>
      tpu.vector_store %arg5[%swap3A_1537], %swap3A_1540 {strides = array<i32>} : memref<640xi32, #tpu.memory_space<vmem>>, vector<16xi32>,
      %get3A_1541 = arith.constant 208 : index
      %get3A_1542 = tpu.vector_load %arg5[%get3A_1541] {strides = array<i32>} : memref<640xi32, #tpu.memory_space<vmem>>, vector<16xi32>,
      %get3A_1543 = vector.shape_cast %get3A_1542 : vector<16xi32> to vector<16xi32>
      %lt3A_1544 = arith.constant 0 : i32
      %lt3A_1545 = vector.broadcast %lt3A_1544 : i32 to vector<16xi32>
      %lt3A_1546 = arith.cmpi slt, %get3A_1543, %lt3A_1545 : vector<16xi32>
      %jit3A_1547 = arith.constant 50000 : i32
      %broadcast_in_dim3A_1548 = vector.broadcast %jit3A_1547 : i32 to vector<16xi32>
      %select_n3A_1549 = arith.select %lt3A_1546, %broadcast_in_dim3A_1548, %get3A_1543 : vector<16xi1>, vector<16xi32>
      %swap3A_1550 = arith.constant 208 : index
      %swap3A_1551 = tpu.vector_load %arg5[%swap3A_1550] {strides = array<i32>} : memref<640xi32, #tpu.memory_space<vmem>>, vector<16xi32>,
      %swap3A_1552 = vector.shape_cast %swap3A_1551 : vector<16xi32> to vector<16xi32>
      %swap3A_1553 = vector.shape_cast %select_n3A_1549 : vector<16xi32> to vector<16xi32>
      tpu.vector_store %arg5[%swap3A_1550], %swap3A_1553 {strides = array<i32>} : memref<640xi32, #tpu.memory_space<vmem>>, vector<16xi32>,
      %get3A_1554 = arith.constant 224 : index
      %get3A_1555 = tpu.vector_load %arg5[%get3A_1554] {strides = array<i32>} : memref<640xi32, #tpu.memory_space<vmem>>, vector<16xi32>,
      %get3A_1556 = vector.shape_cast %get3A_1555 : vector<16xi32> to vector<16xi32>
      %lt3A_1557 = arith.constant 0 : i32
      %lt3A_1558 = vector.broadcast %lt3A_1557 : i32 to vector<16xi32>
      %lt3A_1559 = arith.cmpi slt, %get3A_1556, %lt3A_1558 : vector<16xi32>
      %jit3A_1560 = arith.constant 50000 : i32
      %broadcast_in_dim3A_1561 = vector.broadcast %jit3A_1560 : i32 to vector<16xi32>
      %select_n3A_1562 = arith.select %lt3A_1559, %broadcast_in_dim3A_1561, %get3A_1556 : vector<16xi1>, vector<16xi32>
      %swap3A_1563 = arith.constant 224 : index
      %swap3A_1564 = tpu.vector_load %arg5[%swap3A_1563] {strides = array<i32>} : memref<640xi32, #tpu.memory_space<vmem>>, vector<16xi32>,
      %swap3A_1565 = vector.shape_cast %swap3A_1564 : vector<16xi32> to vector<16xi32>
      %swap3A_1566 = vector.shape_cast %select_n3A_1562 : vector<16xi32> to vector<16xi32>
      tpu.vector_store %arg5[%swap3A_1563], %swap3A_1566 {strides = array<i32>} : memref<640xi32, #tpu.memory_space<vmem>>, vector<16xi32>,
      %get3A_1567 = arith.constant 240 : index
      %get3A_1568 = tpu.vector_load %arg5[%get3A_1567] {strides = array<i32>} : memref<640xi32, #tpu.memory_space<vmem>>, vector<16xi32>,
      %get3A_1569 = vector.shape_cast %get3A_1568 : vector<16xi32> to vector<16xi32>
      %lt3A_1570 = arith.constant 0 : i32
      %lt3A_1571 = vector.broadcast %lt3A_1570 : i32 to vector<16xi32>
      %lt3A_1572 = arith.cmpi slt, %get3A_1569, %lt3A_1571 : vector<16xi32>
      %jit3A_1573 = arith.constant 50000 : i32
      %broadcast_in_dim3A_1574 = vector.broadcast %jit3A_1573 : i32 to vector<16xi32>
      %select_n3A_1575 = arith.select %lt3A_1572, %broadcast_in_dim3A_1574, %get3A_1569 : vector<16xi1>, vector<16xi32>
      %swap3A_1576 = arith.constant 240 : index
      %swap3A_1577 = tpu.vector_load %arg5[%swap3A_1576] {strides = array<i32>} : memref<640xi32, #tpu.memory_space<vmem>>, vector<16xi32>,
      %swap3A_1578 = vector.shape_cast %swap3A_1577 : vector<16xi32> to vector<16xi32>
      %swap3A_1579 = vector.shape_cast %select_n3A_1575 : vector<16xi32> to vector<16xi32>
      tpu.vector_store %arg5[%swap3A_1576], %swap3A_1579 {strides = array<i32>} : memref<640xi32, #tpu.memory_space<vmem>>, vector<16xi32>,
      %get3A_1580 = arith.constant 256 : index
      %get3A_1581 = tpu.vector_load %arg5[%get3A_1580] {strides = array<i32>} : memref<640xi32, #tpu.memory_space<vmem>>, vector<16xi32>,
      %get3A_1582 = vector.shape_cast %get3A_1581 : vector<16xi32> to vector<16xi32>
      %lt3A_1583 = arith.constant 0 : i32
      %lt3A_1584 = vector.broadcast %lt3A_1583 : i32 to vector<16xi32>
      %lt3A_1585 = arith.cmpi slt, %get3A_1582, %lt3A_1584 : vector<16xi32>
      %jit3A_1586 = arith.constant 50000 : i32
      %broadcast_in_dim3A_1587 = vector.broadcast %jit3A_1586 : i32 to vector<16xi32>
      %select_n3A_1588 = arith.select %lt3A_1585, %broadcast_in_dim3A_1587, %get3A_1582 : vector<16xi1>, vector<16xi32>
      %swap3A_1589 = arith.constant 256 : index
      %swap3A_1590 = tpu.vector_load %arg5[%swap3A_1589] {strides = array<i32>} : memref<640xi32, #tpu.memory_space<vmem>>, vector<16xi32>,
      %swap3A_1591 = vector.shape_cast %swap3A_1590 : vector<16xi32> to vector<16xi32>
      %swap3A_1592 = vector.shape_cast %select_n3A_1588 : vector<16xi32> to vector<16xi32>
      tpu.vector_store %arg5[%swap3A_1589], %swap3A_1592 {strides = array<i32>} : memref<640xi32, #tpu.memory_space<vmem>>, vector<16xi32>,
      %get3A_1593 = arith.constant 272 : index
      %get3A_1594 = tpu.vector_load %arg5[%get3A_1593] {strides = array<i32>} : memref<640xi32, #tpu.memory_space<vmem>>, vector<16xi32>,
      %get3A_1595 = vector.shape_cast %get3A_1594 : vector<16xi32> to vector<16xi32>
      %lt3A_1596 = arith.constant 0 : i32
      %lt3A_1597 = vector.broadcast %lt3A_1596 : i32 to vector<16xi32>
      %lt3A_1598 = arith.cmpi slt, %get3A_1595, %lt3A_1597 : vector<16xi32>
      %jit3A_1599 = arith.constant 50000 : i32
      %broadcast_in_dim3A_1600 = vector.broadcast %jit3A_1599 : i32 to vector<16xi32>
      %select_n3A_1601 = arith.select %lt3A_1598, %broadcast_in_dim3A_1600, %get3A_1595 : vector<16xi1>, vector<16xi32>
      %swap3A_1602 = arith.constant 272 : index
      %swap3A_1603 = tpu.vector_load %arg5[%swap3A_1602] {strides = array<i32>} : memref<640xi32, #tpu.memory_space<vmem>>, vector<16xi32>,
      %swap3A_1604 = vector.shape_cast %swap3A_1603 : vector<16xi32> to vector<16xi32>
      %swap3A_1605 = vector.shape_cast %select_n3A_1601 : vector<16xi32> to vector<16xi32>
      tpu.vector_store %arg5[%swap3A_1602], %swap3A_1605 {strides = array<i32>} : memref<640xi32, #tpu.memory_space<vmem>>, vector<16xi32>,
      %get3A_1606 = arith.constant 288 : index
      %get3A_1607 = tpu.vector_load %arg5[%get3A_1606] {strides = array<i32>} : memref<640xi32, #tpu.memory_space<vmem>>, vector<16xi32>,
      %get3A_1608 = vector.shape_cast %get3A_1607 : vector<16xi32> to vector<16xi32>
      %lt3A_1609 = arith.constant 0 : i32
      %lt3A_1610 = vector.broadcast %lt3A_1609 : i32 to vector<16xi32>
      %lt3A_1611 = arith.cmpi slt, %get3A_1608, %lt3A_1610 : vector<16xi32>
      %jit3A_1612 = arith.constant 50000 : i32
      %broadcast_in_dim3A_1613 = vector.broadcast %jit3A_1612 : i32 to vector<16xi32>
      %select_n3A_1614 = arith.select %lt3A_1611, %broadcast_in_dim3A_1613, %get3A_1608 : vector<16xi1>, vector<16xi32>
      %swap3A_1615 = arith.constant 288 : index
      %swap3A_1616 = tpu.vector_load %arg5[%swap3A_1615] {strides = array<i32>} : memref<640xi32, #tpu.memory_space<vmem>>, vector<16xi32>,
      %swap3A_1617 = vector.shape_cast %swap3A_1616 : vector<16xi32> to vector<16xi32>
      %swap3A_1618 = vector.shape_cast %select_n3A_1614 : vector<16xi32> to vector<16xi32>
      tpu.vector_store %arg5[%swap3A_1615], %swap3A_1618 {strides = array<i32>} : memref<640xi32, #tpu.memory_space<vmem>>, vector<16xi32>,
      %get3A_1619 = arith.constant 304 : index
      %get3A_1620 = tpu.vector_load %arg5[%get3A_1619] {strides = array<i32>} : memref<640xi32, #tpu.memory_space<vmem>>, vector<16xi32>,
      %get3A_1621 = vector.shape_cast %get3A_1620 : vector<16xi32> to vector<16xi32>
      %lt3A_1622 = arith.constant 0 : i32
      %lt3A_1623 = vector.broadcast %lt3A_1622 : i32 to vector<16xi32>
      %lt3A_1624 = arith.cmpi slt, %get3A_1621, %lt3A_1623 : vector<16xi32>
      %jit3A_1625 = arith.constant 50000 : i32
      %broadcast_in_dim3A_1626 = vector.broadcast %jit3A_1625 : i32 to vector<16xi32>
      %select_n3A_1627 = arith.select %lt3A_1624, %broadcast_in_dim3A_1626, %get3A_1621 : vector<16xi1>, vector<16xi32>
      %swap3A_1628 = arith.constant 304 : index
      %swap3A_1629 = tpu.vector_load %arg5[%swap3A_1628] {strides = array<i32>} : memref<640xi32, #tpu.memory_space<vmem>>, vector<16xi32>,
      %swap3A_1630 = vector.shape_cast %swap3A_1629 : vector<16xi32> to vector<16xi32>
      %swap3A_1631 = vector.shape_cast %select_n3A_1627 : vector<16xi32> to vector<16xi32>
      tpu.vector_store %arg5[%swap3A_1628], %swap3A_1631 {strides = array<i32>} : memref<640xi32, #tpu.memory_space<vmem>>, vector<16xi32>,
      %get3A_1632 = arith.constant 320 : index
      %get3A_1633 = tpu.vector_load %arg5[%get3A_1632] {strides = array<i32>} : memref<640xi32, #tpu.memory_space<vmem>>, vector<16xi32>,
      %get3A_1634 = vector.shape_cast %get3A_1633 : vector<16xi32> to vector<16xi32>
      %lt3A_1635 = arith.constant 0 : i32
      %lt3A_1636 = vector.broadcast %lt3A_1635 : i32 to vector<16xi32>
      %lt3A_1637 = arith.cmpi slt, %get3A_1634, %lt3A_1636 : vector<16xi32>
      %jit3A_1638 = arith.constant 50000 : i32
      %broadcast_in_dim3A_1639 = vector.broadcast %jit3A_1638 : i32 to vector<16xi32>
      %select_n3A_1640 = arith.select %lt3A_1637, %broadcast_in_dim3A_1639, %get3A_1634 : vector<16xi1>, vector<16xi32>
      %swap3A_1641 = arith.constant 320 : index
      %swap3A_1642 = tpu.vector_load %arg5[%swap3A_1641] {strides = array<i32>} : memref<640xi32, #tpu.memory_space<vmem>>, vector<16xi32>,
      %swap3A_1643 = vector.shape_cast %swap3A_1642 : vector<16xi32> to vector<16xi32>
      %swap3A_1644 = vector.shape_cast %select_n3A_1640 : vector<16xi32> to vector<16xi32>
      tpu.vector_store %arg5[%swap3A_1641], %swap3A_1644 {strides = array<i32>} : memref<640xi32, #tpu.memory_space<vmem>>, vector<16xi32>,
      %get3A_1645 = arith.constant 336 : index
      %get3A_1646 = tpu.vector_load %arg5[%get3A_1645] {strides = array<i32>} : memref<640xi32, #tpu.memory_space<vmem>>, vector<16xi32>,
      %get3A_1647 = vector.shape_cast %get3A_1646 : vector<16xi32> to vector<16xi32>
      %lt3A_1648 = arith.constant 0 : i32
      %lt3A_1649 = vector.broadcast %lt3A_1648 : i32 to vector<16xi32>
      %lt3A_1650 = arith.cmpi slt, %get3A_1647, %lt3A_1649 : vector<16xi32>
      %jit3A_1651 = arith.constant 50000 : i32
      %broadcast_in_dim3A_1652 = vector.broadcast %jit3A_1651 : i32 to vector<16xi32>
      %select_n3A_1653 = arith.select %lt3A_1650, %broadcast_in_dim3A_1652, %get3A_1647 : vector<16xi1>, vector<16xi32>
      %swap3A_1654 = arith.constant 336 : index
      %swap3A_1655 = tpu.vector_load %arg5[%swap3A_1654] {strides = array<i32>} : memref<640xi32, #tpu.memory_space<vmem>>, vector<16xi32>,
      %swap3A_1656 = vector.shape_cast %swap3A_1655 : vector<16xi32> to vector<16xi32>
      %swap3A_1657 = vector.shape_cast %select_n3A_1653 : vector<16xi32> to vector<16xi32>
      tpu.vector_store %arg5[%swap3A_1654], %swap3A_1657 {strides = array<i32>} : memref<640xi32, #tpu.memory_space<vmem>>, vector<16xi32>,
      %get3A_1658 = arith.constant 352 : index
      %get3A_1659 = tpu.vector_load %arg5[%get3A_1658] {strides = array<i32>} : memref<640xi32, #tpu.memory_space<vmem>>, vector<16xi32>,
      %get3A_1660 = vector.shape_cast %get3A_1659 : vector<16xi32> to vector<16xi32>
      %lt3A_1661 = arith.constant 0 : i32
      %lt3A_1662 = vector.broadcast %lt3A_1661 : i32 to vector<16xi32>
      %lt3A_1663 = arith.cmpi slt, %get3A_1660, %lt3A_1662 : vector<16xi32>
      %jit3A_1664 = arith.constant 50000 : i32
      %broadcast_in_dim3A_1665 = vector.broadcast %jit3A_1664 : i32 to vector<16xi32>
      %select_n3A_1666 = arith.select %lt3A_1663, %broadcast_in_dim3A_1665, %get3A_1660 : vector<16xi1>, vector<16xi32>
      %swap3A_1667 = arith.constant 352 : index
      %swap3A_1668 = tpu.vector_load %arg5[%swap3A_1667] {strides = array<i32>} : memref<640xi32, #tpu.memory_space<vmem>>, vector<16xi32>,
      %swap3A_1669 = vector.shape_cast %swap3A_1668 : vector<16xi32> to vector<16xi32>
      %swap3A_1670 = vector.shape_cast %select_n3A_1666 : vector<16xi32> to vector<16xi32>
      tpu.vector_store %arg5[%swap3A_1667], %swap3A_1670 {strides = array<i32>} : memref<640xi32, #tpu.memory_space<vmem>>, vector<16xi32>,
      %get3A_1671 = arith.constant 368 : index
      %get3A_1672 = tpu.vector_load %arg5[%get3A_1671] {strides = array<i32>} : memref<640xi32, #tpu.memory_space<vmem>>, vector<16xi32>,
      %get3A_1673 = vector.shape_cast %get3A_1672 : vector<16xi32> to vector<16xi32>
      %lt3A_1674 = arith.constant 0 : i32
      %lt3A_1675 = vector.broadcast %lt3A_1674 : i32 to vector<16xi32>
      %lt3A_1676 = arith.cmpi slt, %get3A_1673, %lt3A_1675 : vector<16xi32>
      %jit3A_1677 = arith.constant 50000 : i32
      %broadcast_in_dim3A_1678 = vector.broadcast %jit3A_1677 : i32 to vector<16xi32>
      %select_n3A_1679 = arith.select %lt3A_1676, %broadcast_in_dim3A_1678, %get3A_1673 : vector<16xi1>, vector<16xi32>
      %swap3A_1680 = arith.constant 368 : index
      %swap3A_1681 = tpu.vector_load %arg5[%swap3A_1680] {strides = array<i32>} : memref<640xi32, #tpu.memory_space<vmem>>, vector<16xi32>,
      %swap3A_1682 = vector.shape_cast %swap3A_1681 : vector<16xi32> to vector<16xi32>
      %swap3A_1683 = vector.shape_cast %select_n3A_1679 : vector<16xi32> to vector<16xi32>
      tpu.vector_store %arg5[%swap3A_1680], %swap3A_1683 {strides = array<i32>} : memref<640xi32, #tpu.memory_space<vmem>>, vector<16xi32>,
      %get3A_1684 = arith.constant 384 : index
      %get3A_1685 = tpu.vector_load %arg5[%get3A_1684] {strides = array<i32>} : memref<640xi32, #tpu.memory_space<vmem>>, vector<16xi32>,
      %get3A_1686 = vector.shape_cast %get3A_1685 : vector<16xi32> to vector<16xi32>
      %lt3A_1687 = arith.constant 0 : i32
      %lt3A_1688 = vector.broadcast %lt3A_1687 : i32 to vector<16xi32>
      %lt3A_1689 = arith.cmpi slt, %get3A_1686, %lt3A_1688 : vector<16xi32>
      %jit3A_1690 = arith.constant 50000 : i32
      %broadcast_in_dim3A_1691 = vector.broadcast %jit3A_1690 : i32 to vector<16xi32>
      %select_n3A_1692 = arith.select %lt3A_1689, %broadcast_in_dim3A_1691, %get3A_1686 : vector<16xi1>, vector<16xi32>
      %swap3A_1693 = arith.constant 384 : index
      %swap3A_1694 = tpu.vector_load %arg5[%swap3A_1693] {strides = array<i32>} : memref<640xi32, #tpu.memory_space<vmem>>, vector<16xi32>,
      %swap3A_1695 = vector.shape_cast %swap3A_1694 : vector<16xi32> to vector<16xi32>
      %swap3A_1696 = vector.shape_cast %select_n3A_1692 : vector<16xi32> to vector<16xi32>
      tpu.vector_store %arg5[%swap3A_1693], %swap3A_1696 {strides = array<i32>} : memref<640xi32, #tpu.memory_space<vmem>>, vector<16xi32>,
      %get3A_1697 = arith.constant 400 : index
      %get3A_1698 = tpu.vector_load %arg5[%get3A_1697] {strides = array<i32>} : memref<640xi32, #tpu.memory_space<vmem>>, vector<16xi32>,
      %get3A_1699 = vector.shape_cast %get3A_1698 : vector<16xi32> to vector<16xi32>
      %lt3A_1700 = arith.constant 0 : i32
      %lt3A_1701 = vector.broadcast %lt3A_1700 : i32 to vector<16xi32>
      %lt3A_1702 = arith.cmpi slt, %get3A_1699, %lt3A_1701 : vector<16xi32>
      %jit3A_1703 = arith.constant 50000 : i32
      %broadcast_in_dim3A_1704 = vector.broadcast %jit3A_1703 : i32 to vector<16xi32>
      %select_n3A_1705 = arith.select %lt3A_1702, %broadcast_in_dim3A_1704, %get3A_1699 : vector<16xi1>, vector<16xi32>
      %swap3A_1706 = arith.constant 400 : index
      %swap3A_1707 = tpu.vector_load %arg5[%swap3A_1706] {strides = array<i32>} : memref<640xi32, #tpu.memory_space<vmem>>, vector<16xi32>,
      %swap3A_1708 = vector.shape_cast %swap3A_1707 : vector<16xi32> to vector<16xi32>
      %swap3A_1709 = vector.shape_cast %select_n3A_1705 : vector<16xi32> to vector<16xi32>
      tpu.vector_store %arg5[%swap3A_1706], %swap3A_1709 {strides = array<i32>} : memref<640xi32, #tpu.memory_space<vmem>>, vector<16xi32>,
      %get3A_1710 = arith.constant 416 : index
      %get3A_1711 = tpu.vector_load %arg5[%get3A_1710] {strides = array<i32>} : memref<640xi32, #tpu.memory_space<vmem>>, vector<16xi32>,
      %get3A_1712 = vector.shape_cast %get3A_1711 : vector<16xi32> to vector<16xi32>
      %lt3A_1713 = arith.constant 0 : i32
      %lt3A_1714 = vector.broadcast %lt3A_1713 : i32 to vector<16xi32>
      %lt3A_1715 = arith.cmpi slt, %get3A_1712, %lt3A_1714 : vector<16xi32>
      %jit3A_1716 = arith.constant 50000 : i32
      %broadcast_in_dim3A_1717 = vector.broadcast %jit3A_1716 : i32 to vector<16xi32>
      %select_n3A_1718 = arith.select %lt3A_1715, %broadcast_in_dim3A_1717, %get3A_1712 : vector<16xi1>, vector<16xi32>
      %swap3A_1719 = arith.constant 416 : index
      %swap3A_1720 = tpu.vector_load %arg5[%swap3A_1719] {strides = array<i32>} : memref<640xi32, #tpu.memory_space<vmem>>, vector<16xi32>,
      %swap3A_1721 = vector.shape_cast %swap3A_1720 : vector<16xi32> to vector<16xi32>
      %swap3A_1722 = vector.shape_cast %select_n3A_1718 : vector<16xi32> to vector<16xi32>
      tpu.vector_store %arg5[%swap3A_1719], %swap3A_1722 {strides = array<i32>} : memref<640xi32, #tpu.memory_space<vmem>>, vector<16xi32>,
      %get3A_1723 = arith.constant 432 : index
      %get3A_1724 = tpu.vector_load %arg5[%get3A_1723] {strides = array<i32>} : memref<640xi32, #tpu.memory_space<vmem>>, vector<16xi32>,
      %get3A_1725 = vector.shape_cast %get3A_1724 : vector<16xi32> to vector<16xi32>
      %lt3A_1726 = arith.constant 0 : i32
      %lt3A_1727 = vector.broadcast %lt3A_1726 : i32 to vector<16xi32>
      %lt3A_1728 = arith.cmpi slt, %get3A_1725, %lt3A_1727 : vector<16xi32>
      %jit3A_1729 = arith.constant 50000 : i32
      %broadcast_in_dim3A_1730 = vector.broadcast %jit3A_1729 : i32 to vector<16xi32>
      %select_n3A_1731 = arith.select %lt3A_1728, %broadcast_in_dim3A_1730, %get3A_1725 : vector<16xi1>, vector<16xi32>
      %swap3A_1732 = arith.constant 432 : index
      %swap3A_1733 = tpu.vector_load %arg5[%swap3A_1732] {strides = array<i32>} : memref<640xi32, #tpu.memory_space<vmem>>, vector<16xi32>,
      %swap3A_1734 = vector.shape_cast %swap3A_1733 : vector<16xi32> to vector<16xi32>
      %swap3A_1735 = vector.shape_cast %select_n3A_1731 : vector<16xi32> to vector<16xi32>
      tpu.vector_store %arg5[%swap3A_1732], %swap3A_1735 {strides = array<i32>} : memref<640xi32, #tpu.memory_space<vmem>>, vector<16xi32>,
      %get3A_1736 = arith.constant 448 : index
      %get3A_1737 = tpu.vector_load %arg5[%get3A_1736] {strides = array<i32>} : memref<640xi32, #tpu.memory_space<vmem>>, vector<16xi32>,
      %get3A_1738 = vector.shape_cast %get3A_1737 : vector<16xi32> to vector<16xi32>
      %lt3A_1739 = arith.constant 0 : i32
      %lt3A_1740 = vector.broadcast %lt3A_1739 : i32 to vector<16xi32>
      %lt3A_1741 = arith.cmpi slt, %get3A_1738, %lt3A_1740 : vector<16xi32>
      %jit3A_1742 = arith.constant 50000 : i32
      %broadcast_in_dim3A_1743 = vector.broadcast %jit3A_1742 : i32 to vector<16xi32>
      %select_n3A_1744 = arith.select %lt3A_1741, %broadcast_in_dim3A_1743, %get3A_1738 : vector<16xi1>, vector<16xi32>
      %swap3A_1745 = arith.constant 448 : index
      %swap3A_1746 = tpu.vector_load %arg5[%swap3A_1745] {strides = array<i32>} : memref<640xi32, #tpu.memory_space<vmem>>, vector<16xi32>,
      %swap3A_1747 = vector.shape_cast %swap3A_1746 : vector<16xi32> to vector<16xi32>
      %swap3A_1748 = vector.shape_cast %select_n3A_1744 : vector<16xi32> to vector<16xi32>
      tpu.vector_store %arg5[%swap3A_1745], %swap3A_1748 {strides = array<i32>} : memref<640xi32, #tpu.memory_space<vmem>>, vector<16xi32>,
      %get3A_1749 = arith.constant 464 : index
      %get3A_1750 = tpu.vector_load %arg5[%get3A_1749] {strides = array<i32>} : memref<640xi32, #tpu.memory_space<vmem>>, vector<16xi32>,
      %get3A_1751 = vector.shape_cast %get3A_1750 : vector<16xi32> to vector<16xi32>
      %lt3A_1752 = arith.constant 0 : i32
      %lt3A_1753 = vector.broadcast %lt3A_1752 : i32 to vector<16xi32>
      %lt3A_1754 = arith.cmpi slt, %get3A_1751, %lt3A_1753 : vector<16xi32>
      %jit3A_1755 = arith.constant 50000 : i32
      %broadcast_in_dim3A_1756 = vector.broadcast %jit3A_1755 : i32 to vector<16xi32>
      %select_n3A_1757 = arith.select %lt3A_1754, %broadcast_in_dim3A_1756, %get3A_1751 : vector<16xi1>, vector<16xi32>
      %swap3A_1758 = arith.constant 464 : index
      %swap3A_1759 = tpu.vector_load %arg5[%swap3A_1758] {strides = array<i32>} : memref<640xi32, #tpu.memory_space<vmem>>, vector<16xi32>,
      %swap3A_1760 = vector.shape_cast %swap3A_1759 : vector<16xi32> to vector<16xi32>
      %swap3A_1761 = vector.shape_cast %select_n3A_1757 : vector<16xi32> to vector<16xi32>
      tpu.vector_store %arg5[%swap3A_1758], %swap3A_1761 {strides = array<i32>} : memref<640xi32, #tpu.memory_space<vmem>>, vector<16xi32>,
      %get3A_1762 = arith.constant 480 : index
      %get3A_1763 = tpu.vector_load %arg5[%get3A_1762] {strides = array<i32>} : memref<640xi32, #tpu.memory_space<vmem>>, vector<16xi32>,
      %get3A_1764 = vector.shape_cast %get3A_1763 : vector<16xi32> to vector<16xi32>
      %lt3A_1765 = arith.constant 0 : i32
      %lt3A_1766 = vector.broadcast %lt3A_1765 : i32 to vector<16xi32>
      %lt3A_1767 = arith.cmpi slt, %get3A_1764, %lt3A_1766 : vector<16xi32>
      %jit3A_1768 = arith.constant 50000 : i32
      %broadcast_in_dim3A_1769 = vector.broadcast %jit3A_1768 : i32 to vector<16xi32>
      %select_n3A_1770 = arith.select %lt3A_1767, %broadcast_in_dim3A_1769, %get3A_1764 : vector<16xi1>, vector<16xi32>
      %swap3A_1771 = arith.constant 480 : index
      %swap3A_1772 = tpu.vector_load %arg5[%swap3A_1771] {strides = array<i32>} : memref<640xi32, #tpu.memory_space<vmem>>, vector<16xi32>,
      %swap3A_1773 = vector.shape_cast %swap3A_1772 : vector<16xi32> to vector<16xi32>
      %swap3A_1774 = vector.shape_cast %select_n3A_1770 : vector<16xi32> to vector<16xi32>
      tpu.vector_store %arg5[%swap3A_1771], %swap3A_1774 {strides = array<i32>} : memref<640xi32, #tpu.memory_space<vmem>>, vector<16xi32>,
      %get3A_1775 = arith.constant 496 : index
      %get3A_1776 = tpu.vector_load %arg5[%get3A_1775] {strides = array<i32>} : memref<640xi32, #tpu.memory_space<vmem>>, vector<16xi32>,
      %get3A_1777 = vector.shape_cast %get3A_1776 : vector<16xi32> to vector<16xi32>
      %lt3A_1778 = arith.constant 0 : i32
      %lt3A_1779 = vector.broadcast %lt3A_1778 : i32 to vector<16xi32>
      %lt3A_1780 = arith.cmpi slt, %get3A_1777, %lt3A_1779 : vector<16xi32>
      %jit3A_1781 = arith.constant 50000 : i32
      %broadcast_in_dim3A_1782 = vector.broadcast %jit3A_1781 : i32 to vector<16xi32>
      %select_n3A_1783 = arith.select %lt3A_1780, %broadcast_in_dim3A_1782, %get3A_1777 : vector<16xi1>, vector<16xi32>
      %swap3A_1784 = arith.constant 496 : index
      %swap3A_1785 = tpu.vector_load %arg5[%swap3A_1784] {strides = array<i32>} : memref<640xi32, #tpu.memory_space<vmem>>, vector<16xi32>,
      %swap3A_1786 = vector.shape_cast %swap3A_1785 : vector<16xi32> to vector<16xi32>
      %swap3A_1787 = vector.shape_cast %select_n3A_1783 : vector<16xi32> to vector<16xi32>
      tpu.vector_store %arg5[%swap3A_1784], %swap3A_1787 {strides = array<i32>} : memref<640xi32, #tpu.memory_space<vmem>>, vector<16xi32>,
      %get3A_1788 = arith.constant 512 : index
      %get3A_1789 = tpu.vector_load %arg5[%get3A_1788] {strides = array<i32>} : memref<640xi32, #tpu.memory_space<vmem>>, vector<16xi32>,
      %get3A_1790 = vector.shape_cast %get3A_1789 : vector<16xi32> to vector<16xi32>
      %lt3A_1791 = arith.constant 0 : i32
      %lt3A_1792 = vector.broadcast %lt3A_1791 : i32 to vector<16xi32>
      %lt3A_1793 = arith.cmpi slt, %get3A_1790, %lt3A_1792 : vector<16xi32>
      %jit3A_1794 = arith.constant 50000 : i32
      %broadcast_in_dim3A_1795 = vector.broadcast %jit3A_1794 : i32 to vector<16xi32>
      %select_n3A_1796 = arith.select %lt3A_1793, %broadcast_in_dim3A_1795, %get3A_1790 : vector<16xi1>, vector<16xi32>
      %swap3A_1797 = arith.constant 512 : index
      %swap3A_1798 = tpu.vector_load %arg5[%swap3A_1797] {strides = array<i32>} : memref<640xi32, #tpu.memory_space<vmem>>, vector<16xi32>,
      %swap3A_1799 = vector.shape_cast %swap3A_1798 : vector<16xi32> to vector<16xi32>
      %swap3A_1800 = vector.shape_cast %select_n3A_1796 : vector<16xi32> to vector<16xi32>
      tpu.vector_store %arg5[%swap3A_1797], %swap3A_1800 {strides = array<i32>} : memref<640xi32, #tpu.memory_space<vmem>>, vector<16xi32>,
      %get3A_1801 = arith.constant 528 : index
      %get3A_1802 = tpu.vector_load %arg5[%get3A_1801] {strides = array<i32>} : memref<640xi32, #tpu.memory_space<vmem>>, vector<16xi32>,
      %get3A_1803 = vector.shape_cast %get3A_1802 : vector<16xi32> to vector<16xi32>
      %lt3A_1804 = arith.constant 0 : i32
      %lt3A_1805 = vector.broadcast %lt3A_1804 : i32 to vector<16xi32>
      %lt3A_1806 = arith.cmpi slt, %get3A_1803, %lt3A_1805 : vector<16xi32>
      %jit3A_1807 = arith.constant 50000 : i32
      %broadcast_in_dim3A_1808 = vector.broadcast %jit3A_1807 : i32 to vector<16xi32>
      %select_n3A_1809 = arith.select %lt3A_1806, %broadcast_in_dim3A_1808, %get3A_1803 : vector<16xi1>, vector<16xi32>
      %swap3A_1810 = arith.constant 528 : index
      %swap3A_1811 = tpu.vector_load %arg5[%swap3A_1810] {strides = array<i32>} : memref<640xi32, #tpu.memory_space<vmem>>, vector<16xi32>,
      %swap3A_1812 = vector.shape_cast %swap3A_1811 : vector<16xi32> to vector<16xi32>
      %swap3A_1813 = vector.shape_cast %select_n3A_1809 : vector<16xi32> to vector<16xi32>
      tpu.vector_store %arg5[%swap3A_1810], %swap3A_1813 {strides = array<i32>} : memref<640xi32, #tpu.memory_space<vmem>>, vector<16xi32>,
      %get3A_1814 = arith.constant 544 : index
      %get3A_1815 = tpu.vector_load %arg5[%get3A_1814] {strides = array<i32>} : memref<640xi32, #tpu.memory_space<vmem>>, vector<16xi32>,
      %get3A_1816 = vector.shape_cast %get3A_1815 : vector<16xi32> to vector<16xi32>
      %lt3A_1817 = arith.constant 0 : i32
      %lt3A_1818 = vector.broadcast %lt3A_1817 : i32 to vector<16xi32>
      %lt3A_1819 = arith.cmpi slt, %get3A_1816, %lt3A_1818 : vector<16xi32>
      %jit3A_1820 = arith.constant 50000 : i32
      %broadcast_in_dim3A_1821 = vector.broadcast %jit3A_1820 : i32 to vector<16xi32>
      %select_n3A_1822 = arith.select %lt3A_1819, %broadcast_in_dim3A_1821, %get3A_1816 : vector<16xi1>, vector<16xi32>
      %swap3A_1823 = arith.constant 544 : index
      %swap3A_1824 = tpu.vector_load %arg5[%swap3A_1823] {strides = array<i32>} : memref<640xi32, #tpu.memory_space<vmem>>, vector<16xi32>,
      %swap3A_1825 = vector.shape_cast %swap3A_1824 : vector<16xi32> to vector<16xi32>
      %swap3A_1826 = vector.shape_cast %select_n3A_1822 : vector<16xi32> to vector<16xi32>
      tpu.vector_store %arg5[%swap3A_1823], %swap3A_1826 {strides = array<i32>} : memref<640xi32, #tpu.memory_space<vmem>>, vector<16xi32>,
      %get3A_1827 = arith.constant 560 : index
      %get3A_1828 = tpu.vector_load %arg5[%get3A_1827] {strides = array<i32>} : memref<640xi32, #tpu.memory_space<vmem>>, vector<16xi32>,
      %get3A_1829 = vector.shape_cast %get3A_1828 : vector<16xi32> to vector<16xi32>
      %lt3A_1830 = arith.constant 0 : i32
      %lt3A_1831 = vector.broadcast %lt3A_1830 : i32 to vector<16xi32>
      %lt3A_1832 = arith.cmpi slt, %get3A_1829, %lt3A_1831 : vector<16xi32>
      %jit3A_1833 = arith.constant 50000 : i32
      %broadcast_in_dim3A_1834 = vector.broadcast %jit3A_1833 : i32 to vector<16xi32>
      %select_n3A_1835 = arith.select %lt3A_1832, %broadcast_in_dim3A_1834, %get3A_1829 : vector<16xi1>, vector<16xi32>
      %swap3A_1836 = arith.constant 560 : index
      %swap3A_1837 = tpu.vector_load %arg5[%swap3A_1836] {strides = array<i32>} : memref<640xi32, #tpu.memory_space<vmem>>, vector<16xi32>,
      %swap3A_1838 = vector.shape_cast %swap3A_1837 : vector<16xi32> to vector<16xi32>
      %swap3A_1839 = vector.shape_cast %select_n3A_1835 : vector<16xi32> to vector<16xi32>
      tpu.vector_store %arg5[%swap3A_1836], %swap3A_1839 {strides = array<i32>} : memref<640xi32, #tpu.memory_space<vmem>>, vector<16xi32>,
      %get3A_1840 = arith.constant 576 : index
      %get3A_1841 = tpu.vector_load %arg5[%get3A_1840] {strides = array<i32>} : memref<640xi32, #tpu.memory_space<vmem>>, vector<16xi32>,
      %get3A_1842 = vector.shape_cast %get3A_1841 : vector<16xi32> to vector<16xi32>
      %lt3A_1843 = arith.constant 0 : i32
      %lt3A_1844 = vector.broadcast %lt3A_1843 : i32 to vector<16xi32>
      %lt3A_1845 = arith.cmpi slt, %get3A_1842, %lt3A_1844 : vector<16xi32>
      %jit3A_1846 = arith.constant 50000 : i32
      %broadcast_in_dim3A_1847 = vector.broadcast %jit3A_1846 : i32 to vector<16xi32>
      %select_n3A_1848 = arith.select %lt3A_1845, %broadcast_in_dim3A_1847, %get3A_1842 : vector<16xi1>, vector<16xi32>
      %swap3A_1849 = arith.constant 576 : index
      %swap3A_1850 = tpu.vector_load %arg5[%swap3A_1849] {strides = array<i32>} : memref<640xi32, #tpu.memory_space<vmem>>, vector<16xi32>,
      %swap3A_1851 = vector.shape_cast %swap3A_1850 : vector<16xi32> to vector<16xi32>
      %swap3A_1852 = vector.shape_cast %select_n3A_1848 : vector<16xi32> to vector<16xi32>
      tpu.vector_store %arg5[%swap3A_1849], %swap3A_1852 {strides = array<i32>} : memref<640xi32, #tpu.memory_space<vmem>>, vector<16xi32>,
      %get3A_1853 = arith.constant 592 : index
      %get3A_1854 = tpu.vector_load %arg5[%get3A_1853] {strides = array<i32>} : memref<640xi32, #tpu.memory_space<vmem>>, vector<16xi32>,
      %get3A_1855 = vector.shape_cast %get3A_1854 : vector<16xi32> to vector<16xi32>
      %lt3A_1856 = arith.constant 0 : i32
      %lt3A_1857 = vector.broadcast %lt3A_1856 : i32 to vector<16xi32>
      %lt3A_1858 = arith.cmpi slt, %get3A_1855, %lt3A_1857 : vector<16xi32>
      %jit3A_1859 = arith.constant 50000 : i32
      %broadcast_in_dim3A_1860 = vector.broadcast %jit3A_1859 : i32 to vector<16xi32>
      %select_n3A_1861 = arith.select %lt3A_1858, %broadcast_in_dim3A_1860, %get3A_1855 : vector<16xi1>, vector<16xi32>
      %swap3A_1862 = arith.constant 592 : index
      %swap3A_1863 = tpu.vector_load %arg5[%swap3A_1862] {strides = array<i32>} : memref<640xi32, #tpu.memory_space<vmem>>, vector<16xi32>,
      %swap3A_1864 = vector.shape_cast %swap3A_1863 : vector<16xi32> to vector<16xi32>
      %swap3A_1865 = vector.shape_cast %select_n3A_1861 : vector<16xi32> to vector<16xi32>
      tpu.vector_store %arg5[%swap3A_1862], %swap3A_1865 {strides = array<i32>} : memref<640xi32, #tpu.memory_space<vmem>>, vector<16xi32>,
      %get3A_1866 = arith.constant 608 : index
      %get3A_1867 = tpu.vector_load %arg5[%get3A_1866] {strides = array<i32>} : memref<640xi32, #tpu.memory_space<vmem>>, vector<16xi32>,
      %get3A_1868 = vector.shape_cast %get3A_1867 : vector<16xi32> to vector<16xi32>
      %lt3A_1869 = arith.constant 0 : i32
      %lt3A_1870 = vector.broadcast %lt3A_1869 : i32 to vector<16xi32>
      %lt3A_1871 = arith.cmpi slt, %get3A_1868, %lt3A_1870 : vector<16xi32>
      %jit3A_1872 = arith.constant 50000 : i32
      %broadcast_in_dim3A_1873 = vector.broadcast %jit3A_1872 : i32 to vector<16xi32>
      %select_n3A_1874 = arith.select %lt3A_1871, %broadcast_in_dim3A_1873, %get3A_1868 : vector<16xi1>, vector<16xi32>
      %swap3A_1875 = arith.constant 608 : index
      %swap3A_1876 = tpu.vector_load %arg5[%swap3A_1875] {strides = array<i32>} : memref<640xi32, #tpu.memory_space<vmem>>, vector<16xi32>,
      %swap3A_1877 = vector.shape_cast %swap3A_1876 : vector<16xi32> to vector<16xi32>
      %swap3A_1878 = vector.shape_cast %select_n3A_1874 : vector<16xi32> to vector<16xi32>
      tpu.vector_store %arg5[%swap3A_1875], %swap3A_1878 {strides = array<i32>} : memref<640xi32, #tpu.memory_space<vmem>>, vector<16xi32>,
      %get3A_1879 = arith.constant 624 : index
      %get3A_1880 = tpu.vector_load %arg5[%get3A_1879] {strides = array<i32>} : memref<640xi32, #tpu.memory_space<vmem>>, vector<16xi32>,
      %get3A_1881 = vector.shape_cast %get3A_1880 : vector<16xi32> to vector<16xi32>
      %lt3A_1882 = arith.constant 0 : i32
      %lt3A_1883 = vector.broadcast %lt3A_1882 : i32 to vector<16xi32>
      %lt3A_1884 = arith.cmpi slt, %get3A_1881, %lt3A_1883 : vector<16xi32>
      %jit3A_1885 = arith.constant 50000 : i32
      %broadcast_in_dim3A_1886 = vector.broadcast %jit3A_1885 : i32 to vector<16xi32>
      %select_n3A_1887 = arith.select %lt3A_1884, %broadcast_in_dim3A_1886, %get3A_1881 : vector<16xi1>, vector<16xi32>
      %swap3A_1888 = arith.constant 624 : index
      %swap3A_1889 = tpu.vector_load %arg5[%swap3A_1888] {strides = array<i32>} : memref<640xi32, #tpu.memory_space<vmem>>, vector<16xi32>,
      %swap3A_1890 = vector.shape_cast %swap3A_1889 : vector<16xi32> to vector<16xi32>
      %swap3A_1891 = vector.shape_cast %select_n3A_1887 : vector<16xi32> to vector<16xi32>
      tpu.vector_store %arg5[%swap3A_1888], %swap3A_1891 {strides = array<i32>} : memref<640xi32, #tpu.memory_space<vmem>>, vector<16xi32>,
      %dma_wait3A_1892 = arith.constant 0 : i32
      %dma_wait3A_1893 = arith.constant 0 : i32
      %dma_wait3A_1894 = tpu.memref_slice %arg4[%dma_wait3A_1892, %dma_wait3A_1893] : memref<1351680x32xf32, #tpu.memory_space<hbm>> -> memref<640x32xf32, #tpu.memory_space<hbm>>
      %dma_wait3A_1895 = arith.constant 0 : i32
      %dma_wait3A_1896 = arith.constant 0 : i32
      %dma_wait3A_1897 = tpu.memref_slice %arg4[%dma_wait3A_1895, %dma_wait3A_1896] : memref<1351680x32xf32, #tpu.memory_space<hbm>> -> memref<640x32xf32, #tpu.memory_space<hbm>>
      tpu.wait_dma2 semaphore(%arg11 : memref<!tpu.dma_semaphore, #tpu.memory_space<semaphore_mem>>) src(%arg7 : memref<640x32xf32, #tpu.memory_space<vmem>>) dst(%dma_wait3A_1897 : memref<640x32xf32, #tpu.memory_space<hbm>>)
      %dma_start3A_1898 = arith.constant 0 : i32
      %dma_start3A_1899 = arith.constant 0 : i32
      %dma_start3A_1900 = tpu.memref_slice %arg7[%dma_start3A_1898, %dma_start3A_1899] : memref<640x32xf32, #tpu.memory_space<vmem>> -> memref<80x32xf32, #tpu.memory_space<vmem>>
      %dma_start3A_1901 = arith.constant 0 : i32
      %dma_start3A_1902 = tpu.memref_slice %arg5[%dma_start3A_1901] : memref<640xi32, #tpu.memory_space<vmem>> -> memref<80xi32, #tpu.memory_space<vmem>>
      %dma_start3A_1903 = arith.constant 0 : i32
      %dma_start3A_1904 = arith.constant 0 : i32
      %dma_start3A_1905 = tpu.memref_slice %arg3[%dma_start3A_1903, %dma_start3A_1904] : memref<50001x32xf32, #tpu.memory_space<hbm>> -> memref<50001x32xf32, #tpu.memory_space<hbm>>
      tpu.enqueue_indirect_dma source(%dma_start3A_1905 : memref<50001x32xf32, #tpu.memory_space<hbm>>) target(%dma_start3A_1900 : memref<80x32xf32, #tpu.memory_space<vmem>>) offsets(%dma_start3A_1902 : memref<80xi32, #tpu.memory_space<vmem>>) semaphore(%arg13 : memref<!tpu.dma_semaphore, #tpu.memory_space<semaphore_mem>>)
      %dma_start3A_1906 = arith.constant 80 : i32
      %dma_start3A_1907 = arith.constant 0 : i32
      %dma_start3A_1908 = tpu.memref_slice %arg7[%dma_start3A_1906, %dma_start3A_1907] : memref<640x32xf32, #tpu.memory_space<vmem>> -> memref<80x32xf32, #tpu.memory_space<vmem>>
      %dma_start3A_1909 = arith.constant 80 : i32
      %dma_start3A_1910 = tpu.memref_slice %arg5[%dma_start3A_1909] : memref<640xi32, #tpu.memory_space<vmem>> -> memref<80xi32, #tpu.memory_space<vmem>>
      %dma_start3A_1911 = arith.constant 0 : i32
      %dma_start3A_1912 = arith.constant 0 : i32
      %dma_start3A_1913 = tpu.memref_slice %arg3[%dma_start3A_1911, %dma_start3A_1912] : memref<50001x32xf32, #tpu.memory_space<hbm>> -> memref<50001x32xf32, #tpu.memory_space<hbm>>
      tpu.enqueue_indirect_dma source(%dma_start3A_1913 : memref<50001x32xf32, #tpu.memory_space<hbm>>) target(%dma_start3A_1908 : memref<80x32xf32, #tpu.memory_space<vmem>>) offsets(%dma_start3A_1910 : memref<80xi32, #tpu.memory_space<vmem>>) semaphore(%arg13 : memref<!tpu.dma_semaphore, #tpu.memory_space<semaphore_mem>>)
      %dma_start3A_1914 = arith.constant 160 : i32
      %dma_start3A_1915 = arith.constant 0 : i32
      %dma_start3A_1916 = tpu.memref_slice %arg7[%dma_start3A_1914, %dma_start3A_1915] : memref<640x32xf32, #tpu.memory_space<vmem>> -> memref<80x32xf32, #tpu.memory_space<vmem>>
      %dma_start3A_1917 = arith.constant 160 : i32
      %dma_start3A_1918 = tpu.memref_slice %arg5[%dma_start3A_1917] : memref<640xi32, #tpu.memory_space<vmem>> -> memref<80xi32, #tpu.memory_space<vmem>>
      %dma_start3A_1919 = arith.constant 0 : i32
      %dma_start3A_1920 = arith.constant 0 : i32
      %dma_start3A_1921 = tpu.memref_slice %arg3[%dma_start3A_1919, %dma_start3A_1920] : memref<50001x32xf32, #tpu.memory_space<hbm>> -> memref<50001x32xf32, #tpu.memory_space<hbm>>
      tpu.enqueue_indirect_dma source(%dma_start3A_1921 : memref<50001x32xf32, #tpu.memory_space<hbm>>) target(%dma_start3A_1916 : memref<80x32xf32, #tpu.memory_space<vmem>>) offsets(%dma_start3A_1918 : memref<80xi32, #tpu.memory_space<vmem>>) semaphore(%arg13 : memref<!tpu.dma_semaphore, #tpu.memory_space<semaphore_mem>>)
      %dma_start3A_1922 = arith.constant 240 : i32
      %dma_start3A_1923 = arith.constant 0 : i32
      %dma_start3A_1924 = tpu.memref_slice %arg7[%dma_start3A_1922, %dma_start3A_1923] : memref<640x32xf32, #tpu.memory_space<vmem>> -> memref<80x32xf32, #tpu.memory_space<vmem>>
      %dma_start3A_1925 = arith.constant 240 : i32
      %dma_start3A_1926 = tpu.memref_slice %arg5[%dma_start3A_1925] : memref<640xi32, #tpu.memory_space<vmem>> -> memref<80xi32, #tpu.memory_space<vmem>>
      %dma_start3A_1927 = arith.constant 0 : i32
      %dma_start3A_1928 = arith.constant 0 : i32
      %dma_start3A_1929 = tpu.memref_slice %arg3[%dma_start3A_1927, %dma_start3A_1928] : memref<50001x32xf32, #tpu.memory_space<hbm>> -> memref<50001x32xf32, #tpu.memory_space<hbm>>
      tpu.enqueue_indirect_dma source(%dma_start3A_1929 : memref<50001x32xf32, #tpu.memory_space<hbm>>) target(%dma_start3A_1924 : memref<80x32xf32, #tpu.memory_space<vmem>>) offsets(%dma_start3A_1926 : memref<80xi32, #tpu.memory_space<vmem>>) semaphore(%arg13 : memref<!tpu.dma_semaphore, #tpu.memory_space<semaphore_mem>>)
      %dma_start3A_1930 = arith.constant 320 : i32
      %dma_start3A_1931 = arith.constant 0 : i32
      %dma_start3A_1932 = tpu.memref_slice %arg7[%dma_start3A_1930, %dma_start3A_1931] : memref<640x32xf32, #tpu.memory_space<vmem>> -> memref<80x32xf32, #tpu.memory_space<vmem>>
      %dma_start3A_1933 = arith.constant 320 : i32
      %dma_start3A_1934 = tpu.memref_slice %arg5[%dma_start3A_1933] : memref<640xi32, #tpu.memory_space<vmem>> -> memref<80xi32, #tpu.memory_space<vmem>>
      %dma_start3A_1935 = arith.constant 0 : i32
      %dma_start3A_1936 = arith.constant 0 : i32
      %dma_start3A_1937 = tpu.memref_slice %arg3[%dma_start3A_1935, %dma_start3A_1936] : memref<50001x32xf32, #tpu.memory_space<hbm>> -> memref<50001x32xf32, #tpu.memory_space<hbm>>
      tpu.enqueue_indirect_dma source(%dma_start3A_1937 : memref<50001x32xf32, #tpu.memory_space<hbm>>) target(%dma_start3A_1932 : memref<80x32xf32, #tpu.memory_space<vmem>>) offsets(%dma_start3A_1934 : memref<80xi32, #tpu.memory_space<vmem>>) semaphore(%arg13 : memref<!tpu.dma_semaphore, #tpu.memory_space<semaphore_mem>>)
      %dma_start3A_1938 = arith.constant 400 : i32
      %dma_start3A_1939 = arith.constant 0 : i32
      %dma_start3A_1940 = tpu.memref_slice %arg7[%dma_start3A_1938, %dma_start3A_1939] : memref<640x32xf32, #tpu.memory_space<vmem>> -> memref<80x32xf32, #tpu.memory_space<vmem>>
      %dma_start3A_1941 = arith.constant 400 : i32
      %dma_start3A_1942 = tpu.memref_slice %arg5[%dma_start3A_1941] : memref<640xi32, #tpu.memory_space<vmem>> -> memref<80xi32, #tpu.memory_space<vmem>>
      %dma_start3A_1943 = arith.constant 0 : i32
      %dma_start3A_1944 = arith.constant 0 : i32
      %dma_start3A_1945 = tpu.memref_slice %arg3[%dma_start3A_1943, %dma_start3A_1944] : memref<50001x32xf32, #tpu.memory_space<hbm>> -> memref<50001x32xf32, #tpu.memory_space<hbm>>
      tpu.enqueue_indirect_dma source(%dma_start3A_1945 : memref<50001x32xf32, #tpu.memory_space<hbm>>) target(%dma_start3A_1940 : memref<80x32xf32, #tpu.memory_space<vmem>>) offsets(%dma_start3A_1942 : memref<80xi32, #tpu.memory_space<vmem>>) semaphore(%arg13 : memref<!tpu.dma_semaphore, #tpu.memory_space<semaphore_mem>>)
      %dma_start3A_1946 = arith.constant 480 : i32
      %dma_start3A_1947 = arith.constant 0 : i32
      %dma_start3A_1948 = tpu.memref_slice %arg7[%dma_start3A_1946, %dma_start3A_1947] : memref<640x32xf32, #tpu.memory_space<vmem>> -> memref<80x32xf32, #tpu.memory_space<vmem>>
      %dma_start3A_1949 = arith.constant 480 : i32
      %dma_start3A_1950 = tpu.memref_slice %arg5[%dma_start3A_1949] : memref<640xi32, #tpu.memory_space<vmem>> -> memref<80xi32, #tpu.memory_space<vmem>>
      %dma_start3A_1951 = arith.constant 0 : i32
      %dma_start3A_1952 = arith.constant 0 : i32
      %dma_start3A_1953 = tpu.memref_slice %arg3[%dma_start3A_1951, %dma_start3A_1952] : memref<50001x32xf32, #tpu.memory_space<hbm>> -> memref<50001x32xf32, #tpu.memory_space<hbm>>
      tpu.enqueue_indirect_dma source(%dma_start3A_1953 : memref<50001x32xf32, #tpu.memory_space<hbm>>) target(%dma_start3A_1948 : memref<80x32xf32, #tpu.memory_space<vmem>>) offsets(%dma_start3A_1950 : memref<80xi32, #tpu.memory_space<vmem>>) semaphore(%arg13 : memref<!tpu.dma_semaphore, #tpu.memory_space<semaphore_mem>>)
      %dma_start3A_1954 = arith.constant 560 : i32
      %dma_start3A_1955 = arith.constant 0 : i32
      %dma_start3A_1956 = tpu.memref_slice %arg7[%dma_start3A_1954, %dma_start3A_1955] : memref<640x32xf32, #tpu.memory_space<vmem>> -> memref<80x32xf32, #tpu.memory_space<vmem>>
      %dma_start3A_1957 = arith.constant 560 : i32
      %dma_start3A_1958 = tpu.memref_slice %arg5[%dma_start3A_1957] : memref<640xi32, #tpu.memory_space<vmem>> -> memref<80xi32, #tpu.memory_space<vmem>>
      %dma_start3A_1959 = arith.constant 0 : i32
      %dma_start3A_1960 = arith.constant 0 : i32
      %dma_start3A_1961 = tpu.memref_slice %arg3[%dma_start3A_1959, %dma_start3A_1960] : memref<50001x32xf32, #tpu.memory_space<hbm>> -> memref<50001x32xf32, #tpu.memory_space<hbm>>
      tpu.enqueue_indirect_dma source(%dma_start3A_1961 : memref<50001x32xf32, #tpu.memory_space<hbm>>) target(%dma_start3A_1956 : memref<80x32xf32, #tpu.memory_space<vmem>>) offsets(%dma_start3A_1958 : memref<80xi32, #tpu.memory_space<vmem>>) semaphore(%arg13 : memref<!tpu.dma_semaphore, #tpu.memory_space<semaphore_mem>>)
      %dma_wait3A_1962 = arith.constant 0 : i32
      %dma_wait3A_1963 = arith.constant 0 : i32
      %dma_wait3A_1964 = tpu.memref_slice %arg7[%dma_wait3A_1962, %dma_wait3A_1963] : memref<640x32xf32, #tpu.memory_space<vmem>> -> memref<80x32xf32, #tpu.memory_space<vmem>>
      %dma_wait3A_1965 = arith.constant 0 : i32
      %dma_wait3A_1966 = tpu.memref_slice %arg5[%dma_wait3A_1965] : memref<640xi32, #tpu.memory_space<vmem>> -> memref<80xi32, #tpu.memory_space<vmem>>
      %dma_wait3A_1967 = arith.constant 0 : i32
      %dma_wait3A_1968 = arith.constant 0 : i32
      %dma_wait3A_1969 = tpu.memref_slice %arg3[%dma_wait3A_1967, %dma_wait3A_1968] : memref<50001x32xf32, #tpu.memory_space<hbm>> -> memref<50001x32xf32, #tpu.memory_space<hbm>>
      tpu.wait_indirect_dma semaphore(%arg13 : memref<!tpu.dma_semaphore, #tpu.memory_space<semaphore_mem>>) src(%dma_wait3A_1969 : memref<50001x32xf32, #tpu.memory_space<hbm>>) dst(%dma_wait3A_1964 : memref<80x32xf32, #tpu.memory_space<vmem>>)
      %dma_wait3A_1970 = arith.constant 80 : i32
      %dma_wait3A_1971 = arith.constant 0 : i32
      %dma_wait3A_1972 = tpu.memref_slice %arg7[%dma_wait3A_1970, %dma_wait3A_1971] : memref<640x32xf32, #tpu.memory_space<vmem>> -> memref<80x32xf32, #tpu.memory_space<vmem>>
      %dma_wait3A_1973 = arith.constant 80 : i32
      %dma_wait3A_1974 = tpu.memref_slice %arg5[%dma_wait3A_1973] : memref<640xi32, #tpu.memory_space<vmem>> -> memref<80xi32, #tpu.memory_space<vmem>>
      %dma_wait3A_1975 = arith.constant 0 : i32
      %dma_wait3A_1976 = arith.constant 0 : i32
      %dma_wait3A_1977 = tpu.memref_slice %arg3[%dma_wait3A_1975, %dma_wait3A_1976] : memref<50001x32xf32, #tpu.memory_space<hbm>> -> memref<50001x32xf32, #tpu.memory_space<hbm>>
      tpu.wait_indirect_dma semaphore(%arg13 : memref<!tpu.dma_semaphore, #tpu.memory_space<semaphore_mem>>) src(%dma_wait3A_1977 : memref<50001x32xf32, #tpu.memory_space<hbm>>) dst(%dma_wait3A_1972 : memref<80x32xf32, #tpu.memory_space<vmem>>)
      %dma_wait3A_1978 = arith.constant 160 : i32
      %dma_wait3A_1979 = arith.constant 0 : i32
      %dma_wait3A_1980 = tpu.memref_slice %arg7[%dma_wait3A_1978, %dma_wait3A_1979] : memref<640x32xf32, #tpu.memory_space<vmem>> -> memref<80x32xf32, #tpu.memory_space<vmem>>
      %dma_wait3A_1981 = arith.constant 160 : i32
      %dma_wait3A_1982 = tpu.memref_slice %arg5[%dma_wait3A_1981] : memref<640xi32, #tpu.memory_space<vmem>> -> memref<80xi32, #tpu.memory_space<vmem>>
      %dma_wait3A_1983 = arith.constant 0 : i32
      %dma_wait3A_1984 = arith.constant 0 : i32
      %dma_wait3A_1985 = tpu.memref_slice %arg3[%dma_wait3A_1983, %dma_wait3A_1984] : memref<50001x32xf32, #tpu.memory_space<hbm>> -> memref<50001x32xf32, #tpu.memory_space<hbm>>
      tpu.wait_indirect_dma semaphore(%arg13 : memref<!tpu.dma_semaphore, #tpu.memory_space<semaphore_mem>>) src(%dma_wait3A_1985 : memref<50001x32xf32, #tpu.memory_space<hbm>>) dst(%dma_wait3A_1980 : memref<80x32xf32, #tpu.memory_space<vmem>>)
      %dma_wait3A_1986 = arith.constant 240 : i32
      %dma_wait3A_1987 = arith.constant 0 : i32
      %dma_wait3A_1988 = tpu.memref_slice %arg7[%dma_wait3A_1986, %dma_wait3A_1987] : memref<640x32xf32, #tpu.memory_space<vmem>> -> memref<80x32xf32, #tpu.memory_space<vmem>>
      %dma_wait3A_1989 = arith.constant 240 : i32
      %dma_wait3A_1990 = tpu.memref_slice %arg5[%dma_wait3A_1989] : memref<640xi32, #tpu.memory_space<vmem>> -> memref<80xi32, #tpu.memory_space<vmem>>
      %dma_wait3A_1991 = arith.constant 0 : i32
      %dma_wait3A_1992 = arith.constant 0 : i32
      %dma_wait3A_1993 = tpu.memref_slice %arg3[%dma_wait3A_1991, %dma_wait3A_1992] : memref<50001x32xf32, #tpu.memory_space<hbm>> -> memref<50001x32xf32, #tpu.memory_space<hbm>>
      tpu.wait_indirect_dma semaphore(%arg13 : memref<!tpu.dma_semaphore, #tpu.memory_space<semaphore_mem>>) src(%dma_wait3A_1993 : memref<50001x32xf32, #tpu.memory_space<hbm>>) dst(%dma_wait3A_1988 : memref<80x32xf32, #tpu.memory_space<vmem>>)
      %dma_wait3A_1994 = arith.constant 320 : i32
      %dma_wait3A_1995 = arith.constant 0 : i32
      %dma_wait3A_1996 = tpu.memref_slice %arg7[%dma_wait3A_1994, %dma_wait3A_1995] : memref<640x32xf32, #tpu.memory_space<vmem>> -> memref<80x32xf32, #tpu.memory_space<vmem>>
      %dma_wait3A_1997 = arith.constant 320 : i32
      %dma_wait3A_1998 = tpu.memref_slice %arg5[%dma_wait3A_1997] : memref<640xi32, #tpu.memory_space<vmem>> -> memref<80xi32, #tpu.memory_space<vmem>>
      %dma_wait3A_1999 = arith.constant 0 : i32
      %dma_wait3A_2000 = arith.constant 0 : i32
      %dma_wait3A_2001 = tpu.memref_slice %arg3[%dma_wait3A_1999, %dma_wait3A_2000] : memref<50001x32xf32, #tpu.memory_space<hbm>> -> memref<50001x32xf32, #tpu.memory_space<hbm>>
      tpu.wait_indirect_dma semaphore(%arg13 : memref<!tpu.dma_semaphore, #tpu.memory_space<semaphore_mem>>) src(%dma_wait3A_2001 : memref<50001x32xf32, #tpu.memory_space<hbm>>) dst(%dma_wait3A_1996 : memref<80x32xf32, #tpu.memory_space<vmem>>)
      %dma_wait3A_2002 = arith.constant 400 : i32
      %dma_wait3A_2003 = arith.constant 0 : i32
      %dma_wait3A_2004 = tpu.memref_slice %arg7[%dma_wait3A_2002, %dma_wait3A_2003] : memref<640x32xf32, #tpu.memory_space<vmem>> -> memref<80x32xf32, #tpu.memory_space<vmem>>
      %dma_wait3A_2005 = arith.constant 400 : i32
      %dma_wait3A_2006 = tpu.memref_slice %arg5[%dma_wait3A_2005] : memref<640xi32, #tpu.memory_space<vmem>> -> memref<80xi32, #tpu.memory_space<vmem>>
      %dma_wait3A_2007 = arith.constant 0 : i32
      %dma_wait3A_2008 = arith.constant 0 : i32
      %dma_wait3A_2009 = tpu.memref_slice %arg3[%dma_wait3A_2007, %dma_wait3A_2008] : memref<50001x32xf32, #tpu.memory_space<hbm>> -> memref<50001x32xf32, #tpu.memory_space<hbm>>
      tpu.wait_indirect_dma semaphore(%arg13 : memref<!tpu.dma_semaphore, #tpu.memory_space<semaphore_mem>>) src(%dma_wait3A_2009 : memref<50001x32xf32, #tpu.memory_space<hbm>>) dst(%dma_wait3A_2004 : memref<80x32xf32, #tpu.memory_space<vmem>>)
      %dma_wait3A_2010 = arith.constant 480 : i32
      %dma_wait3A_2011 = arith.constant 0 : i32
      %dma_wait3A_2012 = tpu.memref_slice %arg7[%dma_wait3A_2010, %dma_wait3A_2011] : memref<640x32xf32, #tpu.memory_space<vmem>> -> memref<80x32xf32, #tpu.memory_space<vmem>>
      %dma_wait3A_2013 = arith.constant 480 : i32
      %dma_wait3A_2014 = tpu.memref_slice %arg5[%dma_wait3A_2013] : memref<640xi32, #tpu.memory_space<vmem>> -> memref<80xi32, #tpu.memory_space<vmem>>
      %dma_wait3A_2015 = arith.constant 0 : i32
      %dma_wait3A_2016 = arith.constant 0 : i32
      %dma_wait3A_2017 = tpu.memref_slice %arg3[%dma_wait3A_2015, %dma_wait3A_2016] : memref<50001x32xf32, #tpu.memory_space<hbm>> -> memref<50001x32xf32, #tpu.memory_space<hbm>>
      tpu.wait_indirect_dma semaphore(%arg13 : memref<!tpu.dma_semaphore, #tpu.memory_space<semaphore_mem>>) src(%dma_wait3A_2017 : memref<50001x32xf32, #tpu.memory_space<hbm>>) dst(%dma_wait3A_2012 : memref<80x32xf32, #tpu.memory_space<vmem>>)
      %dma_wait3A_2018 = arith.constant 560 : i32
      %dma_wait3A_2019 = arith.constant 0 : i32
      %dma_wait3A_2020 = tpu.memref_slice %arg7[%dma_wait3A_2018, %dma_wait3A_2019] : memref<640x32xf32, #tpu.memory_space<vmem>> -> memref<80x32xf32, #tpu.memory_space<vmem>>
      %dma_wait3A_2021 = arith.constant 560 : i32
      %dma_wait3A_2022 = tpu.memref_slice %arg5[%dma_wait3A_2021] : memref<640xi32, #tpu.memory_space<vmem>> -> memref<80xi32, #tpu.memory_space<vmem>>
      %dma_wait3A_2023 = arith.constant 0 : i32
      %dma_wait3A_2024 = arith.constant 0 : i32
      %dma_wait3A_2025 = tpu.memref_slice %arg3[%dma_wait3A_2023, %dma_wait3A_2024] : memref<50001x32xf32, #tpu.memory_space<hbm>> -> memref<50001x32xf32, #tpu.memory_space<hbm>>
      tpu.wait_indirect_dma semaphore(%arg13 : memref<!tpu.dma_semaphore, #tpu.memory_space<semaphore_mem>>) src(%dma_wait3A_2025 : memref<50001x32xf32, #tpu.memory_space<hbm>>) dst(%dma_wait3A_2020 : memref<80x32xf32, #tpu.memory_space<vmem>>)
      %mul3A_2026 = arith.constant 640 : i32
      %mul3A_2027 = arith.muli %add3A_1367, %mul3A_2026 : i32
      %dma_start3A_2028 = arith.constant 0 : i32
      %dma_start3A_2029 = tpu.memref_slice %arg4[%mul3A_2027, %dma_start3A_2028] : memref<1351680x32xf32, #tpu.memory_space<hbm>> -> memref<640x32xf32, #tpu.memory_space<hbm>>
      %dma_start3A_2030 = arith.constant 0 : i32
      %dma_start3A_2031 = tpu.memref_slice %arg4[%mul3A_2027, %dma_start3A_2030] : memref<1351680x32xf32, #tpu.memory_space<hbm>> -> memref<640x32xf32, #tpu.memory_space<hbm>>
      tpu.enqueue_dma source(%arg7 : memref<640x32xf32, #tpu.memory_space<vmem>>) target(%dma_start3A_2031 : memref<640x32xf32, #tpu.memory_space<hbm>>) target_semaphore(%arg11 : memref<!tpu.dma_semaphore, #tpu.memory_space<semaphore_mem>>)
      %add3A_2032 = arith.constant 2 : i32
      %add3A_2033 = arith.addi %add3A_1367, %add3A_2032 : i32
      %min3A_2034 = arith.minsi %add3A_2033, %sub3A_5 : i32
      %mul3A_2035 = arith.constant 640 : i32
      %mul3A_2036 = arith.muli %min3A_2034, %mul3A_2035 : i32
      %dma_start3A_2037 = tpu.memref_slice %arg2[%mul3A_2036] : memref<1351680xi32, #tpu.memory_space<hbm>> -> memref<640xi32, #tpu.memory_space<hbm>>
      %dma_start3A_2038 = tpu.memref_slice %arg2[%mul3A_2036] : memref<1351680xi32, #tpu.memory_space<hbm>> -> memref<640xi32, #tpu.memory_space<hbm>>
      tpu.enqueue_dma source(%dma_start3A_2038 : memref<640xi32, #tpu.memory_space<hbm>>) target(%arg5 : memref<640xi32, #tpu.memory_space<vmem>>) target_semaphore(%arg9 : memref<!tpu.dma_semaphore, #tpu.memory_space<semaphore_mem>>)
      %add3A_2039 = arith.constant 1 : i32
      %add3A_2040 = arith.addi %add3A_1367, %add3A_2039 : i32
      %dma_wait3A_2041 = arith.constant 0 : i32
      %dma_wait3A_2042 = tpu.memref_slice %arg2[%dma_wait3A_2041] : memref<1351680xi32, #tpu.memory_space<hbm>> -> memref<640xi32, #tpu.memory_space<hbm>>
      %dma_wait3A_2043 = arith.constant 0 : i32
      %dma_wait3A_2044 = tpu.memref_slice %arg2[%dma_wait3A_2043] : memref<1351680xi32, #tpu.memory_space<hbm>> -> memref<640xi32, #tpu.memory_space<hbm>>
      tpu.wait_dma2 semaphore(%arg10 : memref<!tpu.dma_semaphore, #tpu.memory_space<semaphore_mem>>) src(%dma_wait3A_2044 : memref<640xi32, #tpu.memory_space<hbm>>) dst(%arg6 : memref<640xi32, #tpu.memory_space<vmem>>)
      %get3A_2045 = arith.constant 0 : index
      %get3A_2046 = tpu.vector_load %arg6[%get3A_2045] {strides = array<i32>} : memref<640xi32, #tpu.memory_space<vmem>>, vector<16xi32>,
      %get3A_2047 = vector.shape_cast %get3A_2046 : vector<16xi32> to vector<16xi32>
      %lt3A_2048 = arith.constant 0 : i32
      %lt3A_2049 = vector.broadcast %lt3A_2048 : i32 to vector<16xi32>
      %lt3A_2050 = arith.cmpi slt, %get3A_2047, %lt3A_2049 : vector<16xi32>
      %jit3A_2051 = arith.constant 50000 : i32
      %broadcast_in_dim3A_2052 = vector.broadcast %jit3A_2051 : i32 to vector<16xi32>
      %select_n3A_2053 = arith.select %lt3A_2050, %broadcast_in_dim3A_2052, %get3A_2047 : vector<16xi1>, vector<16xi32>
      %swap3A_2054 = arith.constant 0 : index
      %swap3A_2055 = tpu.vector_load %arg6[%swap3A_2054] {strides = array<i32>} : memref<640xi32, #tpu.memory_space<vmem>>, vector<16xi32>,
      %swap3A_2056 = vector.shape_cast %swap3A_2055 : vector<16xi32> to vector<16xi32>
      %swap3A_2057 = vector.shape_cast %select_n3A_2053 : vector<16xi32> to vector<16xi32>
      tpu.vector_store %arg6[%swap3A_2054], %swap3A_2057 {strides = array<i32>} : memref<640xi32, #tpu.memory_space<vmem>>, vector<16xi32>,
      %get3A_2058 = arith.constant 16 : index
      %get3A_2059 = tpu.vector_load %arg6[%get3A_2058] {strides = array<i32>} : memref<640xi32, #tpu.memory_space<vmem>>, vector<16xi32>,
      %get3A_2060 = vector.shape_cast %get3A_2059 : vector<16xi32> to vector<16xi32>
      %lt3A_2061 = arith.constant 0 : i32
      %lt3A_2062 = vector.broadcast %lt3A_2061 : i32 to vector<16xi32>
      %lt3A_2063 = arith.cmpi slt, %get3A_2060, %lt3A_2062 : vector<16xi32>
      %jit3A_2064 = arith.constant 50000 : i32
      %broadcast_in_dim3A_2065 = vector.broadcast %jit3A_2064 : i32 to vector<16xi32>
      %select_n3A_2066 = arith.select %lt3A_2063, %broadcast_in_dim3A_2065, %get3A_2060 : vector<16xi1>, vector<16xi32>
      %swap3A_2067 = arith.constant 16 : index
      %swap3A_2068 = tpu.vector_load %arg6[%swap3A_2067] {strides = array<i32>} : memref<640xi32, #tpu.memory_space<vmem>>, vector<16xi32>,
      %swap3A_2069 = vector.shape_cast %swap3A_2068 : vector<16xi32> to vector<16xi32>
      %swap3A_2070 = vector.shape_cast %select_n3A_2066 : vector<16xi32> to vector<16xi32>
      tpu.vector_store %arg6[%swap3A_2067], %swap3A_2070 {strides = array<i32>} : memref<640xi32, #tpu.memory_space<vmem>>, vector<16xi32>,
      %get3A_2071 = arith.constant 32 : index
      %get3A_2072 = tpu.vector_load %arg6[%get3A_2071] {strides = array<i32>} : memref<640xi32, #tpu.memory_space<vmem>>, vector<16xi32>,
      %get3A_2073 = vector.shape_cast %get3A_2072 : vector<16xi32> to vector<16xi32>
      %lt3A_2074 = arith.constant 0 : i32
      %lt3A_2075 = vector.broadcast %lt3A_2074 : i32 to vector<16xi32>
      %lt3A_2076 = arith.cmpi slt, %get3A_2073, %lt3A_2075 : vector<16xi32>
      %jit3A_2077 = arith.constant 50000 : i32
      %broadcast_in_dim3A_2078 = vector.broadcast %jit3A_2077 : i32 to vector<16xi32>
      %select_n3A_2079 = arith.select %lt3A_2076, %broadcast_in_dim3A_2078, %get3A_2073 : vector<16xi1>, vector<16xi32>
      %swap3A_2080 = arith.constant 32 : index
      %swap3A_2081 = tpu.vector_load %arg6[%swap3A_2080] {strides = array<i32>} : memref<640xi32, #tpu.memory_space<vmem>>, vector<16xi32>,
      %swap3A_2082 = vector.shape_cast %swap3A_2081 : vector<16xi32> to vector<16xi32>
      %swap3A_2083 = vector.shape_cast %select_n3A_2079 : vector<16xi32> to vector<16xi32>
      tpu.vector_store %arg6[%swap3A_2080], %swap3A_2083 {strides = array<i32>} : memref<640xi32, #tpu.memory_space<vmem>>, vector<16xi32>,
      %get3A_2084 = arith.constant 48 : index
      %get3A_2085 = tpu.vector_load %arg6[%get3A_2084] {strides = array<i32>} : memref<640xi32, #tpu.memory_space<vmem>>, vector<16xi32>,
      %get3A_2086 = vector.shape_cast %get3A_2085 : vector<16xi32> to vector<16xi32>
      %lt3A_2087 = arith.constant 0 : i32
      %lt3A_2088 = vector.broadcast %lt3A_2087 : i32 to vector<16xi32>
      %lt3A_2089 = arith.cmpi slt, %get3A_2086, %lt3A_2088 : vector<16xi32>
      %jit3A_2090 = arith.constant 50000 : i32
      %broadcast_in_dim3A_2091 = vector.broadcast %jit3A_2090 : i32 to vector<16xi32>
      %select_n3A_2092 = arith.select %lt3A_2089, %broadcast_in_dim3A_2091, %get3A_2086 : vector<16xi1>, vector<16xi32>
      %swap3A_2093 = arith.constant 48 : index
      %swap3A_2094 = tpu.vector_load %arg6[%swap3A_2093] {strides = array<i32>} : memref<640xi32, #tpu.memory_space<vmem>>, vector<16xi32>,
      %swap3A_2095 = vector.shape_cast %swap3A_2094 : vector<16xi32> to vector<16xi32>
      %swap3A_2096 = vector.shape_cast %select_n3A_2092 : vector<16xi32> to vector<16xi32>
      tpu.vector_store %arg6[%swap3A_2093], %swap3A_2096 {strides = array<i32>} : memref<640xi32, #tpu.memory_space<vmem>>, vector<16xi32>,
      %get3A_2097 = arith.constant 64 : index
      %get3A_2098 = tpu.vector_load %arg6[%get3A_2097] {strides = array<i32>} : memref<640xi32, #tpu.memory_space<vmem>>, vector<16xi32>,
      %get3A_2099 = vector.shape_cast %get3A_2098 : vector<16xi32> to vector<16xi32>
      %lt3A_2100 = arith.constant 0 : i32
      %lt3A_2101 = vector.broadcast %lt3A_2100 : i32 to vector<16xi32>
      %lt3A_2102 = arith.cmpi slt, %get3A_2099, %lt3A_2101 : vector<16xi32>
      %jit3A_2103 = arith.constant 50000 : i32
      %broadcast_in_dim3A_2104 = vector.broadcast %jit3A_2103 : i32 to vector<16xi32>
      %select_n3A_2105 = arith.select %lt3A_2102, %broadcast_in_dim3A_2104, %get3A_2099 : vector<16xi1>, vector<16xi32>
      %swap3A_2106 = arith.constant 64 : index
      %swap3A_2107 = tpu.vector_load %arg6[%swap3A_2106] {strides = array<i32>} : memref<640xi32, #tpu.memory_space<vmem>>, vector<16xi32>,
      %swap3A_2108 = vector.shape_cast %swap3A_2107 : vector<16xi32> to vector<16xi32>
      %swap3A_2109 = vector.shape_cast %select_n3A_2105 : vector<16xi32> to vector<16xi32>
      tpu.vector_store %arg6[%swap3A_2106], %swap3A_2109 {strides = array<i32>} : memref<640xi32, #tpu.memory_space<vmem>>, vector<16xi32>,
      %get3A_2110 = arith.constant 80 : index
      %get3A_2111 = tpu.vector_load %arg6[%get3A_2110] {strides = array<i32>} : memref<640xi32, #tpu.memory_space<vmem>>, vector<16xi32>,
      %get3A_2112 = vector.shape_cast %get3A_2111 : vector<16xi32> to vector<16xi32>
      %lt3A_2113 = arith.constant 0 : i32
      %lt3A_2114 = vector.broadcast %lt3A_2113 : i32 to vector<16xi32>
      %lt3A_2115 = arith.cmpi slt, %get3A_2112, %lt3A_2114 : vector<16xi32>
      %jit3A_2116 = arith.constant 50000 : i32
      %broadcast_in_dim3A_2117 = vector.broadcast %jit3A_2116 : i32 to vector<16xi32>
      %select_n3A_2118 = arith.select %lt3A_2115, %broadcast_in_dim3A_2117, %get3A_2112 : vector<16xi1>, vector<16xi32>
      %swap3A_2119 = arith.constant 80 : index
      %swap3A_2120 = tpu.vector_load %arg6[%swap3A_2119] {strides = array<i32>} : memref<640xi32, #tpu.memory_space<vmem>>, vector<16xi32>,
      %swap3A_2121 = vector.shape_cast %swap3A_2120 : vector<16xi32> to vector<16xi32>
      %swap3A_2122 = vector.shape_cast %select_n3A_2118 : vector<16xi32> to vector<16xi32>
      tpu.vector_store %arg6[%swap3A_2119], %swap3A_2122 {strides = array<i32>} : memref<640xi32, #tpu.memory_space<vmem>>, vector<16xi32>,
      %get3A_2123 = arith.constant 96 : index
      %get3A_2124 = tpu.vector_load %arg6[%get3A_2123] {strides = array<i32>} : memref<640xi32, #tpu.memory_space<vmem>>, vector<16xi32>,
      %get3A_2125 = vector.shape_cast %get3A_2124 : vector<16xi32> to vector<16xi32>
      %lt3A_2126 = arith.constant 0 : i32
      %lt3A_2127 = vector.broadcast %lt3A_2126 : i32 to vector<16xi32>
      %lt3A_2128 = arith.cmpi slt, %get3A_2125, %lt3A_2127 : vector<16xi32>
      %jit3A_2129 = arith.constant 50000 : i32
      %broadcast_in_dim3A_2130 = vector.broadcast %jit3A_2129 : i32 to vector<16xi32>
      %select_n3A_2131 = arith.select %lt3A_2128, %broadcast_in_dim3A_2130, %get3A_2125 : vector<16xi1>, vector<16xi32>
      %swap3A_2132 = arith.constant 96 : index
      %swap3A_2133 = tpu.vector_load %arg6[%swap3A_2132] {strides = array<i32>} : memref<640xi32, #tpu.memory_space<vmem>>, vector<16xi32>,
      %swap3A_2134 = vector.shape_cast %swap3A_2133 : vector<16xi32> to vector<16xi32>
      %swap3A_2135 = vector.shape_cast %select_n3A_2131 : vector<16xi32> to vector<16xi32>
      tpu.vector_store %arg6[%swap3A_2132], %swap3A_2135 {strides = array<i32>} : memref<640xi32, #tpu.memory_space<vmem>>, vector<16xi32>,
      %get3A_2136 = arith.constant 112 : index
      %get3A_2137 = tpu.vector_load %arg6[%get3A_2136] {strides = array<i32>} : memref<640xi32, #tpu.memory_space<vmem>>, vector<16xi32>,
      %get3A_2138 = vector.shape_cast %get3A_2137 : vector<16xi32> to vector<16xi32>
      %lt3A_2139 = arith.constant 0 : i32
      %lt3A_2140 = vector.broadcast %lt3A_2139 : i32 to vector<16xi32>
      %lt3A_2141 = arith.cmpi slt, %get3A_2138, %lt3A_2140 : vector<16xi32>
      %jit3A_2142 = arith.constant 50000 : i32
      %broadcast_in_dim3A_2143 = vector.broadcast %jit3A_2142 : i32 to vector<16xi32>
      %select_n3A_2144 = arith.select %lt3A_2141, %broadcast_in_dim3A_2143, %get3A_2138 : vector<16xi1>, vector<16xi32>
      %swap3A_2145 = arith.constant 112 : index
      %swap3A_2146 = tpu.vector_load %arg6[%swap3A_2145] {strides = array<i32>} : memref<640xi32, #tpu.memory_space<vmem>>, vector<16xi32>,
      %swap3A_2147 = vector.shape_cast %swap3A_2146 : vector<16xi32> to vector<16xi32>
      %swap3A_2148 = vector.shape_cast %select_n3A_2144 : vector<16xi32> to vector<16xi32>
      tpu.vector_store %arg6[%swap3A_2145], %swap3A_2148 {strides = array<i32>} : memref<640xi32, #tpu.memory_space<vmem>>, vector<16xi32>,
      %get3A_2149 = arith.constant 128 : index
      %get3A_2150 = tpu.vector_load %arg6[%get3A_2149] {strides = array<i32>} : memref<640xi32, #tpu.memory_space<vmem>>, vector<16xi32>,
      %get3A_2151 = vector.shape_cast %get3A_2150 : vector<16xi32> to vector<16xi32>
      %lt3A_2152 = arith.constant 0 : i32
      %lt3A_2153 = vector.broadcast %lt3A_2152 : i32 to vector<16xi32>
      %lt3A_2154 = arith.cmpi slt, %get3A_2151, %lt3A_2153 : vector<16xi32>
      %jit3A_2155 = arith.constant 50000 : i32
      %broadcast_in_dim3A_2156 = vector.broadcast %jit3A_2155 : i32 to vector<16xi32>
      %select_n3A_2157 = arith.select %lt3A_2154, %broadcast_in_dim3A_2156, %get3A_2151 : vector<16xi1>, vector<16xi32>
      %swap3A_2158 = arith.constant 128 : index
      %swap3A_2159 = tpu.vector_load %arg6[%swap3A_2158] {strides = array<i32>} : memref<640xi32, #tpu.memory_space<vmem>>, vector<16xi32>,
      %swap3A_2160 = vector.shape_cast %swap3A_2159 : vector<16xi32> to vector<16xi32>
      %swap3A_2161 = vector.shape_cast %select_n3A_2157 : vector<16xi32> to vector<16xi32>
      tpu.vector_store %arg6[%swap3A_2158], %swap3A_2161 {strides = array<i32>} : memref<640xi32, #tpu.memory_space<vmem>>, vector<16xi32>,
      %get3A_2162 = arith.constant 144 : index
      %get3A_2163 = tpu.vector_load %arg6[%get3A_2162] {strides = array<i32>} : memref<640xi32, #tpu.memory_space<vmem>>, vector<16xi32>,
      %get3A_2164 = vector.shape_cast %get3A_2163 : vector<16xi32> to vector<16xi32>
      %lt3A_2165 = arith.constant 0 : i32
      %lt3A_2166 = vector.broadcast %lt3A_2165 : i32 to vector<16xi32>
      %lt3A_2167 = arith.cmpi slt, %get3A_2164, %lt3A_2166 : vector<16xi32>
      %jit3A_2168 = arith.constant 50000 : i32
      %broadcast_in_dim3A_2169 = vector.broadcast %jit3A_2168 : i32 to vector<16xi32>
      %select_n3A_2170 = arith.select %lt3A_2167, %broadcast_in_dim3A_2169, %get3A_2164 : vector<16xi1>, vector<16xi32>
      %swap3A_2171 = arith.constant 144 : index
      %swap3A_2172 = tpu.vector_load %arg6[%swap3A_2171] {strides = array<i32>} : memref<640xi32, #tpu.memory_space<vmem>>, vector<16xi32>,
      %swap3A_2173 = vector.shape_cast %swap3A_2172 : vector<16xi32> to vector<16xi32>
      %swap3A_2174 = vector.shape_cast %select_n3A_2170 : vector<16xi32> to vector<16xi32>
      tpu.vector_store %arg6[%swap3A_2171], %swap3A_2174 {strides = array<i32>} : memref<640xi32, #tpu.memory_space<vmem>>, vector<16xi32>,
      %get3A_2175 = arith.constant 160 : index
      %get3A_2176 = tpu.vector_load %arg6[%get3A_2175] {strides = array<i32>} : memref<640xi32, #tpu.memory_space<vmem>>, vector<16xi32>,
      %get3A_2177 = vector.shape_cast %get3A_2176 : vector<16xi32> to vector<16xi32>
      %lt3A_2178 = arith.constant 0 : i32
      %lt3A_2179 = vector.broadcast %lt3A_2178 : i32 to vector<16xi32>
      %lt3A_2180 = arith.cmpi slt, %get3A_2177, %lt3A_2179 : vector<16xi32>
      %jit3A_2181 = arith.constant 50000 : i32
      %broadcast_in_dim3A_2182 = vector.broadcast %jit3A_2181 : i32 to vector<16xi32>
      %select_n3A_2183 = arith.select %lt3A_2180, %broadcast_in_dim3A_2182, %get3A_2177 : vector<16xi1>, vector<16xi32>
      %swap3A_2184 = arith.constant 160 : index
      %swap3A_2185 = tpu.vector_load %arg6[%swap3A_2184] {strides = array<i32>} : memref<640xi32, #tpu.memory_space<vmem>>, vector<16xi32>,
      %swap3A_2186 = vector.shape_cast %swap3A_2185 : vector<16xi32> to vector<16xi32>
      %swap3A_2187 = vector.shape_cast %select_n3A_2183 : vector<16xi32> to vector<16xi32>
      tpu.vector_store %arg6[%swap3A_2184], %swap3A_2187 {strides = array<i32>} : memref<640xi32, #tpu.memory_space<vmem>>, vector<16xi32>,
      %get3A_2188 = arith.constant 176 : index
      %get3A_2189 = tpu.vector_load %arg6[%get3A_2188] {strides = array<i32>} : memref<640xi32, #tpu.memory_space<vmem>>, vector<16xi32>,
      %get3A_2190 = vector.shape_cast %get3A_2189 : vector<16xi32> to vector<16xi32>
      %lt3A_2191 = arith.constant 0 : i32
      %lt3A_2192 = vector.broadcast %lt3A_2191 : i32 to vector<16xi32>
      %lt3A_2193 = arith.cmpi slt, %get3A_2190, %lt3A_2192 : vector<16xi32>
      %jit3A_2194 = arith.constant 50000 : i32
      %broadcast_in_dim3A_2195 = vector.broadcast %jit3A_2194 : i32 to vector<16xi32>
      %select_n3A_2196 = arith.select %lt3A_2193, %broadcast_in_dim3A_2195, %get3A_2190 : vector<16xi1>, vector<16xi32>
      %swap3A_2197 = arith.constant 176 : index
      %swap3A_2198 = tpu.vector_load %arg6[%swap3A_2197] {strides = array<i32>} : memref<640xi32, #tpu.memory_space<vmem>>, vector<16xi32>,
      %swap3A_2199 = vector.shape_cast %swap3A_2198 : vector<16xi32> to vector<16xi32>
      %swap3A_2200 = vector.shape_cast %select_n3A_2196 : vector<16xi32> to vector<16xi32>
      tpu.vector_store %arg6[%swap3A_2197], %swap3A_2200 {strides = array<i32>} : memref<640xi32, #tpu.memory_space<vmem>>, vector<16xi32>,
      %get3A_2201 = arith.constant 192 : index
      %get3A_2202 = tpu.vector_load %arg6[%get3A_2201] {strides = array<i32>} : memref<640xi32, #tpu.memory_space<vmem>>, vector<16xi32>,
      %get3A_2203 = vector.shape_cast %get3A_2202 : vector<16xi32> to vector<16xi32>
      %lt3A_2204 = arith.constant 0 : i32
      %lt3A_2205 = vector.broadcast %lt3A_2204 : i32 to vector<16xi32>
      %lt3A_2206 = arith.cmpi slt, %get3A_2203, %lt3A_2205 : vector<16xi32>
      %jit3A_2207 = arith.constant 50000 : i32
      %broadcast_in_dim3A_2208 = vector.broadcast %jit3A_2207 : i32 to vector<16xi32>
      %select_n3A_2209 = arith.select %lt3A_2206, %broadcast_in_dim3A_2208, %get3A_2203 : vector<16xi1>, vector<16xi32>
      %swap3A_2210 = arith.constant 192 : index
      %swap3A_2211 = tpu.vector_load %arg6[%swap3A_2210] {strides = array<i32>} : memref<640xi32, #tpu.memory_space<vmem>>, vector<16xi32>,
      %swap3A_2212 = vector.shape_cast %swap3A_2211 : vector<16xi32> to vector<16xi32>
      %swap3A_2213 = vector.shape_cast %select_n3A_2209 : vector<16xi32> to vector<16xi32>
      tpu.vector_store %arg6[%swap3A_2210], %swap3A_2213 {strides = array<i32>} : memref<640xi32, #tpu.memory_space<vmem>>, vector<16xi32>,
      %get3A_2214 = arith.constant 208 : index
      %get3A_2215 = tpu.vector_load %arg6[%get3A_2214] {strides = array<i32>} : memref<640xi32, #tpu.memory_space<vmem>>, vector<16xi32>,
      %get3A_2216 = vector.shape_cast %get3A_2215 : vector<16xi32> to vector<16xi32>
      %lt3A_2217 = arith.constant 0 : i32
      %lt3A_2218 = vector.broadcast %lt3A_2217 : i32 to vector<16xi32>
      %lt3A_2219 = arith.cmpi slt, %get3A_2216, %lt3A_2218 : vector<16xi32>
      %jit3A_2220 = arith.constant 50000 : i32
      %broadcast_in_dim3A_2221 = vector.broadcast %jit3A_2220 : i32 to vector<16xi32>
      %select_n3A_2222 = arith.select %lt3A_2219, %broadcast_in_dim3A_2221, %get3A_2216 : vector<16xi1>, vector<16xi32>
      %swap3A_2223 = arith.constant 208 : index
      %swap3A_2224 = tpu.vector_load %arg6[%swap3A_2223] {strides = array<i32>} : memref<640xi32, #tpu.memory_space<vmem>>, vector<16xi32>,
      %swap3A_2225 = vector.shape_cast %swap3A_2224 : vector<16xi32> to vector<16xi32>
      %swap3A_2226 = vector.shape_cast %select_n3A_2222 : vector<16xi32> to vector<16xi32>
      tpu.vector_store %arg6[%swap3A_2223], %swap3A_2226 {strides = array<i32>} : memref<640xi32, #tpu.memory_space<vmem>>, vector<16xi32>,
      %get3A_2227 = arith.constant 224 : index
      %get3A_2228 = tpu.vector_load %arg6[%get3A_2227] {strides = array<i32>} : memref<640xi32, #tpu.memory_space<vmem>>, vector<16xi32>,
      %get3A_2229 = vector.shape_cast %get3A_2228 : vector<16xi32> to vector<16xi32>
      %lt3A_2230 = arith.constant 0 : i32
      %lt3A_2231 = vector.broadcast %lt3A_2230 : i32 to vector<16xi32>
      %lt3A_2232 = arith.cmpi slt, %get3A_2229, %lt3A_2231 : vector<16xi32>
      %jit3A_2233 = arith.constant 50000 : i32
      %broadcast_in_dim3A_2234 = vector.broadcast %jit3A_2233 : i32 to vector<16xi32>
      %select_n3A_2235 = arith.select %lt3A_2232, %broadcast_in_dim3A_2234, %get3A_2229 : vector<16xi1>, vector<16xi32>
      %swap3A_2236 = arith.constant 224 : index
      %swap3A_2237 = tpu.vector_load %arg6[%swap3A_2236] {strides = array<i32>} : memref<640xi32, #tpu.memory_space<vmem>>, vector<16xi32>,
      %swap3A_2238 = vector.shape_cast %swap3A_2237 : vector<16xi32> to vector<16xi32>
      %swap3A_2239 = vector.shape_cast %select_n3A_2235 : vector<16xi32> to vector<16xi32>
      tpu.vector_store %arg6[%swap3A_2236], %swap3A_2239 {strides = array<i32>} : memref<640xi32, #tpu.memory_space<vmem>>, vector<16xi32>,
      %get3A_2240 = arith.constant 240 : index
      %get3A_2241 = tpu.vector_load %arg6[%get3A_2240] {strides = array<i32>} : memref<640xi32, #tpu.memory_space<vmem>>, vector<16xi32>,
      %get3A_2242 = vector.shape_cast %get3A_2241 : vector<16xi32> to vector<16xi32>
      %lt3A_2243 = arith.constant 0 : i32
      %lt3A_2244 = vector.broadcast %lt3A_2243 : i32 to vector<16xi32>
      %lt3A_2245 = arith.cmpi slt, %get3A_2242, %lt3A_2244 : vector<16xi32>
      %jit3A_2246 = arith.constant 50000 : i32
      %broadcast_in_dim3A_2247 = vector.broadcast %jit3A_2246 : i32 to vector<16xi32>
      %select_n3A_2248 = arith.select %lt3A_2245, %broadcast_in_dim3A_2247, %get3A_2242 : vector<16xi1>, vector<16xi32>
      %swap3A_2249 = arith.constant 240 : index
      %swap3A_2250 = tpu.vector_load %arg6[%swap3A_2249] {strides = array<i32>} : memref<640xi32, #tpu.memory_space<vmem>>, vector<16xi32>,
      %swap3A_2251 = vector.shape_cast %swap3A_2250 : vector<16xi32> to vector<16xi32>
      %swap3A_2252 = vector.shape_cast %select_n3A_2248 : vector<16xi32> to vector<16xi32>
      tpu.vector_store %arg6[%swap3A_2249], %swap3A_2252 {strides = array<i32>} : memref<640xi32, #tpu.memory_space<vmem>>, vector<16xi32>,
      %get3A_2253 = arith.constant 256 : index
      %get3A_2254 = tpu.vector_load %arg6[%get3A_2253] {strides = array<i32>} : memref<640xi32, #tpu.memory_space<vmem>>, vector<16xi32>,
      %get3A_2255 = vector.shape_cast %get3A_2254 : vector<16xi32> to vector<16xi32>
      %lt3A_2256 = arith.constant 0 : i32
      %lt3A_2257 = vector.broadcast %lt3A_2256 : i32 to vector<16xi32>
      %lt3A_2258 = arith.cmpi slt, %get3A_2255, %lt3A_2257 : vector<16xi32>
      %jit3A_2259 = arith.constant 50000 : i32
      %broadcast_in_dim3A_2260 = vector.broadcast %jit3A_2259 : i32 to vector<16xi32>
      %select_n3A_2261 = arith.select %lt3A_2258, %broadcast_in_dim3A_2260, %get3A_2255 : vector<16xi1>, vector<16xi32>
      %swap3A_2262 = arith.constant 256 : index
      %swap3A_2263 = tpu.vector_load %arg6[%swap3A_2262] {strides = array<i32>} : memref<640xi32, #tpu.memory_space<vmem>>, vector<16xi32>,
      %swap3A_2264 = vector.shape_cast %swap3A_2263 : vector<16xi32> to vector<16xi32>
      %swap3A_2265 = vector.shape_cast %select_n3A_2261 : vector<16xi32> to vector<16xi32>
      tpu.vector_store %arg6[%swap3A_2262], %swap3A_2265 {strides = array<i32>} : memref<640xi32, #tpu.memory_space<vmem>>, vector<16xi32>,
      %get3A_2266 = arith.constant 272 : index
      %get3A_2267 = tpu.vector_load %arg6[%get3A_2266] {strides = array<i32>} : memref<640xi32, #tpu.memory_space<vmem>>, vector<16xi32>,
      %get3A_2268 = vector.shape_cast %get3A_2267 : vector<16xi32> to vector<16xi32>
      %lt3A_2269 = arith.constant 0 : i32
      %lt3A_2270 = vector.broadcast %lt3A_2269 : i32 to vector<16xi32>
      %lt3A_2271 = arith.cmpi slt, %get3A_2268, %lt3A_2270 : vector<16xi32>
      %jit3A_2272 = arith.constant 50000 : i32
      %broadcast_in_dim3A_2273 = vector.broadcast %jit3A_2272 : i32 to vector<16xi32>
      %select_n3A_2274 = arith.select %lt3A_2271, %broadcast_in_dim3A_2273, %get3A_2268 : vector<16xi1>, vector<16xi32>
      %swap3A_2275 = arith.constant 272 : index
      %swap3A_2276 = tpu.vector_load %arg6[%swap3A_2275] {strides = array<i32>} : memref<640xi32, #tpu.memory_space<vmem>>, vector<16xi32>,
      %swap3A_2277 = vector.shape_cast %swap3A_2276 : vector<16xi32> to vector<16xi32>
      %swap3A_2278 = vector.shape_cast %select_n3A_2274 : vector<16xi32> to vector<16xi32>
      tpu.vector_store %arg6[%swap3A_2275], %swap3A_2278 {strides = array<i32>} : memref<640xi32, #tpu.memory_space<vmem>>, vector<16xi32>,
      %get3A_2279 = arith.constant 288 : index
      %get3A_2280 = tpu.vector_load %arg6[%get3A_2279] {strides = array<i32>} : memref<640xi32, #tpu.memory_space<vmem>>, vector<16xi32>,
      %get3A_2281 = vector.shape_cast %get3A_2280 : vector<16xi32> to vector<16xi32>
      %lt3A_2282 = arith.constant 0 : i32
      %lt3A_2283 = vector.broadcast %lt3A_2282 : i32 to vector<16xi32>
      %lt3A_2284 = arith.cmpi slt, %get3A_2281, %lt3A_2283 : vector<16xi32>
      %jit3A_2285 = arith.constant 50000 : i32
      %broadcast_in_dim3A_2286 = vector.broadcast %jit3A_2285 : i32 to vector<16xi32>
      %select_n3A_2287 = arith.select %lt3A_2284, %broadcast_in_dim3A_2286, %get3A_2281 : vector<16xi1>, vector<16xi32>
      %swap3A_2288 = arith.constant 288 : index
      %swap3A_2289 = tpu.vector_load %arg6[%swap3A_2288] {strides = array<i32>} : memref<640xi32, #tpu.memory_space<vmem>>, vector<16xi32>,
      %swap3A_2290 = vector.shape_cast %swap3A_2289 : vector<16xi32> to vector<16xi32>
      %swap3A_2291 = vector.shape_cast %select_n3A_2287 : vector<16xi32> to vector<16xi32>
      tpu.vector_store %arg6[%swap3A_2288], %swap3A_2291 {strides = array<i32>} : memref<640xi32, #tpu.memory_space<vmem>>, vector<16xi32>,
      %get3A_2292 = arith.constant 304 : index
      %get3A_2293 = tpu.vector_load %arg6[%get3A_2292] {strides = array<i32>} : memref<640xi32, #tpu.memory_space<vmem>>, vector<16xi32>,
      %get3A_2294 = vector.shape_cast %get3A_2293 : vector<16xi32> to vector<16xi32>
      %lt3A_2295 = arith.constant 0 : i32
      %lt3A_2296 = vector.broadcast %lt3A_2295 : i32 to vector<16xi32>
      %lt3A_2297 = arith.cmpi slt, %get3A_2294, %lt3A_2296 : vector<16xi32>
      %jit3A_2298 = arith.constant 50000 : i32
      %broadcast_in_dim3A_2299 = vector.broadcast %jit3A_2298 : i32 to vector<16xi32>
      %select_n3A_2300 = arith.select %lt3A_2297, %broadcast_in_dim3A_2299, %get3A_2294 : vector<16xi1>, vector<16xi32>
      %swap3A_2301 = arith.constant 304 : index
      %swap3A_2302 = tpu.vector_load %arg6[%swap3A_2301] {strides = array<i32>} : memref<640xi32, #tpu.memory_space<vmem>>, vector<16xi32>,
      %swap3A_2303 = vector.shape_cast %swap3A_2302 : vector<16xi32> to vector<16xi32>
      %swap3A_2304 = vector.shape_cast %select_n3A_2300 : vector<16xi32> to vector<16xi32>
      tpu.vector_store %arg6[%swap3A_2301], %swap3A_2304 {strides = array<i32>} : memref<640xi32, #tpu.memory_space<vmem>>, vector<16xi32>,
      %get3A_2305 = arith.constant 320 : index
      %get3A_2306 = tpu.vector_load %arg6[%get3A_2305] {strides = array<i32>} : memref<640xi32, #tpu.memory_space<vmem>>, vector<16xi32>,
      %get3A_2307 = vector.shape_cast %get3A_2306 : vector<16xi32> to vector<16xi32>
      %lt3A_2308 = arith.constant 0 : i32
      %lt3A_2309 = vector.broadcast %lt3A_2308 : i32 to vector<16xi32>
      %lt3A_2310 = arith.cmpi slt, %get3A_2307, %lt3A_2309 : vector<16xi32>
      %jit3A_2311 = arith.constant 50000 : i32
      %broadcast_in_dim3A_2312 = vector.broadcast %jit3A_2311 : i32 to vector<16xi32>
      %select_n3A_2313 = arith.select %lt3A_2310, %broadcast_in_dim3A_2312, %get3A_2307 : vector<16xi1>, vector<16xi32>
      %swap3A_2314 = arith.constant 320 : index
      %swap3A_2315 = tpu.vector_load %arg6[%swap3A_2314] {strides = array<i32>} : memref<640xi32, #tpu.memory_space<vmem>>, vector<16xi32>,
      %swap3A_2316 = vector.shape_cast %swap3A_2315 : vector<16xi32> to vector<16xi32>
      %swap3A_2317 = vector.shape_cast %select_n3A_2313 : vector<16xi32> to vector<16xi32>
      tpu.vector_store %arg6[%swap3A_2314], %swap3A_2317 {strides = array<i32>} : memref<640xi32, #tpu.memory_space<vmem>>, vector<16xi32>,
      %get3A_2318 = arith.constant 336 : index
      %get3A_2319 = tpu.vector_load %arg6[%get3A_2318] {strides = array<i32>} : memref<640xi32, #tpu.memory_space<vmem>>, vector<16xi32>,
      %get3A_2320 = vector.shape_cast %get3A_2319 : vector<16xi32> to vector<16xi32>
      %lt3A_2321 = arith.constant 0 : i32
      %lt3A_2322 = vector.broadcast %lt3A_2321 : i32 to vector<16xi32>
      %lt3A_2323 = arith.cmpi slt, %get3A_2320, %lt3A_2322 : vector<16xi32>
      %jit3A_2324 = arith.constant 50000 : i32
      %broadcast_in_dim3A_2325 = vector.broadcast %jit3A_2324 : i32 to vector<16xi32>
      %select_n3A_2326 = arith.select %lt3A_2323, %broadcast_in_dim3A_2325, %get3A_2320 : vector<16xi1>, vector<16xi32>
      %swap3A_2327 = arith.constant 336 : index
      %swap3A_2328 = tpu.vector_load %arg6[%swap3A_2327] {strides = array<i32>} : memref<640xi32, #tpu.memory_space<vmem>>, vector<16xi32>,
      %swap3A_2329 = vector.shape_cast %swap3A_2328 : vector<16xi32> to vector<16xi32>
      %swap3A_2330 = vector.shape_cast %select_n3A_2326 : vector<16xi32> to vector<16xi32>
      tpu.vector_store %arg6[%swap3A_2327], %swap3A_2330 {strides = array<i32>} : memref<640xi32, #tpu.memory_space<vmem>>, vector<16xi32>,
      %get3A_2331 = arith.constant 352 : index
      %get3A_2332 = tpu.vector_load %arg6[%get3A_2331] {strides = array<i32>} : memref<640xi32, #tpu.memory_space<vmem>>, vector<16xi32>,
      %get3A_2333 = vector.shape_cast %get3A_2332 : vector<16xi32> to vector<16xi32>
      %lt3A_2334 = arith.constant 0 : i32
      %lt3A_2335 = vector.broadcast %lt3A_2334 : i32 to vector<16xi32>
      %lt3A_2336 = arith.cmpi slt, %get3A_2333, %lt3A_2335 : vector<16xi32>
      %jit3A_2337 = arith.constant 50000 : i32
      %broadcast_in_dim3A_2338 = vector.broadcast %jit3A_2337 : i32 to vector<16xi32>
      %select_n3A_2339 = arith.select %lt3A_2336, %broadcast_in_dim3A_2338, %get3A_2333 : vector<16xi1>, vector<16xi32>
      %swap3A_2340 = arith.constant 352 : index
      %swap3A_2341 = tpu.vector_load %arg6[%swap3A_2340] {strides = array<i32>} : memref<640xi32, #tpu.memory_space<vmem>>, vector<16xi32>,
      %swap3A_2342 = vector.shape_cast %swap3A_2341 : vector<16xi32> to vector<16xi32>
      %swap3A_2343 = vector.shape_cast %select_n3A_2339 : vector<16xi32> to vector<16xi32>
      tpu.vector_store %arg6[%swap3A_2340], %swap3A_2343 {strides = array<i32>} : memref<640xi32, #tpu.memory_space<vmem>>, vector<16xi32>,
      %get3A_2344 = arith.constant 368 : index
      %get3A_2345 = tpu.vector_load %arg6[%get3A_2344] {strides = array<i32>} : memref<640xi32, #tpu.memory_space<vmem>>, vector<16xi32>,
      %get3A_2346 = vector.shape_cast %get3A_2345 : vector<16xi32> to vector<16xi32>
      %lt3A_2347 = arith.constant 0 : i32
      %lt3A_2348 = vector.broadcast %lt3A_2347 : i32 to vector<16xi32>
      %lt3A_2349 = arith.cmpi slt, %get3A_2346, %lt3A_2348 : vector<16xi32>
      %jit3A_2350 = arith.constant 50000 : i32
      %broadcast_in_dim3A_2351 = vector.broadcast %jit3A_2350 : i32 to vector<16xi32>
      %select_n3A_2352 = arith.select %lt3A_2349, %broadcast_in_dim3A_2351, %get3A_2346 : vector<16xi1>, vector<16xi32>
      %swap3A_2353 = arith.constant 368 : index
      %swap3A_2354 = tpu.vector_load %arg6[%swap3A_2353] {strides = array<i32>} : memref<640xi32, #tpu.memory_space<vmem>>, vector<16xi32>,
      %swap3A_2355 = vector.shape_cast %swap3A_2354 : vector<16xi32> to vector<16xi32>
      %swap3A_2356 = vector.shape_cast %select_n3A_2352 : vector<16xi32> to vector<16xi32>
      tpu.vector_store %arg6[%swap3A_2353], %swap3A_2356 {strides = array<i32>} : memref<640xi32, #tpu.memory_space<vmem>>, vector<16xi32>,
      %get3A_2357 = arith.constant 384 : index
      %get3A_2358 = tpu.vector_load %arg6[%get3A_2357] {strides = array<i32>} : memref<640xi32, #tpu.memory_space<vmem>>, vector<16xi32>,
      %get3A_2359 = vector.shape_cast %get3A_2358 : vector<16xi32> to vector<16xi32>
      %lt3A_2360 = arith.constant 0 : i32
      %lt3A_2361 = vector.broadcast %lt3A_2360 : i32 to vector<16xi32>
      %lt3A_2362 = arith.cmpi slt, %get3A_2359, %lt3A_2361 : vector<16xi32>
      %jit3A_2363 = arith.constant 50000 : i32
      %broadcast_in_dim3A_2364 = vector.broadcast %jit3A_2363 : i32 to vector<16xi32>
      %select_n3A_2365 = arith.select %lt3A_2362, %broadcast_in_dim3A_2364, %get3A_2359 : vector<16xi1>, vector<16xi32>
      %swap3A_2366 = arith.constant 384 : index
      %swap3A_2367 = tpu.vector_load %arg6[%swap3A_2366] {strides = array<i32>} : memref<640xi32, #tpu.memory_space<vmem>>, vector<16xi32>,
      %swap3A_2368 = vector.shape_cast %swap3A_2367 : vector<16xi32> to vector<16xi32>
      %swap3A_2369 = vector.shape_cast %select_n3A_2365 : vector<16xi32> to vector<16xi32>
      tpu.vector_store %arg6[%swap3A_2366], %swap3A_2369 {strides = array<i32>} : memref<640xi32, #tpu.memory_space<vmem>>, vector<16xi32>,
      %get3A_2370 = arith.constant 400 : index
      %get3A_2371 = tpu.vector_load %arg6[%get3A_2370] {strides = array<i32>} : memref<640xi32, #tpu.memory_space<vmem>>, vector<16xi32>,
      %get3A_2372 = vector.shape_cast %get3A_2371 : vector<16xi32> to vector<16xi32>
      %lt3A_2373 = arith.constant 0 : i32
      %lt3A_2374 = vector.broadcast %lt3A_2373 : i32 to vector<16xi32>
      %lt3A_2375 = arith.cmpi slt, %get3A_2372, %lt3A_2374 : vector<16xi32>
      %jit3A_2376 = arith.constant 50000 : i32
      %broadcast_in_dim3A_2377 = vector.broadcast %jit3A_2376 : i32 to vector<16xi32>
      %select_n3A_2378 = arith.select %lt3A_2375, %broadcast_in_dim3A_2377, %get3A_2372 : vector<16xi1>, vector<16xi32>
      %swap3A_2379 = arith.constant 400 : index
      %swap3A_2380 = tpu.vector_load %arg6[%swap3A_2379] {strides = array<i32>} : memref<640xi32, #tpu.memory_space<vmem>>, vector<16xi32>,
      %swap3A_2381 = vector.shape_cast %swap3A_2380 : vector<16xi32> to vector<16xi32>
      %swap3A_2382 = vector.shape_cast %select_n3A_2378 : vector<16xi32> to vector<16xi32>
      tpu.vector_store %arg6[%swap3A_2379], %swap3A_2382 {strides = array<i32>} : memref<640xi32, #tpu.memory_space<vmem>>, vector<16xi32>,
      %get3A_2383 = arith.constant 416 : index
      %get3A_2384 = tpu.vector_load %arg6[%get3A_2383] {strides = array<i32>} : memref<640xi32, #tpu.memory_space<vmem>>, vector<16xi32>,
      %get3A_2385 = vector.shape_cast %get3A_2384 : vector<16xi32> to vector<16xi32>
      %lt3A_2386 = arith.constant 0 : i32
      %lt3A_2387 = vector.broadcast %lt3A_2386 : i32 to vector<16xi32>
      %lt3A_2388 = arith.cmpi slt, %get3A_2385, %lt3A_2387 : vector<16xi32>
      %jit3A_2389 = arith.constant 50000 : i32
      %broadcast_in_dim3A_2390 = vector.broadcast %jit3A_2389 : i32 to vector<16xi32>
      %select_n3A_2391 = arith.select %lt3A_2388, %broadcast_in_dim3A_2390, %get3A_2385 : vector<16xi1>, vector<16xi32>
      %swap3A_2392 = arith.constant 416 : index
      %swap3A_2393 = tpu.vector_load %arg6[%swap3A_2392] {strides = array<i32>} : memref<640xi32, #tpu.memory_space<vmem>>, vector<16xi32>,
      %swap3A_2394 = vector.shape_cast %swap3A_2393 : vector<16xi32> to vector<16xi32>
      %swap3A_2395 = vector.shape_cast %select_n3A_2391 : vector<16xi32> to vector<16xi32>
      tpu.vector_store %arg6[%swap3A_2392], %swap3A_2395 {strides = array<i32>} : memref<640xi32, #tpu.memory_space<vmem>>, vector<16xi32>,
      %get3A_2396 = arith.constant 432 : index
      %get3A_2397 = tpu.vector_load %arg6[%get3A_2396] {strides = array<i32>} : memref<640xi32, #tpu.memory_space<vmem>>, vector<16xi32>,
      %get3A_2398 = vector.shape_cast %get3A_2397 : vector<16xi32> to vector<16xi32>
      %lt3A_2399 = arith.constant 0 : i32
      %lt3A_2400 = vector.broadcast %lt3A_2399 : i32 to vector<16xi32>
      %lt3A_2401 = arith.cmpi slt, %get3A_2398, %lt3A_2400 : vector<16xi32>
      %jit3A_2402 = arith.constant 50000 : i32
      %broadcast_in_dim3A_2403 = vector.broadcast %jit3A_2402 : i32 to vector<16xi32>
      %select_n3A_2404 = arith.select %lt3A_2401, %broadcast_in_dim3A_2403, %get3A_2398 : vector<16xi1>, vector<16xi32>
      %swap3A_2405 = arith.constant 432 : index
      %swap3A_2406 = tpu.vector_load %arg6[%swap3A_2405] {strides = array<i32>} : memref<640xi32, #tpu.memory_space<vmem>>, vector<16xi32>,
      %swap3A_2407 = vector.shape_cast %swap3A_2406 : vector<16xi32> to vector<16xi32>
      %swap3A_2408 = vector.shape_cast %select_n3A_2404 : vector<16xi32> to vector<16xi32>
      tpu.vector_store %arg6[%swap3A_2405], %swap3A_2408 {strides = array<i32>} : memref<640xi32, #tpu.memory_space<vmem>>, vector<16xi32>,
      %get3A_2409 = arith.constant 448 : index
      %get3A_2410 = tpu.vector_load %arg6[%get3A_2409] {strides = array<i32>} : memref<640xi32, #tpu.memory_space<vmem>>, vector<16xi32>,
      %get3A_2411 = vector.shape_cast %get3A_2410 : vector<16xi32> to vector<16xi32>
      %lt3A_2412 = arith.constant 0 : i32
      %lt3A_2413 = vector.broadcast %lt3A_2412 : i32 to vector<16xi32>
      %lt3A_2414 = arith.cmpi slt, %get3A_2411, %lt3A_2413 : vector<16xi32>
      %jit3A_2415 = arith.constant 50000 : i32
      %broadcast_in_dim3A_2416 = vector.broadcast %jit3A_2415 : i32 to vector<16xi32>
      %select_n3A_2417 = arith.select %lt3A_2414, %broadcast_in_dim3A_2416, %get3A_2411 : vector<16xi1>, vector<16xi32>
      %swap3A_2418 = arith.constant 448 : index
      %swap3A_2419 = tpu.vector_load %arg6[%swap3A_2418] {strides = array<i32>} : memref<640xi32, #tpu.memory_space<vmem>>, vector<16xi32>,
      %swap3A_2420 = vector.shape_cast %swap3A_2419 : vector<16xi32> to vector<16xi32>
      %swap3A_2421 = vector.shape_cast %select_n3A_2417 : vector<16xi32> to vector<16xi32>
      tpu.vector_store %arg6[%swap3A_2418], %swap3A_2421 {strides = array<i32>} : memref<640xi32, #tpu.memory_space<vmem>>, vector<16xi32>,
      %get3A_2422 = arith.constant 464 : index
      %get3A_2423 = tpu.vector_load %arg6[%get3A_2422] {strides = array<i32>} : memref<640xi32, #tpu.memory_space<vmem>>, vector<16xi32>,
      %get3A_2424 = vector.shape_cast %get3A_2423 : vector<16xi32> to vector<16xi32>
      %lt3A_2425 = arith.constant 0 : i32
      %lt3A_2426 = vector.broadcast %lt3A_2425 : i32 to vector<16xi32>
      %lt3A_2427 = arith.cmpi slt, %get3A_2424, %lt3A_2426 : vector<16xi32>
      %jit3A_2428 = arith.constant 50000 : i32
      %broadcast_in_dim3A_2429 = vector.broadcast %jit3A_2428 : i32 to vector<16xi32>
      %select_n3A_2430 = arith.select %lt3A_2427, %broadcast_in_dim3A_2429, %get3A_2424 : vector<16xi1>, vector<16xi32>
      %swap3A_2431 = arith.constant 464 : index
      %swap3A_2432 = tpu.vector_load %arg6[%swap3A_2431] {strides = array<i32>} : memref<640xi32, #tpu.memory_space<vmem>>, vector<16xi32>,
      %swap3A_2433 = vector.shape_cast %swap3A_2432 : vector<16xi32> to vector<16xi32>
      %swap3A_2434 = vector.shape_cast %select_n3A_2430 : vector<16xi32> to vector<16xi32>
      tpu.vector_store %arg6[%swap3A_2431], %swap3A_2434 {strides = array<i32>} : memref<640xi32, #tpu.memory_space<vmem>>, vector<16xi32>,
      %get3A_2435 = arith.constant 480 : index
      %get3A_2436 = tpu.vector_load %arg6[%get3A_2435] {strides = array<i32>} : memref<640xi32, #tpu.memory_space<vmem>>, vector<16xi32>,
      %get3A_2437 = vector.shape_cast %get3A_2436 : vector<16xi32> to vector<16xi32>
      %lt3A_2438 = arith.constant 0 : i32
      %lt3A_2439 = vector.broadcast %lt3A_2438 : i32 to vector<16xi32>
      %lt3A_2440 = arith.cmpi slt, %get3A_2437, %lt3A_2439 : vector<16xi32>
      %jit3A_2441 = arith.constant 50000 : i32
      %broadcast_in_dim3A_2442 = vector.broadcast %jit3A_2441 : i32 to vector<16xi32>
      %select_n3A_2443 = arith.select %lt3A_2440, %broadcast_in_dim3A_2442, %get3A_2437 : vector<16xi1>, vector<16xi32>
      %swap3A_2444 = arith.constant 480 : index
      %swap3A_2445 = tpu.vector_load %arg6[%swap3A_2444] {strides = array<i32>} : memref<640xi32, #tpu.memory_space<vmem>>, vector<16xi32>,
      %swap3A_2446 = vector.shape_cast %swap3A_2445 : vector<16xi32> to vector<16xi32>
      %swap3A_2447 = vector.shape_cast %select_n3A_2443 : vector<16xi32> to vector<16xi32>
      tpu.vector_store %arg6[%swap3A_2444], %swap3A_2447 {strides = array<i32>} : memref<640xi32, #tpu.memory_space<vmem>>, vector<16xi32>,
      %get3A_2448 = arith.constant 496 : index
      %get3A_2449 = tpu.vector_load %arg6[%get3A_2448] {strides = array<i32>} : memref<640xi32, #tpu.memory_space<vmem>>, vector<16xi32>,
      %get3A_2450 = vector.shape_cast %get3A_2449 : vector<16xi32> to vector<16xi32>
      %lt3A_2451 = arith.constant 0 : i32
      %lt3A_2452 = vector.broadcast %lt3A_2451 : i32 to vector<16xi32>
      %lt3A_2453 = arith.cmpi slt, %get3A_2450, %lt3A_2452 : vector<16xi32>
      %jit3A_2454 = arith.constant 50000 : i32
      %broadcast_in_dim3A_2455 = vector.broadcast %jit3A_2454 : i32 to vector<16xi32>
      %select_n3A_2456 = arith.select %lt3A_2453, %broadcast_in_dim3A_2455, %get3A_2450 : vector<16xi1>, vector<16xi32>
      %swap3A_2457 = arith.constant 496 : index
      %swap3A_2458 = tpu.vector_load %arg6[%swap3A_2457] {strides = array<i32>} : memref<640xi32, #tpu.memory_space<vmem>>, vector<16xi32>,
      %swap3A_2459 = vector.shape_cast %swap3A_2458 : vector<16xi32> to vector<16xi32>
      %swap3A_2460 = vector.shape_cast %select_n3A_2456 : vector<16xi32> to vector<16xi32>
      tpu.vector_store %arg6[%swap3A_2457], %swap3A_2460 {strides = array<i32>} : memref<640xi32, #tpu.memory_space<vmem>>, vector<16xi32>,
      %get3A_2461 = arith.constant 512 : index
      %get3A_2462 = tpu.vector_load %arg6[%get3A_2461] {strides = array<i32>} : memref<640xi32, #tpu.memory_space<vmem>>, vector<16xi32>,
      %get3A_2463 = vector.shape_cast %get3A_2462 : vector<16xi32> to vector<16xi32>
      %lt3A_2464 = arith.constant 0 : i32
      %lt3A_2465 = vector.broadcast %lt3A_2464 : i32 to vector<16xi32>
      %lt3A_2466 = arith.cmpi slt, %get3A_2463, %lt3A_2465 : vector<16xi32>
      %jit3A_2467 = arith.constant 50000 : i32
      %broadcast_in_dim3A_2468 = vector.broadcast %jit3A_2467 : i32 to vector<16xi32>
      %select_n3A_2469 = arith.select %lt3A_2466, %broadcast_in_dim3A_2468, %get3A_2463 : vector<16xi1>, vector<16xi32>
      %swap3A_2470 = arith.constant 512 : index
      %swap3A_2471 = tpu.vector_load %arg6[%swap3A_2470] {strides = array<i32>} : memref<640xi32, #tpu.memory_space<vmem>>, vector<16xi32>,
      %swap3A_2472 = vector.shape_cast %swap3A_2471 : vector<16xi32> to vector<16xi32>
      %swap3A_2473 = vector.shape_cast %select_n3A_2469 : vector<16xi32> to vector<16xi32>
      tpu.vector_store %arg6[%swap3A_2470], %swap3A_2473 {strides = array<i32>} : memref<640xi32, #tpu.memory_space<vmem>>, vector<16xi32>,
      %get3A_2474 = arith.constant 528 : index
      %get3A_2475 = tpu.vector_load %arg6[%get3A_2474] {strides = array<i32>} : memref<640xi32, #tpu.memory_space<vmem>>, vector<16xi32>,
      %get3A_2476 = vector.shape_cast %get3A_2475 : vector<16xi32> to vector<16xi32>
      %lt3A_2477 = arith.constant 0 : i32
      %lt3A_2478 = vector.broadcast %lt3A_2477 : i32 to vector<16xi32>
      %lt3A_2479 = arith.cmpi slt, %get3A_2476, %lt3A_2478 : vector<16xi32>
      %jit3A_2480 = arith.constant 50000 : i32
      %broadcast_in_dim3A_2481 = vector.broadcast %jit3A_2480 : i32 to vector<16xi32>
      %select_n3A_2482 = arith.select %lt3A_2479, %broadcast_in_dim3A_2481, %get3A_2476 : vector<16xi1>, vector<16xi32>
      %swap3A_2483 = arith.constant 528 : index
      %swap3A_2484 = tpu.vector_load %arg6[%swap3A_2483] {strides = array<i32>} : memref<640xi32, #tpu.memory_space<vmem>>, vector<16xi32>,
      %swap3A_2485 = vector.shape_cast %swap3A_2484 : vector<16xi32> to vector<16xi32>
      %swap3A_2486 = vector.shape_cast %select_n3A_2482 : vector<16xi32> to vector<16xi32>
      tpu.vector_store %arg6[%swap3A_2483], %swap3A_2486 {strides = array<i32>} : memref<640xi32, #tpu.memory_space<vmem>>, vector<16xi32>,
      %get3A_2487 = arith.constant 544 : index
      %get3A_2488 = tpu.vector_load %arg6[%get3A_2487] {strides = array<i32>} : memref<640xi32, #tpu.memory_space<vmem>>, vector<16xi32>,
      %get3A_2489 = vector.shape_cast %get3A_2488 : vector<16xi32> to vector<16xi32>
      %lt3A_2490 = arith.constant 0 : i32
      %lt3A_2491 = vector.broadcast %lt3A_2490 : i32 to vector<16xi32>
      %lt3A_2492 = arith.cmpi slt, %get3A_2489, %lt3A_2491 : vector<16xi32>
      %jit3A_2493 = arith.constant 50000 : i32
      %broadcast_in_dim3A_2494 = vector.broadcast %jit3A_2493 : i32 to vector<16xi32>
      %select_n3A_2495 = arith.select %lt3A_2492, %broadcast_in_dim3A_2494, %get3A_2489 : vector<16xi1>, vector<16xi32>
      %swap3A_2496 = arith.constant 544 : index
      %swap3A_2497 = tpu.vector_load %arg6[%swap3A_2496] {strides = array<i32>} : memref<640xi32, #tpu.memory_space<vmem>>, vector<16xi32>,
      %swap3A_2498 = vector.shape_cast %swap3A_2497 : vector<16xi32> to vector<16xi32>
      %swap3A_2499 = vector.shape_cast %select_n3A_2495 : vector<16xi32> to vector<16xi32>
      tpu.vector_store %arg6[%swap3A_2496], %swap3A_2499 {strides = array<i32>} : memref<640xi32, #tpu.memory_space<vmem>>, vector<16xi32>,
      %get3A_2500 = arith.constant 560 : index
      %get3A_2501 = tpu.vector_load %arg6[%get3A_2500] {strides = array<i32>} : memref<640xi32, #tpu.memory_space<vmem>>, vector<16xi32>,
      %get3A_2502 = vector.shape_cast %get3A_2501 : vector<16xi32> to vector<16xi32>
      %lt3A_2503 = arith.constant 0 : i32
      %lt3A_2504 = vector.broadcast %lt3A_2503 : i32 to vector<16xi32>
      %lt3A_2505 = arith.cmpi slt, %get3A_2502, %lt3A_2504 : vector<16xi32>
      %jit3A_2506 = arith.constant 50000 : i32
      %broadcast_in_dim3A_2507 = vector.broadcast %jit3A_2506 : i32 to vector<16xi32>
      %select_n3A_2508 = arith.select %lt3A_2505, %broadcast_in_dim3A_2507, %get3A_2502 : vector<16xi1>, vector<16xi32>
      %swap3A_2509 = arith.constant 560 : index
      %swap3A_2510 = tpu.vector_load %arg6[%swap3A_2509] {strides = array<i32>} : memref<640xi32, #tpu.memory_space<vmem>>, vector<16xi32>,
      %swap3A_2511 = vector.shape_cast %swap3A_2510 : vector<16xi32> to vector<16xi32>
      %swap3A_2512 = vector.shape_cast %select_n3A_2508 : vector<16xi32> to vector<16xi32>
      tpu.vector_store %arg6[%swap3A_2509], %swap3A_2512 {strides = array<i32>} : memref<640xi32, #tpu.memory_space<vmem>>, vector<16xi32>,
      %get3A_2513 = arith.constant 576 : index
      %get3A_2514 = tpu.vector_load %arg6[%get3A_2513] {strides = array<i32>} : memref<640xi32, #tpu.memory_space<vmem>>, vector<16xi32>,
      %get3A_2515 = vector.shape_cast %get3A_2514 : vector<16xi32> to vector<16xi32>
      %lt3A_2516 = arith.constant 0 : i32
      %lt3A_2517 = vector.broadcast %lt3A_2516 : i32 to vector<16xi32>
      %lt3A_2518 = arith.cmpi slt, %get3A_2515, %lt3A_2517 : vector<16xi32>
      %jit3A_2519 = arith.constant 50000 : i32
      %broadcast_in_dim3A_2520 = vector.broadcast %jit3A_2519 : i32 to vector<16xi32>
      %select_n3A_2521 = arith.select %lt3A_2518, %broadcast_in_dim3A_2520, %get3A_2515 : vector<16xi1>, vector<16xi32>
      %swap3A_2522 = arith.constant 576 : index
      %swap3A_2523 = tpu.vector_load %arg6[%swap3A_2522] {strides = array<i32>} : memref<640xi32, #tpu.memory_space<vmem>>, vector<16xi32>,
      %swap3A_2524 = vector.shape_cast %swap3A_2523 : vector<16xi32> to vector<16xi32>
      %swap3A_2525 = vector.shape_cast %select_n3A_2521 : vector<16xi32> to vector<16xi32>
      tpu.vector_store %arg6[%swap3A_2522], %swap3A_2525 {strides = array<i32>} : memref<640xi32, #tpu.memory_space<vmem>>, vector<16xi32>,
      %get3A_2526 = arith.constant 592 : index
      %get3A_2527 = tpu.vector_load %arg6[%get3A_2526] {strides = array<i32>} : memref<640xi32, #tpu.memory_space<vmem>>, vector<16xi32>,
      %get3A_2528 = vector.shape_cast %get3A_2527 : vector<16xi32> to vector<16xi32>
      %lt3A_2529 = arith.constant 0 : i32
      %lt3A_2530 = vector.broadcast %lt3A_2529 : i32 to vector<16xi32>
      %lt3A_2531 = arith.cmpi slt, %get3A_2528, %lt3A_2530 : vector<16xi32>
      %jit3A_2532 = arith.constant 50000 : i32
      %broadcast_in_dim3A_2533 = vector.broadcast %jit3A_2532 : i32 to vector<16xi32>
      %select_n3A_2534 = arith.select %lt3A_2531, %broadcast_in_dim3A_2533, %get3A_2528 : vector<16xi1>, vector<16xi32>
      %swap3A_2535 = arith.constant 592 : index
      %swap3A_2536 = tpu.vector_load %arg6[%swap3A_2535] {strides = array<i32>} : memref<640xi32, #tpu.memory_space<vmem>>, vector<16xi32>,
      %swap3A_2537 = vector.shape_cast %swap3A_2536 : vector<16xi32> to vector<16xi32>
      %swap3A_2538 = vector.shape_cast %select_n3A_2534 : vector<16xi32> to vector<16xi32>
      tpu.vector_store %arg6[%swap3A_2535], %swap3A_2538 {strides = array<i32>} : memref<640xi32, #tpu.memory_space<vmem>>, vector<16xi32>,
      %get3A_2539 = arith.constant 608 : index
      %get3A_2540 = tpu.vector_load %arg6[%get3A_2539] {strides = array<i32>} : memref<640xi32, #tpu.memory_space<vmem>>, vector<16xi32>,
      %get3A_2541 = vector.shape_cast %get3A_2540 : vector<16xi32> to vector<16xi32>
      %lt3A_2542 = arith.constant 0 : i32
      %lt3A_2543 = vector.broadcast %lt3A_2542 : i32 to vector<16xi32>
      %lt3A_2544 = arith.cmpi slt, %get3A_2541, %lt3A_2543 : vector<16xi32>
      %jit3A_2545 = arith.constant 50000 : i32
      %broadcast_in_dim3A_2546 = vector.broadcast %jit3A_2545 : i32 to vector<16xi32>
      %select_n3A_2547 = arith.select %lt3A_2544, %broadcast_in_dim3A_2546, %get3A_2541 : vector<16xi1>, vector<16xi32>
      %swap3A_2548 = arith.constant 608 : index
      %swap3A_2549 = tpu.vector_load %arg6[%swap3A_2548] {strides = array<i32>} : memref<640xi32, #tpu.memory_space<vmem>>, vector<16xi32>,
      %swap3A_2550 = vector.shape_cast %swap3A_2549 : vector<16xi32> to vector<16xi32>
      %swap3A_2551 = vector.shape_cast %select_n3A_2547 : vector<16xi32> to vector<16xi32>
      tpu.vector_store %arg6[%swap3A_2548], %swap3A_2551 {strides = array<i32>} : memref<640xi32, #tpu.memory_space<vmem>>, vector<16xi32>,
      %get3A_2552 = arith.constant 624 : index
      %get3A_2553 = tpu.vector_load %arg6[%get3A_2552] {strides = array<i32>} : memref<640xi32, #tpu.memory_space<vmem>>, vector<16xi32>,
      %get3A_2554 = vector.shape_cast %get3A_2553 : vector<16xi32> to vector<16xi32>
      %lt3A_2555 = arith.constant 0 : i32
      %lt3A_2556 = vector.broadcast %lt3A_2555 : i32 to vector<16xi32>
      %lt3A_2557 = arith.cmpi slt, %get3A_2554, %lt3A_2556 : vector<16xi32>
      %jit3A_2558 = arith.constant 50000 : i32
      %broadcast_in_dim3A_2559 = vector.broadcast %jit3A_2558 : i32 to vector<16xi32>
      %select_n3A_2560 = arith.select %lt3A_2557, %broadcast_in_dim3A_2559, %get3A_2554 : vector<16xi1>, vector<16xi32>
      %swap3A_2561 = arith.constant 624 : index
      %swap3A_2562 = tpu.vector_load %arg6[%swap3A_2561] {strides = array<i32>} : memref<640xi32, #tpu.memory_space<vmem>>, vector<16xi32>,
      %swap3A_2563 = vector.shape_cast %swap3A_2562 : vector<16xi32> to vector<16xi32>
      %swap3A_2564 = vector.shape_cast %select_n3A_2560 : vector<16xi32> to vector<16xi32>
      tpu.vector_store %arg6[%swap3A_2561], %swap3A_2564 {strides = array<i32>} : memref<640xi32, #tpu.memory_space<vmem>>, vector<16xi32>,
      %dma_wait3A_2565 = arith.constant 0 : i32
      %dma_wait3A_2566 = arith.constant 0 : i32
      %dma_wait3A_2567 = tpu.memref_slice %arg4[%dma_wait3A_2565, %dma_wait3A_2566] : memref<1351680x32xf32, #tpu.memory_space<hbm>> -> memref<640x32xf32, #tpu.memory_space<hbm>>
      %dma_wait3A_2568 = arith.constant 0 : i32
      %dma_wait3A_2569 = arith.constant 0 : i32
      %dma_wait3A_2570 = tpu.memref_slice %arg4[%dma_wait3A_2568, %dma_wait3A_2569] : memref<1351680x32xf32, #tpu.memory_space<hbm>> -> memref<640x32xf32, #tpu.memory_space<hbm>>
      tpu.wait_dma2 semaphore(%arg12 : memref<!tpu.dma_semaphore, #tpu.memory_space<semaphore_mem>>) src(%arg8 : memref<640x32xf32, #tpu.memory_space<vmem>>) dst(%dma_wait3A_2570 : memref<640x32xf32, #tpu.memory_space<hbm>>)
      %dma_start3A_2571 = arith.constant 0 : i32
      %dma_start3A_2572 = arith.constant 0 : i32
      %dma_start3A_2573 = tpu.memref_slice %arg8[%dma_start3A_2571, %dma_start3A_2572] : memref<640x32xf32, #tpu.memory_space<vmem>> -> memref<80x32xf32, #tpu.memory_space<vmem>>
      %dma_start3A_2574 = arith.constant 0 : i32
      %dma_start3A_2575 = tpu.memref_slice %arg6[%dma_start3A_2574] : memref<640xi32, #tpu.memory_space<vmem>> -> memref<80xi32, #tpu.memory_space<vmem>>
      %dma_start3A_2576 = arith.constant 0 : i32
      %dma_start3A_2577 = arith.constant 0 : i32
      %dma_start3A_2578 = tpu.memref_slice %arg3[%dma_start3A_2576, %dma_start3A_2577] : memref<50001x32xf32, #tpu.memory_space<hbm>> -> memref<50001x32xf32, #tpu.memory_space<hbm>>
      tpu.enqueue_indirect_dma source(%dma_start3A_2578 : memref<50001x32xf32, #tpu.memory_space<hbm>>) target(%dma_start3A_2573 : memref<80x32xf32, #tpu.memory_space<vmem>>) offsets(%dma_start3A_2575 : memref<80xi32, #tpu.memory_space<vmem>>) semaphore(%arg13 : memref<!tpu.dma_semaphore, #tpu.memory_space<semaphore_mem>>)
      %dma_start3A_2579 = arith.constant 80 : i32
      %dma_start3A_2580 = arith.constant 0 : i32
      %dma_start3A_2581 = tpu.memref_slice %arg8[%dma_start3A_2579, %dma_start3A_2580] : memref<640x32xf32, #tpu.memory_space<vmem>> -> memref<80x32xf32, #tpu.memory_space<vmem>>
      %dma_start3A_2582 = arith.constant 80 : i32
      %dma_start3A_2583 = tpu.memref_slice %arg6[%dma_start3A_2582] : memref<640xi32, #tpu.memory_space<vmem>> -> memref<80xi32, #tpu.memory_space<vmem>>
      %dma_start3A_2584 = arith.constant 0 : i32
      %dma_start3A_2585 = arith.constant 0 : i32
      %dma_start3A_2586 = tpu.memref_slice %arg3[%dma_start3A_2584, %dma_start3A_2585] : memref<50001x32xf32, #tpu.memory_space<hbm>> -> memref<50001x32xf32, #tpu.memory_space<hbm>>
      tpu.enqueue_indirect_dma source(%dma_start3A_2586 : memref<50001x32xf32, #tpu.memory_space<hbm>>) target(%dma_start3A_2581 : memref<80x32xf32, #tpu.memory_space<vmem>>) offsets(%dma_start3A_2583 : memref<80xi32, #tpu.memory_space<vmem>>) semaphore(%arg13 : memref<!tpu.dma_semaphore, #tpu.memory_space<semaphore_mem>>)
      %dma_start3A_2587 = arith.constant 160 : i32
      %dma_start3A_2588 = arith.constant 0 : i32
      %dma_start3A_2589 = tpu.memref_slice %arg8[%dma_start3A_2587, %dma_start3A_2588] : memref<640x32xf32, #tpu.memory_space<vmem>> -> memref<80x32xf32, #tpu.memory_space<vmem>>
      %dma_start3A_2590 = arith.constant 160 : i32
      %dma_start3A_2591 = tpu.memref_slice %arg6[%dma_start3A_2590] : memref<640xi32, #tpu.memory_space<vmem>> -> memref<80xi32, #tpu.memory_space<vmem>>
      %dma_start3A_2592 = arith.constant 0 : i32
      %dma_start3A_2593 = arith.constant 0 : i32
      %dma_start3A_2594 = tpu.memref_slice %arg3[%dma_start3A_2592, %dma_start3A_2593] : memref<50001x32xf32, #tpu.memory_space<hbm>> -> memref<50001x32xf32, #tpu.memory_space<hbm>>
      tpu.enqueue_indirect_dma source(%dma_start3A_2594 : memref<50001x32xf32, #tpu.memory_space<hbm>>) target(%dma_start3A_2589 : memref<80x32xf32, #tpu.memory_space<vmem>>) offsets(%dma_start3A_2591 : memref<80xi32, #tpu.memory_space<vmem>>) semaphore(%arg13 : memref<!tpu.dma_semaphore, #tpu.memory_space<semaphore_mem>>)
      %dma_start3A_2595 = arith.constant 240 : i32
      %dma_start3A_2596 = arith.constant 0 : i32
      %dma_start3A_2597 = tpu.memref_slice %arg8[%dma_start3A_2595, %dma_start3A_2596] : memref<640x32xf32, #tpu.memory_space<vmem>> -> memref<80x32xf32, #tpu.memory_space<vmem>>
      %dma_start3A_2598 = arith.constant 240 : i32
      %dma_start3A_2599 = tpu.memref_slice %arg6[%dma_start3A_2598] : memref<640xi32, #tpu.memory_space<vmem>> -> memref<80xi32, #tpu.memory_space<vmem>>
      %dma_start3A_2600 = arith.constant 0 : i32
      %dma_start3A_2601 = arith.constant 0 : i32
      %dma_start3A_2602 = tpu.memref_slice %arg3[%dma_start3A_2600, %dma_start3A_2601] : memref<50001x32xf32, #tpu.memory_space<hbm>> -> memref<50001x32xf32, #tpu.memory_space<hbm>>
      tpu.enqueue_indirect_dma source(%dma_start3A_2602 : memref<50001x32xf32, #tpu.memory_space<hbm>>) target(%dma_start3A_2597 : memref<80x32xf32, #tpu.memory_space<vmem>>) offsets(%dma_start3A_2599 : memref<80xi32, #tpu.memory_space<vmem>>) semaphore(%arg13 : memref<!tpu.dma_semaphore, #tpu.memory_space<semaphore_mem>>)
      %dma_start3A_2603 = arith.constant 320 : i32
      %dma_start3A_2604 = arith.constant 0 : i32
      %dma_start3A_2605 = tpu.memref_slice %arg8[%dma_start3A_2603, %dma_start3A_2604] : memref<640x32xf32, #tpu.memory_space<vmem>> -> memref<80x32xf32, #tpu.memory_space<vmem>>
      %dma_start3A_2606 = arith.constant 320 : i32
      %dma_start3A_2607 = tpu.memref_slice %arg6[%dma_start3A_2606] : memref<640xi32, #tpu.memory_space<vmem>> -> memref<80xi32, #tpu.memory_space<vmem>>
      %dma_start3A_2608 = arith.constant 0 : i32
      %dma_start3A_2609 = arith.constant 0 : i32
      %dma_start3A_2610 = tpu.memref_slice %arg3[%dma_start3A_2608, %dma_start3A_2609] : memref<50001x32xf32, #tpu.memory_space<hbm>> -> memref<50001x32xf32, #tpu.memory_space<hbm>>
      tpu.enqueue_indirect_dma source(%dma_start3A_2610 : memref<50001x32xf32, #tpu.memory_space<hbm>>) target(%dma_start3A_2605 : memref<80x32xf32, #tpu.memory_space<vmem>>) offsets(%dma_start3A_2607 : memref<80xi32, #tpu.memory_space<vmem>>) semaphore(%arg13 : memref<!tpu.dma_semaphore, #tpu.memory_space<semaphore_mem>>)
      %dma_start3A_2611 = arith.constant 400 : i32
      %dma_start3A_2612 = arith.constant 0 : i32
      %dma_start3A_2613 = tpu.memref_slice %arg8[%dma_start3A_2611, %dma_start3A_2612] : memref<640x32xf32, #tpu.memory_space<vmem>> -> memref<80x32xf32, #tpu.memory_space<vmem>>
      %dma_start3A_2614 = arith.constant 400 : i32
      %dma_start3A_2615 = tpu.memref_slice %arg6[%dma_start3A_2614] : memref<640xi32, #tpu.memory_space<vmem>> -> memref<80xi32, #tpu.memory_space<vmem>>
      %dma_start3A_2616 = arith.constant 0 : i32
      %dma_start3A_2617 = arith.constant 0 : i32
      %dma_start3A_2618 = tpu.memref_slice %arg3[%dma_start3A_2616, %dma_start3A_2617] : memref<50001x32xf32, #tpu.memory_space<hbm>> -> memref<50001x32xf32, #tpu.memory_space<hbm>>
      tpu.enqueue_indirect_dma source(%dma_start3A_2618 : memref<50001x32xf32, #tpu.memory_space<hbm>>) target(%dma_start3A_2613 : memref<80x32xf32, #tpu.memory_space<vmem>>) offsets(%dma_start3A_2615 : memref<80xi32, #tpu.memory_space<vmem>>) semaphore(%arg13 : memref<!tpu.dma_semaphore, #tpu.memory_space<semaphore_mem>>)
      %dma_start3A_2619 = arith.constant 480 : i32
      %dma_start3A_2620 = arith.constant 0 : i32
      %dma_start3A_2621 = tpu.memref_slice %arg8[%dma_start3A_2619, %dma_start3A_2620] : memref<640x32xf32, #tpu.memory_space<vmem>> -> memref<80x32xf32, #tpu.memory_space<vmem>>
      %dma_start3A_2622 = arith.constant 480 : i32
      %dma_start3A_2623 = tpu.memref_slice %arg6[%dma_start3A_2622] : memref<640xi32, #tpu.memory_space<vmem>> -> memref<80xi32, #tpu.memory_space<vmem>>
      %dma_start3A_2624 = arith.constant 0 : i32
      %dma_start3A_2625 = arith.constant 0 : i32
      %dma_start3A_2626 = tpu.memref_slice %arg3[%dma_start3A_2624, %dma_start3A_2625] : memref<50001x32xf32, #tpu.memory_space<hbm>> -> memref<50001x32xf32, #tpu.memory_space<hbm>>
      tpu.enqueue_indirect_dma source(%dma_start3A_2626 : memref<50001x32xf32, #tpu.memory_space<hbm>>) target(%dma_start3A_2621 : memref<80x32xf32, #tpu.memory_space<vmem>>) offsets(%dma_start3A_2623 : memref<80xi32, #tpu.memory_space<vmem>>) semaphore(%arg13 : memref<!tpu.dma_semaphore, #tpu.memory_space<semaphore_mem>>)
      %dma_start3A_2627 = arith.constant 560 : i32
      %dma_start3A_2628 = arith.constant 0 : i32
      %dma_start3A_2629 = tpu.memref_slice %arg8[%dma_start3A_2627, %dma_start3A_2628] : memref<640x32xf32, #tpu.memory_space<vmem>> -> memref<80x32xf32, #tpu.memory_space<vmem>>
      %dma_start3A_2630 = arith.constant 560 : i32
      %dma_start3A_2631 = tpu.memref_slice %arg6[%dma_start3A_2630] : memref<640xi32, #tpu.memory_space<vmem>> -> memref<80xi32, #tpu.memory_space<vmem>>
      %dma_start3A_2632 = arith.constant 0 : i32
      %dma_start3A_2633 = arith.constant 0 : i32
      %dma_start3A_2634 = tpu.memref_slice %arg3[%dma_start3A_2632, %dma_start3A_2633] : memref<50001x32xf32, #tpu.memory_space<hbm>> -> memref<50001x32xf32, #tpu.memory_space<hbm>>
      tpu.enqueue_indirect_dma source(%dma_start3A_2634 : memref<50001x32xf32, #tpu.memory_space<hbm>>) target(%dma_start3A_2629 : memref<80x32xf32, #tpu.memory_space<vmem>>) offsets(%dma_start3A_2631 : memref<80xi32, #tpu.memory_space<vmem>>) semaphore(%arg13 : memref<!tpu.dma_semaphore, #tpu.memory_space<semaphore_mem>>)
      %dma_wait3A_2635 = arith.constant 0 : i32
      %dma_wait3A_2636 = arith.constant 0 : i32
      %dma_wait3A_2637 = tpu.memref_slice %arg8[%dma_wait3A_2635, %dma_wait3A_2636] : memref<640x32xf32, #tpu.memory_space<vmem>> -> memref<80x32xf32, #tpu.memory_space<vmem>>
      %dma_wait3A_2638 = arith.constant 0 : i32
      %dma_wait3A_2639 = tpu.memref_slice %arg6[%dma_wait3A_2638] : memref<640xi32, #tpu.memory_space<vmem>> -> memref<80xi32, #tpu.memory_space<vmem>>
      %dma_wait3A_2640 = arith.constant 0 : i32
      %dma_wait3A_2641 = arith.constant 0 : i32
      %dma_wait3A_2642 = tpu.memref_slice %arg3[%dma_wait3A_2640, %dma_wait3A_2641] : memref<50001x32xf32, #tpu.memory_space<hbm>> -> memref<50001x32xf32, #tpu.memory_space<hbm>>
      tpu.wait_indirect_dma semaphore(%arg13 : memref<!tpu.dma_semaphore, #tpu.memory_space<semaphore_mem>>) src(%dma_wait3A_2642 : memref<50001x32xf32, #tpu.memory_space<hbm>>) dst(%dma_wait3A_2637 : memref<80x32xf32, #tpu.memory_space<vmem>>)
      %dma_wait3A_2643 = arith.constant 80 : i32
      %dma_wait3A_2644 = arith.constant 0 : i32
      %dma_wait3A_2645 = tpu.memref_slice %arg8[%dma_wait3A_2643, %dma_wait3A_2644] : memref<640x32xf32, #tpu.memory_space<vmem>> -> memref<80x32xf32, #tpu.memory_space<vmem>>
      %dma_wait3A_2646 = arith.constant 80 : i32
      %dma_wait3A_2647 = tpu.memref_slice %arg6[%dma_wait3A_2646] : memref<640xi32, #tpu.memory_space<vmem>> -> memref<80xi32, #tpu.memory_space<vmem>>
      %dma_wait3A_2648 = arith.constant 0 : i32
      %dma_wait3A_2649 = arith.constant 0 : i32
      %dma_wait3A_2650 = tpu.memref_slice %arg3[%dma_wait3A_2648, %dma_wait3A_2649] : memref<50001x32xf32, #tpu.memory_space<hbm>> -> memref<50001x32xf32, #tpu.memory_space<hbm>>
      tpu.wait_indirect_dma semaphore(%arg13 : memref<!tpu.dma_semaphore, #tpu.memory_space<semaphore_mem>>) src(%dma_wait3A_2650 : memref<50001x32xf32, #tpu.memory_space<hbm>>) dst(%dma_wait3A_2645 : memref<80x32xf32, #tpu.memory_space<vmem>>)
      %dma_wait3A_2651 = arith.constant 160 : i32
      %dma_wait3A_2652 = arith.constant 0 : i32
      %dma_wait3A_2653 = tpu.memref_slice %arg8[%dma_wait3A_2651, %dma_wait3A_2652] : memref<640x32xf32, #tpu.memory_space<vmem>> -> memref<80x32xf32, #tpu.memory_space<vmem>>
      %dma_wait3A_2654 = arith.constant 160 : i32
      %dma_wait3A_2655 = tpu.memref_slice %arg6[%dma_wait3A_2654] : memref<640xi32, #tpu.memory_space<vmem>> -> memref<80xi32, #tpu.memory_space<vmem>>
      %dma_wait3A_2656 = arith.constant 0 : i32
      %dma_wait3A_2657 = arith.constant 0 : i32
      %dma_wait3A_2658 = tpu.memref_slice %arg3[%dma_wait3A_2656, %dma_wait3A_2657] : memref<50001x32xf32, #tpu.memory_space<hbm>> -> memref<50001x32xf32, #tpu.memory_space<hbm>>
      tpu.wait_indirect_dma semaphore(%arg13 : memref<!tpu.dma_semaphore, #tpu.memory_space<semaphore_mem>>) src(%dma_wait3A_2658 : memref<50001x32xf32, #tpu.memory_space<hbm>>) dst(%dma_wait3A_2653 : memref<80x32xf32, #tpu.memory_space<vmem>>)
      %dma_wait3A_2659 = arith.constant 240 : i32
      %dma_wait3A_2660 = arith.constant 0 : i32
      %dma_wait3A_2661 = tpu.memref_slice %arg8[%dma_wait3A_2659, %dma_wait3A_2660] : memref<640x32xf32, #tpu.memory_space<vmem>> -> memref<80x32xf32, #tpu.memory_space<vmem>>
      %dma_wait3A_2662 = arith.constant 240 : i32
      %dma_wait3A_2663 = tpu.memref_slice %arg6[%dma_wait3A_2662] : memref<640xi32, #tpu.memory_space<vmem>> -> memref<80xi32, #tpu.memory_space<vmem>>
      %dma_wait3A_2664 = arith.constant 0 : i32
      %dma_wait3A_2665 = arith.constant 0 : i32
      %dma_wait3A_2666 = tpu.memref_slice %arg3[%dma_wait3A_2664, %dma_wait3A_2665] : memref<50001x32xf32, #tpu.memory_space<hbm>> -> memref<50001x32xf32, #tpu.memory_space<hbm>>
      tpu.wait_indirect_dma semaphore(%arg13 : memref<!tpu.dma_semaphore, #tpu.memory_space<semaphore_mem>>) src(%dma_wait3A_2666 : memref<50001x32xf32, #tpu.memory_space<hbm>>) dst(%dma_wait3A_2661 : memref<80x32xf32, #tpu.memory_space<vmem>>)
      %dma_wait3A_2667 = arith.constant 320 : i32
      %dma_wait3A_2668 = arith.constant 0 : i32
      %dma_wait3A_2669 = tpu.memref_slice %arg8[%dma_wait3A_2667, %dma_wait3A_2668] : memref<640x32xf32, #tpu.memory_space<vmem>> -> memref<80x32xf32, #tpu.memory_space<vmem>>
      %dma_wait3A_2670 = arith.constant 320 : i32
      %dma_wait3A_2671 = tpu.memref_slice %arg6[%dma_wait3A_2670] : memref<640xi32, #tpu.memory_space<vmem>> -> memref<80xi32, #tpu.memory_space<vmem>>
      %dma_wait3A_2672 = arith.constant 0 : i32
      %dma_wait3A_2673 = arith.constant 0 : i32
      %dma_wait3A_2674 = tpu.memref_slice %arg3[%dma_wait3A_2672, %dma_wait3A_2673] : memref<50001x32xf32, #tpu.memory_space<hbm>> -> memref<50001x32xf32, #tpu.memory_space<hbm>>
      tpu.wait_indirect_dma semaphore(%arg13 : memref<!tpu.dma_semaphore, #tpu.memory_space<semaphore_mem>>) src(%dma_wait3A_2674 : memref<50001x32xf32, #tpu.memory_space<hbm>>) dst(%dma_wait3A_2669 : memref<80x32xf32, #tpu.memory_space<vmem>>)
      %dma_wait3A_2675 = arith.constant 400 : i32
      %dma_wait3A_2676 = arith.constant 0 : i32
      %dma_wait3A_2677 = tpu.memref_slice %arg8[%dma_wait3A_2675, %dma_wait3A_2676] : memref<640x32xf32, #tpu.memory_space<vmem>> -> memref<80x32xf32, #tpu.memory_space<vmem>>
      %dma_wait3A_2678 = arith.constant 400 : i32
      %dma_wait3A_2679 = tpu.memref_slice %arg6[%dma_wait3A_2678] : memref<640xi32, #tpu.memory_space<vmem>> -> memref<80xi32, #tpu.memory_space<vmem>>
      %dma_wait3A_2680 = arith.constant 0 : i32
      %dma_wait3A_2681 = arith.constant 0 : i32
      %dma_wait3A_2682 = tpu.memref_slice %arg3[%dma_wait3A_2680, %dma_wait3A_2681] : memref<50001x32xf32, #tpu.memory_space<hbm>> -> memref<50001x32xf32, #tpu.memory_space<hbm>>
      tpu.wait_indirect_dma semaphore(%arg13 : memref<!tpu.dma_semaphore, #tpu.memory_space<semaphore_mem>>) src(%dma_wait3A_2682 : memref<50001x32xf32, #tpu.memory_space<hbm>>) dst(%dma_wait3A_2677 : memref<80x32xf32, #tpu.memory_space<vmem>>)
      %dma_wait3A_2683 = arith.constant 480 : i32
      %dma_wait3A_2684 = arith.constant 0 : i32
      %dma_wait3A_2685 = tpu.memref_slice %arg8[%dma_wait3A_2683, %dma_wait3A_2684] : memref<640x32xf32, #tpu.memory_space<vmem>> -> memref<80x32xf32, #tpu.memory_space<vmem>>
      %dma_wait3A_2686 = arith.constant 480 : i32
      %dma_wait3A_2687 = tpu.memref_slice %arg6[%dma_wait3A_2686] : memref<640xi32, #tpu.memory_space<vmem>> -> memref<80xi32, #tpu.memory_space<vmem>>
      %dma_wait3A_2688 = arith.constant 0 : i32
      %dma_wait3A_2689 = arith.constant 0 : i32
      %dma_wait3A_2690 = tpu.memref_slice %arg3[%dma_wait3A_2688, %dma_wait3A_2689] : memref<50001x32xf32, #tpu.memory_space<hbm>> -> memref<50001x32xf32, #tpu.memory_space<hbm>>
      tpu.wait_indirect_dma semaphore(%arg13 : memref<!tpu.dma_semaphore, #tpu.memory_space<semaphore_mem>>) src(%dma_wait3A_2690 : memref<50001x32xf32, #tpu.memory_space<hbm>>) dst(%dma_wait3A_2685 : memref<80x32xf32, #tpu.memory_space<vmem>>)
      %dma_wait3A_2691 = arith.constant 560 : i32
      %dma_wait3A_2692 = arith.constant 0 : i32
      %dma_wait3A_2693 = tpu.memref_slice %arg8[%dma_wait3A_2691, %dma_wait3A_2692] : memref<640x32xf32, #tpu.memory_space<vmem>> -> memref<80x32xf32, #tpu.memory_space<vmem>>
      %dma_wait3A_2694 = arith.constant 560 : i32
      %dma_wait3A_2695 = tpu.memref_slice %arg6[%dma_wait3A_2694] : memref<640xi32, #tpu.memory_space<vmem>> -> memref<80xi32, #tpu.memory_space<vmem>>
      %dma_wait3A_2696 = arith.constant 0 : i32
      %dma_wait3A_2697 = arith.constant 0 : i32
      %dma_wait3A_2698 = tpu.memref_slice %arg3[%dma_wait3A_2696, %dma_wait3A_2697] : memref<50001x32xf32, #tpu.memory_space<hbm>> -> memref<50001x32xf32, #tpu.memory_space<hbm>>
      tpu.wait_indirect_dma semaphore(%arg13 : memref<!tpu.dma_semaphore, #tpu.memory_space<semaphore_mem>>) src(%dma_wait3A_2698 : memref<50001x32xf32, #tpu.memory_space<hbm>>) dst(%dma_wait3A_2693 : memref<80x32xf32, #tpu.memory_space<vmem>>)
      %mul3A_2699 = arith.constant 640 : i32
      %mul3A_2700 = arith.muli %add3A_2040, %mul3A_2699 : i32
      %dma_start3A_2701 = arith.constant 0 : i32
      %dma_start3A_2702 = tpu.memref_slice %arg4[%mul3A_2700, %dma_start3A_2701] : memref<1351680x32xf32, #tpu.memory_space<hbm>> -> memref<640x32xf32, #tpu.memory_space<hbm>>
      %dma_start3A_2703 = arith.constant 0 : i32
      %dma_start3A_2704 = tpu.memref_slice %arg4[%mul3A_2700, %dma_start3A_2703] : memref<1351680x32xf32, #tpu.memory_space<hbm>> -> memref<640x32xf32, #tpu.memory_space<hbm>>
      tpu.enqueue_dma source(%arg8 : memref<640x32xf32, #tpu.memory_space<vmem>>) target(%dma_start3A_2704 : memref<640x32xf32, #tpu.memory_space<hbm>>) target_semaphore(%arg12 : memref<!tpu.dma_semaphore, #tpu.memory_space<semaphore_mem>>)
      %add3A_2705 = arith.constant 2 : i32
      %add3A_2706 = arith.addi %add3A_2040, %add3A_2705 : i32
      %min3A_2707 = arith.minsi %add3A_2706, %sub3A_5 : i32
      %mul3A_2708 = arith.constant 640 : i32
      %mul3A_2709 = arith.muli %min3A_2707, %mul3A_2708 : i32
      %dma_start3A_2710 = tpu.memref_slice %arg2[%mul3A_2709] : memref<1351680xi32, #tpu.memory_space<hbm>> -> memref<640xi32, #tpu.memory_space<hbm>>
      %dma_start3A_2711 = tpu.memref_slice %arg2[%mul3A_2709] : memref<1351680xi32, #tpu.memory_space<hbm>> -> memref<640xi32, #tpu.memory_space<hbm>>
      tpu.enqueue_dma source(%dma_start3A_2711 : memref<640xi32, #tpu.memory_space<hbm>>) target(%arg6 : memref<640xi32, #tpu.memory_space<vmem>>) target_semaphore(%arg10 : memref<!tpu.dma_semaphore, #tpu.memory_space<semaphore_mem>>)
    }
    %scan3A_1343 = arith.constant 32 : i32
    %dma_wait3A_1344 = arith.constant 0 : i32
    %dma_wait3A_1345 = arith.constant 0 : i32
    %dma_wait3A_1346 = tpu.memref_slice %arg4[%dma_wait3A_1344, %dma_wait3A_1345] : memref<1351680x32xf32, #tpu.memory_space<hbm>> -> memref<640x32xf32, #tpu.memory_space<hbm>>
    %dma_wait3A_1347 = arith.constant 0 : i32
    %dma_wait3A_1348 = arith.constant 0 : i32
    %dma_wait3A_1349 = tpu.memref_slice %arg4[%dma_wait3A_1347, %dma_wait3A_1348] : memref<1351680x32xf32, #tpu.memory_space<hbm>> -> memref<640x32xf32, #tpu.memory_space<hbm>>
    tpu.wait_dma2 semaphore(%arg11 : memref<!tpu.dma_semaphore, #tpu.memory_space<semaphore_mem>>) src(%arg7 : memref<640x32xf32, #tpu.memory_space<vmem>>) dst(%dma_wait3A_1349 : memref<640x32xf32, #tpu.memory_space<hbm>>)
    %dma_wait3A_1350 = arith.constant 0 : i32
    %dma_wait3A_1351 = arith.constant 0 : i32
    %dma_wait3A_1352 = tpu.memref_slice %arg4[%dma_wait3A_1350, %dma_wait3A_1351] : memref<1351680x32xf32, #tpu.memory_space<hbm>> -> memref<640x32xf32, #tpu.memory_space<hbm>>
    %dma_wait3A_1353 = arith.constant 0 : i32
    %dma_wait3A_1354 = arith.constant 0 : i32
    %dma_wait3A_1355 = tpu.memref_slice %arg4[%dma_wait3A_1353, %dma_wait3A_1354] : memref<1351680x32xf32, #tpu.memory_space<hbm>> -> memref<640x32xf32, #tpu.memory_space<hbm>>
    tpu.wait_dma2 semaphore(%arg12 : memref<!tpu.dma_semaphore, #tpu.memory_space<semaphore_mem>>) src(%arg8 : memref<640x32xf32, #tpu.memory_space<vmem>>) dst(%dma_wait3A_1355 : memref<640x32xf32, #tpu.memory_space<hbm>>)
    %dma_wait3A_1356 = arith.constant 0 : i32
    %dma_wait3A_1357 = tpu.memref_slice %arg2[%dma_wait3A_1356] : memref<1351680xi32, #tpu.memory_space<hbm>> -> memref<640xi32, #tpu.memory_space<hbm>>
    %dma_wait3A_1358 = arith.constant 0 : i32
    %dma_wait3A_1359 = tpu.memref_slice %arg2[%dma_wait3A_1358] : memref<1351680xi32, #tpu.memory_space<hbm>> -> memref<640xi32, #tpu.memory_space<hbm>>
    tpu.wait_dma2 semaphore(%arg9 : memref<!tpu.dma_semaphore, #tpu.memory_space<semaphore_mem>>) src(%dma_wait3A_1359 : memref<640xi32, #tpu.memory_space<hbm>>) dst(%arg5 : memref<640xi32, #tpu.memory_space<vmem>>)
    %dma_wait3A_1360 = arith.constant 0 : i32
    %dma_wait3A_1361 = tpu.memref_slice %arg2[%dma_wait3A_1360] : memref<1351680xi32, #tpu.memory_space<hbm>> -> memref<640xi32, #tpu.memory_space<hbm>>
    %dma_wait3A_1362 = arith.constant 0 : i32
    %dma_wait3A_1363 = tpu.memref_slice %arg2[%dma_wait3A_1362] : memref<1351680xi32, #tpu.memory_space<hbm>> -> memref<640xi32, #tpu.memory_space<hbm>>
    tpu.wait_dma2 semaphore(%arg10 : memref<!tpu.dma_semaphore, #tpu.memory_space<semaphore_mem>>) src(%dma_wait3A_1363 : memref<640xi32, #tpu.memory_space<hbm>>) dst(%arg6 : memref<640xi32, #tpu.memory_space<vmem>>)
    return
  }
}

</mosaic_0001>

<sc_bundles>
// kernel: kernel.3.cloned.1.call-start
scs
__scs_entry_jumppad:
0x0: {  	(pc) =	sbr.rel $0x88, $3  }
0x1: {  	(tag) =	ssettag $0x0;
	lr =	simm.s32 $0x1  }
0x2: {  	[smem:$0x3F9F] =	sst lr;
	_ =	strace $0xD0000000  }
0x3: {  	_ = 	snop  }
0x4: {  	_ = 	snop  }
0x5: {  	_ = 	snop  }
0x6: {  	_ = 	snop  }
0x7: {  	_ = 	snop  }
__scs_overlays_trampoline_lowered:
0x8: {  	[smem:$0x3FAE] =	sst s0  }
0x9: {  	[smem:$0x3FAF] =	sst s1  }
0xa: {  	[smem:$0x3FB0] =	sst s2  }
0xb: {  	[smem:$0x3FB1] =	sst s3  }
0xc: {  	[smem:$0x3FB2] =	sst s4  }
0xd: {  	[smem:$0x3FB3] =	sst s5  }
0xe: {  	[smem:$0x3FB4] =	sst s6  }
0xf: {  	[smem:$0x3FB5] =	sst s7  }
0x10: {  	[smem:$0x3FB6] =	sst s8  }
0x11: {  	[smem:$0x3FB7] =	sst s9;
	s0 =	simm.s32 @!p0 $0x0  }
0x12: {  	s1 =	sld [smem:$0x3F9D];
	s0 =	simm.s32 @p0 $0x1  }
0x13: {  	[smem:$0x3FB8] =	sst s0;
	s0 =	simm.s32 @!p1 $0x0  }
0x14: {  	s2 =	sld [smem:$0x3F9C];
	s0 =	simm.s32 @p1 $0x1  }
0x15: {  	[smem:$0x3FB9] =	sst s0;
	s0 =	simm.s32 @!p2 $0x0  }
0x16: {  	s3 =	sld [smem:$0x3FDB];
	s0 =	simm.s32 @p2 $0x1  }
0x17: {  	s4 =	simm.s32 $0x1BF5;
	[smem:$0x3FBB] =	sst s0  }
0x18: {  	s0 =	sld [smem:$0x3F9E];
	_ =	swait.ge [sflag:s4], $0x0  }
0x19: {  	s7 =	sld [smem:$0x3F9F]  }
0x1a: {  	s8 =	sadd.s32 $0xFFFFE003, lr  }
0x1b: {  	s9 =	sadd.s32 $0xFFFFFEF7, lr;
	s5 =	simm.s32 $0xFFFFFFFF;
	p2 =	slt.u32 s8, $0xFFFFF086  }
0x1c: {  	p1 =	slt.u32 s9, $0xF7A;
	s5 =	simm.s32 @!p2 $0x0  }
0x1d: {  	s5 =	simm.s32 @p1 $0x1;
	p0 =	seq.s32 s7, s2  }
0x1e: {  	s7 =	smul.u32 @!p0 $0xF7A, s2;
	p2 =	seq.s32 @!p0 s5, $0x0  }
0x1f: {  	s9 =	smul.u32 $0xF7A, s1;
	s8 =	simm.s32 @!p0 $0x1BF5;
	p2 =	por !p2, p0  }
0x20: {  	[sflag:s8] =	ssyncset.s32 @!p0 $0xFFFFF086;
	s6 =	sadd.s32 @!p0 s3, s7;
	s7 =	simm.s32 @!p0 $0x108  }
0x21: {  	s3 =	sadd.s32 s3, s9;
	s6 =	sadd.s32 @!p0 $0x88, s6;
	s7 =	simm.s32 @p2 $0x1082  }
0x22: {  	[simem:s7], [sflag:s8] =	dma.local @!p0 [hbm:s6], $0xF7A  }
0x23: {  	s9 =	sor.u32 $0xD0000000, s2;
	s6 =	simm.s32 $0x108;
	_ =	swait.ge @!p0 [sflag:s8], $0x0  }
0x24: {  	s3 =	sadd.s32 $0x88, s3;
	s6 =	simm.s32 @!p1 $0x1082;
	[sflag:s4] =	ssyncset.s32 $0xFFFFF086  }
0x25: {  	[simem:s6], [sflag:s4] =	dma.local [hbm:s3], $0xF7A  }
0x26: {  	[smem:$0x3F9F] =	sst s1;
	(tag) =	ssettag s2;
	_ =	strace s9  }
0x27: {  	s1 =	sld [smem:$0x3FAF]  }
0x28: {  	s2 =	sld [smem:$0x3FB0]  }
0x29: {  	s4 =	sld [smem:$0x3FB2]  }
0x2a: {  	p0 =	seq.s32 s5, $0x0;
	s5 =	sld [smem:$0x3FB3]  }
0x2b: {  	s6 =	sld [smem:$0x3FB4]  }
0x2c: {  	s7 =	sld [smem:$0x3FB5]  }
0x2d: {  	s3 =	simm.s32 $0x108;
	s8 =	sld [smem:$0x3FB6]  }
0x2e: {  	s3 =	simm.s32 @!p0 $0x1082;
	s9 =	sld [smem:$0x3FB7]  }
0x2f: {  	lr =	sadd.s32 s0, s3;
	s0 =	sld [smem:$0x3FAE]  }
0x30: {  	s3 =	sld [smem:$0x3FB1]  }
0x31: {  	[smem:$0x3FBA] =	sst s10  }
0x32: {  	s10 =	sld [smem:$0x3FB8];
	_ =	sdelay $0x3  }
0x33: {  	p0 =	seq.s32 s10, $0x1;
	s10 =	sld [smem:$0x3FBA];
	_ =	sdelay $0x3  }
0x34: {  	[smem:$0x3FBA] =	sst s10  }
0x35: {  	s10 =	sld [smem:$0x3FB9];
	_ =	sdelay $0x3  }
0x36: {  	p1 =	seq.s32 s10, $0x1;
	s10 =	sld [smem:$0x3FBA];
	_ =	sdelay $0x3  }
0x37: {  	[smem:$0x3FBA] =	sst s10  }
0x38: {  	s10 =	sld [smem:$0x3FBB]  }
0x39: {  	_ = 	snop;
	(pc) =	sbr.ind lr, $3  }
0x3a: {  	_ = 	snop  }
0x3b: {  	_ = 	snop  }
0x3c: {  	p2 =	seq.s32 s10, $0x1;
	s10 =	sld [smem:$0x3FBA]  }
0x3d: {  	_ =	shalt  }
0x3e: {  	_ =	shalt  }
0x3f: {  	_ =	shalt  }
0x40: {  	_ =	shalt  }
0x41: {  	_ =	shalt  }
0x42: {  	_ =	shalt  }
0x43: {  	_ =	shalt  }
0x44: {  	_ =	shalt  }
0x45: {  	_ =	shalt  }
0x46: {  	_ =	shalt  }
0x47: {  	_ =	shalt  }
0x48: {  	_ =	shalt  }
0x49: {  	_ =	shalt  }
0x4a: {  	_ =	shalt  }
0x4b: {  	_ =	shalt  }
0x4c: {  	_ =	shalt  }
0x4d: {  	_ =	shalt  }
0x4e: {  	_ =	shalt  }
0x4f: {  	_ =	shalt  }
0x50: {  	_ =	shalt  }
0x51: {  	_ =	shalt  }
0x52: {  	_ =	shalt  }
0x53: {  	_ =	shalt  }
0x54: {  	_ =	shalt  }
0x55: {  	_ =	shalt  }
0x56: {  	_ =	shalt  }
0x57: {  	_ =	shalt  }
0x58: {  	_ =	shalt  }
0x59: {  	_ =	shalt  }
0x5a: {  	_ =	shalt  }
0x5b: {  	_ =	shalt  }
0x5c: {  	_ =	shalt  }
0x5d: {  	_ =	shalt  }
0x5e: {  	_ =	shalt  }
0x5f: {  	_ =	shalt  }
0x60: {  	_ =	shalt  }
0x61: {  	_ =	shalt  }
0x62: {  	_ =	shalt  }
0x63: {  	_ =	shalt  }
0x64: {  	_ =	shalt  }
0x65: {  	_ =	shalt  }
0x66: {  	_ =	shalt  }
0x67: {  	_ =	shalt  }
0x68: {  	_ =	shalt  }
0x69: {  	_ =	shalt  }
0x6a: {  	_ =	shalt  }
0x6b: {  	_ =	shalt  }
0x6c: {  	_ =	shalt  }
0x6d: {  	_ =	shalt  }
0x6e: {  	_ =	shalt  }
0x6f: {  	_ =	shalt  }
0x70: {  	_ =	shalt  }
0x71: {  	_ =	shalt  }
0x72: {  	_ =	shalt  }
0x73: {  	_ =	shalt  }
0x74: {  	_ =	shalt  }
0x75: {  	_ =	shalt  }
0x76: {  	_ =	shalt  }
0x77: {  	_ =	shalt  }
0x78: {  	_ =	shalt  }
0x79: {  	_ =	shalt  }
0x7a: {  	_ =	shalt  }
0x7b: {  	_ =	shalt  }
0x7c: {  	_ =	shalt  }
0x7d: {  	_ =	shalt  }
0x7e: {  	_ =	shalt  }
0x7f: {  	_ =	shalt  }
0x80: {  	_ =	shalt  }
0x81: {  	_ =	shalt  }
0x82: {  	_ =	shalt  }
0x83: {  	_ =	shalt  }
0x84: {  	_ =	shalt  }
0x85: {  	_ =	shalt  }
0x86: {  	_ =	shalt  }
0x87: {  	_ =	shalt  }
.Lfunc_end0:
.L_simem_size_0:
called_computation.1_lowered:
.L_overlay_start_0:
0x88: {  	s2 =	sld [smem:$0x3FD9]  }
0x89: {  	s3 =	sld [smem:$0x3FFE];
	_ =	sdelay $0x1  }
0x8a: {  	s1 =	srdreg.scid  }
0x8b: {  	s0 =	sand.u32 $0x1, s1  }
0x8c: {  	s17 =	sshll.u32 s0, $0xA;
	s2 =	sadd.s32 s3, s2  }
0x8d: {  	s2 =	sadd.s32 s2, s17  }
0x8e: {  	[smem:$0x3FC6] =	sst s2  }
0x8f: {  	_ = 	snop  }
0x90: {  	s2 =	sld [smem:$0x3FD0];
	(tm) =	ssettm $0x1  }
0x91: {  	s18 =	sld [smem:$0x3FFB];
	_ =	sdelay $0x3  }
0x92: {  	_ =	strace s18  }
0x93: {  	s3 =	sld [smem:$0x3FFC];
	_ =	sdelay $0x3  }
0x94: {  	_ =	strace s3  }
0x95: {  	s3 =	sld [smem:$0x3FFD];
	_ =	sdelay $0x3  }
0x96: {  	_ =	strace s3  }
0x97: {  	_ =	strace $0x8FFFFFFF  }
0x98: {  	s19 =	sld [smem:$0x3FDB];
	_ =	sdelay $0x1  }
0x99: {  	s4 =	simm.s32 $_scs_section_size  }
0x9a: {  	s5 =	simm.s32 $_size__tile_overlayer_lowered;
	s6 =	simm.s32 $_tile_overlayer_lowered  }
0x9b: {  	s22 =	simm.s32 $0x1BFF;
	s21 =	sshll.u32 s6, $0x1;
	s3 =	sadd.s32 s4, s19  }
0x9c: {  	s7 =	simm.s32 $0x0;
	s20 =	sshll.u32 s5, $0x1;
	s5 =	sadd.s32 s21, s3  }
0x9d: {  	[timem:s7], [sflag:s22] =	dma.local [hbm:s5], s20  }
0x9e: {  	_ =	swait.ge [sflag:s22], s20  }
0x9f: {  	s4 =	ssub.s32 $0x0, s20;
	[sflag:s22] =	ssyncset.done $0x0  }
0xa0: {  	[sflag:s22] =	ssyncadd.s32 s4;
	_ =	sdelay $0x1  }
0xa1: {  	s23 =	simm.s32 $0x1B8B  }
0xa2: {  	_ =	swait.ge [sflag:s23], $0x1  }
0xa3: {  	[sflag:s23] =	ssyncset.done $0x0  }
0xa4: {  	s25 =	simm.s32 $0x1B8E;
	s24 =	sld [smem:$0x3FFE];
	[sflag:s23] =	ssyncadd.s32 $0xFFFFFFFF  }
0xa5: {  	s26 =	simm.s32 $execute0_lowered;
	[smem:$0x3FD2] =	sst s25  }
0xa6: {  	s5 =	sshll.u32 s26, $0x1;
	_ =	strace $0x80000046;
	[dreg:$0x1] =	wrdreg $0xFFFFFFFF  }
0xa7: {  	s28 =	simm.s32 $_size_execute0_lowered;
	s3 =	sadd.s32 s3, s5;
	[dreg:$0x0] =	wrdreg $0x0  }
0xa8: {  	s5 =	sshll.u32 s28, $0x1;
	[dreg:$0x2] =	wrdreg s3  }
0xa9: {  	[dreg:$0x3] =	wrdreg s5  }
0xaa: {  	[dreg:$0x4] =	wrdreg $0xC0  }
0xab: {  	_ =	task [dreg:s7], $0x5FFFF  }
0xac: {  	[dreg:$0x1] =	wrdreg $0xFFFFFFFF  }
0xad: {  	[dreg:$0x0] =	wrdreg $0x60  }
0xae: {  	[dreg:$0x2] =	wrdreg s24  }
0xaf: {  	[dreg:$0x3] =	wrdreg s2  }
0xb0: {  	[dreg:$0x4] =	wrdreg $0x9  }
0xb1: {  	_ =	task.clear_ibuf [dreg:s7], $0x5FFFF;
	_ =	strace $0x90000046  }
0xb2: {  	s29 =	simm.s32 $0x9;
	_ =	strace $0x80000048  }
0xb3: {  	_ =	swait.ge [sflag:s29], $0x1  }
0xb4: {  	[sflag:s29] =	ssyncadd.s32 $0xFFFFFFFF  }
0xb5: {  	_ =	strace $0x90000048  }
0xb6: {  	_ =	sfence  }
0xb7: {  	s30 =	sld [smem:$0x0];
	_ =	sdelay $0x2  }
0xb8: {  	s31 =	sshll.u32 s1, $0xD;
	s1 =	sshrl.u32 s1, $0x2  }
0xb9: {  	s3 =	sand.u32 $0x4000, s31;
	s1 =	sadd.s32 s1, s30  }
0xba: {  	s0 =	sor.u32 s3, s0;
	s1 =	sshll.u32 s1, $0x11  }
0xbb: {  	s0 =	sor.u32 s1, s0  }
0xbc: {  	s0 =	sadd.s32 $0x8F2B, s0  }
0xbd: {  	[sflag:s0] =	ssyncadd.remote.s32 $0x1  }
0xbe: {  	_ =	sfence.sel $0xFFFF  }
0xbf: {  	[dreg:$0x0] =	wrdreg $0xFFFFFFFF;
	(pc) =	sbr.abs _section_cstart, $3  }
0xc0: {  	[dreg:$0x1] =	wrdreg $0xFFFFFFFF  }
0xc1: {  	_ =	task.clear_ibuf [dreg:s7], $0x2FFFF;
	_ =	strace $0x9FFFFFFF  }
0xc2: {  	(tm) =	ssettm $0x7FFFFFFF  }
0xc3: {  	_ =	shalt  }
tec
execute0_lowered:
.L_overlay_start_1:
0x0: {  	(tag) =	ssettag $0x1  }
0x1: {  	s0 =	rddreg [dreg:$0x0]  }
0x2: {  	s2 =	rddreg [dreg:$0x1]  }
0x3: {  	s1 =	srdreg.scid;
	s13 =	stileid.u32  }
0x4: {  	s3 =	simm.s32 $0x0;
	s30 =	simm.s32 $0xF00;
	s14 =	smul.u32 $0x52800, s13  }
0x5: {  	s31 =	simm.s32 $0xA0;
	s28 =	simm.s32 $0x320;
	s17 =	smul.u32 $0x294000, s13  }
0x6: {  	s1 =	sand.u32 $0x1, s1;
	s4 =	sshll.u32 s13, $0x1;
	s23 =	smul.u32 $0x84, s13  }
0x7: {  	s29 =	simm.s32 $0x6900;
	s6 =	sor.u32 s1, s4;
	s21 =	smul.u32 $0x29400, s1  }
0x8: {  	[smem:$0x7FF] =	sst s3;
	s13 =	simm.s32 $0x190;
	s5 =	smul.u32 $0x42, s6  }
0x9: {  	_ =	strace $0x80000047;
	s4 =	sadd.s32 $0x1000, s0;
	s8 =	smul.u32 $0xA500, s6  }
0xa: {  	s7 =	ssub.s32 $0x2, s1;
	s0 =	sadd.s32 $0x2A400, s0;
	s10 =	smul.u32 $0x14A0, s6  }
0xb: {  	s9 =	sshrl.u32 s7, $0x1;
	s6 =	smul.u32 $0x29400, s6;
	s22 =	sadd.s32 s14, s0  }
0xc: {  	s14 =	simm.s32 $0x280;
	s12 =	ssub.s32 s7, s9;
	s7 =	sadd.s32 $0x41, s5  }
0xd: {  	s25 =	sadd.s32 $0x280, s8;
	s26 =	sadd.s32 s4, s10;
	s8 =	sshrl.u32 s8, $0x3  }
0xe: {  	s15 =	sadd.s32 s0, s6;
	s6 =	sadd.s32 s21, s22;
	s24 =	smax.u32 s12, $0x1  }
0xf: {  	s10 =	simm.s32 $0x2300;
	s12 =	simm.s32 $0x2D00;
	s21 =	simm.s32 $0x230  }
0x10: {  	s22 =	simm.s32 $0x4B00;
	[dreg:$0x5] =	wrdreg s26;
	s5 =	sshrl.u32 s25, $0x3  }
0x11: {  	[dreg:$0x7] =	wrdreg s15;
	s16 =	sadd.s32 s4, s8;
	s9 =	sshll.u32 s25, $0x2  }
0x12: {  	[dreg:$0xb] =	wrdreg s24;
	s6 =	sadd.s32 $0x1400, s6;
	s15 =	simm.s32 $0x1  }
0x13: {  	s24 =	simm.s32 $0x5F00;
	s11 =	sadd.s32 s4, s5;
	[dreg:$0x3] =	wrdreg s6  }
0x14: {  	s18 =	sadd.s32 $0xA0, s16;
	s19 =	sadd.s32 s0, s9;
	[dreg:$0x6] =	wrdreg s11  }
0x15: {  	s20 =	sadd.s32 $0xF0, s16;
	s16 =	simm.s32 $0x50;
	[dreg:$0x8] =	wrdreg s18  }
0x16: {  	s9 =	simm.s32 $0xF0;
	s6 =	simm.s32 $0x5500;
	[dreg:$0x9] =	wrdreg s19  }
0x17: {  	s5 =	simm.s32 $0x0;
	s11 =	smul.u32 $0x14A000, s1;
	[dreg:$0xa] =	wrdreg s20  }
0x18: {  	s1 =	smul.u32 $0x42, s1;
	s18 =	simm.s32 $0x3700;
	s19 =	simm.s32 $0x1E0  }
0x19: {  	s20 =	simm.s32 $0x4100;
	[dreg:$0xd] =	wrdreg s5;
	s8 =	sadd.s32 s11, s17  }
0x1a: {  	s1 =	sadd.s32 s1, s23;
	s17 =	simm.s32 $0x500;
	s11 =	simm.s32 $0x140  }
0x1b: {  	s23 =	simm.s32 $0x2D0;
	s8 =	sadd.s32 $0xF000, s8;
	s26 =	sadd.s32 $0x5, s1  }
0x1c: {  	s1 =	simm.s32 $0x2;
	s25 =	sshrl.u32 s8, $0x3;
	[dreg:$0xc] =	wrdreg s26  }
0x1d: {  	s8 =	simm.s32 $0x1900;
	s26 =	simm.s32 $0x4;
	s0 =	sadd.s32 s25, s0  }
0x1e: {  	s25 =	simm.s32 $0x3;
	[dreg:$0x4] =	wrdreg s0;
	s0 =	simm.s32 $0x5  }
.LBB2_1:
0x1f: {  	s5 =	rddreg [dreg:$0x5]  }
0x20: {  	[tilespmem:s3], [sflag:$0x1] =	stream.linear.gather [hbm4b:s5+s3], $0x280, $0x38;
	[tilespmem:$0xA500] =	vst v63  }
0x21: {  	s5 =	rddreg [dreg:$0x6]  }
0x22: {  	[tilespmem:s14], [sflag:$0x2] =	stream.linear.gather [hbm4b:s5+s3], $0x280, $0x38;
	[tilespmem:$0xA500] =	vst v63  }
0x23: {  	_ =	swait.ge [sflag:s15], $0x280  }
0x24: {  	[sflag:s15] =	ssyncset.done $0x0  }
0x25: {  	[sflag:s15] =	ssyncadd.s32 $0xFFFFFD80  }
0x26: {  	v0 =	vld [tilespmem:$0x0]  }
0x27: {  	v1 =	vld [tilespmem:$0x10]  }
0x28: {  	v2 =	vld [tilespmem:$0x20]  }
0x29: {  	v3 =	vld [tilespmem:$0x30]  }
0x2a: {  	v4 =	vld [tilespmem:$0x40]  }
0x2b: {  	v5 =	vld [tilespmem:$0x50];
	vm0 =	vlt.s32 v0, $0x0  }
0x2c: {  	v6 =	vld [tilespmem:$0x60];
	vm9 =	vlt.s32 v1, $0x0;
	v0 =	vsel vm0, $0xC350, v0  }
0x2d: {  	v25 =	vld [tilespmem:$0x70];
	vm10 =	vlt.s32 v2, $0x0;
	v24 =	vsel vm9, $0xC350, v1;
	[tilespmem:$0x0] =	vst v0  }
0x2e: {  	v27 =	vld [tilespmem:$0x80];
	vm11 =	vlt.s32 v3, $0x0;
	v26 =	vsel vm10, $0xC350, v2;
	[tilespmem:$0x10] =	vst v24  }
0x2f: {  	v29 =	vld [tilespmem:$0x90];
	vm12 =	vlt.s32 v4, $0x0;
	v28 =	vsel vm11, $0xC350, v3;
	[tilespmem:$0x20] =	vst v26  }
0x30: {  	v31 =	vld [tilespmem:$0xA0];
	vm13 =	vlt.s32 v5, $0x0;
	v30 =	vsel vm12, $0xC350, v4;
	[tilespmem:$0x30] =	vst v28  }
0x31: {  	v33 =	vld [tilespmem:$0xB0];
	vm14 =	vlt.s32 v6, $0x0;
	v32 =	vsel vm13, $0xC350, v5;
	[tilespmem:$0x40] =	vst v30  }
0x32: {  	v35 =	vld [tilespmem:$0xC0];
	vm15 =	vlt.s32 v25, $0x0;
	v34 =	vsel vm14, $0xC350, v6;
	[tilespmem:$0x50] =	vst v32  }
0x33: {  	v37 =	vld [tilespmem:$0xD0];
	vm4 =	vlt.s32 v27, $0x0;
	v36 =	vsel vm15, $0xC350, v25;
	[tilespmem:$0x60] =	vst v34  }
0x34: {  	v39 =	vld [tilespmem:$0xE0];
	vm5 =	vlt.s32 v29, $0x0;
	v38 =	vsel vm4, $0xC350, v27;
	[tilespmem:$0x70] =	vst v36  }
0x35: {  	v41 =	vld [tilespmem:$0xF0];
	vm6 =	vlt.s32 v31, $0x0;
	v40 =	vsel vm5, $0xC350, v29;
	[tilespmem:$0x80] =	vst v38  }
0x36: {  	v43 =	vld [tilespmem:$0x100];
	vm7 =	vlt.s32 v33, $0x0;
	v42 =	vsel vm6, $0xC350, v31;
	[tilespmem:$0x90] =	vst v40  }
0x37: {  	v45 =	vld [tilespmem:$0x110];
	vm8 =	vlt.s32 v35, $0x0;
	v44 =	vsel vm7, $0xC350, v33;
	[tilespmem:$0xA0] =	vst v42  }
0x38: {  	v47 =	vld [tilespmem:$0x120];
	v46 =	vsel vm8, $0xC350, v35;
	vm9 =	vlt.s32 v37, $0x0;
	[tilespmem:$0xB0] =	vst v44  }
0x39: {  	v49 =	vld [tilespmem:$0x130];
	vm10 =	vlt.s32 v39, $0x0;
	[tilespmem:$0xC0] =	vst v46;
	v48 =	vsel vm9, $0xC350, v37  }
0x3a: {  	v51 =	vld [tilespmem:$0x140];
	vm11 =	vlt.s32 v41, $0x0;
	v50 =	vsel vm10, $0xC350, v39;
	[tilespmem:$0xD0] =	vst v48  }
0x3b: {  	v53 =	vld [tilespmem:$0x150];
	vm12 =	vlt.s32 v43, $0x0;
	v52 =	vsel vm11, $0xC350, v41;
	[tilespmem:$0xE0] =	vst v50  }
0x3c: {  	v55 =	vld [tilespmem:$0x160];
	vm13 =	vlt.s32 v45, $0x0;
	v54 =	vsel vm12, $0xC350, v43;
	[tilespmem:$0xF0] =	vst v52  }
0x3d: {  	v57 =	vld [tilespmem:$0x170];
	vm14 =	vlt.s32 v47, $0x0;
	v56 =	vsel vm13, $0xC350, v45;
	[tilespmem:$0x100] =	vst v54  }
0x3e: {  	v59 =	vld [tilespmem:$0x180];
	vm15 =	vlt.s32 v49, $0x0;
	v58 =	vsel vm14, $0xC350, v47;
	[tilespmem:$0x110] =	vst v56  }
0x3f: {  	v61 =	vld [tilespmem:$0x190];
	vm4 =	vlt.s32 v51, $0x0;
	v60 =	vsel vm15, $0xC350, v49;
	[tilespmem:$0x120] =	vst v58  }
0x40: {  	v63 =	vld [tilespmem:$0x1A0];
	vm5 =	vlt.s32 v53, $0x0;
	v62 =	vsel vm4, $0xC350, v51;
	[tilespmem:$0x130] =	vst v60  }
0x41: {  	v10 =	vld [tilespmem:$0x1B0];
	vm6 =	vlt.s32 v55, $0x0;
	v9 =	vsel vm5, $0xC350, v53;
	[tilespmem:$0x140] =	vst v62  }
0x42: {  	v12 =	vld [tilespmem:$0x1C0];
	vm7 =	vlt.s32 v57, $0x0;
	v11 =	vsel vm6, $0xC350, v55;
	[tilespmem:$0x150] =	vst v9  }
0x43: {  	v14 =	vld [tilespmem:$0x1D0];
	vm8 =	vlt.s32 v59, $0x0;
	v13 =	vsel vm7, $0xC350, v57;
	[tilespmem:$0x160] =	vst v11  }
0x44: {  	v16 =	vld [tilespmem:$0x1E0];
	v15 =	vsel vm8, $0xC350, v59;
	vm9 =	vlt.s32 v61, $0x0;
	[tilespmem:$0x170] =	vst v13  }
0x45: {  	v18 =	vld [tilespmem:$0x1F0];
	vm10 =	vlt.s32 v63, $0x0;
	[tilespmem:$0x180] =	vst v15;
	v17 =	vsel vm9, $0xC350, v61  }
0x46: {  	v20 =	vld [tilespmem:$0x200];
	vm11 =	vlt.s32 v10, $0x0;
	v19 =	vsel vm10, $0xC350, v63;
	[tilespmem:$0x190] =	vst v17  }
0x47: {  	v22 =	vld [tilespmem:$0x210];
	vm12 =	vlt.s32 v12, $0x0;
	v21 =	vsel vm11, $0xC350, v10;
	[tilespmem:$0x1A0] =	vst v19  }
0x48: {  	vm13 =	vlt.s32 v14, $0x0;
	v24 =	vld [tilespmem:$0x220];
	v23 =	vsel vm12, $0xC350, v12;
	[tilespmem:$0x1B0] =	vst v21  }
0x49: {  	vm14 =	vlt.s32 v16, $0x0;
	v26 =	vld [tilespmem:$0x230];
	v25 =	vsel vm13, $0xC350, v14;
	[tilespmem:$0x1C0] =	vst v23  }
0x4a: {  	vm15 =	vlt.s32 v18, $0x0;
	v28 =	vld [tilespmem:$0x240];
	v27 =	vsel vm14, $0xC350, v16;
	[tilespmem:$0x1D0] =	vst v25  }
0x4b: {  	vm4 =	vlt.s32 v20, $0x0;
	v30 =	vld [tilespmem:$0x250];
	v29 =	vsel vm15, $0xC350, v18;
	[tilespmem:$0x1E0] =	vst v27  }
0x4c: {  	vm5 =	vlt.s32 v22, $0x0;
	v32 =	vld [tilespmem:$0x260];
	v31 =	vsel vm4, $0xC350, v20;
	[tilespmem:$0x1F0] =	vst v29  }
0x4d: {  	v34 =	vld [tilespmem:$0x270];
	v33 =	vsel vm5, $0xC350, v22;
	[tilespmem:$0x200] =	vst v31;
	vm6 =	vlt.s32 v24, $0x0  }
0x4e: {  	[tilespmem:$0x210] =	vst v33;
	vm7 =	vlt.s32 v26, $0x0;
	v35 =	vsel vm6, $0xC350, v24  }
0x4f: {  	vm8 =	vlt.s32 v28, $0x0;
	v36 =	vsel vm7, $0xC350, v26;
	[tilespmem:$0x220] =	vst v35  }
0x50: {  	vm9 =	vlt.s32 v30, $0x0;
	v37 =	vsel vm8, $0xC350, v28;
	[tilespmem:$0x230] =	vst v36  }
0x51: {  	vm10 =	vlt.s32 v32, $0x0;
	v38 =	vsel vm9, $0xC350, v30;
	[tilespmem:$0x240] =	vst v37  }
0x52: {  	vm11 =	vlt.s32 v34, $0x0;
	v39 =	vsel vm10, $0xC350, v32;
	[tilespmem:$0x250] =	vst v38  }
0x53: {  	v40 =	vsel vm11, $0xC350, v34;
	[tilespmem:$0x260] =	vst v39  }
0x54: {  	[tilespmem:$0x270] =	vst v40  }
0x55: {  	[tilespmem:s17], [sflag:$0x5] =	stream.indirect.gather [hbm4b:s2+s16], $0x20, s3, s16, $0xb8;
	[tilespmem:$0xA500] =	vst v63  }
0x56: {  	_ = 	snop  }
0x57: {  	[tilespmem:s30], [sflag:$0x5] =	stream.indirect.gather [hbm4b:s2+s16], $0x20, s16, s16, $0xb8;
	[tilespmem:$0xA500] =	vst v63  }
0x58: {  	_ = 	snop  }
0x59: {  	[tilespmem:s8], [sflag:$0x5] =	stream.indirect.gather [hbm4b:s2+s16], $0x20, s31, s16, $0xb8;
	[tilespmem:$0xA500] =	vst v63  }
0x5a: {  	_ = 	snop  }
0x5b: {  	[tilespmem:s10], [sflag:$0x5] =	stream.indirect.gather [hbm4b:s2+s16], $0x20, s9, s16, $0xb8;
	[tilespmem:$0xA500] =	vst v63  }
0x5c: {  	_ = 	snop  }
0x5d: {  	[tilespmem:s12], [sflag:$0x5] =	stream.indirect.gather [hbm4b:s2+s16], $0x20, s11, s16, $0xb8;
	[tilespmem:$0xA500] =	vst v63  }
0x5e: {  	_ = 	snop  }
0x5f: {  	[tilespmem:s18], [sflag:$0x5] =	stream.indirect.gather [hbm4b:s2+s16], $0x20, s13, s16, $0xb8;
	[tilespmem:$0xA500] =	vst v63  }
0x60: {  	_ = 	snop  }
0x61: {  	[tilespmem:s20], [sflag:$0x5] =	stream.indirect.gather [hbm4b:s2+s16], $0x20, s19, s16, $0xb8;
	[tilespmem:$0xA500] =	vst v63  }
0x62: {  	_ = 	snop  }
0x63: {  	[tilespmem:s22], [sflag:$0x5] =	stream.indirect.gather [hbm4b:s2+s16], $0x20, s21, s16, $0xb8;
	[tilespmem:$0xA500] =	vst v63  }
0x64: {  	_ =	swait.ge [sflag:s0], $0xA00  }
0x65: {  	[sflag:s0] =	ssyncset.done $0x0  }
0x66: {  	[sflag:s0] =	ssyncadd.s32 $0xFFFFF600  }
0x67: {  	_ =	swait.ge [sflag:s0], $0xA00  }
0x68: {  	[sflag:s0] =	ssyncset.done $0x0  }
0x69: {  	[sflag:s0] =	ssyncadd.s32 $0xFFFFF600  }
0x6a: {  	_ =	swait.ge [sflag:s0], $0xA00  }
0x6b: {  	[sflag:s0] =	ssyncset.done $0x0  }
0x6c: {  	[sflag:s0] =	ssyncadd.s32 $0xFFFFF600  }
0x6d: {  	_ =	swait.ge [sflag:s0], $0xA00  }
0x6e: {  	[sflag:s0] =	ssyncset.done $0x0  }
0x6f: {  	[sflag:s0] =	ssyncadd.s32 $0xFFFFF600  }
0x70: {  	_ =	swait.ge [sflag:s0], $0xA00  }
0x71: {  	[sflag:s0] =	ssyncset.done $0x0  }
0x72: {  	[sflag:s0] =	ssyncadd.s32 $0xFFFFF600  }
0x73: {  	_ =	swait.ge [sflag:s0], $0xA00  }
0x74: {  	[sflag:s0] =	ssyncset.done $0x0  }
0x75: {  	[sflag:s0] =	ssyncadd.s32 $0xFFFFF600  }
0x76: {  	_ =	swait.ge [sflag:s0], $0xA00  }
0x77: {  	[sflag:s0] =	ssyncset.done $0x0  }
0x78: {  	[sflag:s0] =	ssyncadd.s32 $0xFFFFF600  }
0x79: {  	_ =	swait.ge [sflag:s0], $0xA00  }
0x7a: {  	[sflag:s0] =	ssyncset.done $0x0  }
0x7b: {  	s22 =	rddreg [dreg:$0x7];
	[sflag:s0] =	ssyncadd.s32 $0xFFFFF600  }
0x7c: {  	[hbm4b:s22+s3] =	stream.linear.scatter [tilespmem:s17], [sflag:$0x3], $0x5000, $0x38;
	[tilespmem:$0xA500] =	vst v63  }
0x7d: {  	s8 =	rddreg [dreg:$0x8]  }
0x7e: {  	[tilespmem:s3], [sflag:$0x1] =	stream.linear.gather [hbm4b:s8+s3], $0x280, $0x38;
	[tilespmem:$0xA500] =	vst v63  }
0x7f: {  	_ =	swait.ge [sflag:s1], $0x280  }
0x80: {  	[sflag:s1] =	ssyncset.done $0x0  }
0x81: {  	[sflag:s1] =	ssyncadd.s32 $0xFFFFFD80  }
0x82: {  	v41 =	vld [tilespmem:$0x280]  }
0x83: {  	v42 =	vld [tilespmem:$0x290]  }
0x84: {  	v43 =	vld [tilespmem:$0x2A0]  }
0x85: {  	v44 =	vld [tilespmem:$0x2B0]  }
0x86: {  	v45 =	vld [tilespmem:$0x2C0]  }
0x87: {  	v46 =	vld [tilespmem:$0x2D0];
	vm12 =	vlt.s32 v41, $0x0  }
0x88: {  	v47 =	vld [tilespmem:$0x2E0];
	vm13 =	vlt.s32 v42, $0x0;
	v0 =	vsel vm12, $0xC350, v41  }
0x89: {  	v49 =	vld [tilespmem:$0x2F0];
	vm14 =	vlt.s32 v43, $0x0;
	v48 =	vsel vm13, $0xC350, v42;
	[tilespmem:$0x280] =	vst v0  }
0x8a: {  	v51 =	vld [tilespmem:$0x300];
	vm15 =	vlt.s32 v44, $0x0;
	v50 =	vsel vm14, $0xC350, v43;
	[tilespmem:$0x290] =	vst v48  }
0x8b: {  	v53 =	vld [tilespmem:$0x310];
	vm4 =	vlt.s32 v45, $0x0;
	v52 =	vsel vm15, $0xC350, v44;
	[tilespmem:$0x2A0] =	vst v50  }
0x8c: {  	v55 =	vld [tilespmem:$0x320];
	vm5 =	vlt.s32 v46, $0x0;
	v54 =	vsel vm4, $0xC350, v45;
	[tilespmem:$0x2B0] =	vst v52  }
0x8d: {  	v57 =	vld [tilespmem:$0x330];
	vm6 =	vlt.s32 v47, $0x0;
	v56 =	vsel vm5, $0xC350, v46;
	[tilespmem:$0x2C0] =	vst v54  }
0x8e: {  	v59 =	vld [tilespmem:$0x340];
	vm7 =	vlt.s32 v49, $0x0;
	v58 =	vsel vm6, $0xC350, v47;
	[tilespmem:$0x2D0] =	vst v56  }
0x8f: {  	v61 =	vld [tilespmem:$0x350];
	vm8 =	vlt.s32 v51, $0x0;
	v60 =	vsel vm7, $0xC350, v49;
	[tilespmem:$0x2E0] =	vst v58  }
0x90: {  	v63 =	vld [tilespmem:$0x360];
	vm9 =	vlt.s32 v53, $0x0;
	v62 =	vsel vm8, $0xC350, v51;
	[tilespmem:$0x2F0] =	vst v60  }
0x91: {  	v9 =	vld [tilespmem:$0x370];
	vm10 =	vlt.s32 v55, $0x0;
	v8 =	vsel vm9, $0xC350, v53;
	[tilespmem:$0x300] =	vst v62  }
0x92: {  	v11 =	vld [tilespmem:$0x380];
	vm11 =	vlt.s32 v57, $0x0;
	v10 =	vsel vm10, $0xC350, v55;
	[tilespmem:$0x310] =	vst v8  }
0x93: {  	v13 =	vld [tilespmem:$0x390];
	v12 =	vsel vm11, $0xC350, v57;
	vm12 =	vlt.s32 v59, $0x0;
	[tilespmem:$0x320] =	vst v10  }
0x94: {  	v15 =	vld [tilespmem:$0x3A0];
	vm13 =	vlt.s32 v61, $0x0;
	[tilespmem:$0x330] =	vst v12;
	v14 =	vsel vm12, $0xC350, v59  }
0x95: {  	v17 =	vld [tilespmem:$0x3B0];
	vm14 =	vlt.s32 v63, $0x0;
	v16 =	vsel vm13, $0xC350, v61;
	[tilespmem:$0x340] =	vst v14  }
0x96: {  	v19 =	vld [tilespmem:$0x3C0];
	vm15 =	vlt.s32 v9, $0x0;
	v18 =	vsel vm14, $0xC350, v63;
	[tilespmem:$0x350] =	vst v16  }
0x97: {  	v21 =	vld [tilespmem:$0x3D0];
	vm4 =	vlt.s32 v11, $0x0;
	v20 =	vsel vm15, $0xC350, v9;
	[tilespmem:$0x360] =	vst v18  }
0x98: {  	v23 =	vld [tilespmem:$0x3E0];
	vm5 =	vlt.s32 v13, $0x0;
	v22 =	vsel vm4, $0xC350, v11;
	[tilespmem:$0x370] =	vst v20  }
0x99: {  	v25 =	vld [tilespmem:$0x3F0];
	vm6 =	vlt.s32 v15, $0x0;
	v24 =	vsel vm5, $0xC350, v13;
	[tilespmem:$0x380] =	vst v22  }
0x9a: {  	v27 =	vld [tilespmem:$0x400];
	vm7 =	vlt.s32 v17, $0x0;
	v26 =	vsel vm6, $0xC350, v15;
	[tilespmem:$0x390] =	vst v24  }
0x9b: {  	v29 =	vld [tilespmem:$0x410];
	vm8 =	vlt.s32 v19, $0x0;
	v28 =	vsel vm7, $0xC350, v17;
	[tilespmem:$0x3A0] =	vst v26  }
0x9c: {  	v31 =	vld [tilespmem:$0x420];
	vm9 =	vlt.s32 v21, $0x0;
	v30 =	vsel vm8, $0xC350, v19;
	[tilespmem:$0x3B0] =	vst v28  }
0x9d: {  	v33 =	vld [tilespmem:$0x430];
	vm10 =	vlt.s32 v23, $0x0;
	v32 =	vsel vm9, $0xC350, v21;
	[tilespmem:$0x3C0] =	vst v30  }
0x9e: {  	v35 =	vld [tilespmem:$0x440];
	vm11 =	vlt.s32 v25, $0x0;
	v34 =	vsel vm10, $0xC350, v23;
	[tilespmem:$0x3D0] =	vst v32  }
0x9f: {  	v37 =	vld [tilespmem:$0x450];
	v36 =	vsel vm11, $0xC350, v25;
	vm12 =	vlt.s32 v27, $0x0;
	[tilespmem:$0x3E0] =	vst v34  }
0xa0: {  	v39 =	vld [tilespmem:$0x460];
	vm13 =	vlt.s32 v29, $0x0;
	[tilespmem:$0x3F0] =	vst v36;
	v38 =	vsel vm12, $0xC350, v27  }
0xa1: {  	v41 =	vld [tilespmem:$0x470];
	vm14 =	vlt.s32 v31, $0x0;
	v40 =	vsel vm13, $0xC350, v29;
	[tilespmem:$0x400] =	vst v38  }
0xa2: {  	v43 =	vld [tilespmem:$0x480];
	vm15 =	vlt.s32 v33, $0x0;
	v42 =	vsel vm14, $0xC350, v31;
	[tilespmem:$0x410] =	vst v40  }
0xa3: {  	v45 =	vld [tilespmem:$0x490];
	vm4 =	vlt.s32 v35, $0x0;
	v44 =	vsel vm15, $0xC350, v33;
	[tilespmem:$0x420] =	vst v42  }
0xa4: {  	v47 =	vld [tilespmem:$0x4A0];
	vm5 =	vlt.s32 v37, $0x0;
	v46 =	vsel vm4, $0xC350, v35;
	[tilespmem:$0x430] =	vst v44  }
0xa5: {  	v49 =	vld [tilespmem:$0x4B0];
	vm6 =	vlt.s32 v39, $0x0;
	v48 =	vsel vm5, $0xC350, v37;
	[tilespmem:$0x440] =	vst v46  }
0xa6: {  	v51 =	vld [tilespmem:$0x4C0];
	v50 =	vsel vm6, $0xC350, v39;
	[tilespmem:$0x450] =	vst v48;
	vm7 =	vlt.s32 v41, $0x0  }
0xa7: {  	v53 =	vld [tilespmem:$0x4D0];
	[tilespmem:$0x460] =	vst v50;
	vm8 =	vlt.s32 v43, $0x0;
	v52 =	vsel vm7, $0xC350, v41  }
0xa8: {  	v55 =	vld [tilespmem:$0x4E0];
	vm9 =	vlt.s32 v45, $0x0;
	v54 =	vsel vm8, $0xC350, v43;
	[tilespmem:$0x470] =	vst v52  }
0xa9: {  	v57 =	vld [tilespmem:$0x4F0];
	vm10 =	vlt.s32 v47, $0x0;
	v56 =	vsel vm9, $0xC350, v45;
	[tilespmem:$0x480] =	vst v54  }
0xaa: {  	vm11 =	vlt.s32 v49, $0x0;
	v58 =	vsel vm10, $0xC350, v47;
	[tilespmem:$0x490] =	vst v56  }
0xab: {  	vm12 =	vlt.s32 v51, $0x0;
	v59 =	vsel vm11, $0xC350, v49;
	[tilespmem:$0x4A0] =	vst v58  }
0xac: {  	vm13 =	vlt.s32 v53, $0x0;
	v60 =	vsel vm12, $0xC350, v51;
	[tilespmem:$0x4B0] =	vst v59  }
0xad: {  	vm14 =	vlt.s32 v55, $0x0;
	v61 =	vsel vm13, $0xC350, v53;
	[tilespmem:$0x4C0] =	vst v60  }
0xae: {  	vm15 =	vlt.s32 v57, $0x0;
	v62 =	vsel vm14, $0xC350, v55;
	[tilespmem:$0x4D0] =	vst v61  }
0xaf: {  	v63 =	vsel vm15, $0xC350, v57;
	[tilespmem:$0x4E0] =	vst v62  }
0xb0: {  	[tilespmem:$0x4F0] =	vst v63  }
0xb1: {  	[tilespmem:s6], [sflag:$0x5] =	stream.indirect.gather [hbm4b:s2+s16], $0x20, s14, s16, $0xb8;
	[tilespmem:$0xA500] =	vst v63  }
0xb2: {  	_ = 	snop  }
0xb3: {  	[tilespmem:s24], [sflag:$0x5] =	stream.indirect.gather [hbm4b:s2+s16], $0x20, s23, s16, $0xb8;
	[tilespmem:$0xA500] =	vst v63  }
0xb4: {  	_ = 	snop  }
0xb5: {  	[tilespmem:s29], [sflag:$0x5] =	stream.indirect.gather [hbm4b:s2+s16], $0x20, s28, s16, $0xb8;
	[tilespmem:$0xA500] =	vst v63  }
0xb6: {  	s9 =	simm.s32 $0x370;
	s10 =	simm.s32 $0x7300  }
0xb7: {  	[tilespmem:s10], [sflag:$0x5] =	stream.indirect.gather [hbm4b:s2+s16], $0x20, s9, s16, $0xb8;
	[tilespmem:$0xA500] =	vst v63  }
0xb8: {  	s11 =	simm.s32 $0x3C0;
	s12 =	simm.s32 $0x7D00  }
0xb9: {  	[tilespmem:s12], [sflag:$0x5] =	stream.indirect.gather [hbm4b:s2+s16], $0x20, s11, s16, $0xb8;
	[tilespmem:$0xA500] =	vst v63  }
0xba: {  	s13 =	simm.s32 $0x410;
	s18 =	simm.s32 $0x8700  }
0xbb: {  	[tilespmem:s18], [sflag:$0x5] =	stream.indirect.gather [hbm4b:s2+s16], $0x20, s13, s16, $0xb8;
	[tilespmem:$0xA500] =	vst v63  }
0xbc: {  	s19 =	simm.s32 $0x460;
	s20 =	simm.s32 $0x9100  }
0xbd: {  	[tilespmem:s20], [sflag:$0x5] =	stream.indirect.gather [hbm4b:s2+s16], $0x20, s19, s16, $0xb8;
	[tilespmem:$0xA500] =	vst v63  }
0xbe: {  	s21 =	simm.s32 $0x4B0;
	s22 =	simm.s32 $0x9B00  }
0xbf: {  	[tilespmem:s22], [sflag:$0x5] =	stream.indirect.gather [hbm4b:s2+s16], $0x20, s21, s16, $0xb8;
	[tilespmem:$0xA500] =	vst v63  }
0xc0: {  	_ =	swait.ge [sflag:s0], $0xA00  }
0xc1: {  	[sflag:s0] =	ssyncset.done $0x0  }
0xc2: {  	[sflag:s0] =	ssyncadd.s32 $0xFFFFF600  }
0xc3: {  	_ =	swait.ge [sflag:s0], $0xA00  }
0xc4: {  	[sflag:s0] =	ssyncset.done $0x0  }
0xc5: {  	[sflag:s0] =	ssyncadd.s32 $0xFFFFF600  }
0xc6: {  	_ =	swait.ge [sflag:s0], $0xA00  }
0xc7: {  	[sflag:s0] =	ssyncset.done $0x0  }
0xc8: {  	[sflag:s0] =	ssyncadd.s32 $0xFFFFF600  }
0xc9: {  	_ =	swait.ge [sflag:s0], $0xA00  }
0xca: {  	[sflag:s0] =	ssyncset.done $0x0  }
0xcb: {  	[sflag:s0] =	ssyncadd.s32 $0xFFFFF600  }
0xcc: {  	_ =	swait.ge [sflag:s0], $0xA00  }
0xcd: {  	[sflag:s0] =	ssyncset.done $0x0  }
0xce: {  	[sflag:s0] =	ssyncadd.s32 $0xFFFFF600  }
0xcf: {  	_ =	swait.ge [sflag:s0], $0xA00  }
0xd0: {  	[sflag:s0] =	ssyncset.done $0x0  }
0xd1: {  	[sflag:s0] =	ssyncadd.s32 $0xFFFFF600  }
0xd2: {  	s8 =	simm.s32 $0x320;
	_ =	swait.ge [sflag:s0], $0xA00  }
0xd3: {  	s29 =	simm.s32 $0x0;
	s10 =	simm.s32 $0x2300;
	[sflag:s0] =	ssyncset.done $0x0  }
0xd4: {  	s9 =	simm.s32 $0x6900;
	s11 =	simm.s32 $0x140;
	[sflag:s0] =	ssyncadd.s32 $0xFFFFF600  }
0xd5: {  	s12 =	simm.s32 $0x2D00;
	s13 =	simm.s32 $0x190;
	_ =	swait.ge [sflag:s0], $0xA00  }
0xd6: {  	s18 =	simm.s32 $0x3700;
	s19 =	simm.s32 $0x1E0;
	[sflag:s0] =	ssyncset.done $0x0  }
0xd7: {  	s20 =	simm.s32 $0x4100;
	s23 =	rddreg [dreg:$0x9];
	[sflag:s0] =	ssyncadd.s32 $0xFFFFF600  }
0xd8: {  	[hbm4b:s23+s3] =	stream.linear.scatter [tilespmem:s6], [sflag:$0x4], $0x5000, $0x38;
	[tilespmem:$0xA500] =	vst v63  }
0xd9: {  	s21 =	simm.s32 $0x230;
	s22 =	simm.s32 $0x4B00;
	s24 =	rddreg [dreg:$0xa]  }
0xda: {  	[tilespmem:s14], [sflag:$0x2] =	stream.linear.gather [hbm4b:s24+s3], $0x280, $0x38;
	[tilespmem:$0xA500] =	vst v63  }
0xdb: {  	s28 =	rddreg [dreg:$0xc];
	s23 =	simm.s32 $0x2D0;
	s24 =	simm.s32 $0x5F00  }
.LBB2_2:
0xdc: {  	_ =	swait.ge [sflag:s15], $0x280  }
0xdd: {  	[sflag:s15] =	ssyncset.done $0x0  }
0xde: {  	[sflag:s15] =	ssyncadd.s32 $0xFFFFFD80  }
0xdf: {  	v0 =	vld [tilespmem:$0x0]  }
0xe0: {  	v1 =	vld [tilespmem:$0x10]  }
0xe1: {  	v2 =	vld [tilespmem:$0x20]  }
0xe2: {  	v3 =	vld [tilespmem:$0x30]  }
0xe3: {  	v4 =	vld [tilespmem:$0x40]  }
0xe4: {  	v5 =	vld [tilespmem:$0x50];
	vm0 =	vlt.s32 v0, $0x0  }
0xe5: {  	v6 =	vld [tilespmem:$0x60];
	vm9 =	vlt.s32 v1, $0x0;
	v0 =	vsel vm0, $0xC350, v0  }
0xe6: {  	v25 =	vld [tilespmem:$0x70];
	vm10 =	vlt.s32 v2, $0x0;
	v24 =	vsel vm9, $0xC350, v1;
	[tilespmem:$0x0] =	vst v0  }
0xe7: {  	v27 =	vld [tilespmem:$0x80];
	vm11 =	vlt.s32 v3, $0x0;
	v26 =	vsel vm10, $0xC350, v2;
	[tilespmem:$0x10] =	vst v24  }
0xe8: {  	v29 =	vld [tilespmem:$0x90];
	vm12 =	vlt.s32 v4, $0x0;
	v28 =	vsel vm11, $0xC350, v3;
	[tilespmem:$0x20] =	vst v26  }
0xe9: {  	v31 =	vld [tilespmem:$0xA0];
	vm13 =	vlt.s32 v5, $0x0;
	v30 =	vsel vm12, $0xC350, v4;
	[tilespmem:$0x30] =	vst v28  }
0xea: {  	v33 =	vld [tilespmem:$0xB0];
	vm14 =	vlt.s32 v6, $0x0;
	v32 =	vsel vm13, $0xC350, v5;
	[tilespmem:$0x40] =	vst v30  }
0xeb: {  	v35 =	vld [tilespmem:$0xC0];
	vm15 =	vlt.s32 v25, $0x0;
	v34 =	vsel vm14, $0xC350, v6;
	[tilespmem:$0x50] =	vst v32  }
0xec: {  	v37 =	vld [tilespmem:$0xD0];
	vm4 =	vlt.s32 v27, $0x0;
	v36 =	vsel vm15, $0xC350, v25;
	[tilespmem:$0x60] =	vst v34  }
0xed: {  	v39 =	vld [tilespmem:$0xE0];
	vm5 =	vlt.s32 v29, $0x0;
	v38 =	vsel vm4, $0xC350, v27;
	[tilespmem:$0x70] =	vst v36  }
0xee: {  	v41 =	vld [tilespmem:$0xF0];
	vm6 =	vlt.s32 v31, $0x0;
	v40 =	vsel vm5, $0xC350, v29;
	[tilespmem:$0x80] =	vst v38  }
0xef: {  	v43 =	vld [tilespmem:$0x100];
	vm7 =	vlt.s32 v33, $0x0;
	v42 =	vsel vm6, $0xC350, v31;
	[tilespmem:$0x90] =	vst v40  }
0xf0: {  	v45 =	vld [tilespmem:$0x110];
	vm8 =	vlt.s32 v35, $0x0;
	v44 =	vsel vm7, $0xC350, v33;
	[tilespmem:$0xA0] =	vst v42  }
0xf1: {  	v47 =	vld [tilespmem:$0x120];
	v46 =	vsel vm8, $0xC350, v35;
	vm9 =	vlt.s32 v37, $0x0;
	[tilespmem:$0xB0] =	vst v44  }
0xf2: {  	v49 =	vld [tilespmem:$0x130];
	vm10 =	vlt.s32 v39, $0x0;
	[tilespmem:$0xC0] =	vst v46;
	v48 =	vsel vm9, $0xC350, v37  }
0xf3: {  	v51 =	vld [tilespmem:$0x140];
	vm11 =	vlt.s32 v41, $0x0;
	v50 =	vsel vm10, $0xC350, v39;
	[tilespmem:$0xD0] =	vst v48  }
0xf4: {  	v53 =	vld [tilespmem:$0x150];
	vm12 =	vlt.s32 v43, $0x0;
	v52 =	vsel vm11, $0xC350, v41;
	[tilespmem:$0xE0] =	vst v50  }
0xf5: {  	v55 =	vld [tilespmem:$0x160];
	vm13 =	vlt.s32 v45, $0x0;
	v54 =	vsel vm12, $0xC350, v43;
	[tilespmem:$0xF0] =	vst v52  }
0xf6: {  	v57 =	vld [tilespmem:$0x170];
	vm14 =	vlt.s32 v47, $0x0;
	v56 =	vsel vm13, $0xC350, v45;
	[tilespmem:$0x100] =	vst v54  }
0xf7: {  	v59 =	vld [tilespmem:$0x180];
	vm15 =	vlt.s32 v49, $0x0;
	v58 =	vsel vm14, $0xC350, v47;
	[tilespmem:$0x110] =	vst v56  }
0xf8: {  	v61 =	vld [tilespmem:$0x190];
	vm4 =	vlt.s32 v51, $0x0;
	v60 =	vsel vm15, $0xC350, v49;
	[tilespmem:$0x120] =	vst v58  }
0xf9: {  	v63 =	vld [tilespmem:$0x1A0];
	vm5 =	vlt.s32 v53, $0x0;
	v62 =	vsel vm4, $0xC350, v51;
	[tilespmem:$0x130] =	vst v60  }
0xfa: {  	v10 =	vld [tilespmem:$0x1B0];
	vm6 =	vlt.s32 v55, $0x0;
	v9 =	vsel vm5, $0xC350, v53;
	[tilespmem:$0x140] =	vst v62  }
0xfb: {  	v12 =	vld [tilespmem:$0x1C0];
	vm7 =	vlt.s32 v57, $0x0;
	v11 =	vsel vm6, $0xC350, v55;
	[tilespmem:$0x150] =	vst v9  }
0xfc: {  	v14 =	vld [tilespmem:$0x1D0];
	vm8 =	vlt.s32 v59, $0x0;
	v13 =	vsel vm7, $0xC350, v57;
	[tilespmem:$0x160] =	vst v11  }
0xfd: {  	v16 =	vld [tilespmem:$0x1E0];
	v15 =	vsel vm8, $0xC350, v59;
	vm9 =	vlt.s32 v61, $0x0;
	[tilespmem:$0x170] =	vst v13  }
0xfe: {  	v18 =	vld [tilespmem:$0x1F0];
	vm10 =	vlt.s32 v63, $0x0;
	[tilespmem:$0x180] =	vst v15;
	v17 =	vsel vm9, $0xC350, v61  }
0xff: {  	v20 =	vld [tilespmem:$0x200];
	vm11 =	vlt.s32 v10, $0x0;
	v19 =	vsel vm10, $0xC350, v63;
	[tilespmem:$0x190] =	vst v17  }
0x100: {  	v22 =	vld [tilespmem:$0x210];
	vm12 =	vlt.s32 v12, $0x0;
	v21 =	vsel vm11, $0xC350, v10;
	[tilespmem:$0x1A0] =	vst v19  }
0x101: {  	vm13 =	vlt.s32 v14, $0x0;
	v24 =	vld [tilespmem:$0x220];
	v23 =	vsel vm12, $0xC350, v12;
	[tilespmem:$0x1B0] =	vst v21  }
0x102: {  	vm14 =	vlt.s32 v16, $0x0;
	v26 =	vld [tilespmem:$0x230];
	v25 =	vsel vm13, $0xC350, v14;
	[tilespmem:$0x1C0] =	vst v23  }
0x103: {  	vm15 =	vlt.s32 v18, $0x0;
	v28 =	vld [tilespmem:$0x240];
	v27 =	vsel vm14, $0xC350, v16;
	[tilespmem:$0x1D0] =	vst v25  }
0x104: {  	vm4 =	vlt.s32 v20, $0x0;
	v30 =	vld [tilespmem:$0x250];
	v29 =	vsel vm15, $0xC350, v18;
	[tilespmem:$0x1E0] =	vst v27  }
0x105: {  	vm5 =	vlt.s32 v22, $0x0;
	v32 =	vld [tilespmem:$0x260];
	v31 =	vsel vm4, $0xC350, v20;
	[tilespmem:$0x1F0] =	vst v29  }
0x106: {  	v34 =	vld [tilespmem:$0x270];
	v33 =	vsel vm5, $0xC350, v22;
	[tilespmem:$0x200] =	vst v31;
	vm6 =	vlt.s32 v24, $0x0  }
0x107: {  	[tilespmem:$0x210] =	vst v33;
	vm7 =	vlt.s32 v26, $0x0;
	v35 =	vsel vm6, $0xC350, v24  }
0x108: {  	vm8 =	vlt.s32 v28, $0x0;
	v36 =	vsel vm7, $0xC350, v26;
	[tilespmem:$0x220] =	vst v35  }
0x109: {  	vm9 =	vlt.s32 v30, $0x0;
	v37 =	vsel vm8, $0xC350, v28;
	[tilespmem:$0x230] =	vst v36  }
0x10a: {  	vm10 =	vlt.s32 v32, $0x0;
	v38 =	vsel vm9, $0xC350, v30;
	[tilespmem:$0x240] =	vst v37  }
0x10b: {  	vm11 =	vlt.s32 v34, $0x0;
	v39 =	vsel vm10, $0xC350, v32;
	[tilespmem:$0x250] =	vst v38  }
0x10c: {  	v40 =	vsel vm11, $0xC350, v34;
	[tilespmem:$0x260] =	vst v39  }
0x10d: {  	[tilespmem:$0x270] =	vst v40  }
0x10e: {  	_ =	swait.ge [sflag:s25], $0x5000  }
0x10f: {  	[sflag:s25] =	ssyncset.done $0x0  }
0x110: {  	[sflag:s25] =	ssyncadd.s32 $0xFFFFB000  }
0x111: {  	[tilespmem:s17], [sflag:$0x5] =	stream.indirect.gather [hbm4b:s2+s16], $0x20, s3, s16, $0xb8;
	[tilespmem:$0xA500] =	vst v63  }
0x112: {  	_ = 	snop  }
0x113: {  	[tilespmem:s30], [sflag:$0x5] =	stream.indirect.gather [hbm4b:s2+s16], $0x20, s16, s16, $0xb8;
	[tilespmem:$0xA500] =	vst v63  }
0x114: {  	s5 =	simm.s32 $0x1900  }
0x115: {  	[tilespmem:s5], [sflag:$0x5] =	stream.indirect.gather [hbm4b:s2+s16], $0x20, s31, s16, $0xb8;
	[tilespmem:$0xA500] =	vst v63  }
0x116: {  	s5 =	simm.s32 $0xF0  }
0x117: {  	[tilespmem:s10], [sflag:$0x5] =	stream.indirect.gather [hbm4b:s2+s16], $0x20, s5, s16, $0xb8;
	[tilespmem:$0xA500] =	vst v63  }
0x118: {  	_ = 	snop  }
0x119: {  	[tilespmem:s12], [sflag:$0x5] =	stream.indirect.gather [hbm4b:s2+s16], $0x20, s11, s16, $0xb8;
	[tilespmem:$0xA500] =	vst v63  }
0x11a: {  	_ = 	snop  }
0x11b: {  	[tilespmem:s18], [sflag:$0x5] =	stream.indirect.gather [hbm4b:s2+s16], $0x20, s13, s16, $0xb8;
	[tilespmem:$0xA500] =	vst v63  }
0x11c: {  	_ = 	snop  }
0x11d: {  	[tilespmem:s20], [sflag:$0x5] =	stream.indirect.gather [hbm4b:s2+s16], $0x20, s19, s16, $0xb8;
	[tilespmem:$0xA500] =	vst v63  }
0x11e: {  	_ = 	snop  }
0x11f: {  	[tilespmem:s22], [sflag:$0x5] =	stream.indirect.gather [hbm4b:s2+s16], $0x20, s21, s16, $0xb8;
	[tilespmem:$0xA500] =	vst v63  }
0x120: {  	_ =	swait.ge [sflag:s0], $0xA00  }
0x121: {  	[sflag:s0] =	ssyncset.done $0x0  }
0x122: {  	[sflag:s0] =	ssyncadd.s32 $0xFFFFF600  }
0x123: {  	_ =	swait.ge [sflag:s0], $0xA00  }
0x124: {  	[sflag:s0] =	ssyncset.done $0x0  }
0x125: {  	[sflag:s0] =	ssyncadd.s32 $0xFFFFF600  }
0x126: {  	_ =	swait.ge [sflag:s0], $0xA00  }
0x127: {  	[sflag:s0] =	ssyncset.done $0x0  }
0x128: {  	[sflag:s0] =	ssyncadd.s32 $0xFFFFF600  }
0x129: {  	_ =	swait.ge [sflag:s0], $0xA00  }
0x12a: {  	[sflag:s0] =	ssyncset.done $0x0  }
0x12b: {  	[sflag:s0] =	ssyncadd.s32 $0xFFFFF600  }
0x12c: {  	_ =	swait.ge [sflag:s0], $0xA00  }
0x12d: {  	[sflag:s0] =	ssyncset.done $0x0  }
0x12e: {  	[sflag:s0] =	ssyncadd.s32 $0xFFFFF600  }
0x12f: {  	_ =	swait.ge [sflag:s0], $0xA00  }
0x130: {  	[sflag:s0] =	ssyncset.done $0x0  }
0x131: {  	[sflag:s0] =	ssyncadd.s32 $0xFFFFF600  }
0x132: {  	_ =	swait.ge [sflag:s0], $0xA00  }
0x133: {  	[sflag:s0] =	ssyncset.done $0x0  }
0x134: {  	s31 =	sadd.s32 $0xFFFFFFFF, s28;
	[sflag:s0] =	ssyncadd.s32 $0xFFFFF600  }
0x135: {  	p0 =	slt.s32 s31, s7;
	s5 =	smov.u32 s7;
	_ =	swait.ge [sflag:s0], $0xA00  }
0x136: {  	s5 =	smov.u32 @p0 s31;
	s30 =	rddreg [dreg:$0x3];
	[sflag:s0] =	ssyncset.done $0x0  }
0x137: {  	s5 =	smul.u32 $0x50, s5;
	[sflag:s0] =	ssyncadd.s32 $0xFFFFF600;
	s30 =	sadd.s32 s29, s30  }
0x138: {  	[hbm4b:s30+s3] =	stream.linear.scatter [tilespmem:s17], [sflag:$0x3], $0x5000, $0x38;
	[tilespmem:$0xA500] =	vst v63  }
0x139: {  	s5 =	sadd.s32 s4, s5  }
0x13a: {  	[tilespmem:s3], [sflag:$0x1] =	stream.linear.gather [hbm4b:s5+s3], $0x280, $0x38;
	[tilespmem:$0xA500] =	vst v63  }
0x13b: {  	_ =	swait.ge [sflag:s1], $0x280  }
0x13c: {  	[sflag:s1] =	ssyncset.done $0x0  }
0x13d: {  	[sflag:s1] =	ssyncadd.s32 $0xFFFFFD80  }
0x13e: {  	v41 =	vld [tilespmem:$0x280]  }
0x13f: {  	v42 =	vld [tilespmem:$0x290]  }
0x140: {  	v43 =	vld [tilespmem:$0x2A0]  }
0x141: {  	v44 =	vld [tilespmem:$0x2B0]  }
0x142: {  	v45 =	vld [tilespmem:$0x2C0]  }
0x143: {  	v46 =	vld [tilespmem:$0x2D0];
	vm12 =	vlt.s32 v41, $0x0  }
0x144: {  	v47 =	vld [tilespmem:$0x2E0];
	vm13 =	vlt.s32 v42, $0x0;
	v0 =	vsel vm12, $0xC350, v41  }
0x145: {  	v49 =	vld [tilespmem:$0x2F0];
	vm14 =	vlt.s32 v43, $0x0;
	v48 =	vsel vm13, $0xC350, v42;
	[tilespmem:$0x280] =	vst v0  }
0x146: {  	v51 =	vld [tilespmem:$0x300];
	vm15 =	vlt.s32 v44, $0x0;
	v50 =	vsel vm14, $0xC350, v43;
	[tilespmem:$0x290] =	vst v48  }
0x147: {  	v53 =	vld [tilespmem:$0x310];
	vm4 =	vlt.s32 v45, $0x0;
	v52 =	vsel vm15, $0xC350, v44;
	[tilespmem:$0x2A0] =	vst v50  }
0x148: {  	v55 =	vld [tilespmem:$0x320];
	vm5 =	vlt.s32 v46, $0x0;
	v54 =	vsel vm4, $0xC350, v45;
	[tilespmem:$0x2B0] =	vst v52  }
0x149: {  	v57 =	vld [tilespmem:$0x330];
	vm6 =	vlt.s32 v47, $0x0;
	v56 =	vsel vm5, $0xC350, v46;
	[tilespmem:$0x2C0] =	vst v54  }
0x14a: {  	v59 =	vld [tilespmem:$0x340];
	vm7 =	vlt.s32 v49, $0x0;
	v58 =	vsel vm6, $0xC350, v47;
	[tilespmem:$0x2D0] =	vst v56  }
0x14b: {  	v61 =	vld [tilespmem:$0x350];
	vm8 =	vlt.s32 v51, $0x0;
	v60 =	vsel vm7, $0xC350, v49;
	[tilespmem:$0x2E0] =	vst v58  }
0x14c: {  	v63 =	vld [tilespmem:$0x360];
	vm9 =	vlt.s32 v53, $0x0;
	v62 =	vsel vm8, $0xC350, v51;
	[tilespmem:$0x2F0] =	vst v60  }
0x14d: {  	v9 =	vld [tilespmem:$0x370];
	vm10 =	vlt.s32 v55, $0x0;
	v8 =	vsel vm9, $0xC350, v53;
	[tilespmem:$0x300] =	vst v62  }
0x14e: {  	v11 =	vld [tilespmem:$0x380];
	vm11 =	vlt.s32 v57, $0x0;
	v10 =	vsel vm10, $0xC350, v55;
	[tilespmem:$0x310] =	vst v8  }
0x14f: {  	v13 =	vld [tilespmem:$0x390];
	v12 =	vsel vm11, $0xC350, v57;
	vm12 =	vlt.s32 v59, $0x0;
	[tilespmem:$0x320] =	vst v10  }
0x150: {  	v15 =	vld [tilespmem:$0x3A0];
	vm13 =	vlt.s32 v61, $0x0;
	[tilespmem:$0x330] =	vst v12;
	v14 =	vsel vm12, $0xC350, v59  }
0x151: {  	v17 =	vld [tilespmem:$0x3B0];
	vm14 =	vlt.s32 v63, $0x0;
	v16 =	vsel vm13, $0xC350, v61;
	[tilespmem:$0x340] =	vst v14  }
0x152: {  	v19 =	vld [tilespmem:$0x3C0];
	vm15 =	vlt.s32 v9, $0x0;
	v18 =	vsel vm14, $0xC350, v63;
	[tilespmem:$0x350] =	vst v16  }
0x153: {  	v21 =	vld [tilespmem:$0x3D0];
	vm4 =	vlt.s32 v11, $0x0;
	v20 =	vsel vm15, $0xC350, v9;
	[tilespmem:$0x360] =	vst v18  }
0x154: {  	v23 =	vld [tilespmem:$0x3E0];
	vm5 =	vlt.s32 v13, $0x0;
	v22 =	vsel vm4, $0xC350, v11;
	[tilespmem:$0x370] =	vst v20  }
0x155: {  	v25 =	vld [tilespmem:$0x3F0];
	vm6 =	vlt.s32 v15, $0x0;
	v24 =	vsel vm5, $0xC350, v13;
	[tilespmem:$0x380] =	vst v22  }
0x156: {  	v27 =	vld [tilespmem:$0x400];
	vm7 =	vlt.s32 v17, $0x0;
	v26 =	vsel vm6, $0xC350, v15;
	[tilespmem:$0x390] =	vst v24  }
0x157: {  	v29 =	vld [tilespmem:$0x410];
	vm8 =	vlt.s32 v19, $0x0;
	v28 =	vsel vm7, $0xC350, v17;
	[tilespmem:$0x3A0] =	vst v26  }
0x158: {  	v31 =	vld [tilespmem:$0x420];
	vm9 =	vlt.s32 v21, $0x0;
	v30 =	vsel vm8, $0xC350, v19;
	[tilespmem:$0x3B0] =	vst v28  }
0x159: {  	v33 =	vld [tilespmem:$0x430];
	vm10 =	vlt.s32 v23, $0x0;
	v32 =	vsel vm9, $0xC350, v21;
	[tilespmem:$0x3C0] =	vst v30  }
0x15a: {  	v35 =	vld [tilespmem:$0x440];
	vm11 =	vlt.s32 v25, $0x0;
	v34 =	vsel vm10, $0xC350, v23;
	[tilespmem:$0x3D0] =	vst v32  }
0x15b: {  	v37 =	vld [tilespmem:$0x450];
	v36 =	vsel vm11, $0xC350, v25;
	vm12 =	vlt.s32 v27, $0x0;
	[tilespmem:$0x3E0] =	vst v34  }
0x15c: {  	v39 =	vld [tilespmem:$0x460];
	vm13 =	vlt.s32 v29, $0x0;
	[tilespmem:$0x3F0] =	vst v36;
	v38 =	vsel vm12, $0xC350, v27  }
0x15d: {  	v41 =	vld [tilespmem:$0x470];
	vm14 =	vlt.s32 v31, $0x0;
	v40 =	vsel vm13, $0xC350, v29;
	[tilespmem:$0x400] =	vst v38  }
0x15e: {  	v43 =	vld [tilespmem:$0x480];
	vm15 =	vlt.s32 v33, $0x0;
	v42 =	vsel vm14, $0xC350, v31;
	[tilespmem:$0x410] =	vst v40  }
0x15f: {  	v45 =	vld [tilespmem:$0x490];
	vm4 =	vlt.s32 v35, $0x0;
	v44 =	vsel vm15, $0xC350, v33;
	[tilespmem:$0x420] =	vst v42  }
0x160: {  	v47 =	vld [tilespmem:$0x4A0];
	vm5 =	vlt.s32 v37, $0x0;
	v46 =	vsel vm4, $0xC350, v35;
	[tilespmem:$0x430] =	vst v44  }
0x161: {  	v49 =	vld [tilespmem:$0x4B0];
	vm6 =	vlt.s32 v39, $0x0;
	v48 =	vsel vm5, $0xC350, v37;
	[tilespmem:$0x440] =	vst v46  }
0x162: {  	v51 =	vld [tilespmem:$0x4C0];
	v50 =	vsel vm6, $0xC350, v39;
	[tilespmem:$0x450] =	vst v48;
	vm7 =	vlt.s32 v41, $0x0  }
0x163: {  	v53 =	vld [tilespmem:$0x4D0];
	[tilespmem:$0x460] =	vst v50;
	vm8 =	vlt.s32 v43, $0x0;
	v52 =	vsel vm7, $0xC350, v41  }
0x164: {  	v55 =	vld [tilespmem:$0x4E0];
	vm9 =	vlt.s32 v45, $0x0;
	v54 =	vsel vm8, $0xC350, v43;
	[tilespmem:$0x470] =	vst v52  }
0x165: {  	v57 =	vld [tilespmem:$0x4F0];
	vm10 =	vlt.s32 v47, $0x0;
	v56 =	vsel vm9, $0xC350, v45;
	[tilespmem:$0x480] =	vst v54  }
0x166: {  	vm11 =	vlt.s32 v49, $0x0;
	v58 =	vsel vm10, $0xC350, v47;
	[tilespmem:$0x490] =	vst v56  }
0x167: {  	vm12 =	vlt.s32 v51, $0x0;
	v59 =	vsel vm11, $0xC350, v49;
	[tilespmem:$0x4A0] =	vst v58  }
0x168: {  	vm13 =	vlt.s32 v53, $0x0;
	v60 =	vsel vm12, $0xC350, v51;
	[tilespmem:$0x4B0] =	vst v59  }
0x169: {  	vm14 =	vlt.s32 v55, $0x0;
	v61 =	vsel vm13, $0xC350, v53;
	[tilespmem:$0x4C0] =	vst v60  }
0x16a: {  	vm15 =	vlt.s32 v57, $0x0;
	v62 =	vsel vm14, $0xC350, v55;
	[tilespmem:$0x4D0] =	vst v61  }
0x16b: {  	v63 =	vsel vm15, $0xC350, v57;
	[tilespmem:$0x4E0] =	vst v62  }
0x16c: {  	[tilespmem:$0x4F0] =	vst v63  }
0x16d: {  	_ =	swait.ge [sflag:s26], $0x5000  }
0x16e: {  	[sflag:s26] =	ssyncset.done $0x0  }
0x16f: {  	[sflag:s26] =	ssyncadd.s32 $0xFFFFB000  }
0x170: {  	[tilespmem:s6], [sflag:$0x5] =	stream.indirect.gather [hbm4b:s2+s16], $0x20, s14, s16, $0xb8;
	[tilespmem:$0xA500] =	vst v63  }
0x171: {  	_ = 	snop  }
0x172: {  	[tilespmem:s24], [sflag:$0x5] =	stream.indirect.gather [hbm4b:s2+s16], $0x20, s23, s16, $0xb8;
	[tilespmem:$0xA500] =	vst v63  }
0x173: {  	_ = 	snop  }
0x174: {  	[tilespmem:s9], [sflag:$0x5] =	stream.indirect.gather [hbm4b:s2+s16], $0x20, s8, s16, $0xb8;
	[tilespmem:$0xA500] =	vst v63  }
0x175: {  	s30 =	simm.s32 $0x7300;
	s5 =	simm.s32 $0x370  }
0x176: {  	[tilespmem:s30], [sflag:$0x5] =	stream.indirect.gather [hbm4b:s2+s16], $0x20, s5, s16, $0xb8;
	[tilespmem:$0xA500] =	vst v63  }
0x177: {  	s5 =	simm.s32 $0x3C0;
	s30 =	simm.s32 $0x7D00  }
0x178: {  	[tilespmem:s30], [sflag:$0x5] =	stream.indirect.gather [hbm4b:s2+s16], $0x20, s5, s16, $0xb8;
	[tilespmem:$0xA500] =	vst v63  }
0x179: {  	s5 =	simm.s32 $0x410;
	s30 =	simm.s32 $0x8700  }
0x17a: {  	[tilespmem:s30], [sflag:$0x5] =	stream.indirect.gather [hbm4b:s2+s16], $0x20, s5, s16, $0xb8;
	[tilespmem:$0xA500] =	vst v63  }
0x17b: {  	s5 =	simm.s32 $0x460;
	s30 =	simm.s32 $0x9100  }
0x17c: {  	[tilespmem:s30], [sflag:$0x5] =	stream.indirect.gather [hbm4b:s2+s16], $0x20, s5, s16, $0xb8;
	[tilespmem:$0xA500] =	vst v63  }
0x17d: {  	s5 =	simm.s32 $0x4B0;
	s30 =	simm.s32 $0x9B00  }
0x17e: {  	[tilespmem:s30], [sflag:$0x5] =	stream.indirect.gather [hbm4b:s2+s16], $0x20, s5, s16, $0xb8;
	[tilespmem:$0xA500] =	vst v63  }
0x17f: {  	_ =	swait.ge [sflag:s0], $0xA00  }
0x180: {  	[sflag:s0] =	ssyncset.done $0x0  }
0x181: {  	[sflag:s0] =	ssyncadd.s32 $0xFFFFF600  }
0x182: {  	_ =	swait.ge [sflag:s0], $0xA00  }
0x183: {  	[sflag:s0] =	ssyncset.done $0x0  }
0x184: {  	[sflag:s0] =	ssyncadd.s32 $0xFFFFF600  }
0x185: {  	_ =	swait.ge [sflag:s0], $0xA00  }
0x186: {  	[sflag:s0] =	ssyncset.done $0x0  }
0x187: {  	[sflag:s0] =	ssyncadd.s32 $0xFFFFF600  }
0x188: {  	_ =	swait.ge [sflag:s0], $0xA00  }
0x189: {  	[sflag:s0] =	ssyncset.done $0x0  }
0x18a: {  	[sflag:s0] =	ssyncadd.s32 $0xFFFFF600  }
0x18b: {  	_ =	swait.ge [sflag:s0], $0xA00  }
0x18c: {  	[sflag:s0] =	ssyncset.done $0x0  }
0x18d: {  	[sflag:s0] =	ssyncadd.s32 $0xFFFFF600  }
0x18e: {  	_ =	swait.ge [sflag:s0], $0xA00  }
0x18f: {  	[sflag:s0] =	ssyncset.done $0x0  }
0x190: {  	[sflag:s0] =	ssyncadd.s32 $0xFFFFF600  }
0x191: {  	_ =	swait.ge [sflag:s0], $0xA00  }
0x192: {  	p0 =	slt.s32 s28, s7;
	s30 =	smov.u32 s7;
	[sflag:s0] =	ssyncset.done $0x0  }
0x193: {  	s31 =	simm.s32 $0xA0;
	s30 =	smov.u32 @p0 s28;
	[sflag:s0] =	ssyncadd.s32 $0xFFFFF600  }
0x194: {  	p0 =	sne.s32 s29, $0x26C00;
	s28 =	sadd.s32 $0x2, s28;
	_ =	swait.ge [sflag:s0], $0xA00  }
.Ltmp0:
0x195: {  	s5 =	rddreg [dreg:$0x4];
	[sflag:s0] =	ssyncset.done $0x0;
	(pc) =	sbr.rel @p0 .LBB2_2-.Ltmp0, $4  }
0x196: {  	s30 =	smul.u32 $0x50, s30;
	[sflag:s0] =	ssyncadd.s32 $0xFFFFF600;
	s5 =	sadd.s32 s29, s5  }
0x197: {  	[hbm4b:s5+s3] =	stream.linear.scatter [tilespmem:s6], [sflag:$0x4], $0x5000, $0x38;
	[tilespmem:$0xA500] =	vst v63  }
0x198: {  	s29 =	sadd.s32 $0x1400, s29;
	s5 =	sadd.s32 s4, s30;
	s30 =	simm.s32 $0xF00  }
0x199: {  	[tilespmem:s14], [sflag:$0x2] =	stream.linear.gather [hbm4b:s5+s3], $0x280, $0x38;
	[tilespmem:$0xA500] =	vst v63  }
0x19a: {  	_ =	swait.ge [sflag:s25], $0x5000  }
0x19b: {  	[sflag:s25] =	ssyncset.done $0x0  }
0x19c: {  	[sflag:s25] =	ssyncadd.s32 $0xFFFFB000  }
0x19d: {  	_ =	swait.ge [sflag:s26], $0x5000  }
0x19e: {  	[sflag:s26] =	ssyncset.done $0x0  }
0x19f: {  	[sflag:s26] =	ssyncadd.s32 $0xFFFFB000  }
0x1a0: {  	_ =	swait.ge [sflag:s15], $0x280  }
0x1a1: {  	[sflag:s15] =	ssyncset.done $0x0  }
0x1a2: {  	[sflag:s15] =	ssyncadd.s32 $0xFFFFFD80  }
0x1a3: {  	_ =	swait.ge [sflag:s1], $0x280  }
0x1a4: {  	s9 =	simm.s32 $0xF0;
	s8 =	rddreg [dreg:$0xd]  }
0x1a5: {  	s10 =	simm.s32 $0x2300;
	s5 =	rddreg [dreg:$0xb];
	s8 =	sadd.s32 $0x1, s8  }
0x1a6: {  	s11 =	simm.s32 $0x140;
	s12 =	simm.s32 $0x2D00;
	p0 =	sne.s32 s8, s5  }
.Ltmp1:
0x1a7: {  	s13 =	simm.s32 $0x190;
	s18 =	simm.s32 $0x3700;
	(pc) =	sbr.rel @p0 .LBB2_1-.Ltmp1, $4  }
0x1a8: {  	s19 =	simm.s32 $0x1E0;
	s20 =	simm.s32 $0x4100;
	s21 =	simm.s32 $0x230  }
0x1a9: {  	s22 =	simm.s32 $0x4B00;
	s23 =	simm.s32 $0x2D0;
	s24 =	simm.s32 $0x5F00  }
0x1aa: {  	s28 =	simm.s32 $0x320;
	s29 =	simm.s32 $0x6900;
	[sflag:s1] =	ssyncset.done $0x0  }
0x1ab: {  	[sflag:s1] =	ssyncadd.s32 $0xFFFFFD80;
	[dreg:$0xd] =	wrdreg s8;
	s8 =	simm.s32 $0x1900  }
0x1ac: {  	_ =	sfence.sel $0x180000  }
0x1ad: {  	[bflag:$0x0] =	sbarrier.arrive $0xFFFF  }
0x1ae: {  	_ =	strace $0x90000047  }
0x1af: {  	s0 =	stileid.u32;
	[bflag:$0x2] =	sbarrier.arrive $0xFFFF  }
0x1b0: {  	p0 =	sne.s32 s0, $0x0;
	s0 =	rddreg [dreg:$0x2]  }
0x1b1: {  	s0 =	sadd.s32 @!p0 $0x100000, s0  }
0x1b2: {  	[sflag:s0] =	ssyncadd.tile.s32 @!p0 $0x1;
	_ =	shalt  }
.Lfunc_end2:
_tile_overlayer_lowered:
.L_overlay_start_2:
0x1b3: {  	(tag) =	ssettag $0x2  }
0x1b4: {  	s0 =	rddreg [dreg:$0x0];
	s2 =	stileid.u32  }
0x1b5: {  	s1 =	rddreg [dreg:$0x1];
	p0 =	sne.s32 s2, $0x0  }
0x1b6: {  	s3 =	rddreg [dreg:$0x2];
	[bflag:$0x3] =	sbarrier.arrive $0xFFFF;
	s2 =	simm.s32 @!p0 $0x1C06  }
0x1b7: {  	[timem:s3], [sflag:s2] =	dma.local @!p0 [hbm:s0], s1  }
0x1b8: {  	s0 =	simm.s32 @!p0 $0x6  }
0x1b9: {  	_ =	swait.ge @!p0 [sflag:s0], s1  }
0x1ba: {  	s1 =	ssub.s32 @!p0 $0x0, s1;
	[sflag:s0] =	ssyncset.done @!p0 $0x0  }
0x1bb: {  	[sflag:s0] =	ssyncadd.s32 @!p0 s1  }
0x1bc: {  	[bflag:$0x3] =	sbarrier.arrive $0xFFFF  }
0x1bd: {  	_ =	shalt  }

// kernel: sparse-core-data-format-call.cloned.1.call-start
scs
called_computation_lowered:
.L_overlay_start_0:
0x0: {  	s2 =	sld [smem:$0x3FD9]  }
0x1: {  	s3 =	sld [smem:$0x3FFE];
	_ =	sdelay $0x1  }
0x2: {  	s1 =	srdreg.scid  }
0x3: {  	s0 =	sand.u32 $0x1, s1  }
0x4: {  	s18 =	sshll.u32 s0, $0xA;
	s2 =	sadd.s32 s3, s2  }
0x5: {  	s2 =	sadd.s32 s2, s18  }
0x6: {  	[smem:$0x3FC6] =	sst s2  }
0x7: {  	_ = 	snop  }
0x8: {  	s2 =	sld [smem:$0x3FD0];
	(tm) =	ssettm $0x1  }
0x9: {  	s19 =	sld [smem:$0x3FFB];
	_ =	sdelay $0x3  }
0xa: {  	_ =	strace s19  }
0xb: {  	s3 =	sld [smem:$0x3FFC];
	_ =	sdelay $0x3  }
0xc: {  	_ =	strace s3  }
0xd: {  	s3 =	sld [smem:$0x3FFD];
	_ =	sdelay $0x3  }
0xe: {  	_ =	strace s3  }
0xf: {  	_ =	strace $0x8FFFFFFF  }
0x10: {  	s20 =	sld [smem:$0x3FDB];
	_ =	sdelay $0x1  }
0x11: {  	s4 =	simm.s32 $_scs_section_size  }
0x12: {  	s5 =	simm.s32 $_size__tile_overlayer_lowered;
	s6 =	simm.s32 $_tile_overlayer_lowered  }
0x13: {  	s23 =	simm.s32 $0x1BFF;
	s22 =	sshll.u32 s6, $0x1;
	s3 =	sadd.s32 s4, s20  }
0x14: {  	s7 =	simm.s32 $0x0;
	s21 =	sshll.u32 s5, $0x1;
	s5 =	sadd.s32 s22, s3  }
0x15: {  	[timem:s7], [sflag:s23] =	dma.local [hbm:s5], s21  }
0x16: {  	_ =	swait.ge [sflag:s23], s21  }
0x17: {  	s4 =	ssub.s32 $0x0, s21;
	[sflag:s23] =	ssyncset.done $0x0  }
0x18: {  	[sflag:s23] =	ssyncadd.s32 s4;
	_ =	sdelay $0x1  }
0x19: {  	s24 =	simm.s32 $0x1B8B  }
0x1a: {  	_ =	swait.ge [sflag:s24], $0x1  }
0x1b: {  	[sflag:s24] =	ssyncset.done $0x0  }
0x1c: {  	s26 =	simm.s32 $0x1B8E;
	s25 =	sld [smem:$0x3FFE];
	[sflag:s24] =	ssyncadd.s32 $0xFFFFFFFF  }
0x1d: {  	s27 =	simm.s32 $execute0_lowered;
	[smem:$0x3FD2] =	sst s26  }
0x1e: {  	s5 =	sshll.u32 s27, $0x1;
	_ =	strace $0x80000049;
	[dreg:$0x1] =	wrdreg $0xFFFFFFFF  }
0x1f: {  	s28 =	simm.s32 $_size_execute0_lowered;
	s3 =	sadd.s32 s3, s5;
	[dreg:$0x0] =	wrdreg $0x0  }
0x20: {  	s5 =	sshll.u32 s28, $0x1;
	[dreg:$0x2] =	wrdreg s3  }
0x21: {  	[dreg:$0x3] =	wrdreg s5  }
0x22: {  	[dreg:$0x4] =	wrdreg $0xC0  }
0x23: {  	_ =	task [dreg:s7], $0x5FFFF  }
0x24: {  	[dreg:$0x1] =	wrdreg $0xFFFFFFFF  }
0x25: {  	[dreg:$0x0] =	wrdreg $0x60  }
0x26: {  	[dreg:$0x2] =	wrdreg s25  }
0x27: {  	[dreg:$0x3] =	wrdreg s2  }
0x28: {  	[dreg:$0x4] =	wrdreg $0x9  }
0x29: {  	_ =	task.clear_ibuf [dreg:s7], $0x5FFFF;
	_ =	strace $0x90000049  }
0x2a: {  	s29 =	simm.s32 $0x9;
	_ =	strace $0x8000004B  }
0x2b: {  	_ =	swait.ge [sflag:s29], $0x1  }
0x2c: {  	[sflag:s29] =	ssyncadd.s32 $0xFFFFFFFF  }
0x2d: {  	_ =	strace $0x9000004B  }
0x2e: {  	_ =	sfence  }
0x2f: {  	s30 =	sld [smem:$0x0];
	_ =	sdelay $0x2  }
0x30: {  	s31 =	sshll.u32 s1, $0xD;
	s1 =	sshrl.u32 s1, $0x2  }
0x31: {  	s3 =	sand.u32 $0x4000, s31;
	s1 =	sadd.s32 s1, s30  }
0x32: {  	s0 =	sor.u32 s3, s0;
	s1 =	sshll.u32 s1, $0x11  }
0x33: {  	s0 =	sor.u32 s1, s0  }
0x34: {  	s0 =	sadd.s32 $0x8F2B, s0  }
0x35: {  	[sflag:s0] =	ssyncadd.remote.s32 $0x1  }
0x36: {  	_ =	sfence.sel $0xFFFF  }
0x37: {  	[dreg:$0x0] =	wrdreg $0xFFFFFFFF;
	(pc) =	sbr.abs _section_cstart, $3  }
0x38: {  	[dreg:$0x1] =	wrdreg $0xFFFFFFFF  }
0x39: {  	_ =	task.clear_ibuf [dreg:s7], $0x2FFFF;
	_ =	strace $0x9FFFFFFF  }
0x3a: {  	(tm) =	ssettm $0x7FFFFFFF  }
0x3b: {  	_ =	shalt  }
tec
execute0_lowered:
.L_overlay_start_1:
0x0: {  	(tag) =	ssettag $0x1  }
0x1: {  	s0 =	srdreg.scid;
	s5 =	rddreg [dreg:$0x0]  }
0x2: {  	s3 =	rddreg [dreg:$0x1];
	s1 =	sshll.u32 s0, $0x4  }
0x3: {  	s31 =	simm.s32 $0x2;
	s0 =	stileid.u32;
	s1 =	sand.u32 $0x10, s1  }
0x4: {  	s12 =	simm.s32 $0x0;
	p0 =	por $0x0, $0x0;
	s1 =	sor.u32 s0, s1  }
0x5: {  	s8 =	simm.s32 $0x61C00;
	s13 =	simm.s32 $0x0;
	s2 =	sshll.u32 s1, $0x7  }
.Ltmp0:
0x6: {  	s9 =	simm.s32 $0x0;
	s4 =	ssub.s32 $0xC300, s2;
	(pc) =	sbr.rel .LBB1_1-.Ltmp0, $4  }
0x7: {  	s11 =	simm.s32 $0x0;
	s1 =	rddreg [dreg:$0x2];
	s6 =	sshrl.u32 s4, $0xC  }
0x8: {  	_ =	strace $0x8000004A;
	s4 =	simm.s32 $0x1;
	s7 =	smul.u32 $0x1B, s6  }
0x9: {  	s5 =	sadd.s32 $0x1000, s5;
	s10 =	smov.u32 s2;
	[sflag:s4] =	ssyncpa.u1 $0x0  }
0xa: {  	[sflag:s31] =	ssyncpa.u1 $0x0;
	s6 =	sadd.s32 $0x1B, s7;
	s7 =	sadd.s32 $0x1C, s7  }
.LBB1_5:
0xb: {  	s14 =	sadd.s32 $0x1, s9  }
0xc: {  	s12 =	sadd.s32 $0x1000, s10;
	s16 =	smov.u32 s10;
	p2 =	sgt.s32 s14, $0x1A  }
0xd: {  	s16 =	smov.u32 @p2 s12  }
0xe: {  	s14 =	simm.s32 @p2 $0x0;
	p2 =	sgt.s32 s16, $0xC34F  }
0xf: {  	s16 =	smov.u32 @p2 s2;
	p2 =	sne.s32 s11, s7  }
.Ltmp1:
0x10: {  	p1 =	slt.u32 s11, $0x2;
	(pc) =	sbr.rel @!p2 .LBB1_6-.Ltmp1, $4  }
0x11: {  	s15 =	simm.s32 @!p1 $0x2  }
0x12: {  	s13 =	smov.u32 s10;
	p0 =	por !p0, !p0;
	_ =	swait.ge @!p1 [sflag:s15], $0x1000  }
0x13: {  	s12 =	smov.u32 s9;
	[sflag:s15] =	ssyncset.done @!p1 $0x0;
	s9 =	smov.u32 s14  }
0x14: {  	s11 =	sadd.s32 $0x1, s11;
	[sflag:s15] =	ssyncadd.s32 @!p1 $0xFFFFF000;
	s10 =	smov.u32 s16  }
.LBB1_1:
0x15: {  	p1 =	sge.u32 s11, s6  }
0x16: {  	p2 =	sgt.s32 @!p1 s10, $0xC2D0  }
0x17: {  	s14 =	smov.u32 s10;
	s16 =	smov.u32 s9;
	p2 =	por !p2, p1  }
0x18: {  	s15 =	sshra.s32 @!p1 s10, $0x1F;
	s14 =	simm.s32 @p2 $0xC2D0;
	p2 =	sgt.s32 @!p1 s9, $0x1F  }
0x19: {  	s17 =	sshra.s32 @!p1 s9, $0x1F;
	s15 =	sand.u32 @!p1 s15, s10;
	p2 =	por !p2, p1  }
0x1a: {  	s14 =	ssub.s32 @!p1 s14, s15;
	s15 =	sand.u32 @!p1 s17, s9;
	s16 =	simm.s32 @p2 $0x1F  }
0x1b: {  	s17 =	sshll.u32 @!p1 s9, $0x4;
	s14 =	sadd.s32 @!p1 $0xFFFF3D30, s14;
	s15 =	ssub.s32 @!p1 s16, s15  }
0x1c: {  	p2 =	sgt.s32 @!p1 s14, $0x7F;
	s14 =	sshll.u32 @!p1 s14, $0x5;
	s16 =	sadd.s32 @!p1 $0xFFFFFFE1, s15  }
0x1d: {  	s15 =	ssub.s32 @!p1 $0x20, s15;
	s14 =	ssub.s32 @!p1 $0x1000, s14;
	p3 =	sgt.s32 @!p1 s16, $0x0  }
0x1e: {  	p2 =	por !p2, p1;
	s16 =	sxor.u32 @!p1 $0xFFFFFFFF, s11;
	p3 =	por !p3, p1  }
0x1f: {  	s14 =	simm.s32 @!p2 $0x0;
	s16 =	sshll.u32 @!p1 s16, $0xC;
	s15 =	simm.s32 @!p3 $0x0  }
0x20: {  	s14 =	smul.u32 @!p1 s15, s14;
	s15 =	sand.u32 @!p1 $0x1000, s16;
	s16 =	sshll.u32 @!p1 s10, $0x9  }
0x21: {  	s18 =	simm.s32 @!p1 $0x1000;
	s17 =	sand.u32 @!p1 $0x1F0, s17;
	s16 =	sadd.s32 @!p1 s5, s16  }
0x22: {  	s14 =	sand.u32 @!p1 $0x3FFFFFE0, s14;
	s16 =	sadd.s32 @!p1 s17, s16;
	s17 =	simm.s32 @!p1 $0x20  }
0x23: {  	[tilespmem:s15], [sflag:$0x1] =	stream.strided.gather @!p1 [hbm4b:s16+s17], s14, s18, s17, $0x38;
	[tilespmem:$0x4040] =	vst v63  }
0x24: {  	p1 =	seq.s32 s11, $0x0  }
0x25: {  	p2 =	sge.u32 @!p1 s11, s7  }
0x26: {  	p1 =	por p1, p2  }
.Ltmp2:
0x27: {  	_ = 	snop;
	(pc) =	sbr.rel @p1 .LBB1_5-.Ltmp2, $1  }
0x28: {  	_ =	sdelay $0x3  }
0x29: {  	p1 =	sgt.s32 s13, $0xC2D0;
	s14 =	smov.u32 s13  }
0x2a: {  	s15 =	sshra.s32 s13, $0x1F;
	s16 =	smov.u32 s12;
	s17 =	sshra.s32 s12, $0x1F  }
0x2b: {  	s14 =	simm.s32 @!p1 $0xC2D0;
	s15 =	sand.u32 s15, s13;
	p1 =	sgt.s32 s12, $0x1F  }
0x2c: {  	s27 =	sand.u32 s17, s12;
	s14 =	ssub.s32 s14, s15;
	s16 =	simm.s32 @!p1 $0x1F  }
0x2d: {  	s14 =	sadd.s32 $0xFFFF3D30, s14;
	s15 =	ssub.s32 s16, s27  }
0x2e: {  	p1 =	sgt.s32 s14, $0x7F;
	s16 =	sadd.s32 $0xFFFFFFE1, s15;
	s14 =	sshll.u32 s14, $0x5  }
0x2f: {  	s15 =	ssub.s32 $0x20, s15;
	p2 =	sgt.s32 s16, $0x0;
	s14 =	ssub.s32 $0x1000, s14  }
0x30: {  	s15 =	simm.s32 @p2 $0x0;
	s14 =	simm.s32 @p1 $0x0  }
0x31: {  	s14 =	smul.u32 s15, s14;
	_ =	sdelay $0x1  }
0x32: {  	s15 =	simm.s32 $0x1;
	s14 =	sand.u32 $0x3FFFFFE0, s14  }
0x33: {  	s15 =	simm.s32 @!p0 $0x0;
	_ =	swait.ge [sflag:s4], s14  }
0x34: {  	s28 =	sshll.u32 s15, $0xC;
	s14 =	ssub.s32 $0x0, s14;
	[sflag:s4] =	ssyncset.done $0x0  }
0x35: {  	s18 =	sor.u32 $0x10, s28;
	[sflag:s4] =	ssyncadd.s32 s14  }
0x36: {  	s29 =	smul.u32 $0x4080, s15;
	v1 =	vld [tilespmem:s18+$0x0]  }
0x37: {  	s30 =	sand.u32 $0x1, s11;
	v0 =	vld [tilespmem:s18+$0xFFFFFFF0]  }
0x38: {  	s15 =	smul.u32 $0x4080, s30;
	s14 =	sshrl.u32 s29, $0x2  }
0x39: {  	s16 =	sor.u32 $0x2000, s14  }
0x3a: {  	s31 =	sshrl.u32 s15, $0x2;
	s15 =	sadd.s32 $0x0, s16  }
0x3b: {  	s17 =	simm.s32 $0x4;
	s14 =	sor.u32 $0x2000, s31;
	s18 =	sadd.s32 $0x20, s18;
	[tilespmem:s15+$0x810 ss:$0x81] =	vst.msk $0xffff, v1  }
.LBB1_3:
0x3c: {  	v1 =	vld [tilespmem:s18+$0x0];
	p1 =	sne.s32 s17, $0x1FC;
	[tilespmem:s15+$0x0 ss:$0x81] =	vst.msk $0xffff, v0;
	s15 =	smov.u32 s17;
	s17 =	sadd.s32 $0x4, s17  }
.Ltmp3:
0x3d: {  	v0 =	vld [tilespmem:s18+$0xFFFFFFF0];
	(pc) =	sbr.rel @p1 .LBB1_3-.Ltmp3, $4  }
0x3e: {  	_ = 	snop  }
0x3f: {  	s15 =	sshra.s32 s15, $0x2  }
0x40: {  	s15 =	sadd.s32 s15, s16  }
0x41: {  	s18 =	sadd.s32 $0x20, s18;
	[tilespmem:s15+$0x810 ss:$0x81] =	vst.msk $0xffff, v1  }
0x42: {  	s16 =	sshll.u32 s13, $0x3  }
0x43: {  	s29 =	sand.u32 $0x7F, s13;
	s16 =	sand.u32 $0xFFFFFC00, s16  }
0x44: {  	s13 =	sor.u32 s29, s16;
	s16 =	smulhi.u32 $0xA79C7B17, s16  }
0x45: {  	s17 =	smulhi.u32 $0xA79C7B17, s13;
	_ =	sdelay $0x1  }
0x46: {  	s12 =	smul.u32 $0x30E00, s12;
	s16 =	sshrl.u32 s16, $0xF;
	s17 =	sshrl.u32 s17, $0xF  }
0x47: {  	s16 =	sand.u32 $0x1F, s16;
	s17 =	smul.u32 $0xC380, s17  }
0x48: {  	s16 =	smul.u32 $0x1870, s16  }
.Ltmp4:
0x49: {  	s13 =	ssub.s32 s13, s17;
	(pc) =	sbr.rel .LBB1_5-.Ltmp4, $4  }
0x4a: {  	s12 =	sadd.s32 s3, s12;
	s17 =	sand.u32 $0x7, s13  }
0x4b: {  	s12 =	sadd.s32 s16, s12;
	s13 =	sshrl.u32 s13, $0x3;
	s30 =	sshll.u32 s17, $0x12  }
0x4c: {  	[tilespmem:s15+$0x0 ss:$0x81] =	vst.msk $0xffff, v0;
	s12 =	sadd.s32 s13, s12;
	s31 =	sor.u32 $0x400, s30  }
0x4d: {  	[hbm4b:s12+s31] =	stream.strided.scatter [tilespmem:s14], [sflag:$0x2], $0x1000, s8, s31, $0x20;
	[tilespmem:$0x4040] =	vst v63  }
.LBB1_6:
0x4e: {  	_ =	sfence.sel $0x180000  }
0x4f: {  	s2 =	simm.s32 $0x1;
	[bflag:$0x0] =	sbarrier.arrive $0xFFFF  }
0x50: {  	s31 =	simm.s32 $0x2;
	[sflag:s2] =	ssyncpa.u1 $0x1  }
0x51: {  	[sflag:s31] =	ssyncpa.u1 $0x1  }
0x52: {  	p0 =	sne.s32 s0, $0x0;
	_ =	strace $0x9000004A  }
0x53: {  	s0 =	sadd.s32 @!p0 $0x100000, s1;
	[bflag:$0x2] =	sbarrier.arrive $0xFFFF  }
0x54: {  	[sflag:s0] =	ssyncadd.tile.s32 @!p0 $0x1;
	_ =	shalt  }
.Lfunc_end1:
_tile_overlayer_lowered:
.L_overlay_start_2:
0x55: {  	(tag) =	ssettag $0x2  }
0x56: {  	s0 =	rddreg [dreg:$0x0];
	s2 =	stileid.u32  }
0x57: {  	s1 =	rddreg [dreg:$0x1];
	p0 =	sne.s32 s2, $0x0  }
0x58: {  	s3 =	rddreg [dreg:$0x2];
	[bflag:$0x3] =	sbarrier.arrive $0xFFFF;
	s2 =	simm.s32 @!p0 $0x1C01  }
0x59: {  	[timem:s3], [sflag:s2] =	dma.local @!p0 [hbm:s0], s1  }
0x5a: {  	s0 =	simm.s32 @!p0 $0x1  }
0x5b: {  	_ =	swait.ge @!p0 [sflag:s0], s1  }
0x5c: {  	s1 =	ssub.s32 @!p0 $0x0, s1;
	[sflag:s0] =	ssyncset.done @!p0 $0x0  }
0x5d: {  	[sflag:s0] =	ssyncadd.s32 @!p0 s1  }
0x5e: {  	[bflag:$0x3] =	sbarrier.arrive $0xFFFF  }
0x5f: {  	_ =	shalt  }

</sc_bundles>
